<compile_context>
chip_gen: v7x
topology: tpu7x:2x2x1
jax: 0.10.2.dev20260603
libtpu: 0.0.44.dev20260713+nightly
codegen_flags: <defaults>
</compile_context>

<pallas_src>
import functools

import jax
import jax.numpy as jnp
from jax import lax
from jax.experimental import pallas as pl
from jax.experimental.pallas import tpu as pltpu
from jax.experimental.pallas import tpu_sc as plsc

B = 16384
MF = 32
MLPH = 16
MLP = 2 * MLPH
NROWS = 1000000
NC, NS = 2, 16
NW = NC * NS
BPW = B // NW
NB = 4
NG = BPW // NB


def _sc_gather_body(user_hbm, item_hbm, mfu_hbm, mfi_hbm, mlu_hbm, mli_hbm,
                    xmf_hbm, xmlpu_hbm, xmlpi_hbm,
                    uidx, iidx, b_mfu, b_mfi, b_mlu, b_mli,
                    r_mf, r_mlu, r_mli, sem0, sem1):
    wid = lax.axis_index("s") * NC + lax.axis_index("c")
    base = wid * BPW
    pltpu.sync_copy(user_hbm.at[pl.ds(base, BPW)], uidx)
    pltpu.sync_copy(item_hbm.at[pl.ds(base, BPW)], iidx)
    lanes = lax.iota(jnp.int32, 16)
    sems = (sem0, sem1)

    def scalars(g, l):
        voff = pl.multiple_of((g // 4) * 16, 16)
        loff = (g % 4) * NB
        vu = uidx[pl.ds(voff, 16)]
        vi = iidx[pl.ds(voff, 16)]
        su = jnp.sum(jnp.where(lanes == loff + l, vu, 0))
        si = jnp.sum(jnp.where(lanes == loff + l, vi, 0))
        return su, si

    def issue(g, buf):
        sem = sems[buf]
        for l in range(NB):
            su, si = scalars(g, l)
            du = pl.ds(pl.multiple_of((su // 128) * 128, 128), 128)
            di = pl.ds(pl.multiple_of((si // 128) * 128, 128), 128)
            s = buf * NB + l
            pltpu.async_copy(mfu_hbm.at[:, du], b_mfu.at[s], sem)
            pltpu.async_copy(mfi_hbm.at[:, di], b_mfi.at[s], sem)
            pltpu.async_copy(mlu_hbm.at[:, du], b_mlu.at[s], sem)
            pltpu.async_copy(mli_hbm.at[:, di], b_mli.at[s], sem)

    def drain_extract(g, buf):
        sem = sems[buf]
        dummy = pl.ds(0, 128)
        for l in range(NB):
            s = buf * NB + l
            pltpu.make_async_copy(mfu_hbm.at[:, dummy], b_mfu.at[s], sem).wait()
            pltpu.make_async_copy(mfi_hbm.at[:, dummy], b_mfi.at[s], sem).wait()
            pltpu.make_async_copy(mlu_hbm.at[:, dummy], b_mlu.at[s], sem).wait()
            pltpu.make_async_copy(mli_hbm.at[:, dummy], b_mli.at[s], sem).wait()
        for l in range(NB):
            su, si = scalars(g, l)
            lu_v = jnp.full((16,), su % 128, jnp.int32)
            li_v = jnp.full((16,), si % 128, jnp.int32)
            s = buf * NB + l
            svec = jnp.full((16,), s, jnp.int32)
            row = buf * NB + l
            for d in (0, 16):
                dvec = d + lanes
                vmu = plsc.load_gather(b_mfu, [svec, dvec, lu_v])
                vmi = plsc.load_gather(b_mfi, [svec, dvec, li_v])
                r_mf[row, pl.ds(d, 16)] = vmu * vmi
            r_mlu[row, pl.ds(0, 16)] = plsc.load_gather(b_mlu, [svec, lanes, lu_v])
            r_mli[row, pl.ds(0, 16)] = plsc.load_gather(b_mli, [svec, lanes, li_v])

    issue(0, 0)

    def pair(k, carry):
        g0 = 2 * k
        issue(g0 + 1, 1)
        drain_extract(g0, 0)

        @pl.when(g0 + 2 < NG)
        def _():
            issue(g0 + 2, 0)

        drain_extract(g0 + 1, 1)
        out = pl.ds(pl.multiple_of(base + g0 * NB, 8), 2 * NB)
        pltpu.sync_copy(r_mf, xmf_hbm.at[out])
        pltpu.sync_copy(r_mlu, xmlpu_hbm.at[out])
        pltpu.sync_copy(r_mli, xmlpi_hbm.at[out])
        return carry

    lax.fori_loop(0, NG // 2, pair, 0)


_sc_gather = functools.partial(
    pl.kernel,
    out_type=(jax.ShapeDtypeStruct((B, MF), jnp.float32),
              jax.ShapeDtypeStruct((B, MLPH), jnp.float32),
              jax.ShapeDtypeStruct((B, MLPH), jnp.float32)),
    mesh=plsc.VectorSubcoreMesh(core_axis_name="c", subcore_axis_name="s"),
    scratch_types=[
        pltpu.VMEM((BPW,), jnp.int32),
        pltpu.VMEM((BPW,), jnp.int32),
        pltpu.VMEM((2 * NB, MF, 128), jnp.float32),
        pltpu.VMEM((2 * NB, MF, 128), jnp.float32),
        pltpu.VMEM((2 * NB, MLPH, 128), jnp.float32),
        pltpu.VMEM((2 * NB, MLPH, 128), jnp.float32),
        pltpu.VMEM((2 * NB, MF), jnp.float32),
        pltpu.VMEM((2 * NB, MLPH), jnp.float32),
        pltpu.VMEM((2 * NB, MLPH), jnp.float32),
        pltpu.SemaphoreType.DMA,
        pltpu.SemaphoreType.DMA,
    ],
    compiler_params=pltpu.CompilerParams(needs_layout_passes=False,
                                         use_tc_tiling_on_sc=True),
)(_sc_gather_body)


def _tc_mlp_body(xmf_ref, xmlpu_ref, xmlpi_ref, w_ref, b_ref, wf_ref, bf_ref,
                 out_ref):
    x = jnp.concatenate([xmlpu_ref[...], xmlpi_ref[...]], axis=1)
    for i in range(4):
        x = jnp.maximum(
            jnp.dot(x, w_ref[i], preferred_element_type=jnp.float32) + b_ref[i],
            0.0)
    wf = wf_ref[...]
    s = (jnp.sum(xmf_ref[...] * wf[:, :MF], axis=1, keepdims=True)
         + jnp.sum(x * wf[:, MF:], axis=1, keepdims=True)
         + bf_ref[0, 0])
    out_ref[...] = 1.0 / (1.0 + jnp.exp(-s))


def kernel(user, item, mf_user_embed, mf_item_embed, mlp_user_embed,
           mlp_item_embed, W0, b0, W1, b1, W2, b2, W3, b3, Wf, bf):
    xmf, xmlpu, xmlpi = _sc_gather(
        user.astype(jnp.int32), item.astype(jnp.int32),
        mf_user_embed.T, mf_item_embed.T, mlp_user_embed.T, mlp_item_embed.T)
    Ws = jnp.stack([W0, W1, W2, W3])
    bs = jnp.stack([b0, b1, b2, b3]).reshape(4, 1, MLP)
    wf = Wf.reshape(1, MF + MLP)
    out = pl.pallas_call(
        _tc_mlp_body,
        out_shape=jax.ShapeDtypeStruct((B, 1), jnp.float32),
    )(xmf, xmlpu, xmlpi, Ws, bs, wf, bf.reshape(1, 1))
    return out

# --- scband reference (transcript-rebuilt; emitter-appended) ---
"""Pipeline reference for scband-neu-mf-27547920236554 (READ-ONLY COPY).

The authoritative reference and input builder live on the scoring server;
editing this copy changes nothing except your own understanding.
"""

import jax, jax.numpy as jnp
import numpy as np

NUM_USERS = 1000000
NUM_ITEMS = 1000000
MF_DIM = 32
MLP_DIM = 32
N_MLP_LAYERS = 4
BATCH = 16384


def setup_inputs(seed: int = 0) -> dict:
    key = jax.random.key(seed)
    ks = jax.random.split(key, 16)
    inp = {}
    inp['user'] = jax.random.randint(ks[0], (BATCH,), 0, NUM_USERS, dtype=jnp.int64 if jax.config.jax_enable_x64 else jnp.int32)
    inp['item'] = jax.random.randint(ks[1], (BATCH,), 0, NUM_ITEMS, dtype=jnp.int64 if jax.config.jax_enable_x64 else jnp.int32)
    inp['mf_user_embed'] = jax.random.normal(ks[2], (NUM_USERS, MF_DIM), dtype=jnp.float32) * 0.05
    inp['mf_item_embed'] = jax.random.normal(ks[3], (NUM_ITEMS, MF_DIM), dtype=jnp.float32) * 0.05
    inp['mlp_user_embed'] = jax.random.normal(ks[4], (NUM_USERS, MLP_DIM // 2), dtype=jnp.float32) * 0.05
    inp['mlp_item_embed'] = jax.random.normal(ks[5], (NUM_ITEMS, MLP_DIM // 2), dtype=jnp.float32) * 0.05
    for i in range(N_MLP_LAYERS):
        inp[f'W{i}'] = jax.random.normal(ks[6 + i], (MLP_DIM, MLP_DIM), dtype=jnp.float32) * (1.0 / np.sqrt(MLP_DIM))
        inp[f'b{i}'] = jnp.zeros((MLP_DIM,), dtype=jnp.float32)
    inp['Wf'] = jax.random.normal(ks[12], (MLP_DIM + MF_DIM, 1), dtype=jnp.float32) * (1.0 / np.sqrt(MLP_DIM + MF_DIM))
    inp['bf'] = jnp.zeros((1,), dtype=jnp.float32)
    return inp


def reference(user, item, mf_user_embed, mf_item_embed, mlp_user_embed, mlp_item_embed,
              W0, b0, W1, b1, W2, b2, W3, b3, Wf, bf):
    # GMF branch: gather + elementwise product
    xmfu = jnp.take(mf_user_embed, user, axis=0)
    xmfi = jnp.take(mf_item_embed, item, axis=0)
    xmf = xmfu * xmfi
    # MLP branch: gather + concat
    xmlpu = jnp.take(mlp_user_embed, user, axis=0)
    xmlpi = jnp.take(mlp_item_embed, item, axis=0)
    xmlp = jnp.concatenate([xmlpu, xmlpi], axis=1)
    # MLP tower (Linear -> BatchNorm(eval, identity stats) -> ReLU -> Dropout(eval, identity))
    for W, b in ((W0, b0), (W1, b1), (W2, b2), (W3, b3)):
        xmlp = jax.nn.relu(xmlp @ W + b)
    x = jnp.concatenate([xmf, xmlp], axis=1)
    x = x @ Wf + bf
    return jax.nn.sigmoid(x)

if __name__ == "__main__":
    import jax
    _d = setup_inputs()
    print(jax.jit(kernel)(*tuple(_d.values())))

</pallas_src>

<mosaic_0001>
#map = affine_map<(d0, d1) -> (0)>
#map1 = affine_map<(d0, d1) -> (0, 0)>
module attributes {stable_mosaic.version = 14 : i64} {
  func.func @_sc_gather_body(%arg0: i32, %arg1: i32, %arg2: memref<16384xi32, #tpu.memory_space<hbm>>, %arg3: memref<16384xi32, #tpu.memory_space<hbm>>, %arg4: memref<32x1000000xf32, #tpu.memory_space<hbm>>, %arg5: memref<32x1000000xf32, #tpu.memory_space<hbm>>, %arg6: memref<16x1000000xf32, #tpu.memory_space<hbm>>, %arg7: memref<16x1000000xf32, #tpu.memory_space<hbm>>, %arg8: memref<16384x32xf32, #tpu.memory_space<hbm>>, %arg9: memref<16384x16xf32, #tpu.memory_space<hbm>>, %arg10: memref<16384x16xf32, #tpu.memory_space<hbm>>, %arg11: memref<512xi32, #tpu.memory_space<vmem>>, %arg12: memref<512xi32, #tpu.memory_space<vmem>>, %arg13: memref<8x32x128xf32, #tpu.memory_space<vmem>>, %arg14: memref<8x32x128xf32, #tpu.memory_space<vmem>>, %arg15: memref<8x16x128xf32, #tpu.memory_space<vmem>>, %arg16: memref<8x16x128xf32, #tpu.memory_space<vmem>>, %arg17: memref<8x32xf32, #tpu.memory_space<vmem>>, %arg18: memref<8x16xf32, #tpu.memory_space<vmem>>, %arg19: memref<8x16xf32, #tpu.memory_space<vmem>>, %arg20: memref<!tpu.dma_semaphore, #tpu.memory_space<semaphore_mem>>, %arg21: memref<!tpu.dma_semaphore, #tpu.memory_space<semaphore_mem>>) attributes {dimension_semantics = [#tpu.dimension_semantics<core_parallel>, #tpu.dimension_semantics<subcore_parallel>], iteration_bounds = array<i64: 2, 16>, scalar_prefetch = 0 : i64, scratch_operands = 11 : i64, tpu.core_type = #tpu.core_type<sc_vector_subcore>, window_params = [{transform_indices = #map}, {transform_indices = #map}, {transform_indices = #map1}, {transform_indices = #map1}, {transform_indices = #map1}, {transform_indices = #map1}, {transform_indices = #map1}, {transform_indices = #map1}, {transform_indices = #map1}]} {
    %mul3A = arith.constant 2 : i32
    %mul3A_0 = arith.muli %arg1, %mul3A : i32
    %add3A = arith.addi %mul3A_0, %arg0 : i32
    %mul3A_1 = arith.constant 512 : i32
    %mul3A_2 = arith.muli %add3A, %mul3A_1 : i32
    "tpu.region"() ({
      %run_scoped3A = tpu.sem_alloc : memref<!tpu.dma_semaphore, #tpu.memory_space<semaphore_mem>>
      %dma_start3A_522 = tpu.memref_slice %arg2[%mul3A_2] : memref<16384xi32, #tpu.memory_space<hbm>> -> memref<512xi32, #tpu.memory_space<hbm>>
      %dma_start3A_523 = tpu.memref_slice %arg2[%mul3A_2] : memref<16384xi32, #tpu.memory_space<hbm>> -> memref<512xi32, #tpu.memory_space<hbm>>
      tpu.enqueue_dma source(%dma_start3A_523 : memref<512xi32, #tpu.memory_space<hbm>>) target(%arg11 : memref<512xi32, #tpu.memory_space<vmem>>) target_semaphore(%run_scoped3A : memref<!tpu.dma_semaphore, #tpu.memory_space<semaphore_mem>>)
      %dma_wait3A = tpu.memref_slice %arg2[%mul3A_2] : memref<16384xi32, #tpu.memory_space<hbm>> -> memref<512xi32, #tpu.memory_space<hbm>>
      %dma_wait3A_524 = tpu.memref_slice %arg2[%mul3A_2] : memref<16384xi32, #tpu.memory_space<hbm>> -> memref<512xi32, #tpu.memory_space<hbm>>
      tpu.wait_dma2 semaphore(%run_scoped3A : memref<!tpu.dma_semaphore, #tpu.memory_space<semaphore_mem>>) src(%dma_wait3A_524 : memref<512xi32, #tpu.memory_space<hbm>>) dst(%arg11 : memref<512xi32, #tpu.memory_space<vmem>>)
      tpu.yield
    }) : () -> ()
    "tpu.region"() ({
      %run_scoped3A = tpu.sem_alloc : memref<!tpu.dma_semaphore, #tpu.memory_space<semaphore_mem>>
      %dma_start3A_522 = tpu.memref_slice %arg3[%mul3A_2] : memref<16384xi32, #tpu.memory_space<hbm>> -> memref<512xi32, #tpu.memory_space<hbm>>
      %dma_start3A_523 = tpu.memref_slice %arg3[%mul3A_2] : memref<16384xi32, #tpu.memory_space<hbm>> -> memref<512xi32, #tpu.memory_space<hbm>>
      tpu.enqueue_dma source(%dma_start3A_523 : memref<512xi32, #tpu.memory_space<hbm>>) target(%arg12 : memref<512xi32, #tpu.memory_space<vmem>>) target_semaphore(%run_scoped3A : memref<!tpu.dma_semaphore, #tpu.memory_space<semaphore_mem>>)
      %dma_wait3A = tpu.memref_slice %arg3[%mul3A_2] : memref<16384xi32, #tpu.memory_space<hbm>> -> memref<512xi32, #tpu.memory_space<hbm>>
      %dma_wait3A_524 = tpu.memref_slice %arg3[%mul3A_2] : memref<16384xi32, #tpu.memory_space<hbm>> -> memref<512xi32, #tpu.memory_space<hbm>>
      tpu.wait_dma2 semaphore(%run_scoped3A : memref<!tpu.dma_semaphore, #tpu.memory_space<semaphore_mem>>) src(%dma_wait3A_524 : memref<512xi32, #tpu.memory_space<hbm>>) dst(%arg12 : memref<512xi32, #tpu.memory_space<vmem>>)
      tpu.yield
    }) : () -> ()
    %iota3A = tpu.iota {dimensions = array<i32: 0>} : vector<16xi32>
    %multiple_of3A = arith.constant 0 : i32
    %multiple_of3A_3 = tpu.assume_multiple %multiple_of3A, 16 : i32
    %get3A = arith.index_cast %multiple_of3A_3 : i32 to index
    %get3A_4 = tpu.vector_load %arg11[%get3A] {strides = array<i32>} : memref<512xi32, #tpu.memory_space<vmem>>, vector<16xi32>,
    %get3A_5 = arith.index_cast %multiple_of3A_3 : i32 to index
    %get3A_6 = tpu.vector_load %arg12[%get3A_5] {strides = array<i32>} : memref<512xi32, #tpu.memory_space<vmem>>, vector<16xi32>,
    %eq3A = arith.constant 0 : i32
    %eq3A_7 = vector.broadcast %eq3A : i32 to vector<16xi32>
    %eq3A_8 = arith.cmpi eq, %iota3A, %eq3A_7 : vector<16xi32>
    %jit3A = arith.constant 0 : i32
    %broadcast_in_dim3A = vector.broadcast %jit3A : i32 to vector<16xi32>
    %select_n3A = arith.select %eq3A_8, %get3A_4, %broadcast_in_dim3A : vector<16xi1>, vector<16xi32>
    %reduce_sum3A = arith.constant true
    %reduce_sum3A_9 = vector.broadcast %reduce_sum3A : i1 to vector<16xi1>
    %reduce_sum3A_10 = tpu.scan <sum>, %select_n3A masked %reduce_sum3A_9 : vector<16xi32>, vector<16xi1> -> vector<16xi32>
    %reduce_sum3A_11 = vector.extract %reduce_sum3A_10[15] : i32 from vector<16xi32>
    %eq3A_12 = arith.constant 0 : i32
    %eq3A_13 = vector.broadcast %eq3A_12 : i32 to vector<16xi32>
    %eq3A_14 = arith.cmpi eq, %iota3A, %eq3A_13 : vector<16xi32>
    %jit3A_15 = arith.constant 0 : i32
    %broadcast_in_dim3A_16 = vector.broadcast %jit3A_15 : i32 to vector<16xi32>
    %select_n3A_17 = arith.select %eq3A_14, %get3A_6, %broadcast_in_dim3A_16 : vector<16xi1>, vector<16xi32>
    %reduce_sum3A_18 = arith.constant true
    %reduce_sum3A_19 = vector.broadcast %reduce_sum3A_18 : i1 to vector<16xi1>
    %reduce_sum3A_20 = tpu.scan <sum>, %select_n3A_17 masked %reduce_sum3A_19 : vector<16xi32>, vector<16xi1> -> vector<16xi32>
    %reduce_sum3A_21 = vector.extract %reduce_sum3A_20[15] : i32 from vector<16xi32>
    %jit3A_22 = arith.constant 128 : i32
    %div3A = arith.divsi %reduce_sum3A_11, %jit3A_22 : i32
    %sign3A = arith.constant 0 : i32
    %sign3A_23 = arith.cmpi sgt, %reduce_sum3A_11, %sign3A : i32
    %sign3A_24 = arith.extui %sign3A_23 : i1 to i32
    %sign3A_25 = arith.constant 0 : i32
    %sign3A_26 = arith.cmpi slt, %reduce_sum3A_11, %sign3A_25 : i32
    %sign3A_27 = arith.extui %sign3A_26 : i1 to i32
    %sign3A_28 = arith.subi %sign3A_24, %sign3A_27 : i32
    %sign3A_29 = arith.constant 0 : i32
    %sign3A_30 = arith.cmpi sgt, %jit3A_22, %sign3A_29 : i32
    %sign3A_31 = arith.extui %sign3A_30 : i1 to i32
    %sign3A_32 = arith.constant 0 : i32
    %sign3A_33 = arith.cmpi slt, %jit3A_22, %sign3A_32 : i32
    %sign3A_34 = arith.extui %sign3A_33 : i1 to i32
    %sign3A_35 = arith.subi %sign3A_31, %sign3A_34 : i32
    %ne3A = arith.cmpi ne, %sign3A_28, %sign3A_35 : i32
    %rem3A = arith.remsi %reduce_sum3A_11, %jit3A_22 : i32
    %ne3A_36 = arith.constant 0 : i32
    %ne3A_37 = arith.cmpi ne, %rem3A, %ne3A_36 : i32
    %and3A = arith.andi %ne3A, %ne3A_37 : i1
    %sub3A = arith.constant 1 : i32
    %sub3A_38 = arith.subi %div3A, %sub3A : i32
    %select_n3A_39 = arith.select %and3A, %sub3A_38, %div3A : i32
    %mul3A_40 = arith.constant 128 : i32
    %mul3A_41 = arith.muli %select_n3A_39, %mul3A_40 : i32
    %multiple_of3A_42 = tpu.assume_multiple %mul3A_41, 128 : i32
    %jit3A_43 = arith.constant 128 : i32
    %div3A_44 = arith.divsi %reduce_sum3A_21, %jit3A_43 : i32
    %sign3A_45 = arith.constant 0 : i32
    %sign3A_46 = arith.cmpi sgt, %reduce_sum3A_21, %sign3A_45 : i32
    %sign3A_47 = arith.extui %sign3A_46 : i1 to i32
    %sign3A_48 = arith.constant 0 : i32
    %sign3A_49 = arith.cmpi slt, %reduce_sum3A_21, %sign3A_48 : i32
    %sign3A_50 = arith.extui %sign3A_49 : i1 to i32
    %sign3A_51 = arith.subi %sign3A_47, %sign3A_50 : i32
    %sign3A_52 = arith.constant 0 : i32
    %sign3A_53 = arith.cmpi sgt, %jit3A_43, %sign3A_52 : i32
    %sign3A_54 = arith.extui %sign3A_53 : i1 to i32
    %sign3A_55 = arith.constant 0 : i32
    %sign3A_56 = arith.cmpi slt, %jit3A_43, %sign3A_55 : i32
    %sign3A_57 = arith.extui %sign3A_56 : i1 to i32
    %sign3A_58 = arith.subi %sign3A_54, %sign3A_57 : i32
    %ne3A_59 = arith.cmpi ne, %sign3A_51, %sign3A_58 : i32
    %rem3A_60 = arith.remsi %reduce_sum3A_21, %jit3A_43 : i32
    %ne3A_61 = arith.constant 0 : i32
    %ne3A_62 = arith.cmpi ne, %rem3A_60, %ne3A_61 : i32
    %and3A_63 = arith.andi %ne3A_59, %ne3A_62 : i1
    %sub3A_64 = arith.constant 1 : i32
    %sub3A_65 = arith.subi %div3A_44, %sub3A_64 : i32
    %select_n3A_66 = arith.select %and3A_63, %sub3A_65, %div3A_44 : i32
    %mul3A_67 = arith.constant 128 : i32
    %mul3A_68 = arith.muli %select_n3A_66, %mul3A_67 : i32
    %multiple_of3A_69 = tpu.assume_multiple %mul3A_68, 128 : i32
    %dma_start3A = arith.constant 0 : i32
    %dma_start3A_70 = arith.constant 0 : i32
    %dma_start3A_71 = arith.constant 0 : i32
    %dma_start3A_72 = tpu.memref_slice %arg13[%dma_start3A, %dma_start3A_70, %dma_start3A_71] : memref<8x32x128xf32, #tpu.memory_space<vmem>> -> memref<1x32x128xf32, #tpu.memory_space<vmem>>
    %dma_start3A_73 = tpu.memref_squeeze %dma_start3A_72 : memref<1x32x128xf32, #tpu.memory_space<vmem>> -> memref<32x128xf32, #tpu.memory_space<vmem>>
    %dma_start3A_74 = arith.constant 0 : i32
    %dma_start3A_75 = tpu.memref_slice %arg4[%dma_start3A_74, %multiple_of3A_42] : memref<32x1000000xf32, #tpu.memory_space<hbm>> -> memref<32x128xf32, #tpu.memory_space<hbm>>
    %dma_start3A_76 = arith.constant 0 : i32
    %dma_start3A_77 = arith.constant 0 : i32
    %dma_start3A_78 = tpu.memref_slice %arg13[%dma_start3A, %dma_start3A_76, %dma_start3A_77] : memref<8x32x128xf32, #tpu.memory_space<vmem>> -> memref<1x32x128xf32, #tpu.memory_space<vmem>>
    %dma_start3A_79 = tpu.memref_squeeze %dma_start3A_78 : memref<1x32x128xf32, #tpu.memory_space<vmem>> -> memref<32x128xf32, #tpu.memory_space<vmem>>
    %dma_start3A_80 = arith.constant 0 : i32
    %dma_start3A_81 = tpu.memref_slice %arg4[%dma_start3A_80, %multiple_of3A_42] : memref<32x1000000xf32, #tpu.memory_space<hbm>> -> memref<32x128xf32, #tpu.memory_space<hbm>>
    tpu.enqueue_dma source(%dma_start3A_81 : memref<32x128xf32, #tpu.memory_space<hbm>>) target(%dma_start3A_79 : memref<32x128xf32, #tpu.memory_space<vmem>>) target_semaphore(%arg20 : memref<!tpu.dma_semaphore, #tpu.memory_space<semaphore_mem>>)
    %dma_start3A_82 = arith.constant 0 : i32
    %dma_start3A_83 = arith.constant 0 : i32
    %dma_start3A_84 = arith.constant 0 : i32
    %dma_start3A_85 = tpu.memref_slice %arg14[%dma_start3A_82, %dma_start3A_83, %dma_start3A_84] : memref<8x32x128xf32, #tpu.memory_space<vmem>> -> memref<1x32x128xf32, #tpu.memory_space<vmem>>
    %dma_start3A_86 = tpu.memref_squeeze %dma_start3A_85 : memref<1x32x128xf32, #tpu.memory_space<vmem>> -> memref<32x128xf32, #tpu.memory_space<vmem>>
    %dma_start3A_87 = arith.constant 0 : i32
    %dma_start3A_88 = tpu.memref_slice %arg5[%dma_start3A_87, %multiple_of3A_69] : memref<32x1000000xf32, #tpu.memory_space<hbm>> -> memref<32x128xf32, #tpu.memory_space<hbm>>
    %dma_start3A_89 = arith.constant 0 : i32
    %dma_start3A_90 = arith.constant 0 : i32
    %dma_start3A_91 = tpu.memref_slice %arg14[%dma_start3A_82, %dma_start3A_89, %dma_start3A_90] : memref<8x32x128xf32, #tpu.memory_space<vmem>> -> memref<1x32x128xf32, #tpu.memory_space<vmem>>
    %dma_start3A_92 = tpu.memref_squeeze %dma_start3A_91 : memref<1x32x128xf32, #tpu.memory_space<vmem>> -> memref<32x128xf32, #tpu.memory_space<vmem>>
    %dma_start3A_93 = arith.constant 0 : i32
    %dma_start3A_94 = tpu.memref_slice %arg5[%dma_start3A_93, %multiple_of3A_69] : memref<32x1000000xf32, #tpu.memory_space<hbm>> -> memref<32x128xf32, #tpu.memory_space<hbm>>
    tpu.enqueue_dma source(%dma_start3A_94 : memref<32x128xf32, #tpu.memory_space<hbm>>) target(%dma_start3A_92 : memref<32x128xf32, #tpu.memory_space<vmem>>) target_semaphore(%arg20 : memref<!tpu.dma_semaphore, #tpu.memory_space<semaphore_mem>>)
    %dma_start3A_95 = arith.constant 0 : i32
    %dma_start3A_96 = arith.constant 0 : i32
    %dma_start3A_97 = arith.constant 0 : i32
    %dma_start3A_98 = tpu.memref_slice %arg15[%dma_start3A_95, %dma_start3A_96, %dma_start3A_97] : memref<8x16x128xf32, #tpu.memory_space<vmem>> -> memref<1x16x128xf32, #tpu.memory_space<vmem>>
    %dma_start3A_99 = tpu.memref_squeeze %dma_start3A_98 : memref<1x16x128xf32, #tpu.memory_space<vmem>> -> memref<16x128xf32, #tpu.memory_space<vmem>>
    %dma_start3A_100 = arith.constant 0 : i32
    %dma_start3A_101 = tpu.memref_slice %arg6[%dma_start3A_100, %multiple_of3A_42] : memref<16x1000000xf32, #tpu.memory_space<hbm>> -> memref<16x128xf32, #tpu.memory_space<hbm>>
    %dma_start3A_102 = arith.constant 0 : i32
    %dma_start3A_103 = arith.constant 0 : i32
    %dma_start3A_104 = tpu.memref_slice %arg15[%dma_start3A_95, %dma_start3A_102, %dma_start3A_103] : memref<8x16x128xf32, #tpu.memory_space<vmem>> -> memref<1x16x128xf32, #tpu.memory_space<vmem>>
    %dma_start3A_105 = tpu.memref_squeeze %dma_start3A_104 : memref<1x16x128xf32, #tpu.memory_space<vmem>> -> memref<16x128xf32, #tpu.memory_space<vmem>>
    %dma_start3A_106 = arith.constant 0 : i32
    %dma_start3A_107 = tpu.memref_slice %arg6[%dma_start3A_106, %multiple_of3A_42] : memref<16x1000000xf32, #tpu.memory_space<hbm>> -> memref<16x128xf32, #tpu.memory_space<hbm>>
    tpu.enqueue_dma source(%dma_start3A_107 : memref<16x128xf32, #tpu.memory_space<hbm>>) target(%dma_start3A_105 : memref<16x128xf32, #tpu.memory_space<vmem>>) target_semaphore(%arg20 : memref<!tpu.dma_semaphore, #tpu.memory_space<semaphore_mem>>)
    %dma_start3A_108 = arith.constant 0 : i32
    %dma_start3A_109 = arith.constant 0 : i32
    %dma_start3A_110 = arith.constant 0 : i32
    %dma_start3A_111 = tpu.memref_slice %arg16[%dma_start3A_108, %dma_start3A_109, %dma_start3A_110] : memref<8x16x128xf32, #tpu.memory_space<vmem>> -> memref<1x16x128xf32, #tpu.memory_space<vmem>>
    %dma_start3A_112 = tpu.memref_squeeze %dma_start3A_111 : memref<1x16x128xf32, #tpu.memory_space<vmem>> -> memref<16x128xf32, #tpu.memory_space<vmem>>
    %dma_start3A_113 = arith.constant 0 : i32
    %dma_start3A_114 = tpu.memref_slice %arg7[%dma_start3A_113, %multiple_of3A_69] : memref<16x1000000xf32, #tpu.memory_space<hbm>> -> memref<16x128xf32, #tpu.memory_space<hbm>>
    %dma_start3A_115 = arith.constant 0 : i32
    %dma_start3A_116 = arith.constant 0 : i32
    %dma_start3A_117 = tpu.memref_slice %arg16[%dma_start3A_108, %dma_start3A_115, %dma_start3A_116] : memref<8x16x128xf32, #tpu.memory_space<vmem>> -> memref<1x16x128xf32, #tpu.memory_space<vmem>>
    %dma_start3A_118 = tpu.memref_squeeze %dma_start3A_117 : memref<1x16x128xf32, #tpu.memory_space<vmem>> -> memref<16x128xf32, #tpu.memory_space<vmem>>
    %dma_start3A_119 = arith.constant 0 : i32
    %dma_start3A_120 = tpu.memref_slice %arg7[%dma_start3A_119, %multiple_of3A_69] : memref<16x1000000xf32, #tpu.memory_space<hbm>> -> memref<16x128xf32, #tpu.memory_space<hbm>>
    tpu.enqueue_dma source(%dma_start3A_120 : memref<16x128xf32, #tpu.memory_space<hbm>>) target(%dma_start3A_118 : memref<16x128xf32, #tpu.memory_space<vmem>>) target_semaphore(%arg20 : memref<!tpu.dma_semaphore, #tpu.memory_space<semaphore_mem>>)
    %multiple_of3A_121 = arith.constant 0 : i32
    %multiple_of3A_122 = tpu.assume_multiple %multiple_of3A_121, 16 : i32
    %get3A_123 = arith.index_cast %multiple_of3A_122 : i32 to index
    %get3A_124 = tpu.vector_load %arg11[%get3A_123] {strides = array<i32>} : memref<512xi32, #tpu.memory_space<vmem>>, vector<16xi32>,
    %get3A_125 = arith.index_cast %multiple_of3A_122 : i32 to index
    %get3A_126 = tpu.vector_load %arg12[%get3A_125] {strides = array<i32>} : memref<512xi32, #tpu.memory_space<vmem>>, vector<16xi32>,
    %eq3A_127 = arith.constant 1 : i32
    %eq3A_128 = vector.broadcast %eq3A_127 : i32 to vector<16xi32>
    %eq3A_129 = arith.cmpi eq, %iota3A, %eq3A_128 : vector<16xi32>
    %jit3A_130 = arith.constant 0 : i32
    %broadcast_in_dim3A_131 = vector.broadcast %jit3A_130 : i32 to vector<16xi32>
    %select_n3A_132 = arith.select %eq3A_129, %get3A_124, %broadcast_in_dim3A_131 : vector<16xi1>, vector<16xi32>
    %reduce_sum3A_133 = arith.constant true
    %reduce_sum3A_134 = vector.broadcast %reduce_sum3A_133 : i1 to vector<16xi1>
    %reduce_sum3A_135 = tpu.scan <sum>, %select_n3A_132 masked %reduce_sum3A_134 : vector<16xi32>, vector<16xi1> -> vector<16xi32>
    %reduce_sum3A_136 = vector.extract %reduce_sum3A_135[15] : i32 from vector<16xi32>
    %eq3A_137 = arith.constant 1 : i32
    %eq3A_138 = vector.broadcast %eq3A_137 : i32 to vector<16xi32>
    %eq3A_139 = arith.cmpi eq, %iota3A, %eq3A_138 : vector<16xi32>
    %jit3A_140 = arith.constant 0 : i32
    %broadcast_in_dim3A_141 = vector.broadcast %jit3A_140 : i32 to vector<16xi32>
    %select_n3A_142 = arith.select %eq3A_139, %get3A_126, %broadcast_in_dim3A_141 : vector<16xi1>, vector<16xi32>
    %reduce_sum3A_143 = arith.constant true
    %reduce_sum3A_144 = vector.broadcast %reduce_sum3A_143 : i1 to vector<16xi1>
    %reduce_sum3A_145 = tpu.scan <sum>, %select_n3A_142 masked %reduce_sum3A_144 : vector<16xi32>, vector<16xi1> -> vector<16xi32>
    %reduce_sum3A_146 = vector.extract %reduce_sum3A_145[15] : i32 from vector<16xi32>
    %jit3A_147 = arith.constant 128 : i32
    %div3A_148 = arith.divsi %reduce_sum3A_136, %jit3A_147 : i32
    %sign3A_149 = arith.constant 0 : i32
    %sign3A_150 = arith.cmpi sgt, %reduce_sum3A_136, %sign3A_149 : i32
    %sign3A_151 = arith.extui %sign3A_150 : i1 to i32
    %sign3A_152 = arith.constant 0 : i32
    %sign3A_153 = arith.cmpi slt, %reduce_sum3A_136, %sign3A_152 : i32
    %sign3A_154 = arith.extui %sign3A_153 : i1 to i32
    %sign3A_155 = arith.subi %sign3A_151, %sign3A_154 : i32
    %sign3A_156 = arith.constant 0 : i32
    %sign3A_157 = arith.cmpi sgt, %jit3A_147, %sign3A_156 : i32
    %sign3A_158 = arith.extui %sign3A_157 : i1 to i32
    %sign3A_159 = arith.constant 0 : i32
    %sign3A_160 = arith.cmpi slt, %jit3A_147, %sign3A_159 : i32
    %sign3A_161 = arith.extui %sign3A_160 : i1 to i32
    %sign3A_162 = arith.subi %sign3A_158, %sign3A_161 : i32
    %ne3A_163 = arith.cmpi ne, %sign3A_155, %sign3A_162 : i32
    %rem3A_164 = arith.remsi %reduce_sum3A_136, %jit3A_147 : i32
    %ne3A_165 = arith.constant 0 : i32
    %ne3A_166 = arith.cmpi ne, %rem3A_164, %ne3A_165 : i32
    %and3A_167 = arith.andi %ne3A_163, %ne3A_166 : i1
    %sub3A_168 = arith.constant 1 : i32
    %sub3A_169 = arith.subi %div3A_148, %sub3A_168 : i32
    %select_n3A_170 = arith.select %and3A_167, %sub3A_169, %div3A_148 : i32
    %mul3A_171 = arith.constant 128 : i32
    %mul3A_172 = arith.muli %select_n3A_170, %mul3A_171 : i32
    %multiple_of3A_173 = tpu.assume_multiple %mul3A_172, 128 : i32
    %jit3A_174 = arith.constant 128 : i32
    %div3A_175 = arith.divsi %reduce_sum3A_146, %jit3A_174 : i32
    %sign3A_176 = arith.constant 0 : i32
    %sign3A_177 = arith.cmpi sgt, %reduce_sum3A_146, %sign3A_176 : i32
    %sign3A_178 = arith.extui %sign3A_177 : i1 to i32
    %sign3A_179 = arith.constant 0 : i32
    %sign3A_180 = arith.cmpi slt, %reduce_sum3A_146, %sign3A_179 : i32
    %sign3A_181 = arith.extui %sign3A_180 : i1 to i32
    %sign3A_182 = arith.subi %sign3A_178, %sign3A_181 : i32
    %sign3A_183 = arith.constant 0 : i32
    %sign3A_184 = arith.cmpi sgt, %jit3A_174, %sign3A_183 : i32
    %sign3A_185 = arith.extui %sign3A_184 : i1 to i32
    %sign3A_186 = arith.constant 0 : i32
    %sign3A_187 = arith.cmpi slt, %jit3A_174, %sign3A_186 : i32
    %sign3A_188 = arith.extui %sign3A_187 : i1 to i32
    %sign3A_189 = arith.subi %sign3A_185, %sign3A_188 : i32
    %ne3A_190 = arith.cmpi ne, %sign3A_182, %sign3A_189 : i32
    %rem3A_191 = arith.remsi %reduce_sum3A_146, %jit3A_174 : i32
    %ne3A_192 = arith.constant 0 : i32
    %ne3A_193 = arith.cmpi ne, %rem3A_191, %ne3A_192 : i32
    %and3A_194 = arith.andi %ne3A_190, %ne3A_193 : i1
    %sub3A_195 = arith.constant 1 : i32
    %sub3A_196 = arith.subi %div3A_175, %sub3A_195 : i32
    %select_n3A_197 = arith.select %and3A_194, %sub3A_196, %div3A_175 : i32
    %mul3A_198 = arith.constant 128 : i32
    %mul3A_199 = arith.muli %select_n3A_197, %mul3A_198 : i32
    %multiple_of3A_200 = tpu.assume_multiple %mul3A_199, 128 : i32
    %dma_start3A_201 = arith.constant 1 : i32
    %dma_start3A_202 = arith.constant 0 : i32
    %dma_start3A_203 = arith.constant 0 : i32
    %dma_start3A_204 = tpu.memref_slice %arg13[%dma_start3A_201, %dma_start3A_202, %dma_start3A_203] : memref<8x32x128xf32, #tpu.memory_space<vmem>> -> memref<1x32x128xf32, #tpu.memory_space<vmem>>
    %dma_start3A_205 = tpu.memref_squeeze %dma_start3A_204 : memref<1x32x128xf32, #tpu.memory_space<vmem>> -> memref<32x128xf32, #tpu.memory_space<vmem>>
    %dma_start3A_206 = arith.constant 0 : i32
    %dma_start3A_207 = tpu.memref_slice %arg4[%dma_start3A_206, %multiple_of3A_173] : memref<32x1000000xf32, #tpu.memory_space<hbm>> -> memref<32x128xf32, #tpu.memory_space<hbm>>
    %dma_start3A_208 = arith.constant 0 : i32
    %dma_start3A_209 = arith.constant 0 : i32
    %dma_start3A_210 = tpu.memref_slice %arg13[%dma_start3A_201, %dma_start3A_208, %dma_start3A_209] : memref<8x32x128xf32, #tpu.memory_space<vmem>> -> memref<1x32x128xf32, #tpu.memory_space<vmem>>
    %dma_start3A_211 = tpu.memref_squeeze %dma_start3A_210 : memref<1x32x128xf32, #tpu.memory_space<vmem>> -> memref<32x128xf32, #tpu.memory_space<vmem>>
    %dma_start3A_212 = arith.constant 0 : i32
    %dma_start3A_213 = tpu.memref_slice %arg4[%dma_start3A_212, %multiple_of3A_173] : memref<32x1000000xf32, #tpu.memory_space<hbm>> -> memref<32x128xf32, #tpu.memory_space<hbm>>
    tpu.enqueue_dma source(%dma_start3A_213 : memref<32x128xf32, #tpu.memory_space<hbm>>) target(%dma_start3A_211 : memref<32x128xf32, #tpu.memory_space<vmem>>) target_semaphore(%arg20 : memref<!tpu.dma_semaphore, #tpu.memory_space<semaphore_mem>>)
    %dma_start3A_214 = arith.constant 1 : i32
    %dma_start3A_215 = arith.constant 0 : i32
    %dma_start3A_216 = arith.constant 0 : i32
    %dma_start3A_217 = tpu.memref_slice %arg14[%dma_start3A_214, %dma_start3A_215, %dma_start3A_216] : memref<8x32x128xf32, #tpu.memory_space<vmem>> -> memref<1x32x128xf32, #tpu.memory_space<vmem>>
    %dma_start3A_218 = tpu.memref_squeeze %dma_start3A_217 : memref<1x32x128xf32, #tpu.memory_space<vmem>> -> memref<32x128xf32, #tpu.memory_space<vmem>>
    %dma_start3A_219 = arith.constant 0 : i32
    %dma_start3A_220 = tpu.memref_slice %arg5[%dma_start3A_219, %multiple_of3A_200] : memref<32x1000000xf32, #tpu.memory_space<hbm>> -> memref<32x128xf32, #tpu.memory_space<hbm>>
    %dma_start3A_221 = arith.constant 0 : i32
    %dma_start3A_222 = arith.constant 0 : i32
    %dma_start3A_223 = tpu.memref_slice %arg14[%dma_start3A_214, %dma_start3A_221, %dma_start3A_222] : memref<8x32x128xf32, #tpu.memory_space<vmem>> -> memref<1x32x128xf32, #tpu.memory_space<vmem>>
    %dma_start3A_224 = tpu.memref_squeeze %dma_start3A_223 : memref<1x32x128xf32, #tpu.memory_space<vmem>> -> memref<32x128xf32, #tpu.memory_space<vmem>>
    %dma_start3A_225 = arith.constant 0 : i32
    %dma_start3A_226 = tpu.memref_slice %arg5[%dma_start3A_225, %multiple_of3A_200] : memref<32x1000000xf32, #tpu.memory_space<hbm>> -> memref<32x128xf32, #tpu.memory_space<hbm>>
    tpu.enqueue_dma source(%dma_start3A_226 : memref<32x128xf32, #tpu.memory_space<hbm>>) target(%dma_start3A_224 : memref<32x128xf32, #tpu.memory_space<vmem>>) target_semaphore(%arg20 : memref<!tpu.dma_semaphore, #tpu.memory_space<semaphore_mem>>)
    %dma_start3A_227 = arith.constant 1 : i32
    %dma_start3A_228 = arith.constant 0 : i32
    %dma_start3A_229 = arith.constant 0 : i32
    %dma_start3A_230 = tpu.memref_slice %arg15[%dma_start3A_227, %dma_start3A_228, %dma_start3A_229] : memref<8x16x128xf32, #tpu.memory_space<vmem>> -> memref<1x16x128xf32, #tpu.memory_space<vmem>>
    %dma_start3A_231 = tpu.memref_squeeze %dma_start3A_230 : memref<1x16x128xf32, #tpu.memory_space<vmem>> -> memref<16x128xf32, #tpu.memory_space<vmem>>
    %dma_start3A_232 = arith.constant 0 : i32
    %dma_start3A_233 = tpu.memref_slice %arg6[%dma_start3A_232, %multiple_of3A_173] : memref<16x1000000xf32, #tpu.memory_space<hbm>> -> memref<16x128xf32, #tpu.memory_space<hbm>>
    %dma_start3A_234 = arith.constant 0 : i32
    %dma_start3A_235 = arith.constant 0 : i32
    %dma_start3A_236 = tpu.memref_slice %arg15[%dma_start3A_227, %dma_start3A_234, %dma_start3A_235] : memref<8x16x128xf32, #tpu.memory_space<vmem>> -> memref<1x16x128xf32, #tpu.memory_space<vmem>>
    %dma_start3A_237 = tpu.memref_squeeze %dma_start3A_236 : memref<1x16x128xf32, #tpu.memory_space<vmem>> -> memref<16x128xf32, #tpu.memory_space<vmem>>
    %dma_start3A_238 = arith.constant 0 : i32
    %dma_start3A_239 = tpu.memref_slice %arg6[%dma_start3A_238, %multiple_of3A_173] : memref<16x1000000xf32, #tpu.memory_space<hbm>> -> memref<16x128xf32, #tpu.memory_space<hbm>>
    tpu.enqueue_dma source(%dma_start3A_239 : memref<16x128xf32, #tpu.memory_space<hbm>>) target(%dma_start3A_237 : memref<16x128xf32, #tpu.memory_space<vmem>>) target_semaphore(%arg20 : memref<!tpu.dma_semaphore, #tpu.memory_space<semaphore_mem>>)
    %dma_start3A_240 = arith.constant 1 : i32
    %dma_start3A_241 = arith.constant 0 : i32
    %dma_start3A_242 = arith.constant 0 : i32
    %dma_start3A_243 = tpu.memref_slice %arg16[%dma_start3A_240, %dma_start3A_241, %dma_start3A_242] : memref<8x16x128xf32, #tpu.memory_space<vmem>> -> memref<1x16x128xf32, #tpu.memory_space<vmem>>
    %dma_start3A_244 = tpu.memref_squeeze %dma_start3A_243 : memref<1x16x128xf32, #tpu.memory_space<vmem>> -> memref<16x128xf32, #tpu.memory_space<vmem>>
    %dma_start3A_245 = arith.constant 0 : i32
    %dma_start3A_246 = tpu.memref_slice %arg7[%dma_start3A_245, %multiple_of3A_200] : memref<16x1000000xf32, #tpu.memory_space<hbm>> -> memref<16x128xf32, #tpu.memory_space<hbm>>
    %dma_start3A_247 = arith.constant 0 : i32
    %dma_start3A_248 = arith.constant 0 : i32
    %dma_start3A_249 = tpu.memref_slice %arg16[%dma_start3A_240, %dma_start3A_247, %dma_start3A_248] : memref<8x16x128xf32, #tpu.memory_space<vmem>> -> memref<1x16x128xf32, #tpu.memory_space<vmem>>
    %dma_start3A_250 = tpu.memref_squeeze %dma_start3A_249 : memref<1x16x128xf32, #tpu.memory_space<vmem>> -> memref<16x128xf32, #tpu.memory_space<vmem>>
    %dma_start3A_251 = arith.constant 0 : i32
    %dma_start3A_252 = tpu.memref_slice %arg7[%dma_start3A_251, %multiple_of3A_200] : memref<16x1000000xf32, #tpu.memory_space<hbm>> -> memref<16x128xf32, #tpu.memory_space<hbm>>
    tpu.enqueue_dma source(%dma_start3A_252 : memref<16x128xf32, #tpu.memory_space<hbm>>) target(%dma_start3A_250 : memref<16x128xf32, #tpu.memory_space<vmem>>) target_semaphore(%arg20 : memref<!tpu.dma_semaphore, #tpu.memory_space<semaphore_mem>>)
    %multiple_of3A_253 = arith.constant 0 : i32
    %multiple_of3A_254 = tpu.assume_multiple %multiple_of3A_253, 16 : i32
    %get3A_255 = arith.index_cast %multiple_of3A_254 : i32 to index
    %get3A_256 = tpu.vector_load %arg11[%get3A_255] {strides = array<i32>} : memref<512xi32, #tpu.memory_space<vmem>>, vector<16xi32>,
    %get3A_257 = arith.index_cast %multiple_of3A_254 : i32 to index
    %get3A_258 = tpu.vector_load %arg12[%get3A_257] {strides = array<i32>} : memref<512xi32, #tpu.memory_space<vmem>>, vector<16xi32>,
    %eq3A_259 = arith.constant 2 : i32
    %eq3A_260 = vector.broadcast %eq3A_259 : i32 to vector<16xi32>
    %eq3A_261 = arith.cmpi eq, %iota3A, %eq3A_260 : vector<16xi32>
    %jit3A_262 = arith.constant 0 : i32
    %broadcast_in_dim3A_263 = vector.broadcast %jit3A_262 : i32 to vector<16xi32>
    %select_n3A_264 = arith.select %eq3A_261, %get3A_256, %broadcast_in_dim3A_263 : vector<16xi1>, vector<16xi32>
    %reduce_sum3A_265 = arith.constant true
    %reduce_sum3A_266 = vector.broadcast %reduce_sum3A_265 : i1 to vector<16xi1>
    %reduce_sum3A_267 = tpu.scan <sum>, %select_n3A_264 masked %reduce_sum3A_266 : vector<16xi32>, vector<16xi1> -> vector<16xi32>
    %reduce_sum3A_268 = vector.extract %reduce_sum3A_267[15] : i32 from vector<16xi32>
    %eq3A_269 = arith.constant 2 : i32
    %eq3A_270 = vector.broadcast %eq3A_269 : i32 to vector<16xi32>
    %eq3A_271 = arith.cmpi eq, %iota3A, %eq3A_270 : vector<16xi32>
    %jit3A_272 = arith.constant 0 : i32
    %broadcast_in_dim3A_273 = vector.broadcast %jit3A_272 : i32 to vector<16xi32>
    %select_n3A_274 = arith.select %eq3A_271, %get3A_258, %broadcast_in_dim3A_273 : vector<16xi1>, vector<16xi32>
    %reduce_sum3A_275 = arith.constant true
    %reduce_sum3A_276 = vector.broadcast %reduce_sum3A_275 : i1 to vector<16xi1>
    %reduce_sum3A_277 = tpu.scan <sum>, %select_n3A_274 masked %reduce_sum3A_276 : vector<16xi32>, vector<16xi1> -> vector<16xi32>
    %reduce_sum3A_278 = vector.extract %reduce_sum3A_277[15] : i32 from vector<16xi32>
    %jit3A_279 = arith.constant 128 : i32
    %div3A_280 = arith.divsi %reduce_sum3A_268, %jit3A_279 : i32
    %sign3A_281 = arith.constant 0 : i32
    %sign3A_282 = arith.cmpi sgt, %reduce_sum3A_268, %sign3A_281 : i32
    %sign3A_283 = arith.extui %sign3A_282 : i1 to i32
    %sign3A_284 = arith.constant 0 : i32
    %sign3A_285 = arith.cmpi slt, %reduce_sum3A_268, %sign3A_284 : i32
    %sign3A_286 = arith.extui %sign3A_285 : i1 to i32
    %sign3A_287 = arith.subi %sign3A_283, %sign3A_286 : i32
    %sign3A_288 = arith.constant 0 : i32
    %sign3A_289 = arith.cmpi sgt, %jit3A_279, %sign3A_288 : i32
    %sign3A_290 = arith.extui %sign3A_289 : i1 to i32
    %sign3A_291 = arith.constant 0 : i32
    %sign3A_292 = arith.cmpi slt, %jit3A_279, %sign3A_291 : i32
    %sign3A_293 = arith.extui %sign3A_292 : i1 to i32
    %sign3A_294 = arith.subi %sign3A_290, %sign3A_293 : i32
    %ne3A_295 = arith.cmpi ne, %sign3A_287, %sign3A_294 : i32
    %rem3A_296 = arith.remsi %reduce_sum3A_268, %jit3A_279 : i32
    %ne3A_297 = arith.constant 0 : i32
    %ne3A_298 = arith.cmpi ne, %rem3A_296, %ne3A_297 : i32
    %and3A_299 = arith.andi %ne3A_295, %ne3A_298 : i1
    %sub3A_300 = arith.constant 1 : i32
    %sub3A_301 = arith.subi %div3A_280, %sub3A_300 : i32
    %select_n3A_302 = arith.select %and3A_299, %sub3A_301, %div3A_280 : i32
    %mul3A_303 = arith.constant 128 : i32
    %mul3A_304 = arith.muli %select_n3A_302, %mul3A_303 : i32
    %multiple_of3A_305 = tpu.assume_multiple %mul3A_304, 128 : i32
    %jit3A_306 = arith.constant 128 : i32
    %div3A_307 = arith.divsi %reduce_sum3A_278, %jit3A_306 : i32
    %sign3A_308 = arith.constant 0 : i32
    %sign3A_309 = arith.cmpi sgt, %reduce_sum3A_278, %sign3A_308 : i32
    %sign3A_310 = arith.extui %sign3A_309 : i1 to i32
    %sign3A_311 = arith.constant 0 : i32
    %sign3A_312 = arith.cmpi slt, %reduce_sum3A_278, %sign3A_311 : i32
    %sign3A_313 = arith.extui %sign3A_312 : i1 to i32
    %sign3A_314 = arith.subi %sign3A_310, %sign3A_313 : i32
    %sign3A_315 = arith.constant 0 : i32
    %sign3A_316 = arith.cmpi sgt, %jit3A_306, %sign3A_315 : i32
    %sign3A_317 = arith.extui %sign3A_316 : i1 to i32
    %sign3A_318 = arith.constant 0 : i32
    %sign3A_319 = arith.cmpi slt, %jit3A_306, %sign3A_318 : i32
    %sign3A_320 = arith.extui %sign3A_319 : i1 to i32
    %sign3A_321 = arith.subi %sign3A_317, %sign3A_320 : i32
    %ne3A_322 = arith.cmpi ne, %sign3A_314, %sign3A_321 : i32
    %rem3A_323 = arith.remsi %reduce_sum3A_278, %jit3A_306 : i32
    %ne3A_324 = arith.constant 0 : i32
    %ne3A_325 = arith.cmpi ne, %rem3A_323, %ne3A_324 : i32
    %and3A_326 = arith.andi %ne3A_322, %ne3A_325 : i1
    %sub3A_327 = arith.constant 1 : i32
    %sub3A_328 = arith.subi %div3A_307, %sub3A_327 : i32
    %select_n3A_329 = arith.select %and3A_326, %sub3A_328, %div3A_307 : i32
    %mul3A_330 = arith.constant 128 : i32
    %mul3A_331 = arith.muli %select_n3A_329, %mul3A_330 : i32
    %multiple_of3A_332 = tpu.assume_multiple %mul3A_331, 128 : i32
    %dma_start3A_333 = arith.constant 2 : i32
    %dma_start3A_334 = arith.constant 0 : i32
    %dma_start3A_335 = arith.constant 0 : i32
    %dma_start3A_336 = tpu.memref_slice %arg13[%dma_start3A_333, %dma_start3A_334, %dma_start3A_335] : memref<8x32x128xf32, #tpu.memory_space<vmem>> -> memref<1x32x128xf32, #tpu.memory_space<vmem>>
    %dma_start3A_337 = tpu.memref_squeeze %dma_start3A_336 : memref<1x32x128xf32, #tpu.memory_space<vmem>> -> memref<32x128xf32, #tpu.memory_space<vmem>>
    %dma_start3A_338 = arith.constant 0 : i32
    %dma_start3A_339 = tpu.memref_slice %arg4[%dma_start3A_338, %multiple_of3A_305] : memref<32x1000000xf32, #tpu.memory_space<hbm>> -> memref<32x128xf32, #tpu.memory_space<hbm>>
    %dma_start3A_340 = arith.constant 0 : i32
    %dma_start3A_341 = arith.constant 0 : i32
    %dma_start3A_342 = tpu.memref_slice %arg13[%dma_start3A_333, %dma_start3A_340, %dma_start3A_341] : memref<8x32x128xf32, #tpu.memory_space<vmem>> -> memref<1x32x128xf32, #tpu.memory_space<vmem>>
    %dma_start3A_343 = tpu.memref_squeeze %dma_start3A_342 : memref<1x32x128xf32, #tpu.memory_space<vmem>> -> memref<32x128xf32, #tpu.memory_space<vmem>>
    %dma_start3A_344 = arith.constant 0 : i32
    %dma_start3A_345 = tpu.memref_slice %arg4[%dma_start3A_344, %multiple_of3A_305] : memref<32x1000000xf32, #tpu.memory_space<hbm>> -> memref<32x128xf32, #tpu.memory_space<hbm>>
    tpu.enqueue_dma source(%dma_start3A_345 : memref<32x128xf32, #tpu.memory_space<hbm>>) target(%dma_start3A_343 : memref<32x128xf32, #tpu.memory_space<vmem>>) target_semaphore(%arg20 : memref<!tpu.dma_semaphore, #tpu.memory_space<semaphore_mem>>)
    %dma_start3A_346 = arith.constant 2 : i32
    %dma_start3A_347 = arith.constant 0 : i32
    %dma_start3A_348 = arith.constant 0 : i32
    %dma_start3A_349 = tpu.memref_slice %arg14[%dma_start3A_346, %dma_start3A_347, %dma_start3A_348] : memref<8x32x128xf32, #tpu.memory_space<vmem>> -> memref<1x32x128xf32, #tpu.memory_space<vmem>>
    %dma_start3A_350 = tpu.memref_squeeze %dma_start3A_349 : memref<1x32x128xf32, #tpu.memory_space<vmem>> -> memref<32x128xf32, #tpu.memory_space<vmem>>
    %dma_start3A_351 = arith.constant 0 : i32
    %dma_start3A_352 = tpu.memref_slice %arg5[%dma_start3A_351, %multiple_of3A_332] : memref<32x1000000xf32, #tpu.memory_space<hbm>> -> memref<32x128xf32, #tpu.memory_space<hbm>>
    %dma_start3A_353 = arith.constant 0 : i32
    %dma_start3A_354 = arith.constant 0 : i32
    %dma_start3A_355 = tpu.memref_slice %arg14[%dma_start3A_346, %dma_start3A_353, %dma_start3A_354] : memref<8x32x128xf32, #tpu.memory_space<vmem>> -> memref<1x32x128xf32, #tpu.memory_space<vmem>>
    %dma_start3A_356 = tpu.memref_squeeze %dma_start3A_355 : memref<1x32x128xf32, #tpu.memory_space<vmem>> -> memref<32x128xf32, #tpu.memory_space<vmem>>
    %dma_start3A_357 = arith.constant 0 : i32
    %dma_start3A_358 = tpu.memref_slice %arg5[%dma_start3A_357, %multiple_of3A_332] : memref<32x1000000xf32, #tpu.memory_space<hbm>> -> memref<32x128xf32, #tpu.memory_space<hbm>>
    tpu.enqueue_dma source(%dma_start3A_358 : memref<32x128xf32, #tpu.memory_space<hbm>>) target(%dma_start3A_356 : memref<32x128xf32, #tpu.memory_space<vmem>>) target_semaphore(%arg20 : memref<!tpu.dma_semaphore, #tpu.memory_space<semaphore_mem>>)
    %dma_start3A_359 = arith.constant 2 : i32
    %dma_start3A_360 = arith.constant 0 : i32
    %dma_start3A_361 = arith.constant 0 : i32
    %dma_start3A_362 = tpu.memref_slice %arg15[%dma_start3A_359, %dma_start3A_360, %dma_start3A_361] : memref<8x16x128xf32, #tpu.memory_space<vmem>> -> memref<1x16x128xf32, #tpu.memory_space<vmem>>
    %dma_start3A_363 = tpu.memref_squeeze %dma_start3A_362 : memref<1x16x128xf32, #tpu.memory_space<vmem>> -> memref<16x128xf32, #tpu.memory_space<vmem>>
    %dma_start3A_364 = arith.constant 0 : i32
    %dma_start3A_365 = tpu.memref_slice %arg6[%dma_start3A_364, %multiple_of3A_305] : memref<16x1000000xf32, #tpu.memory_space<hbm>> -> memref<16x128xf32, #tpu.memory_space<hbm>>
    %dma_start3A_366 = arith.constant 0 : i32
    %dma_start3A_367 = arith.constant 0 : i32
    %dma_start3A_368 = tpu.memref_slice %arg15[%dma_start3A_359, %dma_start3A_366, %dma_start3A_367] : memref<8x16x128xf32, #tpu.memory_space<vmem>> -> memref<1x16x128xf32, #tpu.memory_space<vmem>>
    %dma_start3A_369 = tpu.memref_squeeze %dma_start3A_368 : memref<1x16x128xf32, #tpu.memory_space<vmem>> -> memref<16x128xf32, #tpu.memory_space<vmem>>
    %dma_start3A_370 = arith.constant 0 : i32
    %dma_start3A_371 = tpu.memref_slice %arg6[%dma_start3A_370, %multiple_of3A_305] : memref<16x1000000xf32, #tpu.memory_space<hbm>> -> memref<16x128xf32, #tpu.memory_space<hbm>>
    tpu.enqueue_dma source(%dma_start3A_371 : memref<16x128xf32, #tpu.memory_space<hbm>>) target(%dma_start3A_369 : memref<16x128xf32, #tpu.memory_space<vmem>>) target_semaphore(%arg20 : memref<!tpu.dma_semaphore, #tpu.memory_space<semaphore_mem>>)
    %dma_start3A_372 = arith.constant 2 : i32
    %dma_start3A_373 = arith.constant 0 : i32
    %dma_start3A_374 = arith.constant 0 : i32
    %dma_start3A_375 = tpu.memref_slice %arg16[%dma_start3A_372, %dma_start3A_373, %dma_start3A_374] : memref<8x16x128xf32, #tpu.memory_space<vmem>> -> memref<1x16x128xf32, #tpu.memory_space<vmem>>
    %dma_start3A_376 = tpu.memref_squeeze %dma_start3A_375 : memref<1x16x128xf32, #tpu.memory_space<vmem>> -> memref<16x128xf32, #tpu.memory_space<vmem>>
    %dma_start3A_377 = arith.constant 0 : i32
    %dma_start3A_378 = tpu.memref_slice %arg7[%dma_start3A_377, %multiple_of3A_332] : memref<16x1000000xf32, #tpu.memory_space<hbm>> -> memref<16x128xf32, #tpu.memory_space<hbm>>
    %dma_start3A_379 = arith.constant 0 : i32
    %dma_start3A_380 = arith.constant 0 : i32
    %dma_start3A_381 = tpu.memref_slice %arg16[%dma_start3A_372, %dma_start3A_379, %dma_start3A_380] : memref<8x16x128xf32, #tpu.memory_space<vmem>> -> memref<1x16x128xf32, #tpu.memory_space<vmem>>
    %dma_start3A_382 = tpu.memref_squeeze %dma_start3A_381 : memref<1x16x128xf32, #tpu.memory_space<vmem>> -> memref<16x128xf32, #tpu.memory_space<vmem>>
    %dma_start3A_383 = arith.constant 0 : i32
    %dma_start3A_384 = tpu.memref_slice %arg7[%dma_start3A_383, %multiple_of3A_332] : memref<16x1000000xf32, #tpu.memory_space<hbm>> -> memref<16x128xf32, #tpu.memory_space<hbm>>
    tpu.enqueue_dma source(%dma_start3A_384 : memref<16x128xf32, #tpu.memory_space<hbm>>) target(%dma_start3A_382 : memref<16x128xf32, #tpu.memory_space<vmem>>) target_semaphore(%arg20 : memref<!tpu.dma_semaphore, #tpu.memory_space<semaphore_mem>>)
    %multiple_of3A_385 = arith.constant 0 : i32
    %multiple_of3A_386 = tpu.assume_multiple %multiple_of3A_385, 16 : i32
    %get3A_387 = arith.index_cast %multiple_of3A_386 : i32 to index
    %get3A_388 = tpu.vector_load %arg11[%get3A_387] {strides = array<i32>} : memref<512xi32, #tpu.memory_space<vmem>>, vector<16xi32>,
    %get3A_389 = arith.index_cast %multiple_of3A_386 : i32 to index
    %get3A_390 = tpu.vector_load %arg12[%get3A_389] {strides = array<i32>} : memref<512xi32, #tpu.memory_space<vmem>>, vector<16xi32>,
    %eq3A_391 = arith.constant 3 : i32
    %eq3A_392 = vector.broadcast %eq3A_391 : i32 to vector<16xi32>
    %eq3A_393 = arith.cmpi eq, %iota3A, %eq3A_392 : vector<16xi32>
    %jit3A_394 = arith.constant 0 : i32
    %broadcast_in_dim3A_395 = vector.broadcast %jit3A_394 : i32 to vector<16xi32>
    %select_n3A_396 = arith.select %eq3A_393, %get3A_388, %broadcast_in_dim3A_395 : vector<16xi1>, vector<16xi32>
    %reduce_sum3A_397 = arith.constant true
    %reduce_sum3A_398 = vector.broadcast %reduce_sum3A_397 : i1 to vector<16xi1>
    %reduce_sum3A_399 = tpu.scan <sum>, %select_n3A_396 masked %reduce_sum3A_398 : vector<16xi32>, vector<16xi1> -> vector<16xi32>
    %reduce_sum3A_400 = vector.extract %reduce_sum3A_399[15] : i32 from vector<16xi32>
    %eq3A_401 = arith.constant 3 : i32
    %eq3A_402 = vector.broadcast %eq3A_401 : i32 to vector<16xi32>
    %eq3A_403 = arith.cmpi eq, %iota3A, %eq3A_402 : vector<16xi32>
    %jit3A_404 = arith.constant 0 : i32
    %broadcast_in_dim3A_405 = vector.broadcast %jit3A_404 : i32 to vector<16xi32>
    %select_n3A_406 = arith.select %eq3A_403, %get3A_390, %broadcast_in_dim3A_405 : vector<16xi1>, vector<16xi32>
    %reduce_sum3A_407 = arith.constant true
    %reduce_sum3A_408 = vector.broadcast %reduce_sum3A_407 : i1 to vector<16xi1>
    %reduce_sum3A_409 = tpu.scan <sum>, %select_n3A_406 masked %reduce_sum3A_408 : vector<16xi32>, vector<16xi1> -> vector<16xi32>
    %reduce_sum3A_410 = vector.extract %reduce_sum3A_409[15] : i32 from vector<16xi32>
    %jit3A_411 = arith.constant 128 : i32
    %div3A_412 = arith.divsi %reduce_sum3A_400, %jit3A_411 : i32
    %sign3A_413 = arith.constant 0 : i32
    %sign3A_414 = arith.cmpi sgt, %reduce_sum3A_400, %sign3A_413 : i32
    %sign3A_415 = arith.extui %sign3A_414 : i1 to i32
    %sign3A_416 = arith.constant 0 : i32
    %sign3A_417 = arith.cmpi slt, %reduce_sum3A_400, %sign3A_416 : i32
    %sign3A_418 = arith.extui %sign3A_417 : i1 to i32
    %sign3A_419 = arith.subi %sign3A_415, %sign3A_418 : i32
    %sign3A_420 = arith.constant 0 : i32
    %sign3A_421 = arith.cmpi sgt, %jit3A_411, %sign3A_420 : i32
    %sign3A_422 = arith.extui %sign3A_421 : i1 to i32
    %sign3A_423 = arith.constant 0 : i32
    %sign3A_424 = arith.cmpi slt, %jit3A_411, %sign3A_423 : i32
    %sign3A_425 = arith.extui %sign3A_424 : i1 to i32
    %sign3A_426 = arith.subi %sign3A_422, %sign3A_425 : i32
    %ne3A_427 = arith.cmpi ne, %sign3A_419, %sign3A_426 : i32
    %rem3A_428 = arith.remsi %reduce_sum3A_400, %jit3A_411 : i32
    %ne3A_429 = arith.constant 0 : i32
    %ne3A_430 = arith.cmpi ne, %rem3A_428, %ne3A_429 : i32
    %and3A_431 = arith.andi %ne3A_427, %ne3A_430 : i1
    %sub3A_432 = arith.constant 1 : i32
    %sub3A_433 = arith.subi %div3A_412, %sub3A_432 : i32
    %select_n3A_434 = arith.select %and3A_431, %sub3A_433, %div3A_412 : i32
    %mul3A_435 = arith.constant 128 : i32
    %mul3A_436 = arith.muli %select_n3A_434, %mul3A_435 : i32
    %multiple_of3A_437 = tpu.assume_multiple %mul3A_436, 128 : i32
    %jit3A_438 = arith.constant 128 : i32
    %div3A_439 = arith.divsi %reduce_sum3A_410, %jit3A_438 : i32
    %sign3A_440 = arith.constant 0 : i32
    %sign3A_441 = arith.cmpi sgt, %reduce_sum3A_410, %sign3A_440 : i32
    %sign3A_442 = arith.extui %sign3A_441 : i1 to i32
    %sign3A_443 = arith.constant 0 : i32
    %sign3A_444 = arith.cmpi slt, %reduce_sum3A_410, %sign3A_443 : i32
    %sign3A_445 = arith.extui %sign3A_444 : i1 to i32
    %sign3A_446 = arith.subi %sign3A_442, %sign3A_445 : i32
    %sign3A_447 = arith.constant 0 : i32
    %sign3A_448 = arith.cmpi sgt, %jit3A_438, %sign3A_447 : i32
    %sign3A_449 = arith.extui %sign3A_448 : i1 to i32
    %sign3A_450 = arith.constant 0 : i32
    %sign3A_451 = arith.cmpi slt, %jit3A_438, %sign3A_450 : i32
    %sign3A_452 = arith.extui %sign3A_451 : i1 to i32
    %sign3A_453 = arith.subi %sign3A_449, %sign3A_452 : i32
    %ne3A_454 = arith.cmpi ne, %sign3A_446, %sign3A_453 : i32
    %rem3A_455 = arith.remsi %reduce_sum3A_410, %jit3A_438 : i32
    %ne3A_456 = arith.constant 0 : i32
    %ne3A_457 = arith.cmpi ne, %rem3A_455, %ne3A_456 : i32
    %and3A_458 = arith.andi %ne3A_454, %ne3A_457 : i1
    %sub3A_459 = arith.constant 1 : i32
    %sub3A_460 = arith.subi %div3A_439, %sub3A_459 : i32
    %select_n3A_461 = arith.select %and3A_458, %sub3A_460, %div3A_439 : i32
    %mul3A_462 = arith.constant 128 : i32
    %mul3A_463 = arith.muli %select_n3A_461, %mul3A_462 : i32
    %multiple_of3A_464 = tpu.assume_multiple %mul3A_463, 128 : i32
    %dma_start3A_465 = arith.constant 3 : i32
    %dma_start3A_466 = arith.constant 0 : i32
    %dma_start3A_467 = arith.constant 0 : i32
    %dma_start3A_468 = tpu.memref_slice %arg13[%dma_start3A_465, %dma_start3A_466, %dma_start3A_467] : memref<8x32x128xf32, #tpu.memory_space<vmem>> -> memref<1x32x128xf32, #tpu.memory_space<vmem>>
    %dma_start3A_469 = tpu.memref_squeeze %dma_start3A_468 : memref<1x32x128xf32, #tpu.memory_space<vmem>> -> memref<32x128xf32, #tpu.memory_space<vmem>>
    %dma_start3A_470 = arith.constant 0 : i32
    %dma_start3A_471 = tpu.memref_slice %arg4[%dma_start3A_470, %multiple_of3A_437] : memref<32x1000000xf32, #tpu.memory_space<hbm>> -> memref<32x128xf32, #tpu.memory_space<hbm>>
    %dma_start3A_472 = arith.constant 0 : i32
    %dma_start3A_473 = arith.constant 0 : i32
    %dma_start3A_474 = tpu.memref_slice %arg13[%dma_start3A_465, %dma_start3A_472, %dma_start3A_473] : memref<8x32x128xf32, #tpu.memory_space<vmem>> -> memref<1x32x128xf32, #tpu.memory_space<vmem>>
    %dma_start3A_475 = tpu.memref_squeeze %dma_start3A_474 : memref<1x32x128xf32, #tpu.memory_space<vmem>> -> memref<32x128xf32, #tpu.memory_space<vmem>>
    %dma_start3A_476 = arith.constant 0 : i32
    %dma_start3A_477 = tpu.memref_slice %arg4[%dma_start3A_476, %multiple_of3A_437] : memref<32x1000000xf32, #tpu.memory_space<hbm>> -> memref<32x128xf32, #tpu.memory_space<hbm>>
    tpu.enqueue_dma source(%dma_start3A_477 : memref<32x128xf32, #tpu.memory_space<hbm>>) target(%dma_start3A_475 : memref<32x128xf32, #tpu.memory_space<vmem>>) target_semaphore(%arg20 : memref<!tpu.dma_semaphore, #tpu.memory_space<semaphore_mem>>)
    %dma_start3A_478 = arith.constant 3 : i32
    %dma_start3A_479 = arith.constant 0 : i32
    %dma_start3A_480 = arith.constant 0 : i32
    %dma_start3A_481 = tpu.memref_slice %arg14[%dma_start3A_478, %dma_start3A_479, %dma_start3A_480] : memref<8x32x128xf32, #tpu.memory_space<vmem>> -> memref<1x32x128xf32, #tpu.memory_space<vmem>>
    %dma_start3A_482 = tpu.memref_squeeze %dma_start3A_481 : memref<1x32x128xf32, #tpu.memory_space<vmem>> -> memref<32x128xf32, #tpu.memory_space<vmem>>
    %dma_start3A_483 = arith.constant 0 : i32
    %dma_start3A_484 = tpu.memref_slice %arg5[%dma_start3A_483, %multiple_of3A_464] : memref<32x1000000xf32, #tpu.memory_space<hbm>> -> memref<32x128xf32, #tpu.memory_space<hbm>>
    %dma_start3A_485 = arith.constant 0 : i32
    %dma_start3A_486 = arith.constant 0 : i32
    %dma_start3A_487 = tpu.memref_slice %arg14[%dma_start3A_478, %dma_start3A_485, %dma_start3A_486] : memref<8x32x128xf32, #tpu.memory_space<vmem>> -> memref<1x32x128xf32, #tpu.memory_space<vmem>>
    %dma_start3A_488 = tpu.memref_squeeze %dma_start3A_487 : memref<1x32x128xf32, #tpu.memory_space<vmem>> -> memref<32x128xf32, #tpu.memory_space<vmem>>
    %dma_start3A_489 = arith.constant 0 : i32
    %dma_start3A_490 = tpu.memref_slice %arg5[%dma_start3A_489, %multiple_of3A_464] : memref<32x1000000xf32, #tpu.memory_space<hbm>> -> memref<32x128xf32, #tpu.memory_space<hbm>>
    tpu.enqueue_dma source(%dma_start3A_490 : memref<32x128xf32, #tpu.memory_space<hbm>>) target(%dma_start3A_488 : memref<32x128xf32, #tpu.memory_space<vmem>>) target_semaphore(%arg20 : memref<!tpu.dma_semaphore, #tpu.memory_space<semaphore_mem>>)
    %dma_start3A_491 = arith.constant 3 : i32
    %dma_start3A_492 = arith.constant 0 : i32
    %dma_start3A_493 = arith.constant 0 : i32
    %dma_start3A_494 = tpu.memref_slice %arg15[%dma_start3A_491, %dma_start3A_492, %dma_start3A_493] : memref<8x16x128xf32, #tpu.memory_space<vmem>> -> memref<1x16x128xf32, #tpu.memory_space<vmem>>
    %dma_start3A_495 = tpu.memref_squeeze %dma_start3A_494 : memref<1x16x128xf32, #tpu.memory_space<vmem>> -> memref<16x128xf32, #tpu.memory_space<vmem>>
    %dma_start3A_496 = arith.constant 0 : i32
    %dma_start3A_497 = tpu.memref_slice %arg6[%dma_start3A_496, %multiple_of3A_437] : memref<16x1000000xf32, #tpu.memory_space<hbm>> -> memref<16x128xf32, #tpu.memory_space<hbm>>
    %dma_start3A_498 = arith.constant 0 : i32
    %dma_start3A_499 = arith.constant 0 : i32
    %dma_start3A_500 = tpu.memref_slice %arg15[%dma_start3A_491, %dma_start3A_498, %dma_start3A_499] : memref<8x16x128xf32, #tpu.memory_space<vmem>> -> memref<1x16x128xf32, #tpu.memory_space<vmem>>
    %dma_start3A_501 = tpu.memref_squeeze %dma_start3A_500 : memref<1x16x128xf32, #tpu.memory_space<vmem>> -> memref<16x128xf32, #tpu.memory_space<vmem>>
    %dma_start3A_502 = arith.constant 0 : i32
    %dma_start3A_503 = tpu.memref_slice %arg6[%dma_start3A_502, %multiple_of3A_437] : memref<16x1000000xf32, #tpu.memory_space<hbm>> -> memref<16x128xf32, #tpu.memory_space<hbm>>
    tpu.enqueue_dma source(%dma_start3A_503 : memref<16x128xf32, #tpu.memory_space<hbm>>) target(%dma_start3A_501 : memref<16x128xf32, #tpu.memory_space<vmem>>) target_semaphore(%arg20 : memref<!tpu.dma_semaphore, #tpu.memory_space<semaphore_mem>>)
    %dma_start3A_504 = arith.constant 3 : i32
    %dma_start3A_505 = arith.constant 0 : i32
    %dma_start3A_506 = arith.constant 0 : i32
    %dma_start3A_507 = tpu.memref_slice %arg16[%dma_start3A_504, %dma_start3A_505, %dma_start3A_506] : memref<8x16x128xf32, #tpu.memory_space<vmem>> -> memref<1x16x128xf32, #tpu.memory_space<vmem>>
    %dma_start3A_508 = tpu.memref_squeeze %dma_start3A_507 : memref<1x16x128xf32, #tpu.memory_space<vmem>> -> memref<16x128xf32, #tpu.memory_space<vmem>>
    %dma_start3A_509 = arith.constant 0 : i32
    %dma_start3A_510 = tpu.memref_slice %arg7[%dma_start3A_509, %multiple_of3A_464] : memref<16x1000000xf32, #tpu.memory_space<hbm>> -> memref<16x128xf32, #tpu.memory_space<hbm>>
    %dma_start3A_511 = arith.constant 0 : i32
    %dma_start3A_512 = arith.constant 0 : i32
    %dma_start3A_513 = tpu.memref_slice %arg16[%dma_start3A_504, %dma_start3A_511, %dma_start3A_512] : memref<8x16x128xf32, #tpu.memory_space<vmem>> -> memref<1x16x128xf32, #tpu.memory_space<vmem>>
    %dma_start3A_514 = tpu.memref_squeeze %dma_start3A_513 : memref<1x16x128xf32, #tpu.memory_space<vmem>> -> memref<16x128xf32, #tpu.memory_space<vmem>>
    %dma_start3A_515 = arith.constant 0 : i32
    %dma_start3A_516 = tpu.memref_slice %arg7[%dma_start3A_515, %multiple_of3A_464] : memref<16x1000000xf32, #tpu.memory_space<hbm>> -> memref<16x128xf32, #tpu.memory_space<hbm>>
    tpu.enqueue_dma source(%dma_start3A_516 : memref<16x128xf32, #tpu.memory_space<hbm>>) target(%dma_start3A_514 : memref<16x128xf32, #tpu.memory_space<vmem>>) target_semaphore(%arg20 : memref<!tpu.dma_semaphore, #tpu.memory_space<semaphore_mem>>)
    %scan3A = arith.constant 0 : i32
    %scan3A_517 = arith.constant 0 : i32
    %scan3A_518 = arith.constant 64 : i32
    %scan3A_519 = arith.addi %scan3A_517, %scan3A_518 : i32
    %scan3A_520 = arith.constant 1 : i32
    scf.for %scan3A_522 = %scan3A_517 to %scan3A_519 step %scan3A_520  : i32 {
      %mul3A_523 = arith.constant 2 : i32
      %mul3A_524 = arith.muli %mul3A_523, %scan3A_522 : i32
      %add3A_525 = arith.constant 1 : i32
      %add3A_526 = arith.addi %mul3A_524, %add3A_525 : i32
      %jit3A_527 = arith.constant 4 : i32
      %div3A_528 = arith.divsi %add3A_526, %jit3A_527 : i32
      %sign3A_529 = arith.constant 0 : i32
      %sign3A_530 = arith.cmpi sgt, %add3A_526, %sign3A_529 : i32
      %sign3A_531 = arith.extui %sign3A_530 : i1 to i32
      %sign3A_532 = arith.constant 0 : i32
      %sign3A_533 = arith.cmpi slt, %add3A_526, %sign3A_532 : i32
      %sign3A_534 = arith.extui %sign3A_533 : i1 to i32
      %sign3A_535 = arith.subi %sign3A_531, %sign3A_534 : i32
      %sign3A_536 = arith.constant 0 : i32
      %sign3A_537 = arith.cmpi sgt, %jit3A_527, %sign3A_536 : i32
      %sign3A_538 = arith.extui %sign3A_537 : i1 to i32
      %sign3A_539 = arith.constant 0 : i32
      %sign3A_540 = arith.cmpi slt, %jit3A_527, %sign3A_539 : i32
      %sign3A_541 = arith.extui %sign3A_540 : i1 to i32
      %sign3A_542 = arith.subi %sign3A_538, %sign3A_541 : i32
      %ne3A_543 = arith.cmpi ne, %sign3A_535, %sign3A_542 : i32
      %rem3A_544 = arith.remsi %add3A_526, %jit3A_527 : i32
      %ne3A_545 = arith.constant 0 : i32
      %ne3A_546 = arith.cmpi ne, %rem3A_544, %ne3A_545 : i32
      %and3A_547 = arith.andi %ne3A_543, %ne3A_546 : i1
      %sub3A_548 = arith.constant 1 : i32
      %sub3A_549 = arith.subi %div3A_528, %sub3A_548 : i32
      %select_n3A_550 = arith.select %and3A_547, %sub3A_549, %div3A_528 : i32
      %mul3A_551 = arith.constant 16 : i32
      %mul3A_552 = arith.muli %select_n3A_550, %mul3A_551 : i32
      %multiple_of3A_553 = tpu.assume_multiple %mul3A_552, 16 : i32
      %jit3A_554 = arith.constant 4 : i32
      %eq3A_555 = arith.constant 0 : i32
      %eq3A_556 = arith.cmpi eq, %jit3A_554, %eq3A_555 : i32
      %jit3A_557 = arith.constant 1 : i32
      %select_n3A_558 = arith.select %eq3A_556, %jit3A_557, %jit3A_554 : i32
      %rem3A_559 = arith.remsi %add3A_526, %select_n3A_558 : i32
      %ne3A_560 = arith.constant 0 : i32
      %ne3A_561 = arith.cmpi ne, %rem3A_559, %ne3A_560 : i32
      %lt3A = arith.constant 0 : i32
      %lt3A_562 = arith.cmpi slt, %rem3A_559, %lt3A : i32
      %lt3A_563 = arith.constant 0 : i32
      %lt3A_564 = arith.cmpi slt, %select_n3A_558, %lt3A_563 : i32
      %ne3A_565 = arith.xori %lt3A_562, %lt3A_564 : i1
      %and3A_566 = arith.andi %ne3A_565, %ne3A_561 : i1
      %add3A_567 = arith.addi %rem3A_559, %select_n3A_558 : i32
      %select_n3A_568 = arith.select %and3A_566, %add3A_567, %rem3A_559 : i32
      %mul3A_569 = arith.constant 4 : i32
      %mul3A_570 = arith.muli %select_n3A_568, %mul3A_569 : i32
      %get3A_571 = arith.index_cast %multiple_of3A_553 : i32 to index
      %get3A_572 = tpu.vector_load %arg11[%get3A_571] {strides = array<i32>} : memref<512xi32, #tpu.memory_space<vmem>>, vector<16xi32>,
      %get3A_573 = arith.index_cast %multiple_of3A_553 : i32 to index
      %get3A_574 = tpu.vector_load %arg12[%get3A_573] {strides = array<i32>} : memref<512xi32, #tpu.memory_space<vmem>>, vector<16xi32>,
      %add3A_575 = arith.constant 0 : i32
      %add3A_576 = arith.addi %mul3A_570, %add3A_575 : i32
      %eq3A_577 = vector.broadcast %add3A_576 : i32 to vector<16xi32>
      %eq3A_578 = arith.cmpi eq, %iota3A, %eq3A_577 : vector<16xi32>
      %jit3A_579 = arith.constant 0 : i32
      %broadcast_in_dim3A_580 = vector.broadcast %jit3A_579 : i32 to vector<16xi32>
      %select_n3A_581 = arith.select %eq3A_578, %get3A_572, %broadcast_in_dim3A_580 : vector<16xi1>, vector<16xi32>
      %reduce_sum3A_582 = arith.constant true
      %reduce_sum3A_583 = vector.broadcast %reduce_sum3A_582 : i1 to vector<16xi1>
      %reduce_sum3A_584 = tpu.scan <sum>, %select_n3A_581 masked %reduce_sum3A_583 : vector<16xi32>, vector<16xi1> -> vector<16xi32>
      %reduce_sum3A_585 = vector.extract %reduce_sum3A_584[15] : i32 from vector<16xi32>
      %add3A_586 = arith.constant 0 : i32
      %add3A_587 = arith.addi %mul3A_570, %add3A_586 : i32
      %eq3A_588 = vector.broadcast %add3A_587 : i32 to vector<16xi32>
      %eq3A_589 = arith.cmpi eq, %iota3A, %eq3A_588 : vector<16xi32>
      %jit3A_590 = arith.constant 0 : i32
      %broadcast_in_dim3A_591 = vector.broadcast %jit3A_590 : i32 to vector<16xi32>
      %select_n3A_592 = arith.select %eq3A_589, %get3A_574, %broadcast_in_dim3A_591 : vector<16xi1>, vector<16xi32>
      %reduce_sum3A_593 = arith.constant true
      %reduce_sum3A_594 = vector.broadcast %reduce_sum3A_593 : i1 to vector<16xi1>
      %reduce_sum3A_595 = tpu.scan <sum>, %select_n3A_592 masked %reduce_sum3A_594 : vector<16xi32>, vector<16xi1> -> vector<16xi32>
      %reduce_sum3A_596 = vector.extract %reduce_sum3A_595[15] : i32 from vector<16xi32>
      %jit3A_597 = arith.constant 128 : i32
      %div3A_598 = arith.divsi %reduce_sum3A_585, %jit3A_597 : i32
      %sign3A_599 = arith.constant 0 : i32
      %sign3A_600 = arith.cmpi sgt, %reduce_sum3A_585, %sign3A_599 : i32
      %sign3A_601 = arith.extui %sign3A_600 : i1 to i32
      %sign3A_602 = arith.constant 0 : i32
      %sign3A_603 = arith.cmpi slt, %reduce_sum3A_585, %sign3A_602 : i32
      %sign3A_604 = arith.extui %sign3A_603 : i1 to i32
      %sign3A_605 = arith.subi %sign3A_601, %sign3A_604 : i32
      %sign3A_606 = arith.constant 0 : i32
      %sign3A_607 = arith.cmpi sgt, %jit3A_597, %sign3A_606 : i32
      %sign3A_608 = arith.extui %sign3A_607 : i1 to i32
      %sign3A_609 = arith.constant 0 : i32
      %sign3A_610 = arith.cmpi slt, %jit3A_597, %sign3A_609 : i32
      %sign3A_611 = arith.extui %sign3A_610 : i1 to i32
      %sign3A_612 = arith.subi %sign3A_608, %sign3A_611 : i32
      %ne3A_613 = arith.cmpi ne, %sign3A_605, %sign3A_612 : i32
      %rem3A_614 = arith.remsi %reduce_sum3A_585, %jit3A_597 : i32
      %ne3A_615 = arith.constant 0 : i32
      %ne3A_616 = arith.cmpi ne, %rem3A_614, %ne3A_615 : i32
      %and3A_617 = arith.andi %ne3A_613, %ne3A_616 : i1
      %sub3A_618 = arith.constant 1 : i32
      %sub3A_619 = arith.subi %div3A_598, %sub3A_618 : i32
      %select_n3A_620 = arith.select %and3A_617, %sub3A_619, %div3A_598 : i32
      %mul3A_621 = arith.constant 128 : i32
      %mul3A_622 = arith.muli %select_n3A_620, %mul3A_621 : i32
      %multiple_of3A_623 = tpu.assume_multiple %mul3A_622, 128 : i32
      %jit3A_624 = arith.constant 128 : i32
      %div3A_625 = arith.divsi %reduce_sum3A_596, %jit3A_624 : i32
      %sign3A_626 = arith.constant 0 : i32
      %sign3A_627 = arith.cmpi sgt, %reduce_sum3A_596, %sign3A_626 : i32
      %sign3A_628 = arith.extui %sign3A_627 : i1 to i32
      %sign3A_629 = arith.constant 0 : i32
      %sign3A_630 = arith.cmpi slt, %reduce_sum3A_596, %sign3A_629 : i32
      %sign3A_631 = arith.extui %sign3A_630 : i1 to i32
      %sign3A_632 = arith.subi %sign3A_628, %sign3A_631 : i32
      %sign3A_633 = arith.constant 0 : i32
      %sign3A_634 = arith.cmpi sgt, %jit3A_624, %sign3A_633 : i32
      %sign3A_635 = arith.extui %sign3A_634 : i1 to i32
      %sign3A_636 = arith.constant 0 : i32
      %sign3A_637 = arith.cmpi slt, %jit3A_624, %sign3A_636 : i32
      %sign3A_638 = arith.extui %sign3A_637 : i1 to i32
      %sign3A_639 = arith.subi %sign3A_635, %sign3A_638 : i32
      %ne3A_640 = arith.cmpi ne, %sign3A_632, %sign3A_639 : i32
      %rem3A_641 = arith.remsi %reduce_sum3A_596, %jit3A_624 : i32
      %ne3A_642 = arith.constant 0 : i32
      %ne3A_643 = arith.cmpi ne, %rem3A_641, %ne3A_642 : i32
      %and3A_644 = arith.andi %ne3A_640, %ne3A_643 : i1
      %sub3A_645 = arith.constant 1 : i32
      %sub3A_646 = arith.subi %div3A_625, %sub3A_645 : i32
      %select_n3A_647 = arith.select %and3A_644, %sub3A_646, %div3A_625 : i32
      %mul3A_648 = arith.constant 128 : i32
      %mul3A_649 = arith.muli %select_n3A_647, %mul3A_648 : i32
      %multiple_of3A_650 = tpu.assume_multiple %mul3A_649, 128 : i32
      %dma_start3A_651 = arith.constant 4 : i32
      %dma_start3A_652 = arith.constant 0 : i32
      %dma_start3A_653 = arith.constant 0 : i32
      %dma_start3A_654 = tpu.memref_slice %arg13[%dma_start3A_651, %dma_start3A_652, %dma_start3A_653] : memref<8x32x128xf32, #tpu.memory_space<vmem>> -> memref<1x32x128xf32, #tpu.memory_space<vmem>>
      %dma_start3A_655 = tpu.memref_squeeze %dma_start3A_654 : memref<1x32x128xf32, #tpu.memory_space<vmem>> -> memref<32x128xf32, #tpu.memory_space<vmem>>
      %dma_start3A_656 = arith.constant 0 : i32
      %dma_start3A_657 = tpu.memref_slice %arg4[%dma_start3A_656, %multiple_of3A_623] : memref<32x1000000xf32, #tpu.memory_space<hbm>> -> memref<32x128xf32, #tpu.memory_space<hbm>>
      %dma_start3A_658 = arith.constant 0 : i32
      %dma_start3A_659 = arith.constant 0 : i32
      %dma_start3A_660 = tpu.memref_slice %arg13[%dma_start3A_651, %dma_start3A_658, %dma_start3A_659] : memref<8x32x128xf32, #tpu.memory_space<vmem>> -> memref<1x32x128xf32, #tpu.memory_space<vmem>>
      %dma_start3A_661 = tpu.memref_squeeze %dma_start3A_660 : memref<1x32x128xf32, #tpu.memory_space<vmem>> -> memref<32x128xf32, #tpu.memory_space<vmem>>
      %dma_start3A_662 = arith.constant 0 : i32
      %dma_start3A_663 = tpu.memref_slice %arg4[%dma_start3A_662, %multiple_of3A_623] : memref<32x1000000xf32, #tpu.memory_space<hbm>> -> memref<32x128xf32, #tpu.memory_space<hbm>>
      tpu.enqueue_dma source(%dma_start3A_663 : memref<32x128xf32, #tpu.memory_space<hbm>>) target(%dma_start3A_661 : memref<32x128xf32, #tpu.memory_space<vmem>>) target_semaphore(%arg21 : memref<!tpu.dma_semaphore, #tpu.memory_space<semaphore_mem>>)
      %dma_start3A_664 = arith.constant 4 : i32
      %dma_start3A_665 = arith.constant 0 : i32
      %dma_start3A_666 = arith.constant 0 : i32
      %dma_start3A_667 = tpu.memref_slice %arg14[%dma_start3A_664, %dma_start3A_665, %dma_start3A_666] : memref<8x32x128xf32, #tpu.memory_space<vmem>> -> memref<1x32x128xf32, #tpu.memory_space<vmem>>
      %dma_start3A_668 = tpu.memref_squeeze %dma_start3A_667 : memref<1x32x128xf32, #tpu.memory_space<vmem>> -> memref<32x128xf32, #tpu.memory_space<vmem>>
      %dma_start3A_669 = arith.constant 0 : i32
      %dma_start3A_670 = tpu.memref_slice %arg5[%dma_start3A_669, %multiple_of3A_650] : memref<32x1000000xf32, #tpu.memory_space<hbm>> -> memref<32x128xf32, #tpu.memory_space<hbm>>
      %dma_start3A_671 = arith.constant 0 : i32
      %dma_start3A_672 = arith.constant 0 : i32
      %dma_start3A_673 = tpu.memref_slice %arg14[%dma_start3A_664, %dma_start3A_671, %dma_start3A_672] : memref<8x32x128xf32, #tpu.memory_space<vmem>> -> memref<1x32x128xf32, #tpu.memory_space<vmem>>
      %dma_start3A_674 = tpu.memref_squeeze %dma_start3A_673 : memref<1x32x128xf32, #tpu.memory_space<vmem>> -> memref<32x128xf32, #tpu.memory_space<vmem>>
      %dma_start3A_675 = arith.constant 0 : i32
      %dma_start3A_676 = tpu.memref_slice %arg5[%dma_start3A_675, %multiple_of3A_650] : memref<32x1000000xf32, #tpu.memory_space<hbm>> -> memref<32x128xf32, #tpu.memory_space<hbm>>
      tpu.enqueue_dma source(%dma_start3A_676 : memref<32x128xf32, #tpu.memory_space<hbm>>) target(%dma_start3A_674 : memref<32x128xf32, #tpu.memory_space<vmem>>) target_semaphore(%arg21 : memref<!tpu.dma_semaphore, #tpu.memory_space<semaphore_mem>>)
      %dma_start3A_677 = arith.constant 4 : i32
      %dma_start3A_678 = arith.constant 0 : i32
      %dma_start3A_679 = arith.constant 0 : i32
      %dma_start3A_680 = tpu.memref_slice %arg15[%dma_start3A_677, %dma_start3A_678, %dma_start3A_679] : memref<8x16x128xf32, #tpu.memory_space<vmem>> -> memref<1x16x128xf32, #tpu.memory_space<vmem>>
      %dma_start3A_681 = tpu.memref_squeeze %dma_start3A_680 : memref<1x16x128xf32, #tpu.memory_space<vmem>> -> memref<16x128xf32, #tpu.memory_space<vmem>>
      %dma_start3A_682 = arith.constant 0 : i32
      %dma_start3A_683 = tpu.memref_slice %arg6[%dma_start3A_682, %multiple_of3A_623] : memref<16x1000000xf32, #tpu.memory_space<hbm>> -> memref<16x128xf32, #tpu.memory_space<hbm>>
      %dma_start3A_684 = arith.constant 0 : i32
      %dma_start3A_685 = arith.constant 0 : i32
      %dma_start3A_686 = tpu.memref_slice %arg15[%dma_start3A_677, %dma_start3A_684, %dma_start3A_685] : memref<8x16x128xf32, #tpu.memory_space<vmem>> -> memref<1x16x128xf32, #tpu.memory_space<vmem>>
      %dma_start3A_687 = tpu.memref_squeeze %dma_start3A_686 : memref<1x16x128xf32, #tpu.memory_space<vmem>> -> memref<16x128xf32, #tpu.memory_space<vmem>>
      %dma_start3A_688 = arith.constant 0 : i32
      %dma_start3A_689 = tpu.memref_slice %arg6[%dma_start3A_688, %multiple_of3A_623] : memref<16x1000000xf32, #tpu.memory_space<hbm>> -> memref<16x128xf32, #tpu.memory_space<hbm>>
      tpu.enqueue_dma source(%dma_start3A_689 : memref<16x128xf32, #tpu.memory_space<hbm>>) target(%dma_start3A_687 : memref<16x128xf32, #tpu.memory_space<vmem>>) target_semaphore(%arg21 : memref<!tpu.dma_semaphore, #tpu.memory_space<semaphore_mem>>)
      %dma_start3A_690 = arith.constant 4 : i32
      %dma_start3A_691 = arith.constant 0 : i32
      %dma_start3A_692 = arith.constant 0 : i32
      %dma_start3A_693 = tpu.memref_slice %arg16[%dma_start3A_690, %dma_start3A_691, %dma_start3A_692] : memref<8x16x128xf32, #tpu.memory_space<vmem>> -> memref<1x16x128xf32, #tpu.memory_space<vmem>>
      %dma_start3A_694 = tpu.memref_squeeze %dma_start3A_693 : memref<1x16x128xf32, #tpu.memory_space<vmem>> -> memref<16x128xf32, #tpu.memory_space<vmem>>
      %dma_start3A_695 = arith.constant 0 : i32
      %dma_start3A_696 = tpu.memref_slice %arg7[%dma_start3A_695, %multiple_of3A_650] : memref<16x1000000xf32, #tpu.memory_space<hbm>> -> memref<16x128xf32, #tpu.memory_space<hbm>>
      %dma_start3A_697 = arith.constant 0 : i32
      %dma_start3A_698 = arith.constant 0 : i32
      %dma_start3A_699 = tpu.memref_slice %arg16[%dma_start3A_690, %dma_start3A_697, %dma_start3A_698] : memref<8x16x128xf32, #tpu.memory_space<vmem>> -> memref<1x16x128xf32, #tpu.memory_space<vmem>>
      %dma_start3A_700 = tpu.memref_squeeze %dma_start3A_699 : memref<1x16x128xf32, #tpu.memory_space<vmem>> -> memref<16x128xf32, #tpu.memory_space<vmem>>
      %dma_start3A_701 = arith.constant 0 : i32
      %dma_start3A_702 = tpu.memref_slice %arg7[%dma_start3A_701, %multiple_of3A_650] : memref<16x1000000xf32, #tpu.memory_space<hbm>> -> memref<16x128xf32, #tpu.memory_space<hbm>>
      tpu.enqueue_dma source(%dma_start3A_702 : memref<16x128xf32, #tpu.memory_space<hbm>>) target(%dma_start3A_700 : memref<16x128xf32, #tpu.memory_space<vmem>>) target_semaphore(%arg21 : memref<!tpu.dma_semaphore, #tpu.memory_space<semaphore_mem>>)
      %jit3A_703 = arith.constant 4 : i32
      %div3A_704 = arith.divsi %add3A_526, %jit3A_703 : i32
      %sign3A_705 = arith.constant 0 : i32
      %sign3A_706 = arith.cmpi sgt, %add3A_526, %sign3A_705 : i32
      %sign3A_707 = arith.extui %sign3A_706 : i1 to i32
      %sign3A_708 = arith.constant 0 : i32
      %sign3A_709 = arith.cmpi slt, %add3A_526, %sign3A_708 : i32
      %sign3A_710 = arith.extui %sign3A_709 : i1 to i32
      %sign3A_711 = arith.subi %sign3A_707, %sign3A_710 : i32
      %sign3A_712 = arith.constant 0 : i32
      %sign3A_713 = arith.cmpi sgt, %jit3A_703, %sign3A_712 : i32
      %sign3A_714 = arith.extui %sign3A_713 : i1 to i32
      %sign3A_715 = arith.constant 0 : i32
      %sign3A_716 = arith.cmpi slt, %jit3A_703, %sign3A_715 : i32
      %sign3A_717 = arith.extui %sign3A_716 : i1 to i32
      %sign3A_718 = arith.subi %sign3A_714, %sign3A_717 : i32
      %ne3A_719 = arith.cmpi ne, %sign3A_711, %sign3A_718 : i32
      %rem3A_720 = arith.remsi %add3A_526, %jit3A_703 : i32
      %ne3A_721 = arith.constant 0 : i32
      %ne3A_722 = arith.cmpi ne, %rem3A_720, %ne3A_721 : i32
      %and3A_723 = arith.andi %ne3A_719, %ne3A_722 : i1
      %sub3A_724 = arith.constant 1 : i32
      %sub3A_725 = arith.subi %div3A_704, %sub3A_724 : i32
      %select_n3A_726 = arith.select %and3A_723, %sub3A_725, %div3A_704 : i32
      %mul3A_727 = arith.constant 16 : i32
      %mul3A_728 = arith.muli %select_n3A_726, %mul3A_727 : i32
      %multiple_of3A_729 = tpu.assume_multiple %mul3A_728, 16 : i32
      %jit3A_730 = arith.constant 4 : i32
      %eq3A_731 = arith.constant 0 : i32
      %eq3A_732 = arith.cmpi eq, %jit3A_730, %eq3A_731 : i32
      %jit3A_733 = arith.constant 1 : i32
      %select_n3A_734 = arith.select %eq3A_732, %jit3A_733, %jit3A_730 : i32
      %rem3A_735 = arith.remsi %add3A_526, %select_n3A_734 : i32
      %ne3A_736 = arith.constant 0 : i32
      %ne3A_737 = arith.cmpi ne, %rem3A_735, %ne3A_736 : i32
      %lt3A_738 = arith.constant 0 : i32
      %lt3A_739 = arith.cmpi slt, %rem3A_735, %lt3A_738 : i32
      %lt3A_740 = arith.constant 0 : i32
      %lt3A_741 = arith.cmpi slt, %select_n3A_734, %lt3A_740 : i32
      %ne3A_742 = arith.xori %lt3A_739, %lt3A_741 : i1
      %and3A_743 = arith.andi %ne3A_742, %ne3A_737 : i1
      %add3A_744 = arith.addi %rem3A_735, %select_n3A_734 : i32
      %select_n3A_745 = arith.select %and3A_743, %add3A_744, %rem3A_735 : i32
      %mul3A_746 = arith.constant 4 : i32
      %mul3A_747 = arith.muli %select_n3A_745, %mul3A_746 : i32
      %get3A_748 = arith.index_cast %multiple_of3A_729 : i32 to index
      %get3A_749 = tpu.vector_load %arg11[%get3A_748] {strides = array<i32>} : memref<512xi32, #tpu.memory_space<vmem>>, vector<16xi32>,
      %get3A_750 = arith.index_cast %multiple_of3A_729 : i32 to index
      %get3A_751 = tpu.vector_load %arg12[%get3A_750] {strides = array<i32>} : memref<512xi32, #tpu.memory_space<vmem>>, vector<16xi32>,
      %add3A_752 = arith.constant 1 : i32
      %add3A_753 = arith.addi %mul3A_747, %add3A_752 : i32
      %eq3A_754 = vector.broadcast %add3A_753 : i32 to vector<16xi32>
      %eq3A_755 = arith.cmpi eq, %iota3A, %eq3A_754 : vector<16xi32>
      %jit3A_756 = arith.constant 0 : i32
      %broadcast_in_dim3A_757 = vector.broadcast %jit3A_756 : i32 to vector<16xi32>
      %select_n3A_758 = arith.select %eq3A_755, %get3A_749, %broadcast_in_dim3A_757 : vector<16xi1>, vector<16xi32>
      %reduce_sum3A_759 = arith.constant true
      %reduce_sum3A_760 = vector.broadcast %reduce_sum3A_759 : i1 to vector<16xi1>
      %reduce_sum3A_761 = tpu.scan <sum>, %select_n3A_758 masked %reduce_sum3A_760 : vector<16xi32>, vector<16xi1> -> vector<16xi32>
      %reduce_sum3A_762 = vector.extract %reduce_sum3A_761[15] : i32 from vector<16xi32>
      %add3A_763 = arith.constant 1 : i32
      %add3A_764 = arith.addi %mul3A_747, %add3A_763 : i32
      %eq3A_765 = vector.broadcast %add3A_764 : i32 to vector<16xi32>
      %eq3A_766 = arith.cmpi eq, %iota3A, %eq3A_765 : vector<16xi32>
      %jit3A_767 = arith.constant 0 : i32
      %broadcast_in_dim3A_768 = vector.broadcast %jit3A_767 : i32 to vector<16xi32>
      %select_n3A_769 = arith.select %eq3A_766, %get3A_751, %broadcast_in_dim3A_768 : vector<16xi1>, vector<16xi32>
      %reduce_sum3A_770 = arith.constant true
      %reduce_sum3A_771 = vector.broadcast %reduce_sum3A_770 : i1 to vector<16xi1>
      %reduce_sum3A_772 = tpu.scan <sum>, %select_n3A_769 masked %reduce_sum3A_771 : vector<16xi32>, vector<16xi1> -> vector<16xi32>
      %reduce_sum3A_773 = vector.extract %reduce_sum3A_772[15] : i32 from vector<16xi32>
      %jit3A_774 = arith.constant 128 : i32
      %div3A_775 = arith.divsi %reduce_sum3A_762, %jit3A_774 : i32
      %sign3A_776 = arith.constant 0 : i32
      %sign3A_777 = arith.cmpi sgt, %reduce_sum3A_762, %sign3A_776 : i32
      %sign3A_778 = arith.extui %sign3A_777 : i1 to i32
      %sign3A_779 = arith.constant 0 : i32
      %sign3A_780 = arith.cmpi slt, %reduce_sum3A_762, %sign3A_779 : i32
      %sign3A_781 = arith.extui %sign3A_780 : i1 to i32
      %sign3A_782 = arith.subi %sign3A_778, %sign3A_781 : i32
      %sign3A_783 = arith.constant 0 : i32
      %sign3A_784 = arith.cmpi sgt, %jit3A_774, %sign3A_783 : i32
      %sign3A_785 = arith.extui %sign3A_784 : i1 to i32
      %sign3A_786 = arith.constant 0 : i32
      %sign3A_787 = arith.cmpi slt, %jit3A_774, %sign3A_786 : i32
      %sign3A_788 = arith.extui %sign3A_787 : i1 to i32
      %sign3A_789 = arith.subi %sign3A_785, %sign3A_788 : i32
      %ne3A_790 = arith.cmpi ne, %sign3A_782, %sign3A_789 : i32
      %rem3A_791 = arith.remsi %reduce_sum3A_762, %jit3A_774 : i32
      %ne3A_792 = arith.constant 0 : i32
      %ne3A_793 = arith.cmpi ne, %rem3A_791, %ne3A_792 : i32
      %and3A_794 = arith.andi %ne3A_790, %ne3A_793 : i1
      %sub3A_795 = arith.constant 1 : i32
      %sub3A_796 = arith.subi %div3A_775, %sub3A_795 : i32
      %select_n3A_797 = arith.select %and3A_794, %sub3A_796, %div3A_775 : i32
      %mul3A_798 = arith.constant 128 : i32
      %mul3A_799 = arith.muli %select_n3A_797, %mul3A_798 : i32
      %multiple_of3A_800 = tpu.assume_multiple %mul3A_799, 128 : i32
      %jit3A_801 = arith.constant 128 : i32
      %div3A_802 = arith.divsi %reduce_sum3A_773, %jit3A_801 : i32
      %sign3A_803 = arith.constant 0 : i32
      %sign3A_804 = arith.cmpi sgt, %reduce_sum3A_773, %sign3A_803 : i32
      %sign3A_805 = arith.extui %sign3A_804 : i1 to i32
      %sign3A_806 = arith.constant 0 : i32
      %sign3A_807 = arith.cmpi slt, %reduce_sum3A_773, %sign3A_806 : i32
      %sign3A_808 = arith.extui %sign3A_807 : i1 to i32
      %sign3A_809 = arith.subi %sign3A_805, %sign3A_808 : i32
      %sign3A_810 = arith.constant 0 : i32
      %sign3A_811 = arith.cmpi sgt, %jit3A_801, %sign3A_810 : i32
      %sign3A_812 = arith.extui %sign3A_811 : i1 to i32
      %sign3A_813 = arith.constant 0 : i32
      %sign3A_814 = arith.cmpi slt, %jit3A_801, %sign3A_813 : i32
      %sign3A_815 = arith.extui %sign3A_814 : i1 to i32
      %sign3A_816 = arith.subi %sign3A_812, %sign3A_815 : i32
      %ne3A_817 = arith.cmpi ne, %sign3A_809, %sign3A_816 : i32
      %rem3A_818 = arith.remsi %reduce_sum3A_773, %jit3A_801 : i32
      %ne3A_819 = arith.constant 0 : i32
      %ne3A_820 = arith.cmpi ne, %rem3A_818, %ne3A_819 : i32
      %and3A_821 = arith.andi %ne3A_817, %ne3A_820 : i1
      %sub3A_822 = arith.constant 1 : i32
      %sub3A_823 = arith.subi %div3A_802, %sub3A_822 : i32
      %select_n3A_824 = arith.select %and3A_821, %sub3A_823, %div3A_802 : i32
      %mul3A_825 = arith.constant 128 : i32
      %mul3A_826 = arith.muli %select_n3A_824, %mul3A_825 : i32
      %multiple_of3A_827 = tpu.assume_multiple %mul3A_826, 128 : i32
      %dma_start3A_828 = arith.constant 5 : i32
      %dma_start3A_829 = arith.constant 0 : i32
      %dma_start3A_830 = arith.constant 0 : i32
      %dma_start3A_831 = tpu.memref_slice %arg13[%dma_start3A_828, %dma_start3A_829, %dma_start3A_830] : memref<8x32x128xf32, #tpu.memory_space<vmem>> -> memref<1x32x128xf32, #tpu.memory_space<vmem>>
      %dma_start3A_832 = tpu.memref_squeeze %dma_start3A_831 : memref<1x32x128xf32, #tpu.memory_space<vmem>> -> memref<32x128xf32, #tpu.memory_space<vmem>>
      %dma_start3A_833 = arith.constant 0 : i32
      %dma_start3A_834 = tpu.memref_slice %arg4[%dma_start3A_833, %multiple_of3A_800] : memref<32x1000000xf32, #tpu.memory_space<hbm>> -> memref<32x128xf32, #tpu.memory_space<hbm>>
      %dma_start3A_835 = arith.constant 0 : i32
      %dma_start3A_836 = arith.constant 0 : i32
      %dma_start3A_837 = tpu.memref_slice %arg13[%dma_start3A_828, %dma_start3A_835, %dma_start3A_836] : memref<8x32x128xf32, #tpu.memory_space<vmem>> -> memref<1x32x128xf32, #tpu.memory_space<vmem>>
      %dma_start3A_838 = tpu.memref_squeeze %dma_start3A_837 : memref<1x32x128xf32, #tpu.memory_space<vmem>> -> memref<32x128xf32, #tpu.memory_space<vmem>>
      %dma_start3A_839 = arith.constant 0 : i32
      %dma_start3A_840 = tpu.memref_slice %arg4[%dma_start3A_839, %multiple_of3A_800] : memref<32x1000000xf32, #tpu.memory_space<hbm>> -> memref<32x128xf32, #tpu.memory_space<hbm>>
      tpu.enqueue_dma source(%dma_start3A_840 : memref<32x128xf32, #tpu.memory_space<hbm>>) target(%dma_start3A_838 : memref<32x128xf32, #tpu.memory_space<vmem>>) target_semaphore(%arg21 : memref<!tpu.dma_semaphore, #tpu.memory_space<semaphore_mem>>)
      %dma_start3A_841 = arith.constant 5 : i32
      %dma_start3A_842 = arith.constant 0 : i32
      %dma_start3A_843 = arith.constant 0 : i32
      %dma_start3A_844 = tpu.memref_slice %arg14[%dma_start3A_841, %dma_start3A_842, %dma_start3A_843] : memref<8x32x128xf32, #tpu.memory_space<vmem>> -> memref<1x32x128xf32, #tpu.memory_space<vmem>>
      %dma_start3A_845 = tpu.memref_squeeze %dma_start3A_844 : memref<1x32x128xf32, #tpu.memory_space<vmem>> -> memref<32x128xf32, #tpu.memory_space<vmem>>
      %dma_start3A_846 = arith.constant 0 : i32
      %dma_start3A_847 = tpu.memref_slice %arg5[%dma_start3A_846, %multiple_of3A_827] : memref<32x1000000xf32, #tpu.memory_space<hbm>> -> memref<32x128xf32, #tpu.memory_space<hbm>>
      %dma_start3A_848 = arith.constant 0 : i32
      %dma_start3A_849 = arith.constant 0 : i32
      %dma_start3A_850 = tpu.memref_slice %arg14[%dma_start3A_841, %dma_start3A_848, %dma_start3A_849] : memref<8x32x128xf32, #tpu.memory_space<vmem>> -> memref<1x32x128xf32, #tpu.memory_space<vmem>>
      %dma_start3A_851 = tpu.memref_squeeze %dma_start3A_850 : memref<1x32x128xf32, #tpu.memory_space<vmem>> -> memref<32x128xf32, #tpu.memory_space<vmem>>
      %dma_start3A_852 = arith.constant 0 : i32
      %dma_start3A_853 = tpu.memref_slice %arg5[%dma_start3A_852, %multiple_of3A_827] : memref<32x1000000xf32, #tpu.memory_space<hbm>> -> memref<32x128xf32, #tpu.memory_space<hbm>>
      tpu.enqueue_dma source(%dma_start3A_853 : memref<32x128xf32, #tpu.memory_space<hbm>>) target(%dma_start3A_851 : memref<32x128xf32, #tpu.memory_space<vmem>>) target_semaphore(%arg21 : memref<!tpu.dma_semaphore, #tpu.memory_space<semaphore_mem>>)
      %dma_start3A_854 = arith.constant 5 : i32
      %dma_start3A_855 = arith.constant 0 : i32
      %dma_start3A_856 = arith.constant 0 : i32
      %dma_start3A_857 = tpu.memref_slice %arg15[%dma_start3A_854, %dma_start3A_855, %dma_start3A_856] : memref<8x16x128xf32, #tpu.memory_space<vmem>> -> memref<1x16x128xf32, #tpu.memory_space<vmem>>
      %dma_start3A_858 = tpu.memref_squeeze %dma_start3A_857 : memref<1x16x128xf32, #tpu.memory_space<vmem>> -> memref<16x128xf32, #tpu.memory_space<vmem>>
      %dma_start3A_859 = arith.constant 0 : i32
      %dma_start3A_860 = tpu.memref_slice %arg6[%dma_start3A_859, %multiple_of3A_800] : memref<16x1000000xf32, #tpu.memory_space<hbm>> -> memref<16x128xf32, #tpu.memory_space<hbm>>
      %dma_start3A_861 = arith.constant 0 : i32
      %dma_start3A_862 = arith.constant 0 : i32
      %dma_start3A_863 = tpu.memref_slice %arg15[%dma_start3A_854, %dma_start3A_861, %dma_start3A_862] : memref<8x16x128xf32, #tpu.memory_space<vmem>> -> memref<1x16x128xf32, #tpu.memory_space<vmem>>
      %dma_start3A_864 = tpu.memref_squeeze %dma_start3A_863 : memref<1x16x128xf32, #tpu.memory_space<vmem>> -> memref<16x128xf32, #tpu.memory_space<vmem>>
      %dma_start3A_865 = arith.constant 0 : i32
      %dma_start3A_866 = tpu.memref_slice %arg6[%dma_start3A_865, %multiple_of3A_800] : memref<16x1000000xf32, #tpu.memory_space<hbm>> -> memref<16x128xf32, #tpu.memory_space<hbm>>
      tpu.enqueue_dma source(%dma_start3A_866 : memref<16x128xf32, #tpu.memory_space<hbm>>) target(%dma_start3A_864 : memref<16x128xf32, #tpu.memory_space<vmem>>) target_semaphore(%arg21 : memref<!tpu.dma_semaphore, #tpu.memory_space<semaphore_mem>>)
      %dma_start3A_867 = arith.constant 5 : i32
      %dma_start3A_868 = arith.constant 0 : i32
      %dma_start3A_869 = arith.constant 0 : i32
      %dma_start3A_870 = tpu.memref_slice %arg16[%dma_start3A_867, %dma_start3A_868, %dma_start3A_869] : memref<8x16x128xf32, #tpu.memory_space<vmem>> -> memref<1x16x128xf32, #tpu.memory_space<vmem>>
      %dma_start3A_871 = tpu.memref_squeeze %dma_start3A_870 : memref<1x16x128xf32, #tpu.memory_space<vmem>> -> memref<16x128xf32, #tpu.memory_space<vmem>>
      %dma_start3A_872 = arith.constant 0 : i32
      %dma_start3A_873 = tpu.memref_slice %arg7[%dma_start3A_872, %multiple_of3A_827] : memref<16x1000000xf32, #tpu.memory_space<hbm>> -> memref<16x128xf32, #tpu.memory_space<hbm>>
      %dma_start3A_874 = arith.constant 0 : i32
      %dma_start3A_875 = arith.constant 0 : i32
      %dma_start3A_876 = tpu.memref_slice %arg16[%dma_start3A_867, %dma_start3A_874, %dma_start3A_875] : memref<8x16x128xf32, #tpu.memory_space<vmem>> -> memref<1x16x128xf32, #tpu.memory_space<vmem>>
      %dma_start3A_877 = tpu.memref_squeeze %dma_start3A_876 : memref<1x16x128xf32, #tpu.memory_space<vmem>> -> memref<16x128xf32, #tpu.memory_space<vmem>>
      %dma_start3A_878 = arith.constant 0 : i32
      %dma_start3A_879 = tpu.memref_slice %arg7[%dma_start3A_878, %multiple_of3A_827] : memref<16x1000000xf32, #tpu.memory_space<hbm>> -> memref<16x128xf32, #tpu.memory_space<hbm>>
      tpu.enqueue_dma source(%dma_start3A_879 : memref<16x128xf32, #tpu.memory_space<hbm>>) target(%dma_start3A_877 : memref<16x128xf32, #tpu.memory_space<vmem>>) target_semaphore(%arg21 : memref<!tpu.dma_semaphore, #tpu.memory_space<semaphore_mem>>)
      %jit3A_880 = arith.constant 4 : i32
      %div3A_881 = arith.divsi %add3A_526, %jit3A_880 : i32
      %sign3A_882 = arith.constant 0 : i32
      %sign3A_883 = arith.cmpi sgt, %add3A_526, %sign3A_882 : i32
      %sign3A_884 = arith.extui %sign3A_883 : i1 to i32
      %sign3A_885 = arith.constant 0 : i32
      %sign3A_886 = arith.cmpi slt, %add3A_526, %sign3A_885 : i32
      %sign3A_887 = arith.extui %sign3A_886 : i1 to i32
      %sign3A_888 = arith.subi %sign3A_884, %sign3A_887 : i32
      %sign3A_889 = arith.constant 0 : i32
      %sign3A_890 = arith.cmpi sgt, %jit3A_880, %sign3A_889 : i32
      %sign3A_891 = arith.extui %sign3A_890 : i1 to i32
      %sign3A_892 = arith.constant 0 : i32
      %sign3A_893 = arith.cmpi slt, %jit3A_880, %sign3A_892 : i32
      %sign3A_894 = arith.extui %sign3A_893 : i1 to i32
      %sign3A_895 = arith.subi %sign3A_891, %sign3A_894 : i32
      %ne3A_896 = arith.cmpi ne, %sign3A_888, %sign3A_895 : i32
      %rem3A_897 = arith.remsi %add3A_526, %jit3A_880 : i32
      %ne3A_898 = arith.constant 0 : i32
      %ne3A_899 = arith.cmpi ne, %rem3A_897, %ne3A_898 : i32
      %and3A_900 = arith.andi %ne3A_896, %ne3A_899 : i1
      %sub3A_901 = arith.constant 1 : i32
      %sub3A_902 = arith.subi %div3A_881, %sub3A_901 : i32
      %select_n3A_903 = arith.select %and3A_900, %sub3A_902, %div3A_881 : i32
      %mul3A_904 = arith.constant 16 : i32
      %mul3A_905 = arith.muli %select_n3A_903, %mul3A_904 : i32
      %multiple_of3A_906 = tpu.assume_multiple %mul3A_905, 16 : i32
      %jit3A_907 = arith.constant 4 : i32
      %eq3A_908 = arith.constant 0 : i32
      %eq3A_909 = arith.cmpi eq, %jit3A_907, %eq3A_908 : i32
      %jit3A_910 = arith.constant 1 : i32
      %select_n3A_911 = arith.select %eq3A_909, %jit3A_910, %jit3A_907 : i32
      %rem3A_912 = arith.remsi %add3A_526, %select_n3A_911 : i32
      %ne3A_913 = arith.constant 0 : i32
      %ne3A_914 = arith.cmpi ne, %rem3A_912, %ne3A_913 : i32
      %lt3A_915 = arith.constant 0 : i32
      %lt3A_916 = arith.cmpi slt, %rem3A_912, %lt3A_915 : i32
      %lt3A_917 = arith.constant 0 : i32
      %lt3A_918 = arith.cmpi slt, %select_n3A_911, %lt3A_917 : i32
      %ne3A_919 = arith.xori %lt3A_916, %lt3A_918 : i1
      %and3A_920 = arith.andi %ne3A_919, %ne3A_914 : i1
      %add3A_921 = arith.addi %rem3A_912, %select_n3A_911 : i32
      %select_n3A_922 = arith.select %and3A_920, %add3A_921, %rem3A_912 : i32
      %mul3A_923 = arith.constant 4 : i32
      %mul3A_924 = arith.muli %select_n3A_922, %mul3A_923 : i32
      %get3A_925 = arith.index_cast %multiple_of3A_906 : i32 to index
      %get3A_926 = tpu.vector_load %arg11[%get3A_925] {strides = array<i32>} : memref<512xi32, #tpu.memory_space<vmem>>, vector<16xi32>,
      %get3A_927 = arith.index_cast %multiple_of3A_906 : i32 to index
      %get3A_928 = tpu.vector_load %arg12[%get3A_927] {strides = array<i32>} : memref<512xi32, #tpu.memory_space<vmem>>, vector<16xi32>,
      %add3A_929 = arith.constant 2 : i32
      %add3A_930 = arith.addi %mul3A_924, %add3A_929 : i32
      %eq3A_931 = vector.broadcast %add3A_930 : i32 to vector<16xi32>
      %eq3A_932 = arith.cmpi eq, %iota3A, %eq3A_931 : vector<16xi32>
      %jit3A_933 = arith.constant 0 : i32
      %broadcast_in_dim3A_934 = vector.broadcast %jit3A_933 : i32 to vector<16xi32>
      %select_n3A_935 = arith.select %eq3A_932, %get3A_926, %broadcast_in_dim3A_934 : vector<16xi1>, vector<16xi32>
      %reduce_sum3A_936 = arith.constant true
      %reduce_sum3A_937 = vector.broadcast %reduce_sum3A_936 : i1 to vector<16xi1>
      %reduce_sum3A_938 = tpu.scan <sum>, %select_n3A_935 masked %reduce_sum3A_937 : vector<16xi32>, vector<16xi1> -> vector<16xi32>
      %reduce_sum3A_939 = vector.extract %reduce_sum3A_938[15] : i32 from vector<16xi32>
      %add3A_940 = arith.constant 2 : i32
      %add3A_941 = arith.addi %mul3A_924, %add3A_940 : i32
      %eq3A_942 = vector.broadcast %add3A_941 : i32 to vector<16xi32>
      %eq3A_943 = arith.cmpi eq, %iota3A, %eq3A_942 : vector<16xi32>
      %jit3A_944 = arith.constant 0 : i32
      %broadcast_in_dim3A_945 = vector.broadcast %jit3A_944 : i32 to vector<16xi32>
      %select_n3A_946 = arith.select %eq3A_943, %get3A_928, %broadcast_in_dim3A_945 : vector<16xi1>, vector<16xi32>
      %reduce_sum3A_947 = arith.constant true
      %reduce_sum3A_948 = vector.broadcast %reduce_sum3A_947 : i1 to vector<16xi1>
      %reduce_sum3A_949 = tpu.scan <sum>, %select_n3A_946 masked %reduce_sum3A_948 : vector<16xi32>, vector<16xi1> -> vector<16xi32>
      %reduce_sum3A_950 = vector.extract %reduce_sum3A_949[15] : i32 from vector<16xi32>
      %jit3A_951 = arith.constant 128 : i32
      %div3A_952 = arith.divsi %reduce_sum3A_939, %jit3A_951 : i32
      %sign3A_953 = arith.constant 0 : i32
      %sign3A_954 = arith.cmpi sgt, %reduce_sum3A_939, %sign3A_953 : i32
      %sign3A_955 = arith.extui %sign3A_954 : i1 to i32
      %sign3A_956 = arith.constant 0 : i32
      %sign3A_957 = arith.cmpi slt, %reduce_sum3A_939, %sign3A_956 : i32
      %sign3A_958 = arith.extui %sign3A_957 : i1 to i32
      %sign3A_959 = arith.subi %sign3A_955, %sign3A_958 : i32
      %sign3A_960 = arith.constant 0 : i32
      %sign3A_961 = arith.cmpi sgt, %jit3A_951, %sign3A_960 : i32
      %sign3A_962 = arith.extui %sign3A_961 : i1 to i32
      %sign3A_963 = arith.constant 0 : i32
      %sign3A_964 = arith.cmpi slt, %jit3A_951, %sign3A_963 : i32
      %sign3A_965 = arith.extui %sign3A_964 : i1 to i32
      %sign3A_966 = arith.subi %sign3A_962, %sign3A_965 : i32
      %ne3A_967 = arith.cmpi ne, %sign3A_959, %sign3A_966 : i32
      %rem3A_968 = arith.remsi %reduce_sum3A_939, %jit3A_951 : i32
      %ne3A_969 = arith.constant 0 : i32
      %ne3A_970 = arith.cmpi ne, %rem3A_968, %ne3A_969 : i32
      %and3A_971 = arith.andi %ne3A_967, %ne3A_970 : i1
      %sub3A_972 = arith.constant 1 : i32
      %sub3A_973 = arith.subi %div3A_952, %sub3A_972 : i32
      %select_n3A_974 = arith.select %and3A_971, %sub3A_973, %div3A_952 : i32
      %mul3A_975 = arith.constant 128 : i32
      %mul3A_976 = arith.muli %select_n3A_974, %mul3A_975 : i32
      %multiple_of3A_977 = tpu.assume_multiple %mul3A_976, 128 : i32
      %jit3A_978 = arith.constant 128 : i32
      %div3A_979 = arith.divsi %reduce_sum3A_950, %jit3A_978 : i32
      %sign3A_980 = arith.constant 0 : i32
      %sign3A_981 = arith.cmpi sgt, %reduce_sum3A_950, %sign3A_980 : i32
      %sign3A_982 = arith.extui %sign3A_981 : i1 to i32
      %sign3A_983 = arith.constant 0 : i32
      %sign3A_984 = arith.cmpi slt, %reduce_sum3A_950, %sign3A_983 : i32
      %sign3A_985 = arith.extui %sign3A_984 : i1 to i32
      %sign3A_986 = arith.subi %sign3A_982, %sign3A_985 : i32
      %sign3A_987 = arith.constant 0 : i32
      %sign3A_988 = arith.cmpi sgt, %jit3A_978, %sign3A_987 : i32
      %sign3A_989 = arith.extui %sign3A_988 : i1 to i32
      %sign3A_990 = arith.constant 0 : i32
      %sign3A_991 = arith.cmpi slt, %jit3A_978, %sign3A_990 : i32
      %sign3A_992 = arith.extui %sign3A_991 : i1 to i32
      %sign3A_993 = arith.subi %sign3A_989, %sign3A_992 : i32
      %ne3A_994 = arith.cmpi ne, %sign3A_986, %sign3A_993 : i32
      %rem3A_995 = arith.remsi %reduce_sum3A_950, %jit3A_978 : i32
      %ne3A_996 = arith.constant 0 : i32
      %ne3A_997 = arith.cmpi ne, %rem3A_995, %ne3A_996 : i32
      %and3A_998 = arith.andi %ne3A_994, %ne3A_997 : i1
      %sub3A_999 = arith.constant 1 : i32
      %sub3A_1000 = arith.subi %div3A_979, %sub3A_999 : i32
      %select_n3A_1001 = arith.select %and3A_998, %sub3A_1000, %div3A_979 : i32
      %mul3A_1002 = arith.constant 128 : i32
      %mul3A_1003 = arith.muli %select_n3A_1001, %mul3A_1002 : i32
      %multiple_of3A_1004 = tpu.assume_multiple %mul3A_1003, 128 : i32
      %dma_start3A_1005 = arith.constant 6 : i32
      %dma_start3A_1006 = arith.constant 0 : i32
      %dma_start3A_1007 = arith.constant 0 : i32
      %dma_start3A_1008 = tpu.memref_slice %arg13[%dma_start3A_1005, %dma_start3A_1006, %dma_start3A_1007] : memref<8x32x128xf32, #tpu.memory_space<vmem>> -> memref<1x32x128xf32, #tpu.memory_space<vmem>>
      %dma_start3A_1009 = tpu.memref_squeeze %dma_start3A_1008 : memref<1x32x128xf32, #tpu.memory_space<vmem>> -> memref<32x128xf32, #tpu.memory_space<vmem>>
      %dma_start3A_1010 = arith.constant 0 : i32
      %dma_start3A_1011 = tpu.memref_slice %arg4[%dma_start3A_1010, %multiple_of3A_977] : memref<32x1000000xf32, #tpu.memory_space<hbm>> -> memref<32x128xf32, #tpu.memory_space<hbm>>
      %dma_start3A_1012 = arith.constant 0 : i32
      %dma_start3A_1013 = arith.constant 0 : i32
      %dma_start3A_1014 = tpu.memref_slice %arg13[%dma_start3A_1005, %dma_start3A_1012, %dma_start3A_1013] : memref<8x32x128xf32, #tpu.memory_space<vmem>> -> memref<1x32x128xf32, #tpu.memory_space<vmem>>
      %dma_start3A_1015 = tpu.memref_squeeze %dma_start3A_1014 : memref<1x32x128xf32, #tpu.memory_space<vmem>> -> memref<32x128xf32, #tpu.memory_space<vmem>>
      %dma_start3A_1016 = arith.constant 0 : i32
      %dma_start3A_1017 = tpu.memref_slice %arg4[%dma_start3A_1016, %multiple_of3A_977] : memref<32x1000000xf32, #tpu.memory_space<hbm>> -> memref<32x128xf32, #tpu.memory_space<hbm>>
      tpu.enqueue_dma source(%dma_start3A_1017 : memref<32x128xf32, #tpu.memory_space<hbm>>) target(%dma_start3A_1015 : memref<32x128xf32, #tpu.memory_space<vmem>>) target_semaphore(%arg21 : memref<!tpu.dma_semaphore, #tpu.memory_space<semaphore_mem>>)
      %dma_start3A_1018 = arith.constant 6 : i32
      %dma_start3A_1019 = arith.constant 0 : i32
      %dma_start3A_1020 = arith.constant 0 : i32
      %dma_start3A_1021 = tpu.memref_slice %arg14[%dma_start3A_1018, %dma_start3A_1019, %dma_start3A_1020] : memref<8x32x128xf32, #tpu.memory_space<vmem>> -> memref<1x32x128xf32, #tpu.memory_space<vmem>>
      %dma_start3A_1022 = tpu.memref_squeeze %dma_start3A_1021 : memref<1x32x128xf32, #tpu.memory_space<vmem>> -> memref<32x128xf32, #tpu.memory_space<vmem>>
      %dma_start3A_1023 = arith.constant 0 : i32
      %dma_start3A_1024 = tpu.memref_slice %arg5[%dma_start3A_1023, %multiple_of3A_1004] : memref<32x1000000xf32, #tpu.memory_space<hbm>> -> memref<32x128xf32, #tpu.memory_space<hbm>>
      %dma_start3A_1025 = arith.constant 0 : i32
      %dma_start3A_1026 = arith.constant 0 : i32
      %dma_start3A_1027 = tpu.memref_slice %arg14[%dma_start3A_1018, %dma_start3A_1025, %dma_start3A_1026] : memref<8x32x128xf32, #tpu.memory_space<vmem>> -> memref<1x32x128xf32, #tpu.memory_space<vmem>>
      %dma_start3A_1028 = tpu.memref_squeeze %dma_start3A_1027 : memref<1x32x128xf32, #tpu.memory_space<vmem>> -> memref<32x128xf32, #tpu.memory_space<vmem>>
      %dma_start3A_1029 = arith.constant 0 : i32
      %dma_start3A_1030 = tpu.memref_slice %arg5[%dma_start3A_1029, %multiple_of3A_1004] : memref<32x1000000xf32, #tpu.memory_space<hbm>> -> memref<32x128xf32, #tpu.memory_space<hbm>>
      tpu.enqueue_dma source(%dma_start3A_1030 : memref<32x128xf32, #tpu.memory_space<hbm>>) target(%dma_start3A_1028 : memref<32x128xf32, #tpu.memory_space<vmem>>) target_semaphore(%arg21 : memref<!tpu.dma_semaphore, #tpu.memory_space<semaphore_mem>>)
      %dma_start3A_1031 = arith.constant 6 : i32
      %dma_start3A_1032 = arith.constant 0 : i32
      %dma_start3A_1033 = arith.constant 0 : i32
      %dma_start3A_1034 = tpu.memref_slice %arg15[%dma_start3A_1031, %dma_start3A_1032, %dma_start3A_1033] : memref<8x16x128xf32, #tpu.memory_space<vmem>> -> memref<1x16x128xf32, #tpu.memory_space<vmem>>
      %dma_start3A_1035 = tpu.memref_squeeze %dma_start3A_1034 : memref<1x16x128xf32, #tpu.memory_space<vmem>> -> memref<16x128xf32, #tpu.memory_space<vmem>>
      %dma_start3A_1036 = arith.constant 0 : i32
      %dma_start3A_1037 = tpu.memref_slice %arg6[%dma_start3A_1036, %multiple_of3A_977] : memref<16x1000000xf32, #tpu.memory_space<hbm>> -> memref<16x128xf32, #tpu.memory_space<hbm>>
      %dma_start3A_1038 = arith.constant 0 : i32
      %dma_start3A_1039 = arith.constant 0 : i32
      %dma_start3A_1040 = tpu.memref_slice %arg15[%dma_start3A_1031, %dma_start3A_1038, %dma_start3A_1039] : memref<8x16x128xf32, #tpu.memory_space<vmem>> -> memref<1x16x128xf32, #tpu.memory_space<vmem>>
      %dma_start3A_1041 = tpu.memref_squeeze %dma_start3A_1040 : memref<1x16x128xf32, #tpu.memory_space<vmem>> -> memref<16x128xf32, #tpu.memory_space<vmem>>
      %dma_start3A_1042 = arith.constant 0 : i32
      %dma_start3A_1043 = tpu.memref_slice %arg6[%dma_start3A_1042, %multiple_of3A_977] : memref<16x1000000xf32, #tpu.memory_space<hbm>> -> memref<16x128xf32, #tpu.memory_space<hbm>>
      tpu.enqueue_dma source(%dma_start3A_1043 : memref<16x128xf32, #tpu.memory_space<hbm>>) target(%dma_start3A_1041 : memref<16x128xf32, #tpu.memory_space<vmem>>) target_semaphore(%arg21 : memref<!tpu.dma_semaphore, #tpu.memory_space<semaphore_mem>>)
      %dma_start3A_1044 = arith.constant 6 : i32
      %dma_start3A_1045 = arith.constant 0 : i32
      %dma_start3A_1046 = arith.constant 0 : i32
      %dma_start3A_1047 = tpu.memref_slice %arg16[%dma_start3A_1044, %dma_start3A_1045, %dma_start3A_1046] : memref<8x16x128xf32, #tpu.memory_space<vmem>> -> memref<1x16x128xf32, #tpu.memory_space<vmem>>
      %dma_start3A_1048 = tpu.memref_squeeze %dma_start3A_1047 : memref<1x16x128xf32, #tpu.memory_space<vmem>> -> memref<16x128xf32, #tpu.memory_space<vmem>>
      %dma_start3A_1049 = arith.constant 0 : i32
      %dma_start3A_1050 = tpu.memref_slice %arg7[%dma_start3A_1049, %multiple_of3A_1004] : memref<16x1000000xf32, #tpu.memory_space<hbm>> -> memref<16x128xf32, #tpu.memory_space<hbm>>
      %dma_start3A_1051 = arith.constant 0 : i32
      %dma_start3A_1052 = arith.constant 0 : i32
      %dma_start3A_1053 = tpu.memref_slice %arg16[%dma_start3A_1044, %dma_start3A_1051, %dma_start3A_1052] : memref<8x16x128xf32, #tpu.memory_space<vmem>> -> memref<1x16x128xf32, #tpu.memory_space<vmem>>
      %dma_start3A_1054 = tpu.memref_squeeze %dma_start3A_1053 : memref<1x16x128xf32, #tpu.memory_space<vmem>> -> memref<16x128xf32, #tpu.memory_space<vmem>>
      %dma_start3A_1055 = arith.constant 0 : i32
      %dma_start3A_1056 = tpu.memref_slice %arg7[%dma_start3A_1055, %multiple_of3A_1004] : memref<16x1000000xf32, #tpu.memory_space<hbm>> -> memref<16x128xf32, #tpu.memory_space<hbm>>
      tpu.enqueue_dma source(%dma_start3A_1056 : memref<16x128xf32, #tpu.memory_space<hbm>>) target(%dma_start3A_1054 : memref<16x128xf32, #tpu.memory_space<vmem>>) target_semaphore(%arg21 : memref<!tpu.dma_semaphore, #tpu.memory_space<semaphore_mem>>)
      %jit3A_1057 = arith.constant 4 : i32
      %div3A_1058 = arith.divsi %add3A_526, %jit3A_1057 : i32
      %sign3A_1059 = arith.constant 0 : i32
      %sign3A_1060 = arith.cmpi sgt, %add3A_526, %sign3A_1059 : i32
      %sign3A_1061 = arith.extui %sign3A_1060 : i1 to i32
      %sign3A_1062 = arith.constant 0 : i32
      %sign3A_1063 = arith.cmpi slt, %add3A_526, %sign3A_1062 : i32
      %sign3A_1064 = arith.extui %sign3A_1063 : i1 to i32
      %sign3A_1065 = arith.subi %sign3A_1061, %sign3A_1064 : i32
      %sign3A_1066 = arith.constant 0 : i32
      %sign3A_1067 = arith.cmpi sgt, %jit3A_1057, %sign3A_1066 : i32
      %sign3A_1068 = arith.extui %sign3A_1067 : i1 to i32
      %sign3A_1069 = arith.constant 0 : i32
      %sign3A_1070 = arith.cmpi slt, %jit3A_1057, %sign3A_1069 : i32
      %sign3A_1071 = arith.extui %sign3A_1070 : i1 to i32
      %sign3A_1072 = arith.subi %sign3A_1068, %sign3A_1071 : i32
      %ne3A_1073 = arith.cmpi ne, %sign3A_1065, %sign3A_1072 : i32
      %rem3A_1074 = arith.remsi %add3A_526, %jit3A_1057 : i32
      %ne3A_1075 = arith.constant 0 : i32
      %ne3A_1076 = arith.cmpi ne, %rem3A_1074, %ne3A_1075 : i32
      %and3A_1077 = arith.andi %ne3A_1073, %ne3A_1076 : i1
      %sub3A_1078 = arith.constant 1 : i32
      %sub3A_1079 = arith.subi %div3A_1058, %sub3A_1078 : i32
      %select_n3A_1080 = arith.select %and3A_1077, %sub3A_1079, %div3A_1058 : i32
      %mul3A_1081 = arith.constant 16 : i32
      %mul3A_1082 = arith.muli %select_n3A_1080, %mul3A_1081 : i32
      %multiple_of3A_1083 = tpu.assume_multiple %mul3A_1082, 16 : i32
      %jit3A_1084 = arith.constant 4 : i32
      %eq3A_1085 = arith.constant 0 : i32
      %eq3A_1086 = arith.cmpi eq, %jit3A_1084, %eq3A_1085 : i32
      %jit3A_1087 = arith.constant 1 : i32
      %select_n3A_1088 = arith.select %eq3A_1086, %jit3A_1087, %jit3A_1084 : i32
      %rem3A_1089 = arith.remsi %add3A_526, %select_n3A_1088 : i32
      %ne3A_1090 = arith.constant 0 : i32
      %ne3A_1091 = arith.cmpi ne, %rem3A_1089, %ne3A_1090 : i32
      %lt3A_1092 = arith.constant 0 : i32
      %lt3A_1093 = arith.cmpi slt, %rem3A_1089, %lt3A_1092 : i32
      %lt3A_1094 = arith.constant 0 : i32
      %lt3A_1095 = arith.cmpi slt, %select_n3A_1088, %lt3A_1094 : i32
      %ne3A_1096 = arith.xori %lt3A_1093, %lt3A_1095 : i1
      %and3A_1097 = arith.andi %ne3A_1096, %ne3A_1091 : i1
      %add3A_1098 = arith.addi %rem3A_1089, %select_n3A_1088 : i32
      %select_n3A_1099 = arith.select %and3A_1097, %add3A_1098, %rem3A_1089 : i32
      %mul3A_1100 = arith.constant 4 : i32
      %mul3A_1101 = arith.muli %select_n3A_1099, %mul3A_1100 : i32
      %get3A_1102 = arith.index_cast %multiple_of3A_1083 : i32 to index
      %get3A_1103 = tpu.vector_load %arg11[%get3A_1102] {strides = array<i32>} : memref<512xi32, #tpu.memory_space<vmem>>, vector<16xi32>,
      %get3A_1104 = arith.index_cast %multiple_of3A_1083 : i32 to index
      %get3A_1105 = tpu.vector_load %arg12[%get3A_1104] {strides = array<i32>} : memref<512xi32, #tpu.memory_space<vmem>>, vector<16xi32>,
      %add3A_1106 = arith.constant 3 : i32
      %add3A_1107 = arith.addi %mul3A_1101, %add3A_1106 : i32
      %eq3A_1108 = vector.broadcast %add3A_1107 : i32 to vector<16xi32>
      %eq3A_1109 = arith.cmpi eq, %iota3A, %eq3A_1108 : vector<16xi32>
      %jit3A_1110 = arith.constant 0 : i32
      %broadcast_in_dim3A_1111 = vector.broadcast %jit3A_1110 : i32 to vector<16xi32>
      %select_n3A_1112 = arith.select %eq3A_1109, %get3A_1103, %broadcast_in_dim3A_1111 : vector<16xi1>, vector<16xi32>
      %reduce_sum3A_1113 = arith.constant true
      %reduce_sum3A_1114 = vector.broadcast %reduce_sum3A_1113 : i1 to vector<16xi1>
      %reduce_sum3A_1115 = tpu.scan <sum>, %select_n3A_1112 masked %reduce_sum3A_1114 : vector<16xi32>, vector<16xi1> -> vector<16xi32>
      %reduce_sum3A_1116 = vector.extract %reduce_sum3A_1115[15] : i32 from vector<16xi32>
      %add3A_1117 = arith.constant 3 : i32
      %add3A_1118 = arith.addi %mul3A_1101, %add3A_1117 : i32
      %eq3A_1119 = vector.broadcast %add3A_1118 : i32 to vector<16xi32>
      %eq3A_1120 = arith.cmpi eq, %iota3A, %eq3A_1119 : vector<16xi32>
      %jit3A_1121 = arith.constant 0 : i32
      %broadcast_in_dim3A_1122 = vector.broadcast %jit3A_1121 : i32 to vector<16xi32>
      %select_n3A_1123 = arith.select %eq3A_1120, %get3A_1105, %broadcast_in_dim3A_1122 : vector<16xi1>, vector<16xi32>
      %reduce_sum3A_1124 = arith.constant true
      %reduce_sum3A_1125 = vector.broadcast %reduce_sum3A_1124 : i1 to vector<16xi1>
      %reduce_sum3A_1126 = tpu.scan <sum>, %select_n3A_1123 masked %reduce_sum3A_1125 : vector<16xi32>, vector<16xi1> -> vector<16xi32>
      %reduce_sum3A_1127 = vector.extract %reduce_sum3A_1126[15] : i32 from vector<16xi32>
      %jit3A_1128 = arith.constant 128 : i32
      %div3A_1129 = arith.divsi %reduce_sum3A_1116, %jit3A_1128 : i32
      %sign3A_1130 = arith.constant 0 : i32
      %sign3A_1131 = arith.cmpi sgt, %reduce_sum3A_1116, %sign3A_1130 : i32
      %sign3A_1132 = arith.extui %sign3A_1131 : i1 to i32
      %sign3A_1133 = arith.constant 0 : i32
      %sign3A_1134 = arith.cmpi slt, %reduce_sum3A_1116, %sign3A_1133 : i32
      %sign3A_1135 = arith.extui %sign3A_1134 : i1 to i32
      %sign3A_1136 = arith.subi %sign3A_1132, %sign3A_1135 : i32
      %sign3A_1137 = arith.constant 0 : i32
      %sign3A_1138 = arith.cmpi sgt, %jit3A_1128, %sign3A_1137 : i32
      %sign3A_1139 = arith.extui %sign3A_1138 : i1 to i32
      %sign3A_1140 = arith.constant 0 : i32
      %sign3A_1141 = arith.cmpi slt, %jit3A_1128, %sign3A_1140 : i32
      %sign3A_1142 = arith.extui %sign3A_1141 : i1 to i32
      %sign3A_1143 = arith.subi %sign3A_1139, %sign3A_1142 : i32
      %ne3A_1144 = arith.cmpi ne, %sign3A_1136, %sign3A_1143 : i32
      %rem3A_1145 = arith.remsi %reduce_sum3A_1116, %jit3A_1128 : i32
      %ne3A_1146 = arith.constant 0 : i32
      %ne3A_1147 = arith.cmpi ne, %rem3A_1145, %ne3A_1146 : i32
      %and3A_1148 = arith.andi %ne3A_1144, %ne3A_1147 : i1
      %sub3A_1149 = arith.constant 1 : i32
      %sub3A_1150 = arith.subi %div3A_1129, %sub3A_1149 : i32
      %select_n3A_1151 = arith.select %and3A_1148, %sub3A_1150, %div3A_1129 : i32
      %mul3A_1152 = arith.constant 128 : i32
      %mul3A_1153 = arith.muli %select_n3A_1151, %mul3A_1152 : i32
      %multiple_of3A_1154 = tpu.assume_multiple %mul3A_1153, 128 : i32
      %jit3A_1155 = arith.constant 128 : i32
      %div3A_1156 = arith.divsi %reduce_sum3A_1127, %jit3A_1155 : i32
      %sign3A_1157 = arith.constant 0 : i32
      %sign3A_1158 = arith.cmpi sgt, %reduce_sum3A_1127, %sign3A_1157 : i32
      %sign3A_1159 = arith.extui %sign3A_1158 : i1 to i32
      %sign3A_1160 = arith.constant 0 : i32
      %sign3A_1161 = arith.cmpi slt, %reduce_sum3A_1127, %sign3A_1160 : i32
      %sign3A_1162 = arith.extui %sign3A_1161 : i1 to i32
      %sign3A_1163 = arith.subi %sign3A_1159, %sign3A_1162 : i32
      %sign3A_1164 = arith.constant 0 : i32
      %sign3A_1165 = arith.cmpi sgt, %jit3A_1155, %sign3A_1164 : i32
      %sign3A_1166 = arith.extui %sign3A_1165 : i1 to i32
      %sign3A_1167 = arith.constant 0 : i32
      %sign3A_1168 = arith.cmpi slt, %jit3A_1155, %sign3A_1167 : i32
      %sign3A_1169 = arith.extui %sign3A_1168 : i1 to i32
      %sign3A_1170 = arith.subi %sign3A_1166, %sign3A_1169 : i32
      %ne3A_1171 = arith.cmpi ne, %sign3A_1163, %sign3A_1170 : i32
      %rem3A_1172 = arith.remsi %reduce_sum3A_1127, %jit3A_1155 : i32
      %ne3A_1173 = arith.constant 0 : i32
      %ne3A_1174 = arith.cmpi ne, %rem3A_1172, %ne3A_1173 : i32
      %and3A_1175 = arith.andi %ne3A_1171, %ne3A_1174 : i1
      %sub3A_1176 = arith.constant 1 : i32
      %sub3A_1177 = arith.subi %div3A_1156, %sub3A_1176 : i32
      %select_n3A_1178 = arith.select %and3A_1175, %sub3A_1177, %div3A_1156 : i32
      %mul3A_1179 = arith.constant 128 : i32
      %mul3A_1180 = arith.muli %select_n3A_1178, %mul3A_1179 : i32
      %multiple_of3A_1181 = tpu.assume_multiple %mul3A_1180, 128 : i32
      %dma_start3A_1182 = arith.constant 7 : i32
      %dma_start3A_1183 = arith.constant 0 : i32
      %dma_start3A_1184 = arith.constant 0 : i32
      %dma_start3A_1185 = tpu.memref_slice %arg13[%dma_start3A_1182, %dma_start3A_1183, %dma_start3A_1184] : memref<8x32x128xf32, #tpu.memory_space<vmem>> -> memref<1x32x128xf32, #tpu.memory_space<vmem>>
      %dma_start3A_1186 = tpu.memref_squeeze %dma_start3A_1185 : memref<1x32x128xf32, #tpu.memory_space<vmem>> -> memref<32x128xf32, #tpu.memory_space<vmem>>
      %dma_start3A_1187 = arith.constant 0 : i32
      %dma_start3A_1188 = tpu.memref_slice %arg4[%dma_start3A_1187, %multiple_of3A_1154] : memref<32x1000000xf32, #tpu.memory_space<hbm>> -> memref<32x128xf32, #tpu.memory_space<hbm>>
      %dma_start3A_1189 = arith.constant 0 : i32
      %dma_start3A_1190 = arith.constant 0 : i32
      %dma_start3A_1191 = tpu.memref_slice %arg13[%dma_start3A_1182, %dma_start3A_1189, %dma_start3A_1190] : memref<8x32x128xf32, #tpu.memory_space<vmem>> -> memref<1x32x128xf32, #tpu.memory_space<vmem>>
      %dma_start3A_1192 = tpu.memref_squeeze %dma_start3A_1191 : memref<1x32x128xf32, #tpu.memory_space<vmem>> -> memref<32x128xf32, #tpu.memory_space<vmem>>
      %dma_start3A_1193 = arith.constant 0 : i32
      %dma_start3A_1194 = tpu.memref_slice %arg4[%dma_start3A_1193, %multiple_of3A_1154] : memref<32x1000000xf32, #tpu.memory_space<hbm>> -> memref<32x128xf32, #tpu.memory_space<hbm>>
      tpu.enqueue_dma source(%dma_start3A_1194 : memref<32x128xf32, #tpu.memory_space<hbm>>) target(%dma_start3A_1192 : memref<32x128xf32, #tpu.memory_space<vmem>>) target_semaphore(%arg21 : memref<!tpu.dma_semaphore, #tpu.memory_space<semaphore_mem>>)
      %dma_start3A_1195 = arith.constant 7 : i32
      %dma_start3A_1196 = arith.constant 0 : i32
      %dma_start3A_1197 = arith.constant 0 : i32
      %dma_start3A_1198 = tpu.memref_slice %arg14[%dma_start3A_1195, %dma_start3A_1196, %dma_start3A_1197] : memref<8x32x128xf32, #tpu.memory_space<vmem>> -> memref<1x32x128xf32, #tpu.memory_space<vmem>>
      %dma_start3A_1199 = tpu.memref_squeeze %dma_start3A_1198 : memref<1x32x128xf32, #tpu.memory_space<vmem>> -> memref<32x128xf32, #tpu.memory_space<vmem>>
      %dma_start3A_1200 = arith.constant 0 : i32
      %dma_start3A_1201 = tpu.memref_slice %arg5[%dma_start3A_1200, %multiple_of3A_1181] : memref<32x1000000xf32, #tpu.memory_space<hbm>> -> memref<32x128xf32, #tpu.memory_space<hbm>>
      %dma_start3A_1202 = arith.constant 0 : i32
      %dma_start3A_1203 = arith.constant 0 : i32
      %dma_start3A_1204 = tpu.memref_slice %arg14[%dma_start3A_1195, %dma_start3A_1202, %dma_start3A_1203] : memref<8x32x128xf32, #tpu.memory_space<vmem>> -> memref<1x32x128xf32, #tpu.memory_space<vmem>>
      %dma_start3A_1205 = tpu.memref_squeeze %dma_start3A_1204 : memref<1x32x128xf32, #tpu.memory_space<vmem>> -> memref<32x128xf32, #tpu.memory_space<vmem>>
      %dma_start3A_1206 = arith.constant 0 : i32
      %dma_start3A_1207 = tpu.memref_slice %arg5[%dma_start3A_1206, %multiple_of3A_1181] : memref<32x1000000xf32, #tpu.memory_space<hbm>> -> memref<32x128xf32, #tpu.memory_space<hbm>>
      tpu.enqueue_dma source(%dma_start3A_1207 : memref<32x128xf32, #tpu.memory_space<hbm>>) target(%dma_start3A_1205 : memref<32x128xf32, #tpu.memory_space<vmem>>) target_semaphore(%arg21 : memref<!tpu.dma_semaphore, #tpu.memory_space<semaphore_mem>>)
      %dma_start3A_1208 = arith.constant 7 : i32
      %dma_start3A_1209 = arith.constant 0 : i32
      %dma_start3A_1210 = arith.constant 0 : i32
      %dma_start3A_1211 = tpu.memref_slice %arg15[%dma_start3A_1208, %dma_start3A_1209, %dma_start3A_1210] : memref<8x16x128xf32, #tpu.memory_space<vmem>> -> memref<1x16x128xf32, #tpu.memory_space<vmem>>
      %dma_start3A_1212 = tpu.memref_squeeze %dma_start3A_1211 : memref<1x16x128xf32, #tpu.memory_space<vmem>> -> memref<16x128xf32, #tpu.memory_space<vmem>>
      %dma_start3A_1213 = arith.constant 0 : i32
      %dma_start3A_1214 = tpu.memref_slice %arg6[%dma_start3A_1213, %multiple_of3A_1154] : memref<16x1000000xf32, #tpu.memory_space<hbm>> -> memref<16x128xf32, #tpu.memory_space<hbm>>
      %dma_start3A_1215 = arith.constant 0 : i32
      %dma_start3A_1216 = arith.constant 0 : i32
      %dma_start3A_1217 = tpu.memref_slice %arg15[%dma_start3A_1208, %dma_start3A_1215, %dma_start3A_1216] : memref<8x16x128xf32, #tpu.memory_space<vmem>> -> memref<1x16x128xf32, #tpu.memory_space<vmem>>
      %dma_start3A_1218 = tpu.memref_squeeze %dma_start3A_1217 : memref<1x16x128xf32, #tpu.memory_space<vmem>> -> memref<16x128xf32, #tpu.memory_space<vmem>>
      %dma_start3A_1219 = arith.constant 0 : i32
      %dma_start3A_1220 = tpu.memref_slice %arg6[%dma_start3A_1219, %multiple_of3A_1154] : memref<16x1000000xf32, #tpu.memory_space<hbm>> -> memref<16x128xf32, #tpu.memory_space<hbm>>
      tpu.enqueue_dma source(%dma_start3A_1220 : memref<16x128xf32, #tpu.memory_space<hbm>>) target(%dma_start3A_1218 : memref<16x128xf32, #tpu.memory_space<vmem>>) target_semaphore(%arg21 : memref<!tpu.dma_semaphore, #tpu.memory_space<semaphore_mem>>)
      %dma_start3A_1221 = arith.constant 7 : i32
      %dma_start3A_1222 = arith.constant 0 : i32
      %dma_start3A_1223 = arith.constant 0 : i32
      %dma_start3A_1224 = tpu.memref_slice %arg16[%dma_start3A_1221, %dma_start3A_1222, %dma_start3A_1223] : memref<8x16x128xf32, #tpu.memory_space<vmem>> -> memref<1x16x128xf32, #tpu.memory_space<vmem>>
      %dma_start3A_1225 = tpu.memref_squeeze %dma_start3A_1224 : memref<1x16x128xf32, #tpu.memory_space<vmem>> -> memref<16x128xf32, #tpu.memory_space<vmem>>
      %dma_start3A_1226 = arith.constant 0 : i32
      %dma_start3A_1227 = tpu.memref_slice %arg7[%dma_start3A_1226, %multiple_of3A_1181] : memref<16x1000000xf32, #tpu.memory_space<hbm>> -> memref<16x128xf32, #tpu.memory_space<hbm>>
      %dma_start3A_1228 = arith.constant 0 : i32
      %dma_start3A_1229 = arith.constant 0 : i32
      %dma_start3A_1230 = tpu.memref_slice %arg16[%dma_start3A_1221, %dma_start3A_1228, %dma_start3A_1229] : memref<8x16x128xf32, #tpu.memory_space<vmem>> -> memref<1x16x128xf32, #tpu.memory_space<vmem>>
      %dma_start3A_1231 = tpu.memref_squeeze %dma_start3A_1230 : memref<1x16x128xf32, #tpu.memory_space<vmem>> -> memref<16x128xf32, #tpu.memory_space<vmem>>
      %dma_start3A_1232 = arith.constant 0 : i32
      %dma_start3A_1233 = tpu.memref_slice %arg7[%dma_start3A_1232, %multiple_of3A_1181] : memref<16x1000000xf32, #tpu.memory_space<hbm>> -> memref<16x128xf32, #tpu.memory_space<hbm>>
      tpu.enqueue_dma source(%dma_start3A_1233 : memref<16x128xf32, #tpu.memory_space<hbm>>) target(%dma_start3A_1231 : memref<16x128xf32, #tpu.memory_space<vmem>>) target_semaphore(%arg21 : memref<!tpu.dma_semaphore, #tpu.memory_space<semaphore_mem>>)
      %dma_wait3A = arith.constant 0 : i32
      %dma_wait3A_1234 = arith.constant 0 : i32
      %dma_wait3A_1235 = arith.constant 0 : i32
      %dma_wait3A_1236 = tpu.memref_slice %arg13[%dma_wait3A, %dma_wait3A_1234, %dma_wait3A_1235] : memref<8x32x128xf32, #tpu.memory_space<vmem>> -> memref<1x32x128xf32, #tpu.memory_space<vmem>>
      %dma_wait3A_1237 = tpu.memref_squeeze %dma_wait3A_1236 : memref<1x32x128xf32, #tpu.memory_space<vmem>> -> memref<32x128xf32, #tpu.memory_space<vmem>>
      %dma_wait3A_1238 = arith.constant 0 : i32
      %dma_wait3A_1239 = arith.constant 0 : i32
      %dma_wait3A_1240 = tpu.memref_slice %arg4[%dma_wait3A_1238, %dma_wait3A_1239] : memref<32x1000000xf32, #tpu.memory_space<hbm>> -> memref<32x128xf32, #tpu.memory_space<hbm>>
      %dma_wait3A_1241 = arith.constant 0 : i32
      %dma_wait3A_1242 = arith.constant 0 : i32
      %dma_wait3A_1243 = tpu.memref_slice %arg13[%dma_wait3A, %dma_wait3A_1241, %dma_wait3A_1242] : memref<8x32x128xf32, #tpu.memory_space<vmem>> -> memref<1x32x128xf32, #tpu.memory_space<vmem>>
      %dma_wait3A_1244 = tpu.memref_squeeze %dma_wait3A_1243 : memref<1x32x128xf32, #tpu.memory_space<vmem>> -> memref<32x128xf32, #tpu.memory_space<vmem>>
      %dma_wait3A_1245 = arith.constant 0 : i32
      %dma_wait3A_1246 = arith.constant 0 : i32
      %dma_wait3A_1247 = tpu.memref_slice %arg4[%dma_wait3A_1245, %dma_wait3A_1246] : memref<32x1000000xf32, #tpu.memory_space<hbm>> -> memref<32x128xf32, #tpu.memory_space<hbm>>
      tpu.wait_dma2 semaphore(%arg20 : memref<!tpu.dma_semaphore, #tpu.memory_space<semaphore_mem>>) src(%dma_wait3A_1247 : memref<32x128xf32, #tpu.memory_space<hbm>>) dst(%dma_wait3A_1244 : memref<32x128xf32, #tpu.memory_space<vmem>>)
      %dma_wait3A_1248 = arith.constant 0 : i32
      %dma_wait3A_1249 = arith.constant 0 : i32
      %dma_wait3A_1250 = arith.constant 0 : i32
      %dma_wait3A_1251 = tpu.memref_slice %arg14[%dma_wait3A_1248, %dma_wait3A_1249, %dma_wait3A_1250] : memref<8x32x128xf32, #tpu.memory_space<vmem>> -> memref<1x32x128xf32, #tpu.memory_space<vmem>>
      %dma_wait3A_1252 = tpu.memref_squeeze %dma_wait3A_1251 : memref<1x32x128xf32, #tpu.memory_space<vmem>> -> memref<32x128xf32, #tpu.memory_space<vmem>>
      %dma_wait3A_1253 = arith.constant 0 : i32
      %dma_wait3A_1254 = arith.constant 0 : i32
      %dma_wait3A_1255 = tpu.memref_slice %arg5[%dma_wait3A_1253, %dma_wait3A_1254] : memref<32x1000000xf32, #tpu.memory_space<hbm>> -> memref<32x128xf32, #tpu.memory_space<hbm>>
      %dma_wait3A_1256 = arith.constant 0 : i32
      %dma_wait3A_1257 = arith.constant 0 : i32
      %dma_wait3A_1258 = tpu.memref_slice %arg14[%dma_wait3A_1248, %dma_wait3A_1256, %dma_wait3A_1257] : memref<8x32x128xf32, #tpu.memory_space<vmem>> -> memref<1x32x128xf32, #tpu.memory_space<vmem>>
      %dma_wait3A_1259 = tpu.memref_squeeze %dma_wait3A_1258 : memref<1x32x128xf32, #tpu.memory_space<vmem>> -> memref<32x128xf32, #tpu.memory_space<vmem>>
      %dma_wait3A_1260 = arith.constant 0 : i32
      %dma_wait3A_1261 = arith.constant 0 : i32
      %dma_wait3A_1262 = tpu.memref_slice %arg5[%dma_wait3A_1260, %dma_wait3A_1261] : memref<32x1000000xf32, #tpu.memory_space<hbm>> -> memref<32x128xf32, #tpu.memory_space<hbm>>
      tpu.wait_dma2 semaphore(%arg20 : memref<!tpu.dma_semaphore, #tpu.memory_space<semaphore_mem>>) src(%dma_wait3A_1262 : memref<32x128xf32, #tpu.memory_space<hbm>>) dst(%dma_wait3A_1259 : memref<32x128xf32, #tpu.memory_space<vmem>>)
      %dma_wait3A_1263 = arith.constant 0 : i32
      %dma_wait3A_1264 = arith.constant 0 : i32
      %dma_wait3A_1265 = arith.constant 0 : i32
      %dma_wait3A_1266 = tpu.memref_slice %arg15[%dma_wait3A_1263, %dma_wait3A_1264, %dma_wait3A_1265] : memref<8x16x128xf32, #tpu.memory_space<vmem>> -> memref<1x16x128xf32, #tpu.memory_space<vmem>>
      %dma_wait3A_1267 = tpu.memref_squeeze %dma_wait3A_1266 : memref<1x16x128xf32, #tpu.memory_space<vmem>> -> memref<16x128xf32, #tpu.memory_space<vmem>>
      %dma_wait3A_1268 = arith.constant 0 : i32
      %dma_wait3A_1269 = arith.constant 0 : i32
      %dma_wait3A_1270 = tpu.memref_slice %arg6[%dma_wait3A_1268, %dma_wait3A_1269] : memref<16x1000000xf32, #tpu.memory_space<hbm>> -> memref<16x128xf32, #tpu.memory_space<hbm>>
      %dma_wait3A_1271 = arith.constant 0 : i32
      %dma_wait3A_1272 = arith.constant 0 : i32
      %dma_wait3A_1273 = tpu.memref_slice %arg15[%dma_wait3A_1263, %dma_wait3A_1271, %dma_wait3A_1272] : memref<8x16x128xf32, #tpu.memory_space<vmem>> -> memref<1x16x128xf32, #tpu.memory_space<vmem>>
      %dma_wait3A_1274 = tpu.memref_squeeze %dma_wait3A_1273 : memref<1x16x128xf32, #tpu.memory_space<vmem>> -> memref<16x128xf32, #tpu.memory_space<vmem>>
      %dma_wait3A_1275 = arith.constant 0 : i32
      %dma_wait3A_1276 = arith.constant 0 : i32
      %dma_wait3A_1277 = tpu.memref_slice %arg6[%dma_wait3A_1275, %dma_wait3A_1276] : memref<16x1000000xf32, #tpu.memory_space<hbm>> -> memref<16x128xf32, #tpu.memory_space<hbm>>
      tpu.wait_dma2 semaphore(%arg20 : memref<!tpu.dma_semaphore, #tpu.memory_space<semaphore_mem>>) src(%dma_wait3A_1277 : memref<16x128xf32, #tpu.memory_space<hbm>>) dst(%dma_wait3A_1274 : memref<16x128xf32, #tpu.memory_space<vmem>>)
      %dma_wait3A_1278 = arith.constant 0 : i32
      %dma_wait3A_1279 = arith.constant 0 : i32
      %dma_wait3A_1280 = arith.constant 0 : i32
      %dma_wait3A_1281 = tpu.memref_slice %arg16[%dma_wait3A_1278, %dma_wait3A_1279, %dma_wait3A_1280] : memref<8x16x128xf32, #tpu.memory_space<vmem>> -> memref<1x16x128xf32, #tpu.memory_space<vmem>>
      %dma_wait3A_1282 = tpu.memref_squeeze %dma_wait3A_1281 : memref<1x16x128xf32, #tpu.memory_space<vmem>> -> memref<16x128xf32, #tpu.memory_space<vmem>>
      %dma_wait3A_1283 = arith.constant 0 : i32
      %dma_wait3A_1284 = arith.constant 0 : i32
      %dma_wait3A_1285 = tpu.memref_slice %arg7[%dma_wait3A_1283, %dma_wait3A_1284] : memref<16x1000000xf32, #tpu.memory_space<hbm>> -> memref<16x128xf32, #tpu.memory_space<hbm>>
      %dma_wait3A_1286 = arith.constant 0 : i32
      %dma_wait3A_1287 = arith.constant 0 : i32
      %dma_wait3A_1288 = tpu.memref_slice %arg16[%dma_wait3A_1278, %dma_wait3A_1286, %dma_wait3A_1287] : memref<8x16x128xf32, #tpu.memory_space<vmem>> -> memref<1x16x128xf32, #tpu.memory_space<vmem>>
      %dma_wait3A_1289 = tpu.memref_squeeze %dma_wait3A_1288 : memref<1x16x128xf32, #tpu.memory_space<vmem>> -> memref<16x128xf32, #tpu.memory_space<vmem>>
      %dma_wait3A_1290 = arith.constant 0 : i32
      %dma_wait3A_1291 = arith.constant 0 : i32
      %dma_wait3A_1292 = tpu.memref_slice %arg7[%dma_wait3A_1290, %dma_wait3A_1291] : memref<16x1000000xf32, #tpu.memory_space<hbm>> -> memref<16x128xf32, #tpu.memory_space<hbm>>
      tpu.wait_dma2 semaphore(%arg20 : memref<!tpu.dma_semaphore, #tpu.memory_space<semaphore_mem>>) src(%dma_wait3A_1292 : memref<16x128xf32, #tpu.memory_space<hbm>>) dst(%dma_wait3A_1289 : memref<16x128xf32, #tpu.memory_space<vmem>>)
      %dma_wait3A_1293 = arith.constant 1 : i32
      %dma_wait3A_1294 = arith.constant 0 : i32
      %dma_wait3A_1295 = arith.constant 0 : i32
      %dma_wait3A_1296 = tpu.memref_slice %arg13[%dma_wait3A_1293, %dma_wait3A_1294, %dma_wait3A_1295] : memref<8x32x128xf32, #tpu.memory_space<vmem>> -> memref<1x32x128xf32, #tpu.memory_space<vmem>>
      %dma_wait3A_1297 = tpu.memref_squeeze %dma_wait3A_1296 : memref<1x32x128xf32, #tpu.memory_space<vmem>> -> memref<32x128xf32, #tpu.memory_space<vmem>>
      %dma_wait3A_1298 = arith.constant 0 : i32
      %dma_wait3A_1299 = arith.constant 0 : i32
      %dma_wait3A_1300 = tpu.memref_slice %arg4[%dma_wait3A_1298, %dma_wait3A_1299] : memref<32x1000000xf32, #tpu.memory_space<hbm>> -> memref<32x128xf32, #tpu.memory_space<hbm>>
      %dma_wait3A_1301 = arith.constant 0 : i32
      %dma_wait3A_1302 = arith.constant 0 : i32
      %dma_wait3A_1303 = tpu.memref_slice %arg13[%dma_wait3A_1293, %dma_wait3A_1301, %dma_wait3A_1302] : memref<8x32x128xf32, #tpu.memory_space<vmem>> -> memref<1x32x128xf32, #tpu.memory_space<vmem>>
      %dma_wait3A_1304 = tpu.memref_squeeze %dma_wait3A_1303 : memref<1x32x128xf32, #tpu.memory_space<vmem>> -> memref<32x128xf32, #tpu.memory_space<vmem>>
      %dma_wait3A_1305 = arith.constant 0 : i32
      %dma_wait3A_1306 = arith.constant 0 : i32
      %dma_wait3A_1307 = tpu.memref_slice %arg4[%dma_wait3A_1305, %dma_wait3A_1306] : memref<32x1000000xf32, #tpu.memory_space<hbm>> -> memref<32x128xf32, #tpu.memory_space<hbm>>
      tpu.wait_dma2 semaphore(%arg20 : memref<!tpu.dma_semaphore, #tpu.memory_space<semaphore_mem>>) src(%dma_wait3A_1307 : memref<32x128xf32, #tpu.memory_space<hbm>>) dst(%dma_wait3A_1304 : memref<32x128xf32, #tpu.memory_space<vmem>>)
      %dma_wait3A_1308 = arith.constant 1 : i32
      %dma_wait3A_1309 = arith.constant 0 : i32
      %dma_wait3A_1310 = arith.constant 0 : i32
      %dma_wait3A_1311 = tpu.memref_slice %arg14[%dma_wait3A_1308, %dma_wait3A_1309, %dma_wait3A_1310] : memref<8x32x128xf32, #tpu.memory_space<vmem>> -> memref<1x32x128xf32, #tpu.memory_space<vmem>>
      %dma_wait3A_1312 = tpu.memref_squeeze %dma_wait3A_1311 : memref<1x32x128xf32, #tpu.memory_space<vmem>> -> memref<32x128xf32, #tpu.memory_space<vmem>>
      %dma_wait3A_1313 = arith.constant 0 : i32
      %dma_wait3A_1314 = arith.constant 0 : i32
      %dma_wait3A_1315 = tpu.memref_slice %arg5[%dma_wait3A_1313, %dma_wait3A_1314] : memref<32x1000000xf32, #tpu.memory_space<hbm>> -> memref<32x128xf32, #tpu.memory_space<hbm>>
      %dma_wait3A_1316 = arith.constant 0 : i32
      %dma_wait3A_1317 = arith.constant 0 : i32
      %dma_wait3A_1318 = tpu.memref_slice %arg14[%dma_wait3A_1308, %dma_wait3A_1316, %dma_wait3A_1317] : memref<8x32x128xf32, #tpu.memory_space<vmem>> -> memref<1x32x128xf32, #tpu.memory_space<vmem>>
      %dma_wait3A_1319 = tpu.memref_squeeze %dma_wait3A_1318 : memref<1x32x128xf32, #tpu.memory_space<vmem>> -> memref<32x128xf32, #tpu.memory_space<vmem>>
      %dma_wait3A_1320 = arith.constant 0 : i32
      %dma_wait3A_1321 = arith.constant 0 : i32
      %dma_wait3A_1322 = tpu.memref_slice %arg5[%dma_wait3A_1320, %dma_wait3A_1321] : memref<32x1000000xf32, #tpu.memory_space<hbm>> -> memref<32x128xf32, #tpu.memory_space<hbm>>
      tpu.wait_dma2 semaphore(%arg20 : memref<!tpu.dma_semaphore, #tpu.memory_space<semaphore_mem>>) src(%dma_wait3A_1322 : memref<32x128xf32, #tpu.memory_space<hbm>>) dst(%dma_wait3A_1319 : memref<32x128xf32, #tpu.memory_space<vmem>>)
      %dma_wait3A_1323 = arith.constant 1 : i32
      %dma_wait3A_1324 = arith.constant 0 : i32
      %dma_wait3A_1325 = arith.constant 0 : i32
      %dma_wait3A_1326 = tpu.memref_slice %arg15[%dma_wait3A_1323, %dma_wait3A_1324, %dma_wait3A_1325] : memref<8x16x128xf32, #tpu.memory_space<vmem>> -> memref<1x16x128xf32, #tpu.memory_space<vmem>>
      %dma_wait3A_1327 = tpu.memref_squeeze %dma_wait3A_1326 : memref<1x16x128xf32, #tpu.memory_space<vmem>> -> memref<16x128xf32, #tpu.memory_space<vmem>>
      %dma_wait3A_1328 = arith.constant 0 : i32
      %dma_wait3A_1329 = arith.constant 0 : i32
      %dma_wait3A_1330 = tpu.memref_slice %arg6[%dma_wait3A_1328, %dma_wait3A_1329] : memref<16x1000000xf32, #tpu.memory_space<hbm>> -> memref<16x128xf32, #tpu.memory_space<hbm>>
      %dma_wait3A_1331 = arith.constant 0 : i32
      %dma_wait3A_1332 = arith.constant 0 : i32
      %dma_wait3A_1333 = tpu.memref_slice %arg15[%dma_wait3A_1323, %dma_wait3A_1331, %dma_wait3A_1332] : memref<8x16x128xf32, #tpu.memory_space<vmem>> -> memref<1x16x128xf32, #tpu.memory_space<vmem>>
      %dma_wait3A_1334 = tpu.memref_squeeze %dma_wait3A_1333 : memref<1x16x128xf32, #tpu.memory_space<vmem>> -> memref<16x128xf32, #tpu.memory_space<vmem>>
      %dma_wait3A_1335 = arith.constant 0 : i32
      %dma_wait3A_1336 = arith.constant 0 : i32
      %dma_wait3A_1337 = tpu.memref_slice %arg6[%dma_wait3A_1335, %dma_wait3A_1336] : memref<16x1000000xf32, #tpu.memory_space<hbm>> -> memref<16x128xf32, #tpu.memory_space<hbm>>
      tpu.wait_dma2 semaphore(%arg20 : memref<!tpu.dma_semaphore, #tpu.memory_space<semaphore_mem>>) src(%dma_wait3A_1337 : memref<16x128xf32, #tpu.memory_space<hbm>>) dst(%dma_wait3A_1334 : memref<16x128xf32, #tpu.memory_space<vmem>>)
      %dma_wait3A_1338 = arith.constant 1 : i32
      %dma_wait3A_1339 = arith.constant 0 : i32
      %dma_wait3A_1340 = arith.constant 0 : i32
      %dma_wait3A_1341 = tpu.memref_slice %arg16[%dma_wait3A_1338, %dma_wait3A_1339, %dma_wait3A_1340] : memref<8x16x128xf32, #tpu.memory_space<vmem>> -> memref<1x16x128xf32, #tpu.memory_space<vmem>>
      %dma_wait3A_1342 = tpu.memref_squeeze %dma_wait3A_1341 : memref<1x16x128xf32, #tpu.memory_space<vmem>> -> memref<16x128xf32, #tpu.memory_space<vmem>>
      %dma_wait3A_1343 = arith.constant 0 : i32
      %dma_wait3A_1344 = arith.constant 0 : i32
      %dma_wait3A_1345 = tpu.memref_slice %arg7[%dma_wait3A_1343, %dma_wait3A_1344] : memref<16x1000000xf32, #tpu.memory_space<hbm>> -> memref<16x128xf32, #tpu.memory_space<hbm>>
      %dma_wait3A_1346 = arith.constant 0 : i32
      %dma_wait3A_1347 = arith.constant 0 : i32
      %dma_wait3A_1348 = tpu.memref_slice %arg16[%dma_wait3A_1338, %dma_wait3A_1346, %dma_wait3A_1347] : memref<8x16x128xf32, #tpu.memory_space<vmem>> -> memref<1x16x128xf32, #tpu.memory_space<vmem>>
      %dma_wait3A_1349 = tpu.memref_squeeze %dma_wait3A_1348 : memref<1x16x128xf32, #tpu.memory_space<vmem>> -> memref<16x128xf32, #tpu.memory_space<vmem>>
      %dma_wait3A_1350 = arith.constant 0 : i32
      %dma_wait3A_1351 = arith.constant 0 : i32
      %dma_wait3A_1352 = tpu.memref_slice %arg7[%dma_wait3A_1350, %dma_wait3A_1351] : memref<16x1000000xf32, #tpu.memory_space<hbm>> -> memref<16x128xf32, #tpu.memory_space<hbm>>
      tpu.wait_dma2 semaphore(%arg20 : memref<!tpu.dma_semaphore, #tpu.memory_space<semaphore_mem>>) src(%dma_wait3A_1352 : memref<16x128xf32, #tpu.memory_space<hbm>>) dst(%dma_wait3A_1349 : memref<16x128xf32, #tpu.memory_space<vmem>>)
      %dma_wait3A_1353 = arith.constant 2 : i32
      %dma_wait3A_1354 = arith.constant 0 : i32
      %dma_wait3A_1355 = arith.constant 0 : i32
      %dma_wait3A_1356 = tpu.memref_slice %arg13[%dma_wait3A_1353, %dma_wait3A_1354, %dma_wait3A_1355] : memref<8x32x128xf32, #tpu.memory_space<vmem>> -> memref<1x32x128xf32, #tpu.memory_space<vmem>>
      %dma_wait3A_1357 = tpu.memref_squeeze %dma_wait3A_1356 : memref<1x32x128xf32, #tpu.memory_space<vmem>> -> memref<32x128xf32, #tpu.memory_space<vmem>>
      %dma_wait3A_1358 = arith.constant 0 : i32
      %dma_wait3A_1359 = arith.constant 0 : i32
      %dma_wait3A_1360 = tpu.memref_slice %arg4[%dma_wait3A_1358, %dma_wait3A_1359] : memref<32x1000000xf32, #tpu.memory_space<hbm>> -> memref<32x128xf32, #tpu.memory_space<hbm>>
      %dma_wait3A_1361 = arith.constant 0 : i32
      %dma_wait3A_1362 = arith.constant 0 : i32
      %dma_wait3A_1363 = tpu.memref_slice %arg13[%dma_wait3A_1353, %dma_wait3A_1361, %dma_wait3A_1362] : memref<8x32x128xf32, #tpu.memory_space<vmem>> -> memref<1x32x128xf32, #tpu.memory_space<vmem>>
      %dma_wait3A_1364 = tpu.memref_squeeze %dma_wait3A_1363 : memref<1x32x128xf32, #tpu.memory_space<vmem>> -> memref<32x128xf32, #tpu.memory_space<vmem>>
      %dma_wait3A_1365 = arith.constant 0 : i32
      %dma_wait3A_1366 = arith.constant 0 : i32
      %dma_wait3A_1367 = tpu.memref_slice %arg4[%dma_wait3A_1365, %dma_wait3A_1366] : memref<32x1000000xf32, #tpu.memory_space<hbm>> -> memref<32x128xf32, #tpu.memory_space<hbm>>
      tpu.wait_dma2 semaphore(%arg20 : memref<!tpu.dma_semaphore, #tpu.memory_space<semaphore_mem>>) src(%dma_wait3A_1367 : memref<32x128xf32, #tpu.memory_space<hbm>>) dst(%dma_wait3A_1364 : memref<32x128xf32, #tpu.memory_space<vmem>>)
      %dma_wait3A_1368 = arith.constant 2 : i32
      %dma_wait3A_1369 = arith.constant 0 : i32
      %dma_wait3A_1370 = arith.constant 0 : i32
      %dma_wait3A_1371 = tpu.memref_slice %arg14[%dma_wait3A_1368, %dma_wait3A_1369, %dma_wait3A_1370] : memref<8x32x128xf32, #tpu.memory_space<vmem>> -> memref<1x32x128xf32, #tpu.memory_space<vmem>>
      %dma_wait3A_1372 = tpu.memref_squeeze %dma_wait3A_1371 : memref<1x32x128xf32, #tpu.memory_space<vmem>> -> memref<32x128xf32, #tpu.memory_space<vmem>>
      %dma_wait3A_1373 = arith.constant 0 : i32
      %dma_wait3A_1374 = arith.constant 0 : i32
      %dma_wait3A_1375 = tpu.memref_slice %arg5[%dma_wait3A_1373, %dma_wait3A_1374] : memref<32x1000000xf32, #tpu.memory_space<hbm>> -> memref<32x128xf32, #tpu.memory_space<hbm>>
      %dma_wait3A_1376 = arith.constant 0 : i32
      %dma_wait3A_1377 = arith.constant 0 : i32
      %dma_wait3A_1378 = tpu.memref_slice %arg14[%dma_wait3A_1368, %dma_wait3A_1376, %dma_wait3A_1377] : memref<8x32x128xf32, #tpu.memory_space<vmem>> -> memref<1x32x128xf32, #tpu.memory_space<vmem>>
      %dma_wait3A_1379 = tpu.memref_squeeze %dma_wait3A_1378 : memref<1x32x128xf32, #tpu.memory_space<vmem>> -> memref<32x128xf32, #tpu.memory_space<vmem>>
      %dma_wait3A_1380 = arith.constant 0 : i32
      %dma_wait3A_1381 = arith.constant 0 : i32
      %dma_wait3A_1382 = tpu.memref_slice %arg5[%dma_wait3A_1380, %dma_wait3A_1381] : memref<32x1000000xf32, #tpu.memory_space<hbm>> -> memref<32x128xf32, #tpu.memory_space<hbm>>
      tpu.wait_dma2 semaphore(%arg20 : memref<!tpu.dma_semaphore, #tpu.memory_space<semaphore_mem>>) src(%dma_wait3A_1382 : memref<32x128xf32, #tpu.memory_space<hbm>>) dst(%dma_wait3A_1379 : memref<32x128xf32, #tpu.memory_space<vmem>>)
      %dma_wait3A_1383 = arith.constant 2 : i32
      %dma_wait3A_1384 = arith.constant 0 : i32
      %dma_wait3A_1385 = arith.constant 0 : i32
      %dma_wait3A_1386 = tpu.memref_slice %arg15[%dma_wait3A_1383, %dma_wait3A_1384, %dma_wait3A_1385] : memref<8x16x128xf32, #tpu.memory_space<vmem>> -> memref<1x16x128xf32, #tpu.memory_space<vmem>>
      %dma_wait3A_1387 = tpu.memref_squeeze %dma_wait3A_1386 : memref<1x16x128xf32, #tpu.memory_space<vmem>> -> memref<16x128xf32, #tpu.memory_space<vmem>>
      %dma_wait3A_1388 = arith.constant 0 : i32
      %dma_wait3A_1389 = arith.constant 0 : i32
      %dma_wait3A_1390 = tpu.memref_slice %arg6[%dma_wait3A_1388, %dma_wait3A_1389] : memref<16x1000000xf32, #tpu.memory_space<hbm>> -> memref<16x128xf32, #tpu.memory_space<hbm>>
      %dma_wait3A_1391 = arith.constant 0 : i32
      %dma_wait3A_1392 = arith.constant 0 : i32
      %dma_wait3A_1393 = tpu.memref_slice %arg15[%dma_wait3A_1383, %dma_wait3A_1391, %dma_wait3A_1392] : memref<8x16x128xf32, #tpu.memory_space<vmem>> -> memref<1x16x128xf32, #tpu.memory_space<vmem>>
      %dma_wait3A_1394 = tpu.memref_squeeze %dma_wait3A_1393 : memref<1x16x128xf32, #tpu.memory_space<vmem>> -> memref<16x128xf32, #tpu.memory_space<vmem>>
      %dma_wait3A_1395 = arith.constant 0 : i32
      %dma_wait3A_1396 = arith.constant 0 : i32
      %dma_wait3A_1397 = tpu.memref_slice %arg6[%dma_wait3A_1395, %dma_wait3A_1396] : memref<16x1000000xf32, #tpu.memory_space<hbm>> -> memref<16x128xf32, #tpu.memory_space<hbm>>
      tpu.wait_dma2 semaphore(%arg20 : memref<!tpu.dma_semaphore, #tpu.memory_space<semaphore_mem>>) src(%dma_wait3A_1397 : memref<16x128xf32, #tpu.memory_space<hbm>>) dst(%dma_wait3A_1394 : memref<16x128xf32, #tpu.memory_space<vmem>>)
      %dma_wait3A_1398 = arith.constant 2 : i32
      %dma_wait3A_1399 = arith.constant 0 : i32
      %dma_wait3A_1400 = arith.constant 0 : i32
      %dma_wait3A_1401 = tpu.memref_slice %arg16[%dma_wait3A_1398, %dma_wait3A_1399, %dma_wait3A_1400] : memref<8x16x128xf32, #tpu.memory_space<vmem>> -> memref<1x16x128xf32, #tpu.memory_space<vmem>>
      %dma_wait3A_1402 = tpu.memref_squeeze %dma_wait3A_1401 : memref<1x16x128xf32, #tpu.memory_space<vmem>> -> memref<16x128xf32, #tpu.memory_space<vmem>>
      %dma_wait3A_1403 = arith.constant 0 : i32
      %dma_wait3A_1404 = arith.constant 0 : i32
      %dma_wait3A_1405 = tpu.memref_slice %arg7[%dma_wait3A_1403, %dma_wait3A_1404] : memref<16x1000000xf32, #tpu.memory_space<hbm>> -> memref<16x128xf32, #tpu.memory_space<hbm>>
      %dma_wait3A_1406 = arith.constant 0 : i32
      %dma_wait3A_1407 = arith.constant 0 : i32
      %dma_wait3A_1408 = tpu.memref_slice %arg16[%dma_wait3A_1398, %dma_wait3A_1406, %dma_wait3A_1407] : memref<8x16x128xf32, #tpu.memory_space<vmem>> -> memref<1x16x128xf32, #tpu.memory_space<vmem>>
      %dma_wait3A_1409 = tpu.memref_squeeze %dma_wait3A_1408 : memref<1x16x128xf32, #tpu.memory_space<vmem>> -> memref<16x128xf32, #tpu.memory_space<vmem>>
      %dma_wait3A_1410 = arith.constant 0 : i32
      %dma_wait3A_1411 = arith.constant 0 : i32
      %dma_wait3A_1412 = tpu.memref_slice %arg7[%dma_wait3A_1410, %dma_wait3A_1411] : memref<16x1000000xf32, #tpu.memory_space<hbm>> -> memref<16x128xf32, #tpu.memory_space<hbm>>
      tpu.wait_dma2 semaphore(%arg20 : memref<!tpu.dma_semaphore, #tpu.memory_space<semaphore_mem>>) src(%dma_wait3A_1412 : memref<16x128xf32, #tpu.memory_space<hbm>>) dst(%dma_wait3A_1409 : memref<16x128xf32, #tpu.memory_space<vmem>>)
      %dma_wait3A_1413 = arith.constant 3 : i32
      %dma_wait3A_1414 = arith.constant 0 : i32
      %dma_wait3A_1415 = arith.constant 0 : i32
      %dma_wait3A_1416 = tpu.memref_slice %arg13[%dma_wait3A_1413, %dma_wait3A_1414, %dma_wait3A_1415] : memref<8x32x128xf32, #tpu.memory_space<vmem>> -> memref<1x32x128xf32, #tpu.memory_space<vmem>>
      %dma_wait3A_1417 = tpu.memref_squeeze %dma_wait3A_1416 : memref<1x32x128xf32, #tpu.memory_space<vmem>> -> memref<32x128xf32, #tpu.memory_space<vmem>>
      %dma_wait3A_1418 = arith.constant 0 : i32
      %dma_wait3A_1419 = arith.constant 0 : i32
      %dma_wait3A_1420 = tpu.memref_slice %arg4[%dma_wait3A_1418, %dma_wait3A_1419] : memref<32x1000000xf32, #tpu.memory_space<hbm>> -> memref<32x128xf32, #tpu.memory_space<hbm>>
      %dma_wait3A_1421 = arith.constant 0 : i32
      %dma_wait3A_1422 = arith.constant 0 : i32
      %dma_wait3A_1423 = tpu.memref_slice %arg13[%dma_wait3A_1413, %dma_wait3A_1421, %dma_wait3A_1422] : memref<8x32x128xf32, #tpu.memory_space<vmem>> -> memref<1x32x128xf32, #tpu.memory_space<vmem>>
      %dma_wait3A_1424 = tpu.memref_squeeze %dma_wait3A_1423 : memref<1x32x128xf32, #tpu.memory_space<vmem>> -> memref<32x128xf32, #tpu.memory_space<vmem>>
      %dma_wait3A_1425 = arith.constant 0 : i32
      %dma_wait3A_1426 = arith.constant 0 : i32
      %dma_wait3A_1427 = tpu.memref_slice %arg4[%dma_wait3A_1425, %dma_wait3A_1426] : memref<32x1000000xf32, #tpu.memory_space<hbm>> -> memref<32x128xf32, #tpu.memory_space<hbm>>
      tpu.wait_dma2 semaphore(%arg20 : memref<!tpu.dma_semaphore, #tpu.memory_space<semaphore_mem>>) src(%dma_wait3A_1427 : memref<32x128xf32, #tpu.memory_space<hbm>>) dst(%dma_wait3A_1424 : memref<32x128xf32, #tpu.memory_space<vmem>>)
      %dma_wait3A_1428 = arith.constant 3 : i32
      %dma_wait3A_1429 = arith.constant 0 : i32
      %dma_wait3A_1430 = arith.constant 0 : i32
      %dma_wait3A_1431 = tpu.memref_slice %arg14[%dma_wait3A_1428, %dma_wait3A_1429, %dma_wait3A_1430] : memref<8x32x128xf32, #tpu.memory_space<vmem>> -> memref<1x32x128xf32, #tpu.memory_space<vmem>>
      %dma_wait3A_1432 = tpu.memref_squeeze %dma_wait3A_1431 : memref<1x32x128xf32, #tpu.memory_space<vmem>> -> memref<32x128xf32, #tpu.memory_space<vmem>>
      %dma_wait3A_1433 = arith.constant 0 : i32
      %dma_wait3A_1434 = arith.constant 0 : i32
      %dma_wait3A_1435 = tpu.memref_slice %arg5[%dma_wait3A_1433, %dma_wait3A_1434] : memref<32x1000000xf32, #tpu.memory_space<hbm>> -> memref<32x128xf32, #tpu.memory_space<hbm>>
      %dma_wait3A_1436 = arith.constant 0 : i32
      %dma_wait3A_1437 = arith.constant 0 : i32
      %dma_wait3A_1438 = tpu.memref_slice %arg14[%dma_wait3A_1428, %dma_wait3A_1436, %dma_wait3A_1437] : memref<8x32x128xf32, #tpu.memory_space<vmem>> -> memref<1x32x128xf32, #tpu.memory_space<vmem>>
      %dma_wait3A_1439 = tpu.memref_squeeze %dma_wait3A_1438 : memref<1x32x128xf32, #tpu.memory_space<vmem>> -> memref<32x128xf32, #tpu.memory_space<vmem>>
      %dma_wait3A_1440 = arith.constant 0 : i32
      %dma_wait3A_1441 = arith.constant 0 : i32
      %dma_wait3A_1442 = tpu.memref_slice %arg5[%dma_wait3A_1440, %dma_wait3A_1441] : memref<32x1000000xf32, #tpu.memory_space<hbm>> -> memref<32x128xf32, #tpu.memory_space<hbm>>
      tpu.wait_dma2 semaphore(%arg20 : memref<!tpu.dma_semaphore, #tpu.memory_space<semaphore_mem>>) src(%dma_wait3A_1442 : memref<32x128xf32, #tpu.memory_space<hbm>>) dst(%dma_wait3A_1439 : memref<32x128xf32, #tpu.memory_space<vmem>>)
      %dma_wait3A_1443 = arith.constant 3 : i32
      %dma_wait3A_1444 = arith.constant 0 : i32
      %dma_wait3A_1445 = arith.constant 0 : i32
      %dma_wait3A_1446 = tpu.memref_slice %arg15[%dma_wait3A_1443, %dma_wait3A_1444, %dma_wait3A_1445] : memref<8x16x128xf32, #tpu.memory_space<vmem>> -> memref<1x16x128xf32, #tpu.memory_space<vmem>>
      %dma_wait3A_1447 = tpu.memref_squeeze %dma_wait3A_1446 : memref<1x16x128xf32, #tpu.memory_space<vmem>> -> memref<16x128xf32, #tpu.memory_space<vmem>>
      %dma_wait3A_1448 = arith.constant 0 : i32
      %dma_wait3A_1449 = arith.constant 0 : i32
      %dma_wait3A_1450 = tpu.memref_slice %arg6[%dma_wait3A_1448, %dma_wait3A_1449] : memref<16x1000000xf32, #tpu.memory_space<hbm>> -> memref<16x128xf32, #tpu.memory_space<hbm>>
      %dma_wait3A_1451 = arith.constant 0 : i32
      %dma_wait3A_1452 = arith.constant 0 : i32
      %dma_wait3A_1453 = tpu.memref_slice %arg15[%dma_wait3A_1443, %dma_wait3A_1451, %dma_wait3A_1452] : memref<8x16x128xf32, #tpu.memory_space<vmem>> -> memref<1x16x128xf32, #tpu.memory_space<vmem>>
      %dma_wait3A_1454 = tpu.memref_squeeze %dma_wait3A_1453 : memref<1x16x128xf32, #tpu.memory_space<vmem>> -> memref<16x128xf32, #tpu.memory_space<vmem>>
      %dma_wait3A_1455 = arith.constant 0 : i32
      %dma_wait3A_1456 = arith.constant 0 : i32
      %dma_wait3A_1457 = tpu.memref_slice %arg6[%dma_wait3A_1455, %dma_wait3A_1456] : memref<16x1000000xf32, #tpu.memory_space<hbm>> -> memref<16x128xf32, #tpu.memory_space<hbm>>
      tpu.wait_dma2 semaphore(%arg20 : memref<!tpu.dma_semaphore, #tpu.memory_space<semaphore_mem>>) src(%dma_wait3A_1457 : memref<16x128xf32, #tpu.memory_space<hbm>>) dst(%dma_wait3A_1454 : memref<16x128xf32, #tpu.memory_space<vmem>>)
      %dma_wait3A_1458 = arith.constant 3 : i32
      %dma_wait3A_1459 = arith.constant 0 : i32
      %dma_wait3A_1460 = arith.constant 0 : i32
      %dma_wait3A_1461 = tpu.memref_slice %arg16[%dma_wait3A_1458, %dma_wait3A_1459, %dma_wait3A_1460] : memref<8x16x128xf32, #tpu.memory_space<vmem>> -> memref<1x16x128xf32, #tpu.memory_space<vmem>>
      %dma_wait3A_1462 = tpu.memref_squeeze %dma_wait3A_1461 : memref<1x16x128xf32, #tpu.memory_space<vmem>> -> memref<16x128xf32, #tpu.memory_space<vmem>>
      %dma_wait3A_1463 = arith.constant 0 : i32
      %dma_wait3A_1464 = arith.constant 0 : i32
      %dma_wait3A_1465 = tpu.memref_slice %arg7[%dma_wait3A_1463, %dma_wait3A_1464] : memref<16x1000000xf32, #tpu.memory_space<hbm>> -> memref<16x128xf32, #tpu.memory_space<hbm>>
      %dma_wait3A_1466 = arith.constant 0 : i32
      %dma_wait3A_1467 = arith.constant 0 : i32
      %dma_wait3A_1468 = tpu.memref_slice %arg16[%dma_wait3A_1458, %dma_wait3A_1466, %dma_wait3A_1467] : memref<8x16x128xf32, #tpu.memory_space<vmem>> -> memref<1x16x128xf32, #tpu.memory_space<vmem>>
      %dma_wait3A_1469 = tpu.memref_squeeze %dma_wait3A_1468 : memref<1x16x128xf32, #tpu.memory_space<vmem>> -> memref<16x128xf32, #tpu.memory_space<vmem>>
      %dma_wait3A_1470 = arith.constant 0 : i32
      %dma_wait3A_1471 = arith.constant 0 : i32
      %dma_wait3A_1472 = tpu.memref_slice %arg7[%dma_wait3A_1470, %dma_wait3A_1471] : memref<16x1000000xf32, #tpu.memory_space<hbm>> -> memref<16x128xf32, #tpu.memory_space<hbm>>
      tpu.wait_dma2 semaphore(%arg20 : memref<!tpu.dma_semaphore, #tpu.memory_space<semaphore_mem>>) src(%dma_wait3A_1472 : memref<16x128xf32, #tpu.memory_space<hbm>>) dst(%dma_wait3A_1469 : memref<16x128xf32, #tpu.memory_space<vmem>>)
      %jit3A_1473 = arith.constant 4 : i32
      %div3A_1474 = arith.divsi %mul3A_524, %jit3A_1473 : i32
      %sign3A_1475 = arith.constant 0 : i32
      %sign3A_1476 = arith.cmpi sgt, %mul3A_524, %sign3A_1475 : i32
      %sign3A_1477 = arith.extui %sign3A_1476 : i1 to i32
      %sign3A_1478 = arith.constant 0 : i32
      %sign3A_1479 = arith.cmpi slt, %mul3A_524, %sign3A_1478 : i32
      %sign3A_1480 = arith.extui %sign3A_1479 : i1 to i32
      %sign3A_1481 = arith.subi %sign3A_1477, %sign3A_1480 : i32
      %sign3A_1482 = arith.constant 0 : i32
      %sign3A_1483 = arith.cmpi sgt, %jit3A_1473, %sign3A_1482 : i32
      %sign3A_1484 = arith.extui %sign3A_1483 : i1 to i32
      %sign3A_1485 = arith.constant 0 : i32
      %sign3A_1486 = arith.cmpi slt, %jit3A_1473, %sign3A_1485 : i32
      %sign3A_1487 = arith.extui %sign3A_1486 : i1 to i32
      %sign3A_1488 = arith.subi %sign3A_1484, %sign3A_1487 : i32
      %ne3A_1489 = arith.cmpi ne, %sign3A_1481, %sign3A_1488 : i32
      %rem3A_1490 = arith.remsi %mul3A_524, %jit3A_1473 : i32
      %ne3A_1491 = arith.constant 0 : i32
      %ne3A_1492 = arith.cmpi ne, %rem3A_1490, %ne3A_1491 : i32
      %and3A_1493 = arith.andi %ne3A_1489, %ne3A_1492 : i1
      %sub3A_1494 = arith.constant 1 : i32
      %sub3A_1495 = arith.subi %div3A_1474, %sub3A_1494 : i32
      %select_n3A_1496 = arith.select %and3A_1493, %sub3A_1495, %div3A_1474 : i32
      %mul3A_1497 = arith.constant 16 : i32
      %mul3A_1498 = arith.muli %select_n3A_1496, %mul3A_1497 : i32
      %multiple_of3A_1499 = tpu.assume_multiple %mul3A_1498, 16 : i32
      %jit3A_1500 = arith.constant 4 : i32
      %eq3A_1501 = arith.constant 0 : i32
      %eq3A_1502 = arith.cmpi eq, %jit3A_1500, %eq3A_1501 : i32
      %jit3A_1503 = arith.constant 1 : i32
      %select_n3A_1504 = arith.select %eq3A_1502, %jit3A_1503, %jit3A_1500 : i32
      %rem3A_1505 = arith.remsi %mul3A_524, %select_n3A_1504 : i32
      %ne3A_1506 = arith.constant 0 : i32
      %ne3A_1507 = arith.cmpi ne, %rem3A_1505, %ne3A_1506 : i32
      %lt3A_1508 = arith.constant 0 : i32
      %lt3A_1509 = arith.cmpi slt, %rem3A_1505, %lt3A_1508 : i32
      %lt3A_1510 = arith.constant 0 : i32
      %lt3A_1511 = arith.cmpi slt, %select_n3A_1504, %lt3A_1510 : i32
      %ne3A_1512 = arith.xori %lt3A_1509, %lt3A_1511 : i1
      %and3A_1513 = arith.andi %ne3A_1512, %ne3A_1507 : i1
      %add3A_1514 = arith.addi %rem3A_1505, %select_n3A_1504 : i32
      %select_n3A_1515 = arith.select %and3A_1513, %add3A_1514, %rem3A_1505 : i32
      %mul3A_1516 = arith.constant 4 : i32
      %mul3A_1517 = arith.muli %select_n3A_1515, %mul3A_1516 : i32
      %get3A_1518 = arith.index_cast %multiple_of3A_1499 : i32 to index
      %get3A_1519 = tpu.vector_load %arg11[%get3A_1518] {strides = array<i32>} : memref<512xi32, #tpu.memory_space<vmem>>, vector<16xi32>,
      %get3A_1520 = arith.index_cast %multiple_of3A_1499 : i32 to index
      %get3A_1521 = tpu.vector_load %arg12[%get3A_1520] {strides = array<i32>} : memref<512xi32, #tpu.memory_space<vmem>>, vector<16xi32>,
      %add3A_1522 = arith.constant 0 : i32
      %add3A_1523 = arith.addi %mul3A_1517, %add3A_1522 : i32
      %eq3A_1524 = vector.broadcast %add3A_1523 : i32 to vector<16xi32>
      %eq3A_1525 = arith.cmpi eq, %iota3A, %eq3A_1524 : vector<16xi32>
      %jit3A_1526 = arith.constant 0 : i32
      %broadcast_in_dim3A_1527 = vector.broadcast %jit3A_1526 : i32 to vector<16xi32>
      %select_n3A_1528 = arith.select %eq3A_1525, %get3A_1519, %broadcast_in_dim3A_1527 : vector<16xi1>, vector<16xi32>
      %reduce_sum3A_1529 = arith.constant true
      %reduce_sum3A_1530 = vector.broadcast %reduce_sum3A_1529 : i1 to vector<16xi1>
      %reduce_sum3A_1531 = tpu.scan <sum>, %select_n3A_1528 masked %reduce_sum3A_1530 : vector<16xi32>, vector<16xi1> -> vector<16xi32>
      %reduce_sum3A_1532 = vector.extract %reduce_sum3A_1531[15] : i32 from vector<16xi32>
      %add3A_1533 = arith.constant 0 : i32
      %add3A_1534 = arith.addi %mul3A_1517, %add3A_1533 : i32
      %eq3A_1535 = vector.broadcast %add3A_1534 : i32 to vector<16xi32>
      %eq3A_1536 = arith.cmpi eq, %iota3A, %eq3A_1535 : vector<16xi32>
      %jit3A_1537 = arith.constant 0 : i32
      %broadcast_in_dim3A_1538 = vector.broadcast %jit3A_1537 : i32 to vector<16xi32>
      %select_n3A_1539 = arith.select %eq3A_1536, %get3A_1521, %broadcast_in_dim3A_1538 : vector<16xi1>, vector<16xi32>
      %reduce_sum3A_1540 = arith.constant true
      %reduce_sum3A_1541 = vector.broadcast %reduce_sum3A_1540 : i1 to vector<16xi1>
      %reduce_sum3A_1542 = tpu.scan <sum>, %select_n3A_1539 masked %reduce_sum3A_1541 : vector<16xi32>, vector<16xi1> -> vector<16xi32>
      %reduce_sum3A_1543 = vector.extract %reduce_sum3A_1542[15] : i32 from vector<16xi32>
      %jit3A_1544 = arith.constant 128 : i32
      %eq3A_1545 = arith.constant 0 : i32
      %eq3A_1546 = arith.cmpi eq, %jit3A_1544, %eq3A_1545 : i32
      %jit3A_1547 = arith.constant 1 : i32
      %select_n3A_1548 = arith.select %eq3A_1546, %jit3A_1547, %jit3A_1544 : i32
      %rem3A_1549 = arith.remsi %reduce_sum3A_1532, %select_n3A_1548 : i32
      %ne3A_1550 = arith.constant 0 : i32
      %ne3A_1551 = arith.cmpi ne, %rem3A_1549, %ne3A_1550 : i32
      %lt3A_1552 = arith.constant 0 : i32
      %lt3A_1553 = arith.cmpi slt, %rem3A_1549, %lt3A_1552 : i32
      %lt3A_1554 = arith.constant 0 : i32
      %lt3A_1555 = arith.cmpi slt, %select_n3A_1548, %lt3A_1554 : i32
      %ne3A_1556 = arith.xori %lt3A_1553, %lt3A_1555 : i1
      %and3A_1557 = arith.andi %ne3A_1556, %ne3A_1551 : i1
      %add3A_1558 = arith.addi %rem3A_1549, %select_n3A_1548 : i32
      %select_n3A_1559 = arith.select %and3A_1557, %add3A_1558, %rem3A_1549 : i32
      %broadcast_in_dim3A_1560 = vector.broadcast %select_n3A_1559 : i32 to vector<16xi32>
      %jit3A_1561 = arith.constant 128 : i32
      %eq3A_1562 = arith.constant 0 : i32
      %eq3A_1563 = arith.cmpi eq, %jit3A_1561, %eq3A_1562 : i32
      %jit3A_1564 = arith.constant 1 : i32
      %select_n3A_1565 = arith.select %eq3A_1563, %jit3A_1564, %jit3A_1561 : i32
      %rem3A_1566 = arith.remsi %reduce_sum3A_1543, %select_n3A_1565 : i32
      %ne3A_1567 = arith.constant 0 : i32
      %ne3A_1568 = arith.cmpi ne, %rem3A_1566, %ne3A_1567 : i32
      %lt3A_1569 = arith.constant 0 : i32
      %lt3A_1570 = arith.cmpi slt, %rem3A_1566, %lt3A_1569 : i32
      %lt3A_1571 = arith.constant 0 : i32
      %lt3A_1572 = arith.cmpi slt, %select_n3A_1565, %lt3A_1571 : i32
      %ne3A_1573 = arith.xori %lt3A_1570, %lt3A_1572 : i1
      %and3A_1574 = arith.andi %ne3A_1573, %ne3A_1568 : i1
      %add3A_1575 = arith.addi %rem3A_1566, %select_n3A_1565 : i32
      %select_n3A_1576 = arith.select %and3A_1574, %add3A_1575, %rem3A_1566 : i32
      %broadcast_in_dim3A_1577 = vector.broadcast %select_n3A_1576 : i32 to vector<16xi32>
      %broadcast_in_dim3A_1578 = arith.constant 0 : i32
      %broadcast_in_dim3A_1579 = vector.broadcast %broadcast_in_dim3A_1578 : i32 to vector<16xi32>
      %add3A_1580 = arith.constant 0 : i32
      %add3A_1581 = vector.broadcast %add3A_1580 : i32 to vector<16xi32>
      %add3A_1582 = arith.addi %add3A_1581, %iota3A : vector<16xi32>
      %gather3A = tpu.vector_load_idx %arg13[%broadcast_in_dim3A_1579, %add3A_1582, %broadcast_in_dim3A_1560] : memref<8x32x128xf32, #tpu.memory_space<vmem>>[vector<16xi32>, vector<16xi32>, vector<16xi32>], vector<16xf32>,
      %gather3A_1583 = tpu.vector_load_idx %arg14[%broadcast_in_dim3A_1579, %add3A_1582, %broadcast_in_dim3A_1577] : memref<8x32x128xf32, #tpu.memory_space<vmem>>[vector<16xi32>, vector<16xi32>, vector<16xi32>], vector<16xf32>,
      %mul3A_1584 = arith.mulf %gather3A, %gather3A_1583 : vector<16xf32>
      %swap3A = arith.constant 0 : i32
      %swap3A_1585 = arith.index_cast %swap3A : i32 to index
      %swap3A_1586 = arith.constant 0 : index
      %swap3A_1587 = tpu.vector_load %arg17[%swap3A_1585, %swap3A_1586] {strides = array<i32>} : memref<8x32xf32, #tpu.memory_space<vmem>>, vector<16xf32>,
      tpu.vector_store %arg17[%swap3A_1585, %swap3A_1586], %mul3A_1584 {strides = array<i32>} : memref<8x32xf32, #tpu.memory_space<vmem>>, vector<16xf32>,
      %add3A_1588 = arith.constant 16 : i32
      %add3A_1589 = vector.broadcast %add3A_1588 : i32 to vector<16xi32>
      %add3A_1590 = arith.addi %add3A_1589, %iota3A : vector<16xi32>
      %gather3A_1591 = tpu.vector_load_idx %arg13[%broadcast_in_dim3A_1579, %add3A_1590, %broadcast_in_dim3A_1560] : memref<8x32x128xf32, #tpu.memory_space<vmem>>[vector<16xi32>, vector<16xi32>, vector<16xi32>], vector<16xf32>,
      %gather3A_1592 = tpu.vector_load_idx %arg14[%broadcast_in_dim3A_1579, %add3A_1590, %broadcast_in_dim3A_1577] : memref<8x32x128xf32, #tpu.memory_space<vmem>>[vector<16xi32>, vector<16xi32>, vector<16xi32>], vector<16xf32>,
      %mul3A_1593 = arith.mulf %gather3A_1591, %gather3A_1592 : vector<16xf32>
      %swap3A_1594 = arith.constant 0 : i32
      %swap3A_1595 = arith.index_cast %swap3A_1594 : i32 to index
      %swap3A_1596 = arith.constant 16 : index
      %swap3A_1597 = tpu.vector_load %arg17[%swap3A_1595, %swap3A_1596] {strides = array<i32>} : memref<8x32xf32, #tpu.memory_space<vmem>>, vector<16xf32>,
      tpu.vector_store %arg17[%swap3A_1595, %swap3A_1596], %mul3A_1593 {strides = array<i32>} : memref<8x32xf32, #tpu.memory_space<vmem>>, vector<16xf32>,
      %gather3A_1598 = tpu.vector_load_idx %arg15[%broadcast_in_dim3A_1579, %iota3A, %broadcast_in_dim3A_1560] : memref<8x16x128xf32, #tpu.memory_space<vmem>>[vector<16xi32>, vector<16xi32>, vector<16xi32>], vector<16xf32>,
      %swap3A_1599 = arith.constant 0 : i32
      %swap3A_1600 = arith.index_cast %swap3A_1599 : i32 to index
      %swap3A_1601 = arith.constant 0 : index
      %swap3A_1602 = tpu.vector_load %arg18[%swap3A_1600, %swap3A_1601] {strides = array<i32>} : memref<8x16xf32, #tpu.memory_space<vmem>>, vector<16xf32>,
      tpu.vector_store %arg18[%swap3A_1600, %swap3A_1601], %gather3A_1598 {strides = array<i32>} : memref<8x16xf32, #tpu.memory_space<vmem>>, vector<16xf32>,
      %gather3A_1603 = tpu.vector_load_idx %arg16[%broadcast_in_dim3A_1579, %iota3A, %broadcast_in_dim3A_1577] : memref<8x16x128xf32, #tpu.memory_space<vmem>>[vector<16xi32>, vector<16xi32>, vector<16xi32>], vector<16xf32>,
      %swap3A_1604 = arith.constant 0 : i32
      %swap3A_1605 = arith.index_cast %swap3A_1604 : i32 to index
      %swap3A_1606 = arith.constant 0 : index
      %swap3A_1607 = tpu.vector_load %arg19[%swap3A_1605, %swap3A_1606] {strides = array<i32>} : memref<8x16xf32, #tpu.memory_space<vmem>>, vector<16xf32>,
      tpu.vector_store %arg19[%swap3A_1605, %swap3A_1606], %gather3A_1603 {strides = array<i32>} : memref<8x16xf32, #tpu.memory_space<vmem>>, vector<16xf32>,
      %jit3A_1608 = arith.constant 4 : i32
      %div3A_1609 = arith.divsi %mul3A_524, %jit3A_1608 : i32
      %sign3A_1610 = arith.constant 0 : i32
      %sign3A_1611 = arith.cmpi sgt, %mul3A_524, %sign3A_1610 : i32
      %sign3A_1612 = arith.extui %sign3A_1611 : i1 to i32
      %sign3A_1613 = arith.constant 0 : i32
      %sign3A_1614 = arith.cmpi slt, %mul3A_524, %sign3A_1613 : i32
      %sign3A_1615 = arith.extui %sign3A_1614 : i1 to i32
      %sign3A_1616 = arith.subi %sign3A_1612, %sign3A_1615 : i32
      %sign3A_1617 = arith.constant 0 : i32
      %sign3A_1618 = arith.cmpi sgt, %jit3A_1608, %sign3A_1617 : i32
      %sign3A_1619 = arith.extui %sign3A_1618 : i1 to i32
      %sign3A_1620 = arith.constant 0 : i32
      %sign3A_1621 = arith.cmpi slt, %jit3A_1608, %sign3A_1620 : i32
      %sign3A_1622 = arith.extui %sign3A_1621 : i1 to i32
      %sign3A_1623 = arith.subi %sign3A_1619, %sign3A_1622 : i32
      %ne3A_1624 = arith.cmpi ne, %sign3A_1616, %sign3A_1623 : i32
      %rem3A_1625 = arith.remsi %mul3A_524, %jit3A_1608 : i32
      %ne3A_1626 = arith.constant 0 : i32
      %ne3A_1627 = arith.cmpi ne, %rem3A_1625, %ne3A_1626 : i32
      %and3A_1628 = arith.andi %ne3A_1624, %ne3A_1627 : i1
      %sub3A_1629 = arith.constant 1 : i32
      %sub3A_1630 = arith.subi %div3A_1609, %sub3A_1629 : i32
      %select_n3A_1631 = arith.select %and3A_1628, %sub3A_1630, %div3A_1609 : i32
      %mul3A_1632 = arith.constant 16 : i32
      %mul3A_1633 = arith.muli %select_n3A_1631, %mul3A_1632 : i32
      %multiple_of3A_1634 = tpu.assume_multiple %mul3A_1633, 16 : i32
      %jit3A_1635 = arith.constant 4 : i32
      %eq3A_1636 = arith.constant 0 : i32
      %eq3A_1637 = arith.cmpi eq, %jit3A_1635, %eq3A_1636 : i32
      %jit3A_1638 = arith.constant 1 : i32
      %select_n3A_1639 = arith.select %eq3A_1637, %jit3A_1638, %jit3A_1635 : i32
      %rem3A_1640 = arith.remsi %mul3A_524, %select_n3A_1639 : i32
      %ne3A_1641 = arith.constant 0 : i32
      %ne3A_1642 = arith.cmpi ne, %rem3A_1640, %ne3A_1641 : i32
      %lt3A_1643 = arith.constant 0 : i32
      %lt3A_1644 = arith.cmpi slt, %rem3A_1640, %lt3A_1643 : i32
      %lt3A_1645 = arith.constant 0 : i32
      %lt3A_1646 = arith.cmpi slt, %select_n3A_1639, %lt3A_1645 : i32
      %ne3A_1647 = arith.xori %lt3A_1644, %lt3A_1646 : i1
      %and3A_1648 = arith.andi %ne3A_1647, %ne3A_1642 : i1
      %add3A_1649 = arith.addi %rem3A_1640, %select_n3A_1639 : i32
      %select_n3A_1650 = arith.select %and3A_1648, %add3A_1649, %rem3A_1640 : i32
      %mul3A_1651 = arith.constant 4 : i32
      %mul3A_1652 = arith.muli %select_n3A_1650, %mul3A_1651 : i32
      %get3A_1653 = arith.index_cast %multiple_of3A_1634 : i32 to index
      %get3A_1654 = tpu.vector_load %arg11[%get3A_1653] {strides = array<i32>} : memref<512xi32, #tpu.memory_space<vmem>>, vector<16xi32>,
      %get3A_1655 = arith.index_cast %multiple_of3A_1634 : i32 to index
      %get3A_1656 = tpu.vector_load %arg12[%get3A_1655] {strides = array<i32>} : memref<512xi32, #tpu.memory_space<vmem>>, vector<16xi32>,
      %add3A_1657 = arith.constant 1 : i32
      %add3A_1658 = arith.addi %mul3A_1652, %add3A_1657 : i32
      %eq3A_1659 = vector.broadcast %add3A_1658 : i32 to vector<16xi32>
      %eq3A_1660 = arith.cmpi eq, %iota3A, %eq3A_1659 : vector<16xi32>
      %jit3A_1661 = arith.constant 0 : i32
      %broadcast_in_dim3A_1662 = vector.broadcast %jit3A_1661 : i32 to vector<16xi32>
      %select_n3A_1663 = arith.select %eq3A_1660, %get3A_1654, %broadcast_in_dim3A_1662 : vector<16xi1>, vector<16xi32>
      %reduce_sum3A_1664 = arith.constant true
      %reduce_sum3A_1665 = vector.broadcast %reduce_sum3A_1664 : i1 to vector<16xi1>
      %reduce_sum3A_1666 = tpu.scan <sum>, %select_n3A_1663 masked %reduce_sum3A_1665 : vector<16xi32>, vector<16xi1> -> vector<16xi32>
      %reduce_sum3A_1667 = vector.extract %reduce_sum3A_1666[15] : i32 from vector<16xi32>
      %add3A_1668 = arith.constant 1 : i32
      %add3A_1669 = arith.addi %mul3A_1652, %add3A_1668 : i32
      %eq3A_1670 = vector.broadcast %add3A_1669 : i32 to vector<16xi32>
      %eq3A_1671 = arith.cmpi eq, %iota3A, %eq3A_1670 : vector<16xi32>
      %jit3A_1672 = arith.constant 0 : i32
      %broadcast_in_dim3A_1673 = vector.broadcast %jit3A_1672 : i32 to vector<16xi32>
      %select_n3A_1674 = arith.select %eq3A_1671, %get3A_1656, %broadcast_in_dim3A_1673 : vector<16xi1>, vector<16xi32>
      %reduce_sum3A_1675 = arith.constant true
      %reduce_sum3A_1676 = vector.broadcast %reduce_sum3A_1675 : i1 to vector<16xi1>
      %reduce_sum3A_1677 = tpu.scan <sum>, %select_n3A_1674 masked %reduce_sum3A_1676 : vector<16xi32>, vector<16xi1> -> vector<16xi32>
      %reduce_sum3A_1678 = vector.extract %reduce_sum3A_1677[15] : i32 from vector<16xi32>
      %jit3A_1679 = arith.constant 128 : i32
      %eq3A_1680 = arith.constant 0 : i32
      %eq3A_1681 = arith.cmpi eq, %jit3A_1679, %eq3A_1680 : i32
      %jit3A_1682 = arith.constant 1 : i32
      %select_n3A_1683 = arith.select %eq3A_1681, %jit3A_1682, %jit3A_1679 : i32
      %rem3A_1684 = arith.remsi %reduce_sum3A_1667, %select_n3A_1683 : i32
      %ne3A_1685 = arith.constant 0 : i32
      %ne3A_1686 = arith.cmpi ne, %rem3A_1684, %ne3A_1685 : i32
      %lt3A_1687 = arith.constant 0 : i32
      %lt3A_1688 = arith.cmpi slt, %rem3A_1684, %lt3A_1687 : i32
      %lt3A_1689 = arith.constant 0 : i32
      %lt3A_1690 = arith.cmpi slt, %select_n3A_1683, %lt3A_1689 : i32
      %ne3A_1691 = arith.xori %lt3A_1688, %lt3A_1690 : i1
      %and3A_1692 = arith.andi %ne3A_1691, %ne3A_1686 : i1
      %add3A_1693 = arith.addi %rem3A_1684, %select_n3A_1683 : i32
      %select_n3A_1694 = arith.select %and3A_1692, %add3A_1693, %rem3A_1684 : i32
      %broadcast_in_dim3A_1695 = vector.broadcast %select_n3A_1694 : i32 to vector<16xi32>
      %jit3A_1696 = arith.constant 128 : i32
      %eq3A_1697 = arith.constant 0 : i32
      %eq3A_1698 = arith.cmpi eq, %jit3A_1696, %eq3A_1697 : i32
      %jit3A_1699 = arith.constant 1 : i32
      %select_n3A_1700 = arith.select %eq3A_1698, %jit3A_1699, %jit3A_1696 : i32
      %rem3A_1701 = arith.remsi %reduce_sum3A_1678, %select_n3A_1700 : i32
      %ne3A_1702 = arith.constant 0 : i32
      %ne3A_1703 = arith.cmpi ne, %rem3A_1701, %ne3A_1702 : i32
      %lt3A_1704 = arith.constant 0 : i32
      %lt3A_1705 = arith.cmpi slt, %rem3A_1701, %lt3A_1704 : i32
      %lt3A_1706 = arith.constant 0 : i32
      %lt3A_1707 = arith.cmpi slt, %select_n3A_1700, %lt3A_1706 : i32
      %ne3A_1708 = arith.xori %lt3A_1705, %lt3A_1707 : i1
      %and3A_1709 = arith.andi %ne3A_1708, %ne3A_1703 : i1
      %add3A_1710 = arith.addi %rem3A_1701, %select_n3A_1700 : i32
      %select_n3A_1711 = arith.select %and3A_1709, %add3A_1710, %rem3A_1701 : i32
      %broadcast_in_dim3A_1712 = vector.broadcast %select_n3A_1711 : i32 to vector<16xi32>
      %broadcast_in_dim3A_1713 = arith.constant 1 : i32
      %broadcast_in_dim3A_1714 = vector.broadcast %broadcast_in_dim3A_1713 : i32 to vector<16xi32>
      %add3A_1715 = arith.constant 0 : i32
      %add3A_1716 = vector.broadcast %add3A_1715 : i32 to vector<16xi32>
      %add3A_1717 = arith.addi %add3A_1716, %iota3A : vector<16xi32>
      %gather3A_1718 = tpu.vector_load_idx %arg13[%broadcast_in_dim3A_1714, %add3A_1717, %broadcast_in_dim3A_1695] : memref<8x32x128xf32, #tpu.memory_space<vmem>>[vector<16xi32>, vector<16xi32>, vector<16xi32>], vector<16xf32>,
      %gather3A_1719 = tpu.vector_load_idx %arg14[%broadcast_in_dim3A_1714, %add3A_1717, %broadcast_in_dim3A_1712] : memref<8x32x128xf32, #tpu.memory_space<vmem>>[vector<16xi32>, vector<16xi32>, vector<16xi32>], vector<16xf32>,
      %mul3A_1720 = arith.mulf %gather3A_1718, %gather3A_1719 : vector<16xf32>
      %swap3A_1721 = arith.constant 1 : i32
      %swap3A_1722 = arith.index_cast %swap3A_1721 : i32 to index
      %swap3A_1723 = arith.constant 0 : index
      %swap3A_1724 = tpu.vector_load %arg17[%swap3A_1722, %swap3A_1723] {strides = array<i32>} : memref<8x32xf32, #tpu.memory_space<vmem>>, vector<16xf32>,
      tpu.vector_store %arg17[%swap3A_1722, %swap3A_1723], %mul3A_1720 {strides = array<i32>} : memref<8x32xf32, #tpu.memory_space<vmem>>, vector<16xf32>,
      %add3A_1725 = arith.constant 16 : i32
      %add3A_1726 = vector.broadcast %add3A_1725 : i32 to vector<16xi32>
      %add3A_1727 = arith.addi %add3A_1726, %iota3A : vector<16xi32>
      %gather3A_1728 = tpu.vector_load_idx %arg13[%broadcast_in_dim3A_1714, %add3A_1727, %broadcast_in_dim3A_1695] : memref<8x32x128xf32, #tpu.memory_space<vmem>>[vector<16xi32>, vector<16xi32>, vector<16xi32>], vector<16xf32>,
      %gather3A_1729 = tpu.vector_load_idx %arg14[%broadcast_in_dim3A_1714, %add3A_1727, %broadcast_in_dim3A_1712] : memref<8x32x128xf32, #tpu.memory_space<vmem>>[vector<16xi32>, vector<16xi32>, vector<16xi32>], vector<16xf32>,
      %mul3A_1730 = arith.mulf %gather3A_1728, %gather3A_1729 : vector<16xf32>
      %swap3A_1731 = arith.constant 1 : i32
      %swap3A_1732 = arith.index_cast %swap3A_1731 : i32 to index
      %swap3A_1733 = arith.constant 16 : index
      %swap3A_1734 = tpu.vector_load %arg17[%swap3A_1732, %swap3A_1733] {strides = array<i32>} : memref<8x32xf32, #tpu.memory_space<vmem>>, vector<16xf32>,
      tpu.vector_store %arg17[%swap3A_1732, %swap3A_1733], %mul3A_1730 {strides = array<i32>} : memref<8x32xf32, #tpu.memory_space<vmem>>, vector<16xf32>,
      %gather3A_1735 = tpu.vector_load_idx %arg15[%broadcast_in_dim3A_1714, %iota3A, %broadcast_in_dim3A_1695] : memref<8x16x128xf32, #tpu.memory_space<vmem>>[vector<16xi32>, vector<16xi32>, vector<16xi32>], vector<16xf32>,
      %swap3A_1736 = arith.constant 1 : i32
      %swap3A_1737 = arith.index_cast %swap3A_1736 : i32 to index
      %swap3A_1738 = arith.constant 0 : index
      %swap3A_1739 = tpu.vector_load %arg18[%swap3A_1737, %swap3A_1738] {strides = array<i32>} : memref<8x16xf32, #tpu.memory_space<vmem>>, vector<16xf32>,
      tpu.vector_store %arg18[%swap3A_1737, %swap3A_1738], %gather3A_1735 {strides = array<i32>} : memref<8x16xf32, #tpu.memory_space<vmem>>, vector<16xf32>,
      %gather3A_1740 = tpu.vector_load_idx %arg16[%broadcast_in_dim3A_1714, %iota3A, %broadcast_in_dim3A_1712] : memref<8x16x128xf32, #tpu.memory_space<vmem>>[vector<16xi32>, vector<16xi32>, vector<16xi32>], vector<16xf32>,
      %swap3A_1741 = arith.constant 1 : i32
      %swap3A_1742 = arith.index_cast %swap3A_1741 : i32 to index
      %swap3A_1743 = arith.constant 0 : index
      %swap3A_1744 = tpu.vector_load %arg19[%swap3A_1742, %swap3A_1743] {strides = array<i32>} : memref<8x16xf32, #tpu.memory_space<vmem>>, vector<16xf32>,
      tpu.vector_store %arg19[%swap3A_1742, %swap3A_1743], %gather3A_1740 {strides = array<i32>} : memref<8x16xf32, #tpu.memory_space<vmem>>, vector<16xf32>,
      %jit3A_1745 = arith.constant 4 : i32
      %div3A_1746 = arith.divsi %mul3A_524, %jit3A_1745 : i32
      %sign3A_1747 = arith.constant 0 : i32
      %sign3A_1748 = arith.cmpi sgt, %mul3A_524, %sign3A_1747 : i32
      %sign3A_1749 = arith.extui %sign3A_1748 : i1 to i32
      %sign3A_1750 = arith.constant 0 : i32
      %sign3A_1751 = arith.cmpi slt, %mul3A_524, %sign3A_1750 : i32
      %sign3A_1752 = arith.extui %sign3A_1751 : i1 to i32
      %sign3A_1753 = arith.subi %sign3A_1749, %sign3A_1752 : i32
      %sign3A_1754 = arith.constant 0 : i32
      %sign3A_1755 = arith.cmpi sgt, %jit3A_1745, %sign3A_1754 : i32
      %sign3A_1756 = arith.extui %sign3A_1755 : i1 to i32
      %sign3A_1757 = arith.constant 0 : i32
      %sign3A_1758 = arith.cmpi slt, %jit3A_1745, %sign3A_1757 : i32
      %sign3A_1759 = arith.extui %sign3A_1758 : i1 to i32
      %sign3A_1760 = arith.subi %sign3A_1756, %sign3A_1759 : i32
      %ne3A_1761 = arith.cmpi ne, %sign3A_1753, %sign3A_1760 : i32
      %rem3A_1762 = arith.remsi %mul3A_524, %jit3A_1745 : i32
      %ne3A_1763 = arith.constant 0 : i32
      %ne3A_1764 = arith.cmpi ne, %rem3A_1762, %ne3A_1763 : i32
      %and3A_1765 = arith.andi %ne3A_1761, %ne3A_1764 : i1
      %sub3A_1766 = arith.constant 1 : i32
      %sub3A_1767 = arith.subi %div3A_1746, %sub3A_1766 : i32
      %select_n3A_1768 = arith.select %and3A_1765, %sub3A_1767, %div3A_1746 : i32
      %mul3A_1769 = arith.constant 16 : i32
      %mul3A_1770 = arith.muli %select_n3A_1768, %mul3A_1769 : i32
      %multiple_of3A_1771 = tpu.assume_multiple %mul3A_1770, 16 : i32
      %jit3A_1772 = arith.constant 4 : i32
      %eq3A_1773 = arith.constant 0 : i32
      %eq3A_1774 = arith.cmpi eq, %jit3A_1772, %eq3A_1773 : i32
      %jit3A_1775 = arith.constant 1 : i32
      %select_n3A_1776 = arith.select %eq3A_1774, %jit3A_1775, %jit3A_1772 : i32
      %rem3A_1777 = arith.remsi %mul3A_524, %select_n3A_1776 : i32
      %ne3A_1778 = arith.constant 0 : i32
      %ne3A_1779 = arith.cmpi ne, %rem3A_1777, %ne3A_1778 : i32
      %lt3A_1780 = arith.constant 0 : i32
      %lt3A_1781 = arith.cmpi slt, %rem3A_1777, %lt3A_1780 : i32
      %lt3A_1782 = arith.constant 0 : i32
      %lt3A_1783 = arith.cmpi slt, %select_n3A_1776, %lt3A_1782 : i32
      %ne3A_1784 = arith.xori %lt3A_1781, %lt3A_1783 : i1
      %and3A_1785 = arith.andi %ne3A_1784, %ne3A_1779 : i1
      %add3A_1786 = arith.addi %rem3A_1777, %select_n3A_1776 : i32
      %select_n3A_1787 = arith.select %and3A_1785, %add3A_1786, %rem3A_1777 : i32
      %mul3A_1788 = arith.constant 4 : i32
      %mul3A_1789 = arith.muli %select_n3A_1787, %mul3A_1788 : i32
      %get3A_1790 = arith.index_cast %multiple_of3A_1771 : i32 to index
      %get3A_1791 = tpu.vector_load %arg11[%get3A_1790] {strides = array<i32>} : memref<512xi32, #tpu.memory_space<vmem>>, vector<16xi32>,
      %get3A_1792 = arith.index_cast %multiple_of3A_1771 : i32 to index
      %get3A_1793 = tpu.vector_load %arg12[%get3A_1792] {strides = array<i32>} : memref<512xi32, #tpu.memory_space<vmem>>, vector<16xi32>,
      %add3A_1794 = arith.constant 2 : i32
      %add3A_1795 = arith.addi %mul3A_1789, %add3A_1794 : i32
      %eq3A_1796 = vector.broadcast %add3A_1795 : i32 to vector<16xi32>
      %eq3A_1797 = arith.cmpi eq, %iota3A, %eq3A_1796 : vector<16xi32>
      %jit3A_1798 = arith.constant 0 : i32
      %broadcast_in_dim3A_1799 = vector.broadcast %jit3A_1798 : i32 to vector<16xi32>
      %select_n3A_1800 = arith.select %eq3A_1797, %get3A_1791, %broadcast_in_dim3A_1799 : vector<16xi1>, vector<16xi32>
      %reduce_sum3A_1801 = arith.constant true
      %reduce_sum3A_1802 = vector.broadcast %reduce_sum3A_1801 : i1 to vector<16xi1>
      %reduce_sum3A_1803 = tpu.scan <sum>, %select_n3A_1800 masked %reduce_sum3A_1802 : vector<16xi32>, vector<16xi1> -> vector<16xi32>
      %reduce_sum3A_1804 = vector.extract %reduce_sum3A_1803[15] : i32 from vector<16xi32>
      %add3A_1805 = arith.constant 2 : i32
      %add3A_1806 = arith.addi %mul3A_1789, %add3A_1805 : i32
      %eq3A_1807 = vector.broadcast %add3A_1806 : i32 to vector<16xi32>
      %eq3A_1808 = arith.cmpi eq, %iota3A, %eq3A_1807 : vector<16xi32>
      %jit3A_1809 = arith.constant 0 : i32
      %broadcast_in_dim3A_1810 = vector.broadcast %jit3A_1809 : i32 to vector<16xi32>
      %select_n3A_1811 = arith.select %eq3A_1808, %get3A_1793, %broadcast_in_dim3A_1810 : vector<16xi1>, vector<16xi32>
      %reduce_sum3A_1812 = arith.constant true
      %reduce_sum3A_1813 = vector.broadcast %reduce_sum3A_1812 : i1 to vector<16xi1>
      %reduce_sum3A_1814 = tpu.scan <sum>, %select_n3A_1811 masked %reduce_sum3A_1813 : vector<16xi32>, vector<16xi1> -> vector<16xi32>
      %reduce_sum3A_1815 = vector.extract %reduce_sum3A_1814[15] : i32 from vector<16xi32>
      %jit3A_1816 = arith.constant 128 : i32
      %eq3A_1817 = arith.constant 0 : i32
      %eq3A_1818 = arith.cmpi eq, %jit3A_1816, %eq3A_1817 : i32
      %jit3A_1819 = arith.constant 1 : i32
      %select_n3A_1820 = arith.select %eq3A_1818, %jit3A_1819, %jit3A_1816 : i32
      %rem3A_1821 = arith.remsi %reduce_sum3A_1804, %select_n3A_1820 : i32
      %ne3A_1822 = arith.constant 0 : i32
      %ne3A_1823 = arith.cmpi ne, %rem3A_1821, %ne3A_1822 : i32
      %lt3A_1824 = arith.constant 0 : i32
      %lt3A_1825 = arith.cmpi slt, %rem3A_1821, %lt3A_1824 : i32
      %lt3A_1826 = arith.constant 0 : i32
      %lt3A_1827 = arith.cmpi slt, %select_n3A_1820, %lt3A_1826 : i32
      %ne3A_1828 = arith.xori %lt3A_1825, %lt3A_1827 : i1
      %and3A_1829 = arith.andi %ne3A_1828, %ne3A_1823 : i1
      %add3A_1830 = arith.addi %rem3A_1821, %select_n3A_1820 : i32
      %select_n3A_1831 = arith.select %and3A_1829, %add3A_1830, %rem3A_1821 : i32
      %broadcast_in_dim3A_1832 = vector.broadcast %select_n3A_1831 : i32 to vector<16xi32>
      %jit3A_1833 = arith.constant 128 : i32
      %eq3A_1834 = arith.constant 0 : i32
      %eq3A_1835 = arith.cmpi eq, %jit3A_1833, %eq3A_1834 : i32
      %jit3A_1836 = arith.constant 1 : i32
      %select_n3A_1837 = arith.select %eq3A_1835, %jit3A_1836, %jit3A_1833 : i32
      %rem3A_1838 = arith.remsi %reduce_sum3A_1815, %select_n3A_1837 : i32
      %ne3A_1839 = arith.constant 0 : i32
      %ne3A_1840 = arith.cmpi ne, %rem3A_1838, %ne3A_1839 : i32
      %lt3A_1841 = arith.constant 0 : i32
      %lt3A_1842 = arith.cmpi slt, %rem3A_1838, %lt3A_1841 : i32
      %lt3A_1843 = arith.constant 0 : i32
      %lt3A_1844 = arith.cmpi slt, %select_n3A_1837, %lt3A_1843 : i32
      %ne3A_1845 = arith.xori %lt3A_1842, %lt3A_1844 : i1
      %and3A_1846 = arith.andi %ne3A_1845, %ne3A_1840 : i1
      %add3A_1847 = arith.addi %rem3A_1838, %select_n3A_1837 : i32
      %select_n3A_1848 = arith.select %and3A_1846, %add3A_1847, %rem3A_1838 : i32
      %broadcast_in_dim3A_1849 = vector.broadcast %select_n3A_1848 : i32 to vector<16xi32>
      %broadcast_in_dim3A_1850 = arith.constant 2 : i32
      %broadcast_in_dim3A_1851 = vector.broadcast %broadcast_in_dim3A_1850 : i32 to vector<16xi32>
      %add3A_1852 = arith.constant 0 : i32
      %add3A_1853 = vector.broadcast %add3A_1852 : i32 to vector<16xi32>
      %add3A_1854 = arith.addi %add3A_1853, %iota3A : vector<16xi32>
      %gather3A_1855 = tpu.vector_load_idx %arg13[%broadcast_in_dim3A_1851, %add3A_1854, %broadcast_in_dim3A_1832] : memref<8x32x128xf32, #tpu.memory_space<vmem>>[vector<16xi32>, vector<16xi32>, vector<16xi32>], vector<16xf32>,
      %gather3A_1856 = tpu.vector_load_idx %arg14[%broadcast_in_dim3A_1851, %add3A_1854, %broadcast_in_dim3A_1849] : memref<8x32x128xf32, #tpu.memory_space<vmem>>[vector<16xi32>, vector<16xi32>, vector<16xi32>], vector<16xf32>,
      %mul3A_1857 = arith.mulf %gather3A_1855, %gather3A_1856 : vector<16xf32>
      %swap3A_1858 = arith.constant 2 : i32
      %swap3A_1859 = arith.index_cast %swap3A_1858 : i32 to index
      %swap3A_1860 = arith.constant 0 : index
      %swap3A_1861 = tpu.vector_load %arg17[%swap3A_1859, %swap3A_1860] {strides = array<i32>} : memref<8x32xf32, #tpu.memory_space<vmem>>, vector<16xf32>,
      tpu.vector_store %arg17[%swap3A_1859, %swap3A_1860], %mul3A_1857 {strides = array<i32>} : memref<8x32xf32, #tpu.memory_space<vmem>>, vector<16xf32>,
      %add3A_1862 = arith.constant 16 : i32
      %add3A_1863 = vector.broadcast %add3A_1862 : i32 to vector<16xi32>
      %add3A_1864 = arith.addi %add3A_1863, %iota3A : vector<16xi32>
      %gather3A_1865 = tpu.vector_load_idx %arg13[%broadcast_in_dim3A_1851, %add3A_1864, %broadcast_in_dim3A_1832] : memref<8x32x128xf32, #tpu.memory_space<vmem>>[vector<16xi32>, vector<16xi32>, vector<16xi32>], vector<16xf32>,
      %gather3A_1866 = tpu.vector_load_idx %arg14[%broadcast_in_dim3A_1851, %add3A_1864, %broadcast_in_dim3A_1849] : memref<8x32x128xf32, #tpu.memory_space<vmem>>[vector<16xi32>, vector<16xi32>, vector<16xi32>], vector<16xf32>,
      %mul3A_1867 = arith.mulf %gather3A_1865, %gather3A_1866 : vector<16xf32>
      %swap3A_1868 = arith.constant 2 : i32
      %swap3A_1869 = arith.index_cast %swap3A_1868 : i32 to index
      %swap3A_1870 = arith.constant 16 : index
      %swap3A_1871 = tpu.vector_load %arg17[%swap3A_1869, %swap3A_1870] {strides = array<i32>} : memref<8x32xf32, #tpu.memory_space<vmem>>, vector<16xf32>,
      tpu.vector_store %arg17[%swap3A_1869, %swap3A_1870], %mul3A_1867 {strides = array<i32>} : memref<8x32xf32, #tpu.memory_space<vmem>>, vector<16xf32>,
      %gather3A_1872 = tpu.vector_load_idx %arg15[%broadcast_in_dim3A_1851, %iota3A, %broadcast_in_dim3A_1832] : memref<8x16x128xf32, #tpu.memory_space<vmem>>[vector<16xi32>, vector<16xi32>, vector<16xi32>], vector<16xf32>,
      %swap3A_1873 = arith.constant 2 : i32
      %swap3A_1874 = arith.index_cast %swap3A_1873 : i32 to index
      %swap3A_1875 = arith.constant 0 : index
      %swap3A_1876 = tpu.vector_load %arg18[%swap3A_1874, %swap3A_1875] {strides = array<i32>} : memref<8x16xf32, #tpu.memory_space<vmem>>, vector<16xf32>,
      tpu.vector_store %arg18[%swap3A_1874, %swap3A_1875], %gather3A_1872 {strides = array<i32>} : memref<8x16xf32, #tpu.memory_space<vmem>>, vector<16xf32>,
      %gather3A_1877 = tpu.vector_load_idx %arg16[%broadcast_in_dim3A_1851, %iota3A, %broadcast_in_dim3A_1849] : memref<8x16x128xf32, #tpu.memory_space<vmem>>[vector<16xi32>, vector<16xi32>, vector<16xi32>], vector<16xf32>,
      %swap3A_1878 = arith.constant 2 : i32
      %swap3A_1879 = arith.index_cast %swap3A_1878 : i32 to index
      %swap3A_1880 = arith.constant 0 : index
      %swap3A_1881 = tpu.vector_load %arg19[%swap3A_1879, %swap3A_1880] {strides = array<i32>} : memref<8x16xf32, #tpu.memory_space<vmem>>, vector<16xf32>,
      tpu.vector_store %arg19[%swap3A_1879, %swap3A_1880], %gather3A_1877 {strides = array<i32>} : memref<8x16xf32, #tpu.memory_space<vmem>>, vector<16xf32>,
      %jit3A_1882 = arith.constant 4 : i32
      %div3A_1883 = arith.divsi %mul3A_524, %jit3A_1882 : i32
      %sign3A_1884 = arith.constant 0 : i32
      %sign3A_1885 = arith.cmpi sgt, %mul3A_524, %sign3A_1884 : i32
      %sign3A_1886 = arith.extui %sign3A_1885 : i1 to i32
      %sign3A_1887 = arith.constant 0 : i32
      %sign3A_1888 = arith.cmpi slt, %mul3A_524, %sign3A_1887 : i32
      %sign3A_1889 = arith.extui %sign3A_1888 : i1 to i32
      %sign3A_1890 = arith.subi %sign3A_1886, %sign3A_1889 : i32
      %sign3A_1891 = arith.constant 0 : i32
      %sign3A_1892 = arith.cmpi sgt, %jit3A_1882, %sign3A_1891 : i32
      %sign3A_1893 = arith.extui %sign3A_1892 : i1 to i32
      %sign3A_1894 = arith.constant 0 : i32
      %sign3A_1895 = arith.cmpi slt, %jit3A_1882, %sign3A_1894 : i32
      %sign3A_1896 = arith.extui %sign3A_1895 : i1 to i32
      %sign3A_1897 = arith.subi %sign3A_1893, %sign3A_1896 : i32
      %ne3A_1898 = arith.cmpi ne, %sign3A_1890, %sign3A_1897 : i32
      %rem3A_1899 = arith.remsi %mul3A_524, %jit3A_1882 : i32
      %ne3A_1900 = arith.constant 0 : i32
      %ne3A_1901 = arith.cmpi ne, %rem3A_1899, %ne3A_1900 : i32
      %and3A_1902 = arith.andi %ne3A_1898, %ne3A_1901 : i1
      %sub3A_1903 = arith.constant 1 : i32
      %sub3A_1904 = arith.subi %div3A_1883, %sub3A_1903 : i32
      %select_n3A_1905 = arith.select %and3A_1902, %sub3A_1904, %div3A_1883 : i32
      %mul3A_1906 = arith.constant 16 : i32
      %mul3A_1907 = arith.muli %select_n3A_1905, %mul3A_1906 : i32
      %multiple_of3A_1908 = tpu.assume_multiple %mul3A_1907, 16 : i32
      %jit3A_1909 = arith.constant 4 : i32
      %eq3A_1910 = arith.constant 0 : i32
      %eq3A_1911 = arith.cmpi eq, %jit3A_1909, %eq3A_1910 : i32
      %jit3A_1912 = arith.constant 1 : i32
      %select_n3A_1913 = arith.select %eq3A_1911, %jit3A_1912, %jit3A_1909 : i32
      %rem3A_1914 = arith.remsi %mul3A_524, %select_n3A_1913 : i32
      %ne3A_1915 = arith.constant 0 : i32
      %ne3A_1916 = arith.cmpi ne, %rem3A_1914, %ne3A_1915 : i32
      %lt3A_1917 = arith.constant 0 : i32
      %lt3A_1918 = arith.cmpi slt, %rem3A_1914, %lt3A_1917 : i32
      %lt3A_1919 = arith.constant 0 : i32
      %lt3A_1920 = arith.cmpi slt, %select_n3A_1913, %lt3A_1919 : i32
      %ne3A_1921 = arith.xori %lt3A_1918, %lt3A_1920 : i1
      %and3A_1922 = arith.andi %ne3A_1921, %ne3A_1916 : i1
      %add3A_1923 = arith.addi %rem3A_1914, %select_n3A_1913 : i32
      %select_n3A_1924 = arith.select %and3A_1922, %add3A_1923, %rem3A_1914 : i32
      %mul3A_1925 = arith.constant 4 : i32
      %mul3A_1926 = arith.muli %select_n3A_1924, %mul3A_1925 : i32
      %get3A_1927 = arith.index_cast %multiple_of3A_1908 : i32 to index
      %get3A_1928 = tpu.vector_load %arg11[%get3A_1927] {strides = array<i32>} : memref<512xi32, #tpu.memory_space<vmem>>, vector<16xi32>,
      %get3A_1929 = arith.index_cast %multiple_of3A_1908 : i32 to index
      %get3A_1930 = tpu.vector_load %arg12[%get3A_1929] {strides = array<i32>} : memref<512xi32, #tpu.memory_space<vmem>>, vector<16xi32>,
      %add3A_1931 = arith.constant 3 : i32
      %add3A_1932 = arith.addi %mul3A_1926, %add3A_1931 : i32
      %eq3A_1933 = vector.broadcast %add3A_1932 : i32 to vector<16xi32>
      %eq3A_1934 = arith.cmpi eq, %iota3A, %eq3A_1933 : vector<16xi32>
      %jit3A_1935 = arith.constant 0 : i32
      %broadcast_in_dim3A_1936 = vector.broadcast %jit3A_1935 : i32 to vector<16xi32>
      %select_n3A_1937 = arith.select %eq3A_1934, %get3A_1928, %broadcast_in_dim3A_1936 : vector<16xi1>, vector<16xi32>
      %reduce_sum3A_1938 = arith.constant true
      %reduce_sum3A_1939 = vector.broadcast %reduce_sum3A_1938 : i1 to vector<16xi1>
      %reduce_sum3A_1940 = tpu.scan <sum>, %select_n3A_1937 masked %reduce_sum3A_1939 : vector<16xi32>, vector<16xi1> -> vector<16xi32>
      %reduce_sum3A_1941 = vector.extract %reduce_sum3A_1940[15] : i32 from vector<16xi32>
      %add3A_1942 = arith.constant 3 : i32
      %add3A_1943 = arith.addi %mul3A_1926, %add3A_1942 : i32
      %eq3A_1944 = vector.broadcast %add3A_1943 : i32 to vector<16xi32>
      %eq3A_1945 = arith.cmpi eq, %iota3A, %eq3A_1944 : vector<16xi32>
      %jit3A_1946 = arith.constant 0 : i32
      %broadcast_in_dim3A_1947 = vector.broadcast %jit3A_1946 : i32 to vector<16xi32>
      %select_n3A_1948 = arith.select %eq3A_1945, %get3A_1930, %broadcast_in_dim3A_1947 : vector<16xi1>, vector<16xi32>
      %reduce_sum3A_1949 = arith.constant true
      %reduce_sum3A_1950 = vector.broadcast %reduce_sum3A_1949 : i1 to vector<16xi1>
      %reduce_sum3A_1951 = tpu.scan <sum>, %select_n3A_1948 masked %reduce_sum3A_1950 : vector<16xi32>, vector<16xi1> -> vector<16xi32>
      %reduce_sum3A_1952 = vector.extract %reduce_sum3A_1951[15] : i32 from vector<16xi32>
      %jit3A_1953 = arith.constant 128 : i32
      %eq3A_1954 = arith.constant 0 : i32
      %eq3A_1955 = arith.cmpi eq, %jit3A_1953, %eq3A_1954 : i32
      %jit3A_1956 = arith.constant 1 : i32
      %select_n3A_1957 = arith.select %eq3A_1955, %jit3A_1956, %jit3A_1953 : i32
      %rem3A_1958 = arith.remsi %reduce_sum3A_1941, %select_n3A_1957 : i32
      %ne3A_1959 = arith.constant 0 : i32
      %ne3A_1960 = arith.cmpi ne, %rem3A_1958, %ne3A_1959 : i32
      %lt3A_1961 = arith.constant 0 : i32
      %lt3A_1962 = arith.cmpi slt, %rem3A_1958, %lt3A_1961 : i32
      %lt3A_1963 = arith.constant 0 : i32
      %lt3A_1964 = arith.cmpi slt, %select_n3A_1957, %lt3A_1963 : i32
      %ne3A_1965 = arith.xori %lt3A_1962, %lt3A_1964 : i1
      %and3A_1966 = arith.andi %ne3A_1965, %ne3A_1960 : i1
      %add3A_1967 = arith.addi %rem3A_1958, %select_n3A_1957 : i32
      %select_n3A_1968 = arith.select %and3A_1966, %add3A_1967, %rem3A_1958 : i32
      %broadcast_in_dim3A_1969 = vector.broadcast %select_n3A_1968 : i32 to vector<16xi32>
      %jit3A_1970 = arith.constant 128 : i32
      %eq3A_1971 = arith.constant 0 : i32
      %eq3A_1972 = arith.cmpi eq, %jit3A_1970, %eq3A_1971 : i32
      %jit3A_1973 = arith.constant 1 : i32
      %select_n3A_1974 = arith.select %eq3A_1972, %jit3A_1973, %jit3A_1970 : i32
      %rem3A_1975 = arith.remsi %reduce_sum3A_1952, %select_n3A_1974 : i32
      %ne3A_1976 = arith.constant 0 : i32
      %ne3A_1977 = arith.cmpi ne, %rem3A_1975, %ne3A_1976 : i32
      %lt3A_1978 = arith.constant 0 : i32
      %lt3A_1979 = arith.cmpi slt, %rem3A_1975, %lt3A_1978 : i32
      %lt3A_1980 = arith.constant 0 : i32
      %lt3A_1981 = arith.cmpi slt, %select_n3A_1974, %lt3A_1980 : i32
      %ne3A_1982 = arith.xori %lt3A_1979, %lt3A_1981 : i1
      %and3A_1983 = arith.andi %ne3A_1982, %ne3A_1977 : i1
      %add3A_1984 = arith.addi %rem3A_1975, %select_n3A_1974 : i32
      %select_n3A_1985 = arith.select %and3A_1983, %add3A_1984, %rem3A_1975 : i32
      %broadcast_in_dim3A_1986 = vector.broadcast %select_n3A_1985 : i32 to vector<16xi32>
      %broadcast_in_dim3A_1987 = arith.constant 3 : i32
      %broadcast_in_dim3A_1988 = vector.broadcast %broadcast_in_dim3A_1987 : i32 to vector<16xi32>
      %add3A_1989 = arith.constant 0 : i32
      %add3A_1990 = vector.broadcast %add3A_1989 : i32 to vector<16xi32>
      %add3A_1991 = arith.addi %add3A_1990, %iota3A : vector<16xi32>
      %gather3A_1992 = tpu.vector_load_idx %arg13[%broadcast_in_dim3A_1988, %add3A_1991, %broadcast_in_dim3A_1969] : memref<8x32x128xf32, #tpu.memory_space<vmem>>[vector<16xi32>, vector<16xi32>, vector<16xi32>], vector<16xf32>,
      %gather3A_1993 = tpu.vector_load_idx %arg14[%broadcast_in_dim3A_1988, %add3A_1991, %broadcast_in_dim3A_1986] : memref<8x32x128xf32, #tpu.memory_space<vmem>>[vector<16xi32>, vector<16xi32>, vector<16xi32>], vector<16xf32>,
      %mul3A_1994 = arith.mulf %gather3A_1992, %gather3A_1993 : vector<16xf32>
      %swap3A_1995 = arith.constant 3 : i32
      %swap3A_1996 = arith.index_cast %swap3A_1995 : i32 to index
      %swap3A_1997 = arith.constant 0 : index
      %swap3A_1998 = tpu.vector_load %arg17[%swap3A_1996, %swap3A_1997] {strides = array<i32>} : memref<8x32xf32, #tpu.memory_space<vmem>>, vector<16xf32>,
      tpu.vector_store %arg17[%swap3A_1996, %swap3A_1997], %mul3A_1994 {strides = array<i32>} : memref<8x32xf32, #tpu.memory_space<vmem>>, vector<16xf32>,
      %add3A_1999 = arith.constant 16 : i32
      %add3A_2000 = vector.broadcast %add3A_1999 : i32 to vector<16xi32>
      %add3A_2001 = arith.addi %add3A_2000, %iota3A : vector<16xi32>
      %gather3A_2002 = tpu.vector_load_idx %arg13[%broadcast_in_dim3A_1988, %add3A_2001, %broadcast_in_dim3A_1969] : memref<8x32x128xf32, #tpu.memory_space<vmem>>[vector<16xi32>, vector<16xi32>, vector<16xi32>], vector<16xf32>,
      %gather3A_2003 = tpu.vector_load_idx %arg14[%broadcast_in_dim3A_1988, %add3A_2001, %broadcast_in_dim3A_1986] : memref<8x32x128xf32, #tpu.memory_space<vmem>>[vector<16xi32>, vector<16xi32>, vector<16xi32>], vector<16xf32>,
      %mul3A_2004 = arith.mulf %gather3A_2002, %gather3A_2003 : vector<16xf32>
      %swap3A_2005 = arith.constant 3 : i32
      %swap3A_2006 = arith.index_cast %swap3A_2005 : i32 to index
      %swap3A_2007 = arith.constant 16 : index
      %swap3A_2008 = tpu.vector_load %arg17[%swap3A_2006, %swap3A_2007] {strides = array<i32>} : memref<8x32xf32, #tpu.memory_space<vmem>>, vector<16xf32>,
      tpu.vector_store %arg17[%swap3A_2006, %swap3A_2007], %mul3A_2004 {strides = array<i32>} : memref<8x32xf32, #tpu.memory_space<vmem>>, vector<16xf32>,
      %gather3A_2009 = tpu.vector_load_idx %arg15[%broadcast_in_dim3A_1988, %iota3A, %broadcast_in_dim3A_1969] : memref<8x16x128xf32, #tpu.memory_space<vmem>>[vector<16xi32>, vector<16xi32>, vector<16xi32>], vector<16xf32>,
      %swap3A_2010 = arith.constant 3 : i32
      %swap3A_2011 = arith.index_cast %swap3A_2010 : i32 to index
      %swap3A_2012 = arith.constant 0 : index
      %swap3A_2013 = tpu.vector_load %arg18[%swap3A_2011, %swap3A_2012] {strides = array<i32>} : memref<8x16xf32, #tpu.memory_space<vmem>>, vector<16xf32>,
      tpu.vector_store %arg18[%swap3A_2011, %swap3A_2012], %gather3A_2009 {strides = array<i32>} : memref<8x16xf32, #tpu.memory_space<vmem>>, vector<16xf32>,
      %gather3A_2014 = tpu.vector_load_idx %arg16[%broadcast_in_dim3A_1988, %iota3A, %broadcast_in_dim3A_1986] : memref<8x16x128xf32, #tpu.memory_space<vmem>>[vector<16xi32>, vector<16xi32>, vector<16xi32>], vector<16xf32>,
      %swap3A_2015 = arith.constant 3 : i32
      %swap3A_2016 = arith.index_cast %swap3A_2015 : i32 to index
      %swap3A_2017 = arith.constant 0 : index
      %swap3A_2018 = tpu.vector_load %arg19[%swap3A_2016, %swap3A_2017] {strides = array<i32>} : memref<8x16xf32, #tpu.memory_space<vmem>>, vector<16xf32>,
      tpu.vector_store %arg19[%swap3A_2016, %swap3A_2017], %gather3A_2014 {strides = array<i32>} : memref<8x16xf32, #tpu.memory_space<vmem>>, vector<16xf32>,
      %add3A_2019 = arith.constant 2 : i32
      %add3A_2020 = arith.addi %mul3A_524, %add3A_2019 : i32
      %lt3A_2021 = arith.constant 128 : i32
      %lt3A_2022 = arith.cmpi slt, %add3A_2020, %lt3A_2021 : i32
      %convert_element_type3A = arith.extui %lt3A_2022 : i1 to i32
      %cond3A = arith.constant 0 : i32
      %cond3A_2023 = arith.cmpi ne, %convert_element_type3A, %cond3A : i32
      scf.if %cond3A_2023 {
        %add3A_2818 = arith.constant 2 : i32
        %add3A_2819 = arith.addi %mul3A_524, %add3A_2818 : i32
        %jit3A_2820 = arith.constant 4 : i32
        %div3A_2821 = arith.divsi %add3A_2819, %jit3A_2820 : i32
        %sign3A_2822 = arith.constant 0 : i32
        %sign3A_2823 = arith.cmpi sgt, %add3A_2819, %sign3A_2822 : i32
        %sign3A_2824 = arith.extui %sign3A_2823 : i1 to i32
        %sign3A_2825 = arith.constant 0 : i32
        %sign3A_2826 = arith.cmpi slt, %add3A_2819, %sign3A_2825 : i32
        %sign3A_2827 = arith.extui %sign3A_2826 : i1 to i32
        %sign3A_2828 = arith.subi %sign3A_2824, %sign3A_2827 : i32
        %sign3A_2829 = arith.constant 0 : i32
        %sign3A_2830 = arith.cmpi sgt, %jit3A_2820, %sign3A_2829 : i32
        %sign3A_2831 = arith.extui %sign3A_2830 : i1 to i32
        %sign3A_2832 = arith.constant 0 : i32
        %sign3A_2833 = arith.cmpi slt, %jit3A_2820, %sign3A_2832 : i32
        %sign3A_2834 = arith.extui %sign3A_2833 : i1 to i32
        %sign3A_2835 = arith.subi %sign3A_2831, %sign3A_2834 : i32
        %ne3A_2836 = arith.cmpi ne, %sign3A_2828, %sign3A_2835 : i32
        %rem3A_2837 = arith.remsi %add3A_2819, %jit3A_2820 : i32
        %ne3A_2838 = arith.constant 0 : i32
        %ne3A_2839 = arith.cmpi ne, %rem3A_2837, %ne3A_2838 : i32
        %and3A_2840 = arith.andi %ne3A_2836, %ne3A_2839 : i1
        %sub3A_2841 = arith.constant 1 : i32
        %sub3A_2842 = arith.subi %div3A_2821, %sub3A_2841 : i32
        %select_n3A_2843 = arith.select %and3A_2840, %sub3A_2842, %div3A_2821 : i32
        %mul3A_2844 = arith.constant 16 : i32
        %mul3A_2845 = arith.muli %select_n3A_2843, %mul3A_2844 : i32
        %multiple_of3A_2846 = tpu.assume_multiple %mul3A_2845, 16 : i32
        %jit3A_2847 = arith.constant 4 : i32
        %eq3A_2848 = arith.constant 0 : i32
        %eq3A_2849 = arith.cmpi eq, %jit3A_2847, %eq3A_2848 : i32
        %jit3A_2850 = arith.constant 1 : i32
        %select_n3A_2851 = arith.select %eq3A_2849, %jit3A_2850, %jit3A_2847 : i32
        %rem3A_2852 = arith.remsi %add3A_2819, %select_n3A_2851 : i32
        %ne3A_2853 = arith.constant 0 : i32
        %ne3A_2854 = arith.cmpi ne, %rem3A_2852, %ne3A_2853 : i32
        %lt3A_2855 = arith.constant 0 : i32
        %lt3A_2856 = arith.cmpi slt, %rem3A_2852, %lt3A_2855 : i32
        %lt3A_2857 = arith.constant 0 : i32
        %lt3A_2858 = arith.cmpi slt, %select_n3A_2851, %lt3A_2857 : i32
        %ne3A_2859 = arith.xori %lt3A_2856, %lt3A_2858 : i1
        %and3A_2860 = arith.andi %ne3A_2859, %ne3A_2854 : i1
        %add3A_2861 = arith.addi %rem3A_2852, %select_n3A_2851 : i32
        %select_n3A_2862 = arith.select %and3A_2860, %add3A_2861, %rem3A_2852 : i32
        %mul3A_2863 = arith.constant 4 : i32
        %mul3A_2864 = arith.muli %select_n3A_2862, %mul3A_2863 : i32
        %get3A_2865 = arith.index_cast %multiple_of3A_2846 : i32 to index
        %get3A_2866 = tpu.vector_load %arg11[%get3A_2865] {strides = array<i32>} : memref<512xi32, #tpu.memory_space<vmem>>, vector<16xi32>,
        %get3A_2867 = arith.index_cast %multiple_of3A_2846 : i32 to index
        %get3A_2868 = tpu.vector_load %arg12[%get3A_2867] {strides = array<i32>} : memref<512xi32, #tpu.memory_space<vmem>>, vector<16xi32>,
        %add3A_2869 = arith.constant 0 : i32
        %add3A_2870 = arith.addi %mul3A_2864, %add3A_2869 : i32
        %eq3A_2871 = vector.broadcast %add3A_2870 : i32 to vector<16xi32>
        %eq3A_2872 = arith.cmpi eq, %iota3A, %eq3A_2871 : vector<16xi32>
        %jit3A_2873 = arith.constant 0 : i32
        %broadcast_in_dim3A_2874 = vector.broadcast %jit3A_2873 : i32 to vector<16xi32>
        %select_n3A_2875 = arith.select %eq3A_2872, %get3A_2866, %broadcast_in_dim3A_2874 : vector<16xi1>, vector<16xi32>
        %reduce_sum3A_2876 = arith.constant true
        %reduce_sum3A_2877 = vector.broadcast %reduce_sum3A_2876 : i1 to vector<16xi1>
        %reduce_sum3A_2878 = tpu.scan <sum>, %select_n3A_2875 masked %reduce_sum3A_2877 : vector<16xi32>, vector<16xi1> -> vector<16xi32>
        %reduce_sum3A_2879 = vector.extract %reduce_sum3A_2878[15] : i32 from vector<16xi32>
        %add3A_2880 = arith.constant 0 : i32
        %add3A_2881 = arith.addi %mul3A_2864, %add3A_2880 : i32
        %eq3A_2882 = vector.broadcast %add3A_2881 : i32 to vector<16xi32>
        %eq3A_2883 = arith.cmpi eq, %iota3A, %eq3A_2882 : vector<16xi32>
        %jit3A_2884 = arith.constant 0 : i32
        %broadcast_in_dim3A_2885 = vector.broadcast %jit3A_2884 : i32 to vector<16xi32>
        %select_n3A_2886 = arith.select %eq3A_2883, %get3A_2868, %broadcast_in_dim3A_2885 : vector<16xi1>, vector<16xi32>
        %reduce_sum3A_2887 = arith.constant true
        %reduce_sum3A_2888 = vector.broadcast %reduce_sum3A_2887 : i1 to vector<16xi1>
        %reduce_sum3A_2889 = tpu.scan <sum>, %select_n3A_2886 masked %reduce_sum3A_2888 : vector<16xi32>, vector<16xi1> -> vector<16xi32>
        %reduce_sum3A_2890 = vector.extract %reduce_sum3A_2889[15] : i32 from vector<16xi32>
        %jit3A_2891 = arith.constant 128 : i32
        %div3A_2892 = arith.divsi %reduce_sum3A_2879, %jit3A_2891 : i32
        %sign3A_2893 = arith.constant 0 : i32
        %sign3A_2894 = arith.cmpi sgt, %reduce_sum3A_2879, %sign3A_2893 : i32
        %sign3A_2895 = arith.extui %sign3A_2894 : i1 to i32
        %sign3A_2896 = arith.constant 0 : i32
        %sign3A_2897 = arith.cmpi slt, %reduce_sum3A_2879, %sign3A_2896 : i32
        %sign3A_2898 = arith.extui %sign3A_2897 : i1 to i32
        %sign3A_2899 = arith.subi %sign3A_2895, %sign3A_2898 : i32
        %sign3A_2900 = arith.constant 0 : i32
        %sign3A_2901 = arith.cmpi sgt, %jit3A_2891, %sign3A_2900 : i32
        %sign3A_2902 = arith.extui %sign3A_2901 : i1 to i32
        %sign3A_2903 = arith.constant 0 : i32
        %sign3A_2904 = arith.cmpi slt, %jit3A_2891, %sign3A_2903 : i32
        %sign3A_2905 = arith.extui %sign3A_2904 : i1 to i32
        %sign3A_2906 = arith.subi %sign3A_2902, %sign3A_2905 : i32
        %ne3A_2907 = arith.cmpi ne, %sign3A_2899, %sign3A_2906 : i32
        %rem3A_2908 = arith.remsi %reduce_sum3A_2879, %jit3A_2891 : i32
        %ne3A_2909 = arith.constant 0 : i32
        %ne3A_2910 = arith.cmpi ne, %rem3A_2908, %ne3A_2909 : i32
        %and3A_2911 = arith.andi %ne3A_2907, %ne3A_2910 : i1
        %sub3A_2912 = arith.constant 1 : i32
        %sub3A_2913 = arith.subi %div3A_2892, %sub3A_2912 : i32
        %select_n3A_2914 = arith.select %and3A_2911, %sub3A_2913, %div3A_2892 : i32
        %mul3A_2915 = arith.constant 128 : i32
        %mul3A_2916 = arith.muli %select_n3A_2914, %mul3A_2915 : i32
        %multiple_of3A_2917 = tpu.assume_multiple %mul3A_2916, 128 : i32
        %jit3A_2918 = arith.constant 128 : i32
        %div3A_2919 = arith.divsi %reduce_sum3A_2890, %jit3A_2918 : i32
        %sign3A_2920 = arith.constant 0 : i32
        %sign3A_2921 = arith.cmpi sgt, %reduce_sum3A_2890, %sign3A_2920 : i32
        %sign3A_2922 = arith.extui %sign3A_2921 : i1 to i32
        %sign3A_2923 = arith.constant 0 : i32
        %sign3A_2924 = arith.cmpi slt, %reduce_sum3A_2890, %sign3A_2923 : i32
        %sign3A_2925 = arith.extui %sign3A_2924 : i1 to i32
        %sign3A_2926 = arith.subi %sign3A_2922, %sign3A_2925 : i32
        %sign3A_2927 = arith.constant 0 : i32
        %sign3A_2928 = arith.cmpi sgt, %jit3A_2918, %sign3A_2927 : i32
        %sign3A_2929 = arith.extui %sign3A_2928 : i1 to i32
        %sign3A_2930 = arith.constant 0 : i32
        %sign3A_2931 = arith.cmpi slt, %jit3A_2918, %sign3A_2930 : i32
        %sign3A_2932 = arith.extui %sign3A_2931 : i1 to i32
        %sign3A_2933 = arith.subi %sign3A_2929, %sign3A_2932 : i32
        %ne3A_2934 = arith.cmpi ne, %sign3A_2926, %sign3A_2933 : i32
        %rem3A_2935 = arith.remsi %reduce_sum3A_2890, %jit3A_2918 : i32
        %ne3A_2936 = arith.constant 0 : i32
        %ne3A_2937 = arith.cmpi ne, %rem3A_2935, %ne3A_2936 : i32
        %and3A_2938 = arith.andi %ne3A_2934, %ne3A_2937 : i1
        %sub3A_2939 = arith.constant 1 : i32
        %sub3A_2940 = arith.subi %div3A_2919, %sub3A_2939 : i32
        %select_n3A_2941 = arith.select %and3A_2938, %sub3A_2940, %div3A_2919 : i32
        %mul3A_2942 = arith.constant 128 : i32
        %mul3A_2943 = arith.muli %select_n3A_2941, %mul3A_2942 : i32
        %multiple_of3A_2944 = tpu.assume_multiple %mul3A_2943, 128 : i32
        %dma_start3A_2945 = arith.constant 0 : i32
        %dma_start3A_2946 = arith.constant 0 : i32
        %dma_start3A_2947 = arith.constant 0 : i32
        %dma_start3A_2948 = tpu.memref_slice %arg13[%dma_start3A_2945, %dma_start3A_2946, %dma_start3A_2947] : memref<8x32x128xf32, #tpu.memory_space<vmem>> -> memref<1x32x128xf32, #tpu.memory_space<vmem>>
        %dma_start3A_2949 = tpu.memref_squeeze %dma_start3A_2948 : memref<1x32x128xf32, #tpu.memory_space<vmem>> -> memref<32x128xf32, #tpu.memory_space<vmem>>
        %dma_start3A_2950 = arith.constant 0 : i32
        %dma_start3A_2951 = tpu.memref_slice %arg4[%dma_start3A_2950, %multiple_of3A_2917] : memref<32x1000000xf32, #tpu.memory_space<hbm>> -> memref<32x128xf32, #tpu.memory_space<hbm>>
        %dma_start3A_2952 = arith.constant 0 : i32
        %dma_start3A_2953 = arith.constant 0 : i32
        %dma_start3A_2954 = tpu.memref_slice %arg13[%dma_start3A_2945, %dma_start3A_2952, %dma_start3A_2953] : memref<8x32x128xf32, #tpu.memory_space<vmem>> -> memref<1x32x128xf32, #tpu.memory_space<vmem>>
        %dma_start3A_2955 = tpu.memref_squeeze %dma_start3A_2954 : memref<1x32x128xf32, #tpu.memory_space<vmem>> -> memref<32x128xf32, #tpu.memory_space<vmem>>
        %dma_start3A_2956 = arith.constant 0 : i32
        %dma_start3A_2957 = tpu.memref_slice %arg4[%dma_start3A_2956, %multiple_of3A_2917] : memref<32x1000000xf32, #tpu.memory_space<hbm>> -> memref<32x128xf32, #tpu.memory_space<hbm>>
        tpu.enqueue_dma source(%dma_start3A_2957 : memref<32x128xf32, #tpu.memory_space<hbm>>) target(%dma_start3A_2955 : memref<32x128xf32, #tpu.memory_space<vmem>>) target_semaphore(%arg20 : memref<!tpu.dma_semaphore, #tpu.memory_space<semaphore_mem>>)
        %dma_start3A_2958 = arith.constant 0 : i32
        %dma_start3A_2959 = arith.constant 0 : i32
        %dma_start3A_2960 = arith.constant 0 : i32
        %dma_start3A_2961 = tpu.memref_slice %arg14[%dma_start3A_2958, %dma_start3A_2959, %dma_start3A_2960] : memref<8x32x128xf32, #tpu.memory_space<vmem>> -> memref<1x32x128xf32, #tpu.memory_space<vmem>>
        %dma_start3A_2962 = tpu.memref_squeeze %dma_start3A_2961 : memref<1x32x128xf32, #tpu.memory_space<vmem>> -> memref<32x128xf32, #tpu.memory_space<vmem>>
        %dma_start3A_2963 = arith.constant 0 : i32
        %dma_start3A_2964 = tpu.memref_slice %arg5[%dma_start3A_2963, %multiple_of3A_2944] : memref<32x1000000xf32, #tpu.memory_space<hbm>> -> memref<32x128xf32, #tpu.memory_space<hbm>>
        %dma_start3A_2965 = arith.constant 0 : i32
        %dma_start3A_2966 = arith.constant 0 : i32
        %dma_start3A_2967 = tpu.memref_slice %arg14[%dma_start3A_2958, %dma_start3A_2965, %dma_start3A_2966] : memref<8x32x128xf32, #tpu.memory_space<vmem>> -> memref<1x32x128xf32, #tpu.memory_space<vmem>>
        %dma_start3A_2968 = tpu.memref_squeeze %dma_start3A_2967 : memref<1x32x128xf32, #tpu.memory_space<vmem>> -> memref<32x128xf32, #tpu.memory_space<vmem>>
        %dma_start3A_2969 = arith.constant 0 : i32
        %dma_start3A_2970 = tpu.memref_slice %arg5[%dma_start3A_2969, %multiple_of3A_2944] : memref<32x1000000xf32, #tpu.memory_space<hbm>> -> memref<32x128xf32, #tpu.memory_space<hbm>>
        tpu.enqueue_dma source(%dma_start3A_2970 : memref<32x128xf32, #tpu.memory_space<hbm>>) target(%dma_start3A_2968 : memref<32x128xf32, #tpu.memory_space<vmem>>) target_semaphore(%arg20 : memref<!tpu.dma_semaphore, #tpu.memory_space<semaphore_mem>>)
        %dma_start3A_2971 = arith.constant 0 : i32
        %dma_start3A_2972 = arith.constant 0 : i32
        %dma_start3A_2973 = arith.constant 0 : i32
        %dma_start3A_2974 = tpu.memref_slice %arg15[%dma_start3A_2971, %dma_start3A_2972, %dma_start3A_2973] : memref<8x16x128xf32, #tpu.memory_space<vmem>> -> memref<1x16x128xf32, #tpu.memory_space<vmem>>
        %dma_start3A_2975 = tpu.memref_squeeze %dma_start3A_2974 : memref<1x16x128xf32, #tpu.memory_space<vmem>> -> memref<16x128xf32, #tpu.memory_space<vmem>>
        %dma_start3A_2976 = arith.constant 0 : i32
        %dma_start3A_2977 = tpu.memref_slice %arg6[%dma_start3A_2976, %multiple_of3A_2917] : memref<16x1000000xf32, #tpu.memory_space<hbm>> -> memref<16x128xf32, #tpu.memory_space<hbm>>
        %dma_start3A_2978 = arith.constant 0 : i32
        %dma_start3A_2979 = arith.constant 0 : i32
        %dma_start3A_2980 = tpu.memref_slice %arg15[%dma_start3A_2971, %dma_start3A_2978, %dma_start3A_2979] : memref<8x16x128xf32, #tpu.memory_space<vmem>> -> memref<1x16x128xf32, #tpu.memory_space<vmem>>
        %dma_start3A_2981 = tpu.memref_squeeze %dma_start3A_2980 : memref<1x16x128xf32, #tpu.memory_space<vmem>> -> memref<16x128xf32, #tpu.memory_space<vmem>>
        %dma_start3A_2982 = arith.constant 0 : i32
        %dma_start3A_2983 = tpu.memref_slice %arg6[%dma_start3A_2982, %multiple_of3A_2917] : memref<16x1000000xf32, #tpu.memory_space<hbm>> -> memref<16x128xf32, #tpu.memory_space<hbm>>
        tpu.enqueue_dma source(%dma_start3A_2983 : memref<16x128xf32, #tpu.memory_space<hbm>>) target(%dma_start3A_2981 : memref<16x128xf32, #tpu.memory_space<vmem>>) target_semaphore(%arg20 : memref<!tpu.dma_semaphore, #tpu.memory_space<semaphore_mem>>)
        %dma_start3A_2984 = arith.constant 0 : i32
        %dma_start3A_2985 = arith.constant 0 : i32
        %dma_start3A_2986 = arith.constant 0 : i32
        %dma_start3A_2987 = tpu.memref_slice %arg16[%dma_start3A_2984, %dma_start3A_2985, %dma_start3A_2986] : memref<8x16x128xf32, #tpu.memory_space<vmem>> -> memref<1x16x128xf32, #tpu.memory_space<vmem>>
        %dma_start3A_2988 = tpu.memref_squeeze %dma_start3A_2987 : memref<1x16x128xf32, #tpu.memory_space<vmem>> -> memref<16x128xf32, #tpu.memory_space<vmem>>
        %dma_start3A_2989 = arith.constant 0 : i32
        %dma_start3A_2990 = tpu.memref_slice %arg7[%dma_start3A_2989, %multiple_of3A_2944] : memref<16x1000000xf32, #tpu.memory_space<hbm>> -> memref<16x128xf32, #tpu.memory_space<hbm>>
        %dma_start3A_2991 = arith.constant 0 : i32
        %dma_start3A_2992 = arith.constant 0 : i32
        %dma_start3A_2993 = tpu.memref_slice %arg16[%dma_start3A_2984, %dma_start3A_2991, %dma_start3A_2992] : memref<8x16x128xf32, #tpu.memory_space<vmem>> -> memref<1x16x128xf32, #tpu.memory_space<vmem>>
        %dma_start3A_2994 = tpu.memref_squeeze %dma_start3A_2993 : memref<1x16x128xf32, #tpu.memory_space<vmem>> -> memref<16x128xf32, #tpu.memory_space<vmem>>
        %dma_start3A_2995 = arith.constant 0 : i32
        %dma_start3A_2996 = tpu.memref_slice %arg7[%dma_start3A_2995, %multiple_of3A_2944] : memref<16x1000000xf32, #tpu.memory_space<hbm>> -> memref<16x128xf32, #tpu.memory_space<hbm>>
        tpu.enqueue_dma source(%dma_start3A_2996 : memref<16x128xf32, #tpu.memory_space<hbm>>) target(%dma_start3A_2994 : memref<16x128xf32, #tpu.memory_space<vmem>>) target_semaphore(%arg20 : memref<!tpu.dma_semaphore, #tpu.memory_space<semaphore_mem>>)
        %jit3A_2997 = arith.constant 4 : i32
        %div3A_2998 = arith.divsi %add3A_2819, %jit3A_2997 : i32
        %sign3A_2999 = arith.constant 0 : i32
        %sign3A_3000 = arith.cmpi sgt, %add3A_2819, %sign3A_2999 : i32
        %sign3A_3001 = arith.extui %sign3A_3000 : i1 to i32
        %sign3A_3002 = arith.constant 0 : i32
        %sign3A_3003 = arith.cmpi slt, %add3A_2819, %sign3A_3002 : i32
        %sign3A_3004 = arith.extui %sign3A_3003 : i1 to i32
        %sign3A_3005 = arith.subi %sign3A_3001, %sign3A_3004 : i32
        %sign3A_3006 = arith.constant 0 : i32
        %sign3A_3007 = arith.cmpi sgt, %jit3A_2997, %sign3A_3006 : i32
        %sign3A_3008 = arith.extui %sign3A_3007 : i1 to i32
        %sign3A_3009 = arith.constant 0 : i32
        %sign3A_3010 = arith.cmpi slt, %jit3A_2997, %sign3A_3009 : i32
        %sign3A_3011 = arith.extui %sign3A_3010 : i1 to i32
        %sign3A_3012 = arith.subi %sign3A_3008, %sign3A_3011 : i32
        %ne3A_3013 = arith.cmpi ne, %sign3A_3005, %sign3A_3012 : i32
        %rem3A_3014 = arith.remsi %add3A_2819, %jit3A_2997 : i32
        %ne3A_3015 = arith.constant 0 : i32
        %ne3A_3016 = arith.cmpi ne, %rem3A_3014, %ne3A_3015 : i32
        %and3A_3017 = arith.andi %ne3A_3013, %ne3A_3016 : i1
        %sub3A_3018 = arith.constant 1 : i32
        %sub3A_3019 = arith.subi %div3A_2998, %sub3A_3018 : i32
        %select_n3A_3020 = arith.select %and3A_3017, %sub3A_3019, %div3A_2998 : i32
        %mul3A_3021 = arith.constant 16 : i32
        %mul3A_3022 = arith.muli %select_n3A_3020, %mul3A_3021 : i32
        %multiple_of3A_3023 = tpu.assume_multiple %mul3A_3022, 16 : i32
        %jit3A_3024 = arith.constant 4 : i32
        %eq3A_3025 = arith.constant 0 : i32
        %eq3A_3026 = arith.cmpi eq, %jit3A_3024, %eq3A_3025 : i32
        %jit3A_3027 = arith.constant 1 : i32
        %select_n3A_3028 = arith.select %eq3A_3026, %jit3A_3027, %jit3A_3024 : i32
        %rem3A_3029 = arith.remsi %add3A_2819, %select_n3A_3028 : i32
        %ne3A_3030 = arith.constant 0 : i32
        %ne3A_3031 = arith.cmpi ne, %rem3A_3029, %ne3A_3030 : i32
        %lt3A_3032 = arith.constant 0 : i32
        %lt3A_3033 = arith.cmpi slt, %rem3A_3029, %lt3A_3032 : i32
        %lt3A_3034 = arith.constant 0 : i32
        %lt3A_3035 = arith.cmpi slt, %select_n3A_3028, %lt3A_3034 : i32
        %ne3A_3036 = arith.xori %lt3A_3033, %lt3A_3035 : i1
        %and3A_3037 = arith.andi %ne3A_3036, %ne3A_3031 : i1
        %add3A_3038 = arith.addi %rem3A_3029, %select_n3A_3028 : i32
        %select_n3A_3039 = arith.select %and3A_3037, %add3A_3038, %rem3A_3029 : i32
        %mul3A_3040 = arith.constant 4 : i32
        %mul3A_3041 = arith.muli %select_n3A_3039, %mul3A_3040 : i32
        %get3A_3042 = arith.index_cast %multiple_of3A_3023 : i32 to index
        %get3A_3043 = tpu.vector_load %arg11[%get3A_3042] {strides = array<i32>} : memref<512xi32, #tpu.memory_space<vmem>>, vector<16xi32>,
        %get3A_3044 = arith.index_cast %multiple_of3A_3023 : i32 to index
        %get3A_3045 = tpu.vector_load %arg12[%get3A_3044] {strides = array<i32>} : memref<512xi32, #tpu.memory_space<vmem>>, vector<16xi32>,
        %add3A_3046 = arith.constant 1 : i32
        %add3A_3047 = arith.addi %mul3A_3041, %add3A_3046 : i32
        %eq3A_3048 = vector.broadcast %add3A_3047 : i32 to vector<16xi32>
        %eq3A_3049 = arith.cmpi eq, %iota3A, %eq3A_3048 : vector<16xi32>
        %jit3A_3050 = arith.constant 0 : i32
        %broadcast_in_dim3A_3051 = vector.broadcast %jit3A_3050 : i32 to vector<16xi32>
        %select_n3A_3052 = arith.select %eq3A_3049, %get3A_3043, %broadcast_in_dim3A_3051 : vector<16xi1>, vector<16xi32>
        %reduce_sum3A_3053 = arith.constant true
        %reduce_sum3A_3054 = vector.broadcast %reduce_sum3A_3053 : i1 to vector<16xi1>
        %reduce_sum3A_3055 = tpu.scan <sum>, %select_n3A_3052 masked %reduce_sum3A_3054 : vector<16xi32>, vector<16xi1> -> vector<16xi32>
        %reduce_sum3A_3056 = vector.extract %reduce_sum3A_3055[15] : i32 from vector<16xi32>
        %add3A_3057 = arith.constant 1 : i32
        %add3A_3058 = arith.addi %mul3A_3041, %add3A_3057 : i32
        %eq3A_3059 = vector.broadcast %add3A_3058 : i32 to vector<16xi32>
        %eq3A_3060 = arith.cmpi eq, %iota3A, %eq3A_3059 : vector<16xi32>
        %jit3A_3061 = arith.constant 0 : i32
        %broadcast_in_dim3A_3062 = vector.broadcast %jit3A_3061 : i32 to vector<16xi32>
        %select_n3A_3063 = arith.select %eq3A_3060, %get3A_3045, %broadcast_in_dim3A_3062 : vector<16xi1>, vector<16xi32>
        %reduce_sum3A_3064 = arith.constant true
        %reduce_sum3A_3065 = vector.broadcast %reduce_sum3A_3064 : i1 to vector<16xi1>
        %reduce_sum3A_3066 = tpu.scan <sum>, %select_n3A_3063 masked %reduce_sum3A_3065 : vector<16xi32>, vector<16xi1> -> vector<16xi32>
        %reduce_sum3A_3067 = vector.extract %reduce_sum3A_3066[15] : i32 from vector<16xi32>
        %jit3A_3068 = arith.constant 128 : i32
        %div3A_3069 = arith.divsi %reduce_sum3A_3056, %jit3A_3068 : i32
        %sign3A_3070 = arith.constant 0 : i32
        %sign3A_3071 = arith.cmpi sgt, %reduce_sum3A_3056, %sign3A_3070 : i32
        %sign3A_3072 = arith.extui %sign3A_3071 : i1 to i32
        %sign3A_3073 = arith.constant 0 : i32
        %sign3A_3074 = arith.cmpi slt, %reduce_sum3A_3056, %sign3A_3073 : i32
        %sign3A_3075 = arith.extui %sign3A_3074 : i1 to i32
        %sign3A_3076 = arith.subi %sign3A_3072, %sign3A_3075 : i32
        %sign3A_3077 = arith.constant 0 : i32
        %sign3A_3078 = arith.cmpi sgt, %jit3A_3068, %sign3A_3077 : i32
        %sign3A_3079 = arith.extui %sign3A_3078 : i1 to i32
        %sign3A_3080 = arith.constant 0 : i32
        %sign3A_3081 = arith.cmpi slt, %jit3A_3068, %sign3A_3080 : i32
        %sign3A_3082 = arith.extui %sign3A_3081 : i1 to i32
        %sign3A_3083 = arith.subi %sign3A_3079, %sign3A_3082 : i32
        %ne3A_3084 = arith.cmpi ne, %sign3A_3076, %sign3A_3083 : i32
        %rem3A_3085 = arith.remsi %reduce_sum3A_3056, %jit3A_3068 : i32
        %ne3A_3086 = arith.constant 0 : i32
        %ne3A_3087 = arith.cmpi ne, %rem3A_3085, %ne3A_3086 : i32
        %and3A_3088 = arith.andi %ne3A_3084, %ne3A_3087 : i1
        %sub3A_3089 = arith.constant 1 : i32
        %sub3A_3090 = arith.subi %div3A_3069, %sub3A_3089 : i32
        %select_n3A_3091 = arith.select %and3A_3088, %sub3A_3090, %div3A_3069 : i32
        %mul3A_3092 = arith.constant 128 : i32
        %mul3A_3093 = arith.muli %select_n3A_3091, %mul3A_3092 : i32
        %multiple_of3A_3094 = tpu.assume_multiple %mul3A_3093, 128 : i32
        %jit3A_3095 = arith.constant 128 : i32
        %div3A_3096 = arith.divsi %reduce_sum3A_3067, %jit3A_3095 : i32
        %sign3A_3097 = arith.constant 0 : i32
        %sign3A_3098 = arith.cmpi sgt, %reduce_sum3A_3067, %sign3A_3097 : i32
        %sign3A_3099 = arith.extui %sign3A_3098 : i1 to i32
        %sign3A_3100 = arith.constant 0 : i32
        %sign3A_3101 = arith.cmpi slt, %reduce_sum3A_3067, %sign3A_3100 : i32
        %sign3A_3102 = arith.extui %sign3A_3101 : i1 to i32
        %sign3A_3103 = arith.subi %sign3A_3099, %sign3A_3102 : i32
        %sign3A_3104 = arith.constant 0 : i32
        %sign3A_3105 = arith.cmpi sgt, %jit3A_3095, %sign3A_3104 : i32
        %sign3A_3106 = arith.extui %sign3A_3105 : i1 to i32
        %sign3A_3107 = arith.constant 0 : i32
        %sign3A_3108 = arith.cmpi slt, %jit3A_3095, %sign3A_3107 : i32
        %sign3A_3109 = arith.extui %sign3A_3108 : i1 to i32
        %sign3A_3110 = arith.subi %sign3A_3106, %sign3A_3109 : i32
        %ne3A_3111 = arith.cmpi ne, %sign3A_3103, %sign3A_3110 : i32
        %rem3A_3112 = arith.remsi %reduce_sum3A_3067, %jit3A_3095 : i32
        %ne3A_3113 = arith.constant 0 : i32
        %ne3A_3114 = arith.cmpi ne, %rem3A_3112, %ne3A_3113 : i32
        %and3A_3115 = arith.andi %ne3A_3111, %ne3A_3114 : i1
        %sub3A_3116 = arith.constant 1 : i32
        %sub3A_3117 = arith.subi %div3A_3096, %sub3A_3116 : i32
        %select_n3A_3118 = arith.select %and3A_3115, %sub3A_3117, %div3A_3096 : i32
        %mul3A_3119 = arith.constant 128 : i32
        %mul3A_3120 = arith.muli %select_n3A_3118, %mul3A_3119 : i32
        %multiple_of3A_3121 = tpu.assume_multiple %mul3A_3120, 128 : i32
        %dma_start3A_3122 = arith.constant 1 : i32
        %dma_start3A_3123 = arith.constant 0 : i32
        %dma_start3A_3124 = arith.constant 0 : i32
        %dma_start3A_3125 = tpu.memref_slice %arg13[%dma_start3A_3122, %dma_start3A_3123, %dma_start3A_3124] : memref<8x32x128xf32, #tpu.memory_space<vmem>> -> memref<1x32x128xf32, #tpu.memory_space<vmem>>
        %dma_start3A_3126 = tpu.memref_squeeze %dma_start3A_3125 : memref<1x32x128xf32, #tpu.memory_space<vmem>> -> memref<32x128xf32, #tpu.memory_space<vmem>>
        %dma_start3A_3127 = arith.constant 0 : i32
        %dma_start3A_3128 = tpu.memref_slice %arg4[%dma_start3A_3127, %multiple_of3A_3094] : memref<32x1000000xf32, #tpu.memory_space<hbm>> -> memref<32x128xf32, #tpu.memory_space<hbm>>
        %dma_start3A_3129 = arith.constant 0 : i32
        %dma_start3A_3130 = arith.constant 0 : i32
        %dma_start3A_3131 = tpu.memref_slice %arg13[%dma_start3A_3122, %dma_start3A_3129, %dma_start3A_3130] : memref<8x32x128xf32, #tpu.memory_space<vmem>> -> memref<1x32x128xf32, #tpu.memory_space<vmem>>
        %dma_start3A_3132 = tpu.memref_squeeze %dma_start3A_3131 : memref<1x32x128xf32, #tpu.memory_space<vmem>> -> memref<32x128xf32, #tpu.memory_space<vmem>>
        %dma_start3A_3133 = arith.constant 0 : i32
        %dma_start3A_3134 = tpu.memref_slice %arg4[%dma_start3A_3133, %multiple_of3A_3094] : memref<32x1000000xf32, #tpu.memory_space<hbm>> -> memref<32x128xf32, #tpu.memory_space<hbm>>
        tpu.enqueue_dma source(%dma_start3A_3134 : memref<32x128xf32, #tpu.memory_space<hbm>>) target(%dma_start3A_3132 : memref<32x128xf32, #tpu.memory_space<vmem>>) target_semaphore(%arg20 : memref<!tpu.dma_semaphore, #tpu.memory_space<semaphore_mem>>)
        %dma_start3A_3135 = arith.constant 1 : i32
        %dma_start3A_3136 = arith.constant 0 : i32
        %dma_start3A_3137 = arith.constant 0 : i32
        %dma_start3A_3138 = tpu.memref_slice %arg14[%dma_start3A_3135, %dma_start3A_3136, %dma_start3A_3137] : memref<8x32x128xf32, #tpu.memory_space<vmem>> -> memref<1x32x128xf32, #tpu.memory_space<vmem>>
        %dma_start3A_3139 = tpu.memref_squeeze %dma_start3A_3138 : memref<1x32x128xf32, #tpu.memory_space<vmem>> -> memref<32x128xf32, #tpu.memory_space<vmem>>
        %dma_start3A_3140 = arith.constant 0 : i32
        %dma_start3A_3141 = tpu.memref_slice %arg5[%dma_start3A_3140, %multiple_of3A_3121] : memref<32x1000000xf32, #tpu.memory_space<hbm>> -> memref<32x128xf32, #tpu.memory_space<hbm>>
        %dma_start3A_3142 = arith.constant 0 : i32
        %dma_start3A_3143 = arith.constant 0 : i32
        %dma_start3A_3144 = tpu.memref_slice %arg14[%dma_start3A_3135, %dma_start3A_3142, %dma_start3A_3143] : memref<8x32x128xf32, #tpu.memory_space<vmem>> -> memref<1x32x128xf32, #tpu.memory_space<vmem>>
        %dma_start3A_3145 = tpu.memref_squeeze %dma_start3A_3144 : memref<1x32x128xf32, #tpu.memory_space<vmem>> -> memref<32x128xf32, #tpu.memory_space<vmem>>
        %dma_start3A_3146 = arith.constant 0 : i32
        %dma_start3A_3147 = tpu.memref_slice %arg5[%dma_start3A_3146, %multiple_of3A_3121] : memref<32x1000000xf32, #tpu.memory_space<hbm>> -> memref<32x128xf32, #tpu.memory_space<hbm>>
        tpu.enqueue_dma source(%dma_start3A_3147 : memref<32x128xf32, #tpu.memory_space<hbm>>) target(%dma_start3A_3145 : memref<32x128xf32, #tpu.memory_space<vmem>>) target_semaphore(%arg20 : memref<!tpu.dma_semaphore, #tpu.memory_space<semaphore_mem>>)
        %dma_start3A_3148 = arith.constant 1 : i32
        %dma_start3A_3149 = arith.constant 0 : i32
        %dma_start3A_3150 = arith.constant 0 : i32
        %dma_start3A_3151 = tpu.memref_slice %arg15[%dma_start3A_3148, %dma_start3A_3149, %dma_start3A_3150] : memref<8x16x128xf32, #tpu.memory_space<vmem>> -> memref<1x16x128xf32, #tpu.memory_space<vmem>>
        %dma_start3A_3152 = tpu.memref_squeeze %dma_start3A_3151 : memref<1x16x128xf32, #tpu.memory_space<vmem>> -> memref<16x128xf32, #tpu.memory_space<vmem>>
        %dma_start3A_3153 = arith.constant 0 : i32
        %dma_start3A_3154 = tpu.memref_slice %arg6[%dma_start3A_3153, %multiple_of3A_3094] : memref<16x1000000xf32, #tpu.memory_space<hbm>> -> memref<16x128xf32, #tpu.memory_space<hbm>>
        %dma_start3A_3155 = arith.constant 0 : i32
        %dma_start3A_3156 = arith.constant 0 : i32
        %dma_start3A_3157 = tpu.memref_slice %arg15[%dma_start3A_3148, %dma_start3A_3155, %dma_start3A_3156] : memref<8x16x128xf32, #tpu.memory_space<vmem>> -> memref<1x16x128xf32, #tpu.memory_space<vmem>>
        %dma_start3A_3158 = tpu.memref_squeeze %dma_start3A_3157 : memref<1x16x128xf32, #tpu.memory_space<vmem>> -> memref<16x128xf32, #tpu.memory_space<vmem>>
        %dma_start3A_3159 = arith.constant 0 : i32
        %dma_start3A_3160 = tpu.memref_slice %arg6[%dma_start3A_3159, %multiple_of3A_3094] : memref<16x1000000xf32, #tpu.memory_space<hbm>> -> memref<16x128xf32, #tpu.memory_space<hbm>>
        tpu.enqueue_dma source(%dma_start3A_3160 : memref<16x128xf32, #tpu.memory_space<hbm>>) target(%dma_start3A_3158 : memref<16x128xf32, #tpu.memory_space<vmem>>) target_semaphore(%arg20 : memref<!tpu.dma_semaphore, #tpu.memory_space<semaphore_mem>>)
        %dma_start3A_3161 = arith.constant 1 : i32
        %dma_start3A_3162 = arith.constant 0 : i32
        %dma_start3A_3163 = arith.constant 0 : i32
        %dma_start3A_3164 = tpu.memref_slice %arg16[%dma_start3A_3161, %dma_start3A_3162, %dma_start3A_3163] : memref<8x16x128xf32, #tpu.memory_space<vmem>> -> memref<1x16x128xf32, #tpu.memory_space<vmem>>
        %dma_start3A_3165 = tpu.memref_squeeze %dma_start3A_3164 : memref<1x16x128xf32, #tpu.memory_space<vmem>> -> memref<16x128xf32, #tpu.memory_space<vmem>>
        %dma_start3A_3166 = arith.constant 0 : i32
        %dma_start3A_3167 = tpu.memref_slice %arg7[%dma_start3A_3166, %multiple_of3A_3121] : memref<16x1000000xf32, #tpu.memory_space<hbm>> -> memref<16x128xf32, #tpu.memory_space<hbm>>
        %dma_start3A_3168 = arith.constant 0 : i32
        %dma_start3A_3169 = arith.constant 0 : i32
        %dma_start3A_3170 = tpu.memref_slice %arg16[%dma_start3A_3161, %dma_start3A_3168, %dma_start3A_3169] : memref<8x16x128xf32, #tpu.memory_space<vmem>> -> memref<1x16x128xf32, #tpu.memory_space<vmem>>
        %dma_start3A_3171 = tpu.memref_squeeze %dma_start3A_3170 : memref<1x16x128xf32, #tpu.memory_space<vmem>> -> memref<16x128xf32, #tpu.memory_space<vmem>>
        %dma_start3A_3172 = arith.constant 0 : i32
        %dma_start3A_3173 = tpu.memref_slice %arg7[%dma_start3A_3172, %multiple_of3A_3121] : memref<16x1000000xf32, #tpu.memory_space<hbm>> -> memref<16x128xf32, #tpu.memory_space<hbm>>
        tpu.enqueue_dma source(%dma_start3A_3173 : memref<16x128xf32, #tpu.memory_space<hbm>>) target(%dma_start3A_3171 : memref<16x128xf32, #tpu.memory_space<vmem>>) target_semaphore(%arg20 : memref<!tpu.dma_semaphore, #tpu.memory_space<semaphore_mem>>)
        %jit3A_3174 = arith.constant 4 : i32
        %div3A_3175 = arith.divsi %add3A_2819, %jit3A_3174 : i32
        %sign3A_3176 = arith.constant 0 : i32
        %sign3A_3177 = arith.cmpi sgt, %add3A_2819, %sign3A_3176 : i32
        %sign3A_3178 = arith.extui %sign3A_3177 : i1 to i32
        %sign3A_3179 = arith.constant 0 : i32
        %sign3A_3180 = arith.cmpi slt, %add3A_2819, %sign3A_3179 : i32
        %sign3A_3181 = arith.extui %sign3A_3180 : i1 to i32
        %sign3A_3182 = arith.subi %sign3A_3178, %sign3A_3181 : i32
        %sign3A_3183 = arith.constant 0 : i32
        %sign3A_3184 = arith.cmpi sgt, %jit3A_3174, %sign3A_3183 : i32
        %sign3A_3185 = arith.extui %sign3A_3184 : i1 to i32
        %sign3A_3186 = arith.constant 0 : i32
        %sign3A_3187 = arith.cmpi slt, %jit3A_3174, %sign3A_3186 : i32
        %sign3A_3188 = arith.extui %sign3A_3187 : i1 to i32
        %sign3A_3189 = arith.subi %sign3A_3185, %sign3A_3188 : i32
        %ne3A_3190 = arith.cmpi ne, %sign3A_3182, %sign3A_3189 : i32
        %rem3A_3191 = arith.remsi %add3A_2819, %jit3A_3174 : i32
        %ne3A_3192 = arith.constant 0 : i32
        %ne3A_3193 = arith.cmpi ne, %rem3A_3191, %ne3A_3192 : i32
        %and3A_3194 = arith.andi %ne3A_3190, %ne3A_3193 : i1
        %sub3A_3195 = arith.constant 1 : i32
        %sub3A_3196 = arith.subi %div3A_3175, %sub3A_3195 : i32
        %select_n3A_3197 = arith.select %and3A_3194, %sub3A_3196, %div3A_3175 : i32
        %mul3A_3198 = arith.constant 16 : i32
        %mul3A_3199 = arith.muli %select_n3A_3197, %mul3A_3198 : i32
        %multiple_of3A_3200 = tpu.assume_multiple %mul3A_3199, 16 : i32
        %jit3A_3201 = arith.constant 4 : i32
        %eq3A_3202 = arith.constant 0 : i32
        %eq3A_3203 = arith.cmpi eq, %jit3A_3201, %eq3A_3202 : i32
        %jit3A_3204 = arith.constant 1 : i32
        %select_n3A_3205 = arith.select %eq3A_3203, %jit3A_3204, %jit3A_3201 : i32
        %rem3A_3206 = arith.remsi %add3A_2819, %select_n3A_3205 : i32
        %ne3A_3207 = arith.constant 0 : i32
        %ne3A_3208 = arith.cmpi ne, %rem3A_3206, %ne3A_3207 : i32
        %lt3A_3209 = arith.constant 0 : i32
        %lt3A_3210 = arith.cmpi slt, %rem3A_3206, %lt3A_3209 : i32
        %lt3A_3211 = arith.constant 0 : i32
        %lt3A_3212 = arith.cmpi slt, %select_n3A_3205, %lt3A_3211 : i32
        %ne3A_3213 = arith.xori %lt3A_3210, %lt3A_3212 : i1
        %and3A_3214 = arith.andi %ne3A_3213, %ne3A_3208 : i1
        %add3A_3215 = arith.addi %rem3A_3206, %select_n3A_3205 : i32
        %select_n3A_3216 = arith.select %and3A_3214, %add3A_3215, %rem3A_3206 : i32
        %mul3A_3217 = arith.constant 4 : i32
        %mul3A_3218 = arith.muli %select_n3A_3216, %mul3A_3217 : i32
        %get3A_3219 = arith.index_cast %multiple_of3A_3200 : i32 to index
        %get3A_3220 = tpu.vector_load %arg11[%get3A_3219] {strides = array<i32>} : memref<512xi32, #tpu.memory_space<vmem>>, vector<16xi32>,
        %get3A_3221 = arith.index_cast %multiple_of3A_3200 : i32 to index
        %get3A_3222 = tpu.vector_load %arg12[%get3A_3221] {strides = array<i32>} : memref<512xi32, #tpu.memory_space<vmem>>, vector<16xi32>,
        %add3A_3223 = arith.constant 2 : i32
        %add3A_3224 = arith.addi %mul3A_3218, %add3A_3223 : i32
        %eq3A_3225 = vector.broadcast %add3A_3224 : i32 to vector<16xi32>
        %eq3A_3226 = arith.cmpi eq, %iota3A, %eq3A_3225 : vector<16xi32>
        %jit3A_3227 = arith.constant 0 : i32
        %broadcast_in_dim3A_3228 = vector.broadcast %jit3A_3227 : i32 to vector<16xi32>
        %select_n3A_3229 = arith.select %eq3A_3226, %get3A_3220, %broadcast_in_dim3A_3228 : vector<16xi1>, vector<16xi32>
        %reduce_sum3A_3230 = arith.constant true
        %reduce_sum3A_3231 = vector.broadcast %reduce_sum3A_3230 : i1 to vector<16xi1>
        %reduce_sum3A_3232 = tpu.scan <sum>, %select_n3A_3229 masked %reduce_sum3A_3231 : vector<16xi32>, vector<16xi1> -> vector<16xi32>
        %reduce_sum3A_3233 = vector.extract %reduce_sum3A_3232[15] : i32 from vector<16xi32>
        %add3A_3234 = arith.constant 2 : i32
        %add3A_3235 = arith.addi %mul3A_3218, %add3A_3234 : i32
        %eq3A_3236 = vector.broadcast %add3A_3235 : i32 to vector<16xi32>
        %eq3A_3237 = arith.cmpi eq, %iota3A, %eq3A_3236 : vector<16xi32>
        %jit3A_3238 = arith.constant 0 : i32
        %broadcast_in_dim3A_3239 = vector.broadcast %jit3A_3238 : i32 to vector<16xi32>
        %select_n3A_3240 = arith.select %eq3A_3237, %get3A_3222, %broadcast_in_dim3A_3239 : vector<16xi1>, vector<16xi32>
        %reduce_sum3A_3241 = arith.constant true
        %reduce_sum3A_3242 = vector.broadcast %reduce_sum3A_3241 : i1 to vector<16xi1>
        %reduce_sum3A_3243 = tpu.scan <sum>, %select_n3A_3240 masked %reduce_sum3A_3242 : vector<16xi32>, vector<16xi1> -> vector<16xi32>
        %reduce_sum3A_3244 = vector.extract %reduce_sum3A_3243[15] : i32 from vector<16xi32>
        %jit3A_3245 = arith.constant 128 : i32
        %div3A_3246 = arith.divsi %reduce_sum3A_3233, %jit3A_3245 : i32
        %sign3A_3247 = arith.constant 0 : i32
        %sign3A_3248 = arith.cmpi sgt, %reduce_sum3A_3233, %sign3A_3247 : i32
        %sign3A_3249 = arith.extui %sign3A_3248 : i1 to i32
        %sign3A_3250 = arith.constant 0 : i32
        %sign3A_3251 = arith.cmpi slt, %reduce_sum3A_3233, %sign3A_3250 : i32
        %sign3A_3252 = arith.extui %sign3A_3251 : i1 to i32
        %sign3A_3253 = arith.subi %sign3A_3249, %sign3A_3252 : i32
        %sign3A_3254 = arith.constant 0 : i32
        %sign3A_3255 = arith.cmpi sgt, %jit3A_3245, %sign3A_3254 : i32
        %sign3A_3256 = arith.extui %sign3A_3255 : i1 to i32
        %sign3A_3257 = arith.constant 0 : i32
        %sign3A_3258 = arith.cmpi slt, %jit3A_3245, %sign3A_3257 : i32
        %sign3A_3259 = arith.extui %sign3A_3258 : i1 to i32
        %sign3A_3260 = arith.subi %sign3A_3256, %sign3A_3259 : i32
        %ne3A_3261 = arith.cmpi ne, %sign3A_3253, %sign3A_3260 : i32
        %rem3A_3262 = arith.remsi %reduce_sum3A_3233, %jit3A_3245 : i32
        %ne3A_3263 = arith.constant 0 : i32
        %ne3A_3264 = arith.cmpi ne, %rem3A_3262, %ne3A_3263 : i32
        %and3A_3265 = arith.andi %ne3A_3261, %ne3A_3264 : i1
        %sub3A_3266 = arith.constant 1 : i32
        %sub3A_3267 = arith.subi %div3A_3246, %sub3A_3266 : i32
        %select_n3A_3268 = arith.select %and3A_3265, %sub3A_3267, %div3A_3246 : i32
        %mul3A_3269 = arith.constant 128 : i32
        %mul3A_3270 = arith.muli %select_n3A_3268, %mul3A_3269 : i32
        %multiple_of3A_3271 = tpu.assume_multiple %mul3A_3270, 128 : i32
        %jit3A_3272 = arith.constant 128 : i32
        %div3A_3273 = arith.divsi %reduce_sum3A_3244, %jit3A_3272 : i32
        %sign3A_3274 = arith.constant 0 : i32
        %sign3A_3275 = arith.cmpi sgt, %reduce_sum3A_3244, %sign3A_3274 : i32
        %sign3A_3276 = arith.extui %sign3A_3275 : i1 to i32
        %sign3A_3277 = arith.constant 0 : i32
        %sign3A_3278 = arith.cmpi slt, %reduce_sum3A_3244, %sign3A_3277 : i32
        %sign3A_3279 = arith.extui %sign3A_3278 : i1 to i32
        %sign3A_3280 = arith.subi %sign3A_3276, %sign3A_3279 : i32
        %sign3A_3281 = arith.constant 0 : i32
        %sign3A_3282 = arith.cmpi sgt, %jit3A_3272, %sign3A_3281 : i32
        %sign3A_3283 = arith.extui %sign3A_3282 : i1 to i32
        %sign3A_3284 = arith.constant 0 : i32
        %sign3A_3285 = arith.cmpi slt, %jit3A_3272, %sign3A_3284 : i32
        %sign3A_3286 = arith.extui %sign3A_3285 : i1 to i32
        %sign3A_3287 = arith.subi %sign3A_3283, %sign3A_3286 : i32
        %ne3A_3288 = arith.cmpi ne, %sign3A_3280, %sign3A_3287 : i32
        %rem3A_3289 = arith.remsi %reduce_sum3A_3244, %jit3A_3272 : i32
        %ne3A_3290 = arith.constant 0 : i32
        %ne3A_3291 = arith.cmpi ne, %rem3A_3289, %ne3A_3290 : i32
        %and3A_3292 = arith.andi %ne3A_3288, %ne3A_3291 : i1
        %sub3A_3293 = arith.constant 1 : i32
        %sub3A_3294 = arith.subi %div3A_3273, %sub3A_3293 : i32
        %select_n3A_3295 = arith.select %and3A_3292, %sub3A_3294, %div3A_3273 : i32
        %mul3A_3296 = arith.constant 128 : i32
        %mul3A_3297 = arith.muli %select_n3A_3295, %mul3A_3296 : i32
        %multiple_of3A_3298 = tpu.assume_multiple %mul3A_3297, 128 : i32
        %dma_start3A_3299 = arith.constant 2 : i32
        %dma_start3A_3300 = arith.constant 0 : i32
        %dma_start3A_3301 = arith.constant 0 : i32
        %dma_start3A_3302 = tpu.memref_slice %arg13[%dma_start3A_3299, %dma_start3A_3300, %dma_start3A_3301] : memref<8x32x128xf32, #tpu.memory_space<vmem>> -> memref<1x32x128xf32, #tpu.memory_space<vmem>>
        %dma_start3A_3303 = tpu.memref_squeeze %dma_start3A_3302 : memref<1x32x128xf32, #tpu.memory_space<vmem>> -> memref<32x128xf32, #tpu.memory_space<vmem>>
        %dma_start3A_3304 = arith.constant 0 : i32
        %dma_start3A_3305 = tpu.memref_slice %arg4[%dma_start3A_3304, %multiple_of3A_3271] : memref<32x1000000xf32, #tpu.memory_space<hbm>> -> memref<32x128xf32, #tpu.memory_space<hbm>>
        %dma_start3A_3306 = arith.constant 0 : i32
        %dma_start3A_3307 = arith.constant 0 : i32
        %dma_start3A_3308 = tpu.memref_slice %arg13[%dma_start3A_3299, %dma_start3A_3306, %dma_start3A_3307] : memref<8x32x128xf32, #tpu.memory_space<vmem>> -> memref<1x32x128xf32, #tpu.memory_space<vmem>>
        %dma_start3A_3309 = tpu.memref_squeeze %dma_start3A_3308 : memref<1x32x128xf32, #tpu.memory_space<vmem>> -> memref<32x128xf32, #tpu.memory_space<vmem>>
        %dma_start3A_3310 = arith.constant 0 : i32
        %dma_start3A_3311 = tpu.memref_slice %arg4[%dma_start3A_3310, %multiple_of3A_3271] : memref<32x1000000xf32, #tpu.memory_space<hbm>> -> memref<32x128xf32, #tpu.memory_space<hbm>>
        tpu.enqueue_dma source(%dma_start3A_3311 : memref<32x128xf32, #tpu.memory_space<hbm>>) target(%dma_start3A_3309 : memref<32x128xf32, #tpu.memory_space<vmem>>) target_semaphore(%arg20 : memref<!tpu.dma_semaphore, #tpu.memory_space<semaphore_mem>>)
        %dma_start3A_3312 = arith.constant 2 : i32
        %dma_start3A_3313 = arith.constant 0 : i32
        %dma_start3A_3314 = arith.constant 0 : i32
        %dma_start3A_3315 = tpu.memref_slice %arg14[%dma_start3A_3312, %dma_start3A_3313, %dma_start3A_3314] : memref<8x32x128xf32, #tpu.memory_space<vmem>> -> memref<1x32x128xf32, #tpu.memory_space<vmem>>
        %dma_start3A_3316 = tpu.memref_squeeze %dma_start3A_3315 : memref<1x32x128xf32, #tpu.memory_space<vmem>> -> memref<32x128xf32, #tpu.memory_space<vmem>>
        %dma_start3A_3317 = arith.constant 0 : i32
        %dma_start3A_3318 = tpu.memref_slice %arg5[%dma_start3A_3317, %multiple_of3A_3298] : memref<32x1000000xf32, #tpu.memory_space<hbm>> -> memref<32x128xf32, #tpu.memory_space<hbm>>
        %dma_start3A_3319 = arith.constant 0 : i32
        %dma_start3A_3320 = arith.constant 0 : i32
        %dma_start3A_3321 = tpu.memref_slice %arg14[%dma_start3A_3312, %dma_start3A_3319, %dma_start3A_3320] : memref<8x32x128xf32, #tpu.memory_space<vmem>> -> memref<1x32x128xf32, #tpu.memory_space<vmem>>
        %dma_start3A_3322 = tpu.memref_squeeze %dma_start3A_3321 : memref<1x32x128xf32, #tpu.memory_space<vmem>> -> memref<32x128xf32, #tpu.memory_space<vmem>>
        %dma_start3A_3323 = arith.constant 0 : i32
        %dma_start3A_3324 = tpu.memref_slice %arg5[%dma_start3A_3323, %multiple_of3A_3298] : memref<32x1000000xf32, #tpu.memory_space<hbm>> -> memref<32x128xf32, #tpu.memory_space<hbm>>
        tpu.enqueue_dma source(%dma_start3A_3324 : memref<32x128xf32, #tpu.memory_space<hbm>>) target(%dma_start3A_3322 : memref<32x128xf32, #tpu.memory_space<vmem>>) target_semaphore(%arg20 : memref<!tpu.dma_semaphore, #tpu.memory_space<semaphore_mem>>)
        %dma_start3A_3325 = arith.constant 2 : i32
        %dma_start3A_3326 = arith.constant 0 : i32
        %dma_start3A_3327 = arith.constant 0 : i32
        %dma_start3A_3328 = tpu.memref_slice %arg15[%dma_start3A_3325, %dma_start3A_3326, %dma_start3A_3327] : memref<8x16x128xf32, #tpu.memory_space<vmem>> -> memref<1x16x128xf32, #tpu.memory_space<vmem>>
        %dma_start3A_3329 = tpu.memref_squeeze %dma_start3A_3328 : memref<1x16x128xf32, #tpu.memory_space<vmem>> -> memref<16x128xf32, #tpu.memory_space<vmem>>
        %dma_start3A_3330 = arith.constant 0 : i32
        %dma_start3A_3331 = tpu.memref_slice %arg6[%dma_start3A_3330, %multiple_of3A_3271] : memref<16x1000000xf32, #tpu.memory_space<hbm>> -> memref<16x128xf32, #tpu.memory_space<hbm>>
        %dma_start3A_3332 = arith.constant 0 : i32
        %dma_start3A_3333 = arith.constant 0 : i32
        %dma_start3A_3334 = tpu.memref_slice %arg15[%dma_start3A_3325, %dma_start3A_3332, %dma_start3A_3333] : memref<8x16x128xf32, #tpu.memory_space<vmem>> -> memref<1x16x128xf32, #tpu.memory_space<vmem>>
        %dma_start3A_3335 = tpu.memref_squeeze %dma_start3A_3334 : memref<1x16x128xf32, #tpu.memory_space<vmem>> -> memref<16x128xf32, #tpu.memory_space<vmem>>
        %dma_start3A_3336 = arith.constant 0 : i32
        %dma_start3A_3337 = tpu.memref_slice %arg6[%dma_start3A_3336, %multiple_of3A_3271] : memref<16x1000000xf32, #tpu.memory_space<hbm>> -> memref<16x128xf32, #tpu.memory_space<hbm>>
        tpu.enqueue_dma source(%dma_start3A_3337 : memref<16x128xf32, #tpu.memory_space<hbm>>) target(%dma_start3A_3335 : memref<16x128xf32, #tpu.memory_space<vmem>>) target_semaphore(%arg20 : memref<!tpu.dma_semaphore, #tpu.memory_space<semaphore_mem>>)
        %dma_start3A_3338 = arith.constant 2 : i32
        %dma_start3A_3339 = arith.constant 0 : i32
        %dma_start3A_3340 = arith.constant 0 : i32
        %dma_start3A_3341 = tpu.memref_slice %arg16[%dma_start3A_3338, %dma_start3A_3339, %dma_start3A_3340] : memref<8x16x128xf32, #tpu.memory_space<vmem>> -> memref<1x16x128xf32, #tpu.memory_space<vmem>>
        %dma_start3A_3342 = tpu.memref_squeeze %dma_start3A_3341 : memref<1x16x128xf32, #tpu.memory_space<vmem>> -> memref<16x128xf32, #tpu.memory_space<vmem>>
        %dma_start3A_3343 = arith.constant 0 : i32
        %dma_start3A_3344 = tpu.memref_slice %arg7[%dma_start3A_3343, %multiple_of3A_3298] : memref<16x1000000xf32, #tpu.memory_space<hbm>> -> memref<16x128xf32, #tpu.memory_space<hbm>>
        %dma_start3A_3345 = arith.constant 0 : i32
        %dma_start3A_3346 = arith.constant 0 : i32
        %dma_start3A_3347 = tpu.memref_slice %arg16[%dma_start3A_3338, %dma_start3A_3345, %dma_start3A_3346] : memref<8x16x128xf32, #tpu.memory_space<vmem>> -> memref<1x16x128xf32, #tpu.memory_space<vmem>>
        %dma_start3A_3348 = tpu.memref_squeeze %dma_start3A_3347 : memref<1x16x128xf32, #tpu.memory_space<vmem>> -> memref<16x128xf32, #tpu.memory_space<vmem>>
        %dma_start3A_3349 = arith.constant 0 : i32
        %dma_start3A_3350 = tpu.memref_slice %arg7[%dma_start3A_3349, %multiple_of3A_3298] : memref<16x1000000xf32, #tpu.memory_space<hbm>> -> memref<16x128xf32, #tpu.memory_space<hbm>>
        tpu.enqueue_dma source(%dma_start3A_3350 : memref<16x128xf32, #tpu.memory_space<hbm>>) target(%dma_start3A_3348 : memref<16x128xf32, #tpu.memory_space<vmem>>) target_semaphore(%arg20 : memref<!tpu.dma_semaphore, #tpu.memory_space<semaphore_mem>>)
        %jit3A_3351 = arith.constant 4 : i32
        %div3A_3352 = arith.divsi %add3A_2819, %jit3A_3351 : i32
        %sign3A_3353 = arith.constant 0 : i32
        %sign3A_3354 = arith.cmpi sgt, %add3A_2819, %sign3A_3353 : i32
        %sign3A_3355 = arith.extui %sign3A_3354 : i1 to i32
        %sign3A_3356 = arith.constant 0 : i32
        %sign3A_3357 = arith.cmpi slt, %add3A_2819, %sign3A_3356 : i32
        %sign3A_3358 = arith.extui %sign3A_3357 : i1 to i32
        %sign3A_3359 = arith.subi %sign3A_3355, %sign3A_3358 : i32
        %sign3A_3360 = arith.constant 0 : i32
        %sign3A_3361 = arith.cmpi sgt, %jit3A_3351, %sign3A_3360 : i32
        %sign3A_3362 = arith.extui %sign3A_3361 : i1 to i32
        %sign3A_3363 = arith.constant 0 : i32
        %sign3A_3364 = arith.cmpi slt, %jit3A_3351, %sign3A_3363 : i32
        %sign3A_3365 = arith.extui %sign3A_3364 : i1 to i32
        %sign3A_3366 = arith.subi %sign3A_3362, %sign3A_3365 : i32
        %ne3A_3367 = arith.cmpi ne, %sign3A_3359, %sign3A_3366 : i32
        %rem3A_3368 = arith.remsi %add3A_2819, %jit3A_3351 : i32
        %ne3A_3369 = arith.constant 0 : i32
        %ne3A_3370 = arith.cmpi ne, %rem3A_3368, %ne3A_3369 : i32
        %and3A_3371 = arith.andi %ne3A_3367, %ne3A_3370 : i1
        %sub3A_3372 = arith.constant 1 : i32
        %sub3A_3373 = arith.subi %div3A_3352, %sub3A_3372 : i32
        %select_n3A_3374 = arith.select %and3A_3371, %sub3A_3373, %div3A_3352 : i32
        %mul3A_3375 = arith.constant 16 : i32
        %mul3A_3376 = arith.muli %select_n3A_3374, %mul3A_3375 : i32
        %multiple_of3A_3377 = tpu.assume_multiple %mul3A_3376, 16 : i32
        %jit3A_3378 = arith.constant 4 : i32
        %eq3A_3379 = arith.constant 0 : i32
        %eq3A_3380 = arith.cmpi eq, %jit3A_3378, %eq3A_3379 : i32
        %jit3A_3381 = arith.constant 1 : i32
        %select_n3A_3382 = arith.select %eq3A_3380, %jit3A_3381, %jit3A_3378 : i32
        %rem3A_3383 = arith.remsi %add3A_2819, %select_n3A_3382 : i32
        %ne3A_3384 = arith.constant 0 : i32
        %ne3A_3385 = arith.cmpi ne, %rem3A_3383, %ne3A_3384 : i32
        %lt3A_3386 = arith.constant 0 : i32
        %lt3A_3387 = arith.cmpi slt, %rem3A_3383, %lt3A_3386 : i32
        %lt3A_3388 = arith.constant 0 : i32
        %lt3A_3389 = arith.cmpi slt, %select_n3A_3382, %lt3A_3388 : i32
        %ne3A_3390 = arith.xori %lt3A_3387, %lt3A_3389 : i1
        %and3A_3391 = arith.andi %ne3A_3390, %ne3A_3385 : i1
        %add3A_3392 = arith.addi %rem3A_3383, %select_n3A_3382 : i32
        %select_n3A_3393 = arith.select %and3A_3391, %add3A_3392, %rem3A_3383 : i32
        %mul3A_3394 = arith.constant 4 : i32
        %mul3A_3395 = arith.muli %select_n3A_3393, %mul3A_3394 : i32
        %get3A_3396 = arith.index_cast %multiple_of3A_3377 : i32 to index
        %get3A_3397 = tpu.vector_load %arg11[%get3A_3396] {strides = array<i32>} : memref<512xi32, #tpu.memory_space<vmem>>, vector<16xi32>,
        %get3A_3398 = arith.index_cast %multiple_of3A_3377 : i32 to index
        %get3A_3399 = tpu.vector_load %arg12[%get3A_3398] {strides = array<i32>} : memref<512xi32, #tpu.memory_space<vmem>>, vector<16xi32>,
        %add3A_3400 = arith.constant 3 : i32
        %add3A_3401 = arith.addi %mul3A_3395, %add3A_3400 : i32
        %eq3A_3402 = vector.broadcast %add3A_3401 : i32 to vector<16xi32>
        %eq3A_3403 = arith.cmpi eq, %iota3A, %eq3A_3402 : vector<16xi32>
        %jit3A_3404 = arith.constant 0 : i32
        %broadcast_in_dim3A_3405 = vector.broadcast %jit3A_3404 : i32 to vector<16xi32>
        %select_n3A_3406 = arith.select %eq3A_3403, %get3A_3397, %broadcast_in_dim3A_3405 : vector<16xi1>, vector<16xi32>
        %reduce_sum3A_3407 = arith.constant true
        %reduce_sum3A_3408 = vector.broadcast %reduce_sum3A_3407 : i1 to vector<16xi1>
        %reduce_sum3A_3409 = tpu.scan <sum>, %select_n3A_3406 masked %reduce_sum3A_3408 : vector<16xi32>, vector<16xi1> -> vector<16xi32>
        %reduce_sum3A_3410 = vector.extract %reduce_sum3A_3409[15] : i32 from vector<16xi32>
        %add3A_3411 = arith.constant 3 : i32
        %add3A_3412 = arith.addi %mul3A_3395, %add3A_3411 : i32
        %eq3A_3413 = vector.broadcast %add3A_3412 : i32 to vector<16xi32>
        %eq3A_3414 = arith.cmpi eq, %iota3A, %eq3A_3413 : vector<16xi32>
        %jit3A_3415 = arith.constant 0 : i32
        %broadcast_in_dim3A_3416 = vector.broadcast %jit3A_3415 : i32 to vector<16xi32>
        %select_n3A_3417 = arith.select %eq3A_3414, %get3A_3399, %broadcast_in_dim3A_3416 : vector<16xi1>, vector<16xi32>
        %reduce_sum3A_3418 = arith.constant true
        %reduce_sum3A_3419 = vector.broadcast %reduce_sum3A_3418 : i1 to vector<16xi1>
        %reduce_sum3A_3420 = tpu.scan <sum>, %select_n3A_3417 masked %reduce_sum3A_3419 : vector<16xi32>, vector<16xi1> -> vector<16xi32>
        %reduce_sum3A_3421 = vector.extract %reduce_sum3A_3420[15] : i32 from vector<16xi32>
        %jit3A_3422 = arith.constant 128 : i32
        %div3A_3423 = arith.divsi %reduce_sum3A_3410, %jit3A_3422 : i32
        %sign3A_3424 = arith.constant 0 : i32
        %sign3A_3425 = arith.cmpi sgt, %reduce_sum3A_3410, %sign3A_3424 : i32
        %sign3A_3426 = arith.extui %sign3A_3425 : i1 to i32
        %sign3A_3427 = arith.constant 0 : i32
        %sign3A_3428 = arith.cmpi slt, %reduce_sum3A_3410, %sign3A_3427 : i32
        %sign3A_3429 = arith.extui %sign3A_3428 : i1 to i32
        %sign3A_3430 = arith.subi %sign3A_3426, %sign3A_3429 : i32
        %sign3A_3431 = arith.constant 0 : i32
        %sign3A_3432 = arith.cmpi sgt, %jit3A_3422, %sign3A_3431 : i32
        %sign3A_3433 = arith.extui %sign3A_3432 : i1 to i32
        %sign3A_3434 = arith.constant 0 : i32
        %sign3A_3435 = arith.cmpi slt, %jit3A_3422, %sign3A_3434 : i32
        %sign3A_3436 = arith.extui %sign3A_3435 : i1 to i32
        %sign3A_3437 = arith.subi %sign3A_3433, %sign3A_3436 : i32
        %ne3A_3438 = arith.cmpi ne, %sign3A_3430, %sign3A_3437 : i32
        %rem3A_3439 = arith.remsi %reduce_sum3A_3410, %jit3A_3422 : i32
        %ne3A_3440 = arith.constant 0 : i32
        %ne3A_3441 = arith.cmpi ne, %rem3A_3439, %ne3A_3440 : i32
        %and3A_3442 = arith.andi %ne3A_3438, %ne3A_3441 : i1
        %sub3A_3443 = arith.constant 1 : i32
        %sub3A_3444 = arith.subi %div3A_3423, %sub3A_3443 : i32
        %select_n3A_3445 = arith.select %and3A_3442, %sub3A_3444, %div3A_3423 : i32
        %mul3A_3446 = arith.constant 128 : i32
        %mul3A_3447 = arith.muli %select_n3A_3445, %mul3A_3446 : i32
        %multiple_of3A_3448 = tpu.assume_multiple %mul3A_3447, 128 : i32
        %jit3A_3449 = arith.constant 128 : i32
        %div3A_3450 = arith.divsi %reduce_sum3A_3421, %jit3A_3449 : i32
        %sign3A_3451 = arith.constant 0 : i32
        %sign3A_3452 = arith.cmpi sgt, %reduce_sum3A_3421, %sign3A_3451 : i32
        %sign3A_3453 = arith.extui %sign3A_3452 : i1 to i32
        %sign3A_3454 = arith.constant 0 : i32
        %sign3A_3455 = arith.cmpi slt, %reduce_sum3A_3421, %sign3A_3454 : i32
        %sign3A_3456 = arith.extui %sign3A_3455 : i1 to i32
        %sign3A_3457 = arith.subi %sign3A_3453, %sign3A_3456 : i32
        %sign3A_3458 = arith.constant 0 : i32
        %sign3A_3459 = arith.cmpi sgt, %jit3A_3449, %sign3A_3458 : i32
        %sign3A_3460 = arith.extui %sign3A_3459 : i1 to i32
        %sign3A_3461 = arith.constant 0 : i32
        %sign3A_3462 = arith.cmpi slt, %jit3A_3449, %sign3A_3461 : i32
        %sign3A_3463 = arith.extui %sign3A_3462 : i1 to i32
        %sign3A_3464 = arith.subi %sign3A_3460, %sign3A_3463 : i32
        %ne3A_3465 = arith.cmpi ne, %sign3A_3457, %sign3A_3464 : i32
        %rem3A_3466 = arith.remsi %reduce_sum3A_3421, %jit3A_3449 : i32
        %ne3A_3467 = arith.constant 0 : i32
        %ne3A_3468 = arith.cmpi ne, %rem3A_3466, %ne3A_3467 : i32
        %and3A_3469 = arith.andi %ne3A_3465, %ne3A_3468 : i1
        %sub3A_3470 = arith.constant 1 : i32
        %sub3A_3471 = arith.subi %div3A_3450, %sub3A_3470 : i32
        %select_n3A_3472 = arith.select %and3A_3469, %sub3A_3471, %div3A_3450 : i32
        %mul3A_3473 = arith.constant 128 : i32
        %mul3A_3474 = arith.muli %select_n3A_3472, %mul3A_3473 : i32
        %multiple_of3A_3475 = tpu.assume_multiple %mul3A_3474, 128 : i32
        %dma_start3A_3476 = arith.constant 3 : i32
        %dma_start3A_3477 = arith.constant 0 : i32
        %dma_start3A_3478 = arith.constant 0 : i32
        %dma_start3A_3479 = tpu.memref_slice %arg13[%dma_start3A_3476, %dma_start3A_3477, %dma_start3A_3478] : memref<8x32x128xf32, #tpu.memory_space<vmem>> -> memref<1x32x128xf32, #tpu.memory_space<vmem>>
        %dma_start3A_3480 = tpu.memref_squeeze %dma_start3A_3479 : memref<1x32x128xf32, #tpu.memory_space<vmem>> -> memref<32x128xf32, #tpu.memory_space<vmem>>
        %dma_start3A_3481 = arith.constant 0 : i32
        %dma_start3A_3482 = tpu.memref_slice %arg4[%dma_start3A_3481, %multiple_of3A_3448] : memref<32x1000000xf32, #tpu.memory_space<hbm>> -> memref<32x128xf32, #tpu.memory_space<hbm>>
        %dma_start3A_3483 = arith.constant 0 : i32
        %dma_start3A_3484 = arith.constant 0 : i32
        %dma_start3A_3485 = tpu.memref_slice %arg13[%dma_start3A_3476, %dma_start3A_3483, %dma_start3A_3484] : memref<8x32x128xf32, #tpu.memory_space<vmem>> -> memref<1x32x128xf32, #tpu.memory_space<vmem>>
        %dma_start3A_3486 = tpu.memref_squeeze %dma_start3A_3485 : memref<1x32x128xf32, #tpu.memory_space<vmem>> -> memref<32x128xf32, #tpu.memory_space<vmem>>
        %dma_start3A_3487 = arith.constant 0 : i32
        %dma_start3A_3488 = tpu.memref_slice %arg4[%dma_start3A_3487, %multiple_of3A_3448] : memref<32x1000000xf32, #tpu.memory_space<hbm>> -> memref<32x128xf32, #tpu.memory_space<hbm>>
        tpu.enqueue_dma source(%dma_start3A_3488 : memref<32x128xf32, #tpu.memory_space<hbm>>) target(%dma_start3A_3486 : memref<32x128xf32, #tpu.memory_space<vmem>>) target_semaphore(%arg20 : memref<!tpu.dma_semaphore, #tpu.memory_space<semaphore_mem>>)
        %dma_start3A_3489 = arith.constant 3 : i32
        %dma_start3A_3490 = arith.constant 0 : i32
        %dma_start3A_3491 = arith.constant 0 : i32
        %dma_start3A_3492 = tpu.memref_slice %arg14[%dma_start3A_3489, %dma_start3A_3490, %dma_start3A_3491] : memref<8x32x128xf32, #tpu.memory_space<vmem>> -> memref<1x32x128xf32, #tpu.memory_space<vmem>>
        %dma_start3A_3493 = tpu.memref_squeeze %dma_start3A_3492 : memref<1x32x128xf32, #tpu.memory_space<vmem>> -> memref<32x128xf32, #tpu.memory_space<vmem>>
        %dma_start3A_3494 = arith.constant 0 : i32
        %dma_start3A_3495 = tpu.memref_slice %arg5[%dma_start3A_3494, %multiple_of3A_3475] : memref<32x1000000xf32, #tpu.memory_space<hbm>> -> memref<32x128xf32, #tpu.memory_space<hbm>>
        %dma_start3A_3496 = arith.constant 0 : i32
        %dma_start3A_3497 = arith.constant 0 : i32
        %dma_start3A_3498 = tpu.memref_slice %arg14[%dma_start3A_3489, %dma_start3A_3496, %dma_start3A_3497] : memref<8x32x128xf32, #tpu.memory_space<vmem>> -> memref<1x32x128xf32, #tpu.memory_space<vmem>>
        %dma_start3A_3499 = tpu.memref_squeeze %dma_start3A_3498 : memref<1x32x128xf32, #tpu.memory_space<vmem>> -> memref<32x128xf32, #tpu.memory_space<vmem>>
        %dma_start3A_3500 = arith.constant 0 : i32
        %dma_start3A_3501 = tpu.memref_slice %arg5[%dma_start3A_3500, %multiple_of3A_3475] : memref<32x1000000xf32, #tpu.memory_space<hbm>> -> memref<32x128xf32, #tpu.memory_space<hbm>>
        tpu.enqueue_dma source(%dma_start3A_3501 : memref<32x128xf32, #tpu.memory_space<hbm>>) target(%dma_start3A_3499 : memref<32x128xf32, #tpu.memory_space<vmem>>) target_semaphore(%arg20 : memref<!tpu.dma_semaphore, #tpu.memory_space<semaphore_mem>>)
        %dma_start3A_3502 = arith.constant 3 : i32
        %dma_start3A_3503 = arith.constant 0 : i32
        %dma_start3A_3504 = arith.constant 0 : i32
        %dma_start3A_3505 = tpu.memref_slice %arg15[%dma_start3A_3502, %dma_start3A_3503, %dma_start3A_3504] : memref<8x16x128xf32, #tpu.memory_space<vmem>> -> memref<1x16x128xf32, #tpu.memory_space<vmem>>
        %dma_start3A_3506 = tpu.memref_squeeze %dma_start3A_3505 : memref<1x16x128xf32, #tpu.memory_space<vmem>> -> memref<16x128xf32, #tpu.memory_space<vmem>>
        %dma_start3A_3507 = arith.constant 0 : i32
        %dma_start3A_3508 = tpu.memref_slice %arg6[%dma_start3A_3507, %multiple_of3A_3448] : memref<16x1000000xf32, #tpu.memory_space<hbm>> -> memref<16x128xf32, #tpu.memory_space<hbm>>
        %dma_start3A_3509 = arith.constant 0 : i32
        %dma_start3A_3510 = arith.constant 0 : i32
        %dma_start3A_3511 = tpu.memref_slice %arg15[%dma_start3A_3502, %dma_start3A_3509, %dma_start3A_3510] : memref<8x16x128xf32, #tpu.memory_space<vmem>> -> memref<1x16x128xf32, #tpu.memory_space<vmem>>
        %dma_start3A_3512 = tpu.memref_squeeze %dma_start3A_3511 : memref<1x16x128xf32, #tpu.memory_space<vmem>> -> memref<16x128xf32, #tpu.memory_space<vmem>>
        %dma_start3A_3513 = arith.constant 0 : i32
        %dma_start3A_3514 = tpu.memref_slice %arg6[%dma_start3A_3513, %multiple_of3A_3448] : memref<16x1000000xf32, #tpu.memory_space<hbm>> -> memref<16x128xf32, #tpu.memory_space<hbm>>
        tpu.enqueue_dma source(%dma_start3A_3514 : memref<16x128xf32, #tpu.memory_space<hbm>>) target(%dma_start3A_3512 : memref<16x128xf32, #tpu.memory_space<vmem>>) target_semaphore(%arg20 : memref<!tpu.dma_semaphore, #tpu.memory_space<semaphore_mem>>)
        %dma_start3A_3515 = arith.constant 3 : i32
        %dma_start3A_3516 = arith.constant 0 : i32
        %dma_start3A_3517 = arith.constant 0 : i32
        %dma_start3A_3518 = tpu.memref_slice %arg16[%dma_start3A_3515, %dma_start3A_3516, %dma_start3A_3517] : memref<8x16x128xf32, #tpu.memory_space<vmem>> -> memref<1x16x128xf32, #tpu.memory_space<vmem>>
        %dma_start3A_3519 = tpu.memref_squeeze %dma_start3A_3518 : memref<1x16x128xf32, #tpu.memory_space<vmem>> -> memref<16x128xf32, #tpu.memory_space<vmem>>
        %dma_start3A_3520 = arith.constant 0 : i32
        %dma_start3A_3521 = tpu.memref_slice %arg7[%dma_start3A_3520, %multiple_of3A_3475] : memref<16x1000000xf32, #tpu.memory_space<hbm>> -> memref<16x128xf32, #tpu.memory_space<hbm>>
        %dma_start3A_3522 = arith.constant 0 : i32
        %dma_start3A_3523 = arith.constant 0 : i32
        %dma_start3A_3524 = tpu.memref_slice %arg16[%dma_start3A_3515, %dma_start3A_3522, %dma_start3A_3523] : memref<8x16x128xf32, #tpu.memory_space<vmem>> -> memref<1x16x128xf32, #tpu.memory_space<vmem>>
        %dma_start3A_3525 = tpu.memref_squeeze %dma_start3A_3524 : memref<1x16x128xf32, #tpu.memory_space<vmem>> -> memref<16x128xf32, #tpu.memory_space<vmem>>
        %dma_start3A_3526 = arith.constant 0 : i32
        %dma_start3A_3527 = tpu.memref_slice %arg7[%dma_start3A_3526, %multiple_of3A_3475] : memref<16x1000000xf32, #tpu.memory_space<hbm>> -> memref<16x128xf32, #tpu.memory_space<hbm>>
        tpu.enqueue_dma source(%dma_start3A_3527 : memref<16x128xf32, #tpu.memory_space<hbm>>) target(%dma_start3A_3525 : memref<16x128xf32, #tpu.memory_space<vmem>>) target_semaphore(%arg20 : memref<!tpu.dma_semaphore, #tpu.memory_space<semaphore_mem>>)
      } else {
      }
      %add3A_2024 = arith.constant 1 : i32
      %add3A_2025 = arith.addi %mul3A_524, %add3A_2024 : i32
      %dma_wait3A_2026 = arith.constant 4 : i32
      %dma_wait3A_2027 = arith.constant 0 : i32
      %dma_wait3A_2028 = arith.constant 0 : i32
      %dma_wait3A_2029 = tpu.memref_slice %arg13[%dma_wait3A_2026, %dma_wait3A_2027, %dma_wait3A_2028] : memref<8x32x128xf32, #tpu.memory_space<vmem>> -> memref<1x32x128xf32, #tpu.memory_space<vmem>>
      %dma_wait3A_2030 = tpu.memref_squeeze %dma_wait3A_2029 : memref<1x32x128xf32, #tpu.memory_space<vmem>> -> memref<32x128xf32, #tpu.memory_space<vmem>>
      %dma_wait3A_2031 = arith.constant 0 : i32
      %dma_wait3A_2032 = arith.constant 0 : i32
      %dma_wait3A_2033 = tpu.memref_slice %arg4[%dma_wait3A_2031, %dma_wait3A_2032] : memref<32x1000000xf32, #tpu.memory_space<hbm>> -> memref<32x128xf32, #tpu.memory_space<hbm>>
      %dma_wait3A_2034 = arith.constant 0 : i32
      %dma_wait3A_2035 = arith.constant 0 : i32
      %dma_wait3A_2036 = tpu.memref_slice %arg13[%dma_wait3A_2026, %dma_wait3A_2034, %dma_wait3A_2035] : memref<8x32x128xf32, #tpu.memory_space<vmem>> -> memref<1x32x128xf32, #tpu.memory_space<vmem>>
      %dma_wait3A_2037 = tpu.memref_squeeze %dma_wait3A_2036 : memref<1x32x128xf32, #tpu.memory_space<vmem>> -> memref<32x128xf32, #tpu.memory_space<vmem>>
      %dma_wait3A_2038 = arith.constant 0 : i32
      %dma_wait3A_2039 = arith.constant 0 : i32
      %dma_wait3A_2040 = tpu.memref_slice %arg4[%dma_wait3A_2038, %dma_wait3A_2039] : memref<32x1000000xf32, #tpu.memory_space<hbm>> -> memref<32x128xf32, #tpu.memory_space<hbm>>
      tpu.wait_dma2 semaphore(%arg21 : memref<!tpu.dma_semaphore, #tpu.memory_space<semaphore_mem>>) src(%dma_wait3A_2040 : memref<32x128xf32, #tpu.memory_space<hbm>>) dst(%dma_wait3A_2037 : memref<32x128xf32, #tpu.memory_space<vmem>>)
      %dma_wait3A_2041 = arith.constant 4 : i32
      %dma_wait3A_2042 = arith.constant 0 : i32
      %dma_wait3A_2043 = arith.constant 0 : i32
      %dma_wait3A_2044 = tpu.memref_slice %arg14[%dma_wait3A_2041, %dma_wait3A_2042, %dma_wait3A_2043] : memref<8x32x128xf32, #tpu.memory_space<vmem>> -> memref<1x32x128xf32, #tpu.memory_space<vmem>>
      %dma_wait3A_2045 = tpu.memref_squeeze %dma_wait3A_2044 : memref<1x32x128xf32, #tpu.memory_space<vmem>> -> memref<32x128xf32, #tpu.memory_space<vmem>>
      %dma_wait3A_2046 = arith.constant 0 : i32
      %dma_wait3A_2047 = arith.constant 0 : i32
      %dma_wait3A_2048 = tpu.memref_slice %arg5[%dma_wait3A_2046, %dma_wait3A_2047] : memref<32x1000000xf32, #tpu.memory_space<hbm>> -> memref<32x128xf32, #tpu.memory_space<hbm>>
      %dma_wait3A_2049 = arith.constant 0 : i32
      %dma_wait3A_2050 = arith.constant 0 : i32
      %dma_wait3A_2051 = tpu.memref_slice %arg14[%dma_wait3A_2041, %dma_wait3A_2049, %dma_wait3A_2050] : memref<8x32x128xf32, #tpu.memory_space<vmem>> -> memref<1x32x128xf32, #tpu.memory_space<vmem>>
      %dma_wait3A_2052 = tpu.memref_squeeze %dma_wait3A_2051 : memref<1x32x128xf32, #tpu.memory_space<vmem>> -> memref<32x128xf32, #tpu.memory_space<vmem>>
      %dma_wait3A_2053 = arith.constant 0 : i32
      %dma_wait3A_2054 = arith.constant 0 : i32
      %dma_wait3A_2055 = tpu.memref_slice %arg5[%dma_wait3A_2053, %dma_wait3A_2054] : memref<32x1000000xf32, #tpu.memory_space<hbm>> -> memref<32x128xf32, #tpu.memory_space<hbm>>
      tpu.wait_dma2 semaphore(%arg21 : memref<!tpu.dma_semaphore, #tpu.memory_space<semaphore_mem>>) src(%dma_wait3A_2055 : memref<32x128xf32, #tpu.memory_space<hbm>>) dst(%dma_wait3A_2052 : memref<32x128xf32, #tpu.memory_space<vmem>>)
      %dma_wait3A_2056 = arith.constant 4 : i32
      %dma_wait3A_2057 = arith.constant 0 : i32
      %dma_wait3A_2058 = arith.constant 0 : i32
      %dma_wait3A_2059 = tpu.memref_slice %arg15[%dma_wait3A_2056, %dma_wait3A_2057, %dma_wait3A_2058] : memref<8x16x128xf32, #tpu.memory_space<vmem>> -> memref<1x16x128xf32, #tpu.memory_space<vmem>>
      %dma_wait3A_2060 = tpu.memref_squeeze %dma_wait3A_2059 : memref<1x16x128xf32, #tpu.memory_space<vmem>> -> memref<16x128xf32, #tpu.memory_space<vmem>>
      %dma_wait3A_2061 = arith.constant 0 : i32
      %dma_wait3A_2062 = arith.constant 0 : i32
      %dma_wait3A_2063 = tpu.memref_slice %arg6[%dma_wait3A_2061, %dma_wait3A_2062] : memref<16x1000000xf32, #tpu.memory_space<hbm>> -> memref<16x128xf32, #tpu.memory_space<hbm>>
      %dma_wait3A_2064 = arith.constant 0 : i32
      %dma_wait3A_2065 = arith.constant 0 : i32
      %dma_wait3A_2066 = tpu.memref_slice %arg15[%dma_wait3A_2056, %dma_wait3A_2064, %dma_wait3A_2065] : memref<8x16x128xf32, #tpu.memory_space<vmem>> -> memref<1x16x128xf32, #tpu.memory_space<vmem>>
      %dma_wait3A_2067 = tpu.memref_squeeze %dma_wait3A_2066 : memref<1x16x128xf32, #tpu.memory_space<vmem>> -> memref<16x128xf32, #tpu.memory_space<vmem>>
      %dma_wait3A_2068 = arith.constant 0 : i32
      %dma_wait3A_2069 = arith.constant 0 : i32
      %dma_wait3A_2070 = tpu.memref_slice %arg6[%dma_wait3A_2068, %dma_wait3A_2069] : memref<16x1000000xf32, #tpu.memory_space<hbm>> -> memref<16x128xf32, #tpu.memory_space<hbm>>
      tpu.wait_dma2 semaphore(%arg21 : memref<!tpu.dma_semaphore, #tpu.memory_space<semaphore_mem>>) src(%dma_wait3A_2070 : memref<16x128xf32, #tpu.memory_space<hbm>>) dst(%dma_wait3A_2067 : memref<16x128xf32, #tpu.memory_space<vmem>>)
      %dma_wait3A_2071 = arith.constant 4 : i32
      %dma_wait3A_2072 = arith.constant 0 : i32
      %dma_wait3A_2073 = arith.constant 0 : i32
      %dma_wait3A_2074 = tpu.memref_slice %arg16[%dma_wait3A_2071, %dma_wait3A_2072, %dma_wait3A_2073] : memref<8x16x128xf32, #tpu.memory_space<vmem>> -> memref<1x16x128xf32, #tpu.memory_space<vmem>>
      %dma_wait3A_2075 = tpu.memref_squeeze %dma_wait3A_2074 : memref<1x16x128xf32, #tpu.memory_space<vmem>> -> memref<16x128xf32, #tpu.memory_space<vmem>>
      %dma_wait3A_2076 = arith.constant 0 : i32
      %dma_wait3A_2077 = arith.constant 0 : i32
      %dma_wait3A_2078 = tpu.memref_slice %arg7[%dma_wait3A_2076, %dma_wait3A_2077] : memref<16x1000000xf32, #tpu.memory_space<hbm>> -> memref<16x128xf32, #tpu.memory_space<hbm>>
      %dma_wait3A_2079 = arith.constant 0 : i32
      %dma_wait3A_2080 = arith.constant 0 : i32
      %dma_wait3A_2081 = tpu.memref_slice %arg16[%dma_wait3A_2071, %dma_wait3A_2079, %dma_wait3A_2080] : memref<8x16x128xf32, #tpu.memory_space<vmem>> -> memref<1x16x128xf32, #tpu.memory_space<vmem>>
      %dma_wait3A_2082 = tpu.memref_squeeze %dma_wait3A_2081 : memref<1x16x128xf32, #tpu.memory_space<vmem>> -> memref<16x128xf32, #tpu.memory_space<vmem>>
      %dma_wait3A_2083 = arith.constant 0 : i32
      %dma_wait3A_2084 = arith.constant 0 : i32
      %dma_wait3A_2085 = tpu.memref_slice %arg7[%dma_wait3A_2083, %dma_wait3A_2084] : memref<16x1000000xf32, #tpu.memory_space<hbm>> -> memref<16x128xf32, #tpu.memory_space<hbm>>
      tpu.wait_dma2 semaphore(%arg21 : memref<!tpu.dma_semaphore, #tpu.memory_space<semaphore_mem>>) src(%dma_wait3A_2085 : memref<16x128xf32, #tpu.memory_space<hbm>>) dst(%dma_wait3A_2082 : memref<16x128xf32, #tpu.memory_space<vmem>>)
      %dma_wait3A_2086 = arith.constant 5 : i32
      %dma_wait3A_2087 = arith.constant 0 : i32
      %dma_wait3A_2088 = arith.constant 0 : i32
      %dma_wait3A_2089 = tpu.memref_slice %arg13[%dma_wait3A_2086, %dma_wait3A_2087, %dma_wait3A_2088] : memref<8x32x128xf32, #tpu.memory_space<vmem>> -> memref<1x32x128xf32, #tpu.memory_space<vmem>>
      %dma_wait3A_2090 = tpu.memref_squeeze %dma_wait3A_2089 : memref<1x32x128xf32, #tpu.memory_space<vmem>> -> memref<32x128xf32, #tpu.memory_space<vmem>>
      %dma_wait3A_2091 = arith.constant 0 : i32
      %dma_wait3A_2092 = arith.constant 0 : i32
      %dma_wait3A_2093 = tpu.memref_slice %arg4[%dma_wait3A_2091, %dma_wait3A_2092] : memref<32x1000000xf32, #tpu.memory_space<hbm>> -> memref<32x128xf32, #tpu.memory_space<hbm>>
      %dma_wait3A_2094 = arith.constant 0 : i32
      %dma_wait3A_2095 = arith.constant 0 : i32
      %dma_wait3A_2096 = tpu.memref_slice %arg13[%dma_wait3A_2086, %dma_wait3A_2094, %dma_wait3A_2095] : memref<8x32x128xf32, #tpu.memory_space<vmem>> -> memref<1x32x128xf32, #tpu.memory_space<vmem>>
      %dma_wait3A_2097 = tpu.memref_squeeze %dma_wait3A_2096 : memref<1x32x128xf32, #tpu.memory_space<vmem>> -> memref<32x128xf32, #tpu.memory_space<vmem>>
      %dma_wait3A_2098 = arith.constant 0 : i32
      %dma_wait3A_2099 = arith.constant 0 : i32
      %dma_wait3A_2100 = tpu.memref_slice %arg4[%dma_wait3A_2098, %dma_wait3A_2099] : memref<32x1000000xf32, #tpu.memory_space<hbm>> -> memref<32x128xf32, #tpu.memory_space<hbm>>
      tpu.wait_dma2 semaphore(%arg21 : memref<!tpu.dma_semaphore, #tpu.memory_space<semaphore_mem>>) src(%dma_wait3A_2100 : memref<32x128xf32, #tpu.memory_space<hbm>>) dst(%dma_wait3A_2097 : memref<32x128xf32, #tpu.memory_space<vmem>>)
      %dma_wait3A_2101 = arith.constant 5 : i32
      %dma_wait3A_2102 = arith.constant 0 : i32
      %dma_wait3A_2103 = arith.constant 0 : i32
      %dma_wait3A_2104 = tpu.memref_slice %arg14[%dma_wait3A_2101, %dma_wait3A_2102, %dma_wait3A_2103] : memref<8x32x128xf32, #tpu.memory_space<vmem>> -> memref<1x32x128xf32, #tpu.memory_space<vmem>>
      %dma_wait3A_2105 = tpu.memref_squeeze %dma_wait3A_2104 : memref<1x32x128xf32, #tpu.memory_space<vmem>> -> memref<32x128xf32, #tpu.memory_space<vmem>>
      %dma_wait3A_2106 = arith.constant 0 : i32
      %dma_wait3A_2107 = arith.constant 0 : i32
      %dma_wait3A_2108 = tpu.memref_slice %arg5[%dma_wait3A_2106, %dma_wait3A_2107] : memref<32x1000000xf32, #tpu.memory_space<hbm>> -> memref<32x128xf32, #tpu.memory_space<hbm>>
      %dma_wait3A_2109 = arith.constant 0 : i32
      %dma_wait3A_2110 = arith.constant 0 : i32
      %dma_wait3A_2111 = tpu.memref_slice %arg14[%dma_wait3A_2101, %dma_wait3A_2109, %dma_wait3A_2110] : memref<8x32x128xf32, #tpu.memory_space<vmem>> -> memref<1x32x128xf32, #tpu.memory_space<vmem>>
      %dma_wait3A_2112 = tpu.memref_squeeze %dma_wait3A_2111 : memref<1x32x128xf32, #tpu.memory_space<vmem>> -> memref<32x128xf32, #tpu.memory_space<vmem>>
      %dma_wait3A_2113 = arith.constant 0 : i32
      %dma_wait3A_2114 = arith.constant 0 : i32
      %dma_wait3A_2115 = tpu.memref_slice %arg5[%dma_wait3A_2113, %dma_wait3A_2114] : memref<32x1000000xf32, #tpu.memory_space<hbm>> -> memref<32x128xf32, #tpu.memory_space<hbm>>
      tpu.wait_dma2 semaphore(%arg21 : memref<!tpu.dma_semaphore, #tpu.memory_space<semaphore_mem>>) src(%dma_wait3A_2115 : memref<32x128xf32, #tpu.memory_space<hbm>>) dst(%dma_wait3A_2112 : memref<32x128xf32, #tpu.memory_space<vmem>>)
      %dma_wait3A_2116 = arith.constant 5 : i32
      %dma_wait3A_2117 = arith.constant 0 : i32
      %dma_wait3A_2118 = arith.constant 0 : i32
      %dma_wait3A_2119 = tpu.memref_slice %arg15[%dma_wait3A_2116, %dma_wait3A_2117, %dma_wait3A_2118] : memref<8x16x128xf32, #tpu.memory_space<vmem>> -> memref<1x16x128xf32, #tpu.memory_space<vmem>>
      %dma_wait3A_2120 = tpu.memref_squeeze %dma_wait3A_2119 : memref<1x16x128xf32, #tpu.memory_space<vmem>> -> memref<16x128xf32, #tpu.memory_space<vmem>>
      %dma_wait3A_2121 = arith.constant 0 : i32
      %dma_wait3A_2122 = arith.constant 0 : i32
      %dma_wait3A_2123 = tpu.memref_slice %arg6[%dma_wait3A_2121, %dma_wait3A_2122] : memref<16x1000000xf32, #tpu.memory_space<hbm>> -> memref<16x128xf32, #tpu.memory_space<hbm>>
      %dma_wait3A_2124 = arith.constant 0 : i32
      %dma_wait3A_2125 = arith.constant 0 : i32
      %dma_wait3A_2126 = tpu.memref_slice %arg15[%dma_wait3A_2116, %dma_wait3A_2124, %dma_wait3A_2125] : memref<8x16x128xf32, #tpu.memory_space<vmem>> -> memref<1x16x128xf32, #tpu.memory_space<vmem>>
      %dma_wait3A_2127 = tpu.memref_squeeze %dma_wait3A_2126 : memref<1x16x128xf32, #tpu.memory_space<vmem>> -> memref<16x128xf32, #tpu.memory_space<vmem>>
      %dma_wait3A_2128 = arith.constant 0 : i32
      %dma_wait3A_2129 = arith.constant 0 : i32
      %dma_wait3A_2130 = tpu.memref_slice %arg6[%dma_wait3A_2128, %dma_wait3A_2129] : memref<16x1000000xf32, #tpu.memory_space<hbm>> -> memref<16x128xf32, #tpu.memory_space<hbm>>
      tpu.wait_dma2 semaphore(%arg21 : memref<!tpu.dma_semaphore, #tpu.memory_space<semaphore_mem>>) src(%dma_wait3A_2130 : memref<16x128xf32, #tpu.memory_space<hbm>>) dst(%dma_wait3A_2127 : memref<16x128xf32, #tpu.memory_space<vmem>>)
      %dma_wait3A_2131 = arith.constant 5 : i32
      %dma_wait3A_2132 = arith.constant 0 : i32
      %dma_wait3A_2133 = arith.constant 0 : i32
      %dma_wait3A_2134 = tpu.memref_slice %arg16[%dma_wait3A_2131, %dma_wait3A_2132, %dma_wait3A_2133] : memref<8x16x128xf32, #tpu.memory_space<vmem>> -> memref<1x16x128xf32, #tpu.memory_space<vmem>>
      %dma_wait3A_2135 = tpu.memref_squeeze %dma_wait3A_2134 : memref<1x16x128xf32, #tpu.memory_space<vmem>> -> memref<16x128xf32, #tpu.memory_space<vmem>>
      %dma_wait3A_2136 = arith.constant 0 : i32
      %dma_wait3A_2137 = arith.constant 0 : i32
      %dma_wait3A_2138 = tpu.memref_slice %arg7[%dma_wait3A_2136, %dma_wait3A_2137] : memref<16x1000000xf32, #tpu.memory_space<hbm>> -> memref<16x128xf32, #tpu.memory_space<hbm>>
      %dma_wait3A_2139 = arith.constant 0 : i32
      %dma_wait3A_2140 = arith.constant 0 : i32
      %dma_wait3A_2141 = tpu.memref_slice %arg16[%dma_wait3A_2131, %dma_wait3A_2139, %dma_wait3A_2140] : memref<8x16x128xf32, #tpu.memory_space<vmem>> -> memref<1x16x128xf32, #tpu.memory_space<vmem>>
      %dma_wait3A_2142 = tpu.memref_squeeze %dma_wait3A_2141 : memref<1x16x128xf32, #tpu.memory_space<vmem>> -> memref<16x128xf32, #tpu.memory_space<vmem>>
      %dma_wait3A_2143 = arith.constant 0 : i32
      %dma_wait3A_2144 = arith.constant 0 : i32
      %dma_wait3A_2145 = tpu.memref_slice %arg7[%dma_wait3A_2143, %dma_wait3A_2144] : memref<16x1000000xf32, #tpu.memory_space<hbm>> -> memref<16x128xf32, #tpu.memory_space<hbm>>
      tpu.wait_dma2 semaphore(%arg21 : memref<!tpu.dma_semaphore, #tpu.memory_space<semaphore_mem>>) src(%dma_wait3A_2145 : memref<16x128xf32, #tpu.memory_space<hbm>>) dst(%dma_wait3A_2142 : memref<16x128xf32, #tpu.memory_space<vmem>>)
      %dma_wait3A_2146 = arith.constant 6 : i32
      %dma_wait3A_2147 = arith.constant 0 : i32
      %dma_wait3A_2148 = arith.constant 0 : i32
      %dma_wait3A_2149 = tpu.memref_slice %arg13[%dma_wait3A_2146, %dma_wait3A_2147, %dma_wait3A_2148] : memref<8x32x128xf32, #tpu.memory_space<vmem>> -> memref<1x32x128xf32, #tpu.memory_space<vmem>>
      %dma_wait3A_2150 = tpu.memref_squeeze %dma_wait3A_2149 : memref<1x32x128xf32, #tpu.memory_space<vmem>> -> memref<32x128xf32, #tpu.memory_space<vmem>>
      %dma_wait3A_2151 = arith.constant 0 : i32
      %dma_wait3A_2152 = arith.constant 0 : i32
      %dma_wait3A_2153 = tpu.memref_slice %arg4[%dma_wait3A_2151, %dma_wait3A_2152] : memref<32x1000000xf32, #tpu.memory_space<hbm>> -> memref<32x128xf32, #tpu.memory_space<hbm>>
      %dma_wait3A_2154 = arith.constant 0 : i32
      %dma_wait3A_2155 = arith.constant 0 : i32
      %dma_wait3A_2156 = tpu.memref_slice %arg13[%dma_wait3A_2146, %dma_wait3A_2154, %dma_wait3A_2155] : memref<8x32x128xf32, #tpu.memory_space<vmem>> -> memref<1x32x128xf32, #tpu.memory_space<vmem>>
      %dma_wait3A_2157 = tpu.memref_squeeze %dma_wait3A_2156 : memref<1x32x128xf32, #tpu.memory_space<vmem>> -> memref<32x128xf32, #tpu.memory_space<vmem>>
      %dma_wait3A_2158 = arith.constant 0 : i32
      %dma_wait3A_2159 = arith.constant 0 : i32
      %dma_wait3A_2160 = tpu.memref_slice %arg4[%dma_wait3A_2158, %dma_wait3A_2159] : memref<32x1000000xf32, #tpu.memory_space<hbm>> -> memref<32x128xf32, #tpu.memory_space<hbm>>
      tpu.wait_dma2 semaphore(%arg21 : memref<!tpu.dma_semaphore, #tpu.memory_space<semaphore_mem>>) src(%dma_wait3A_2160 : memref<32x128xf32, #tpu.memory_space<hbm>>) dst(%dma_wait3A_2157 : memref<32x128xf32, #tpu.memory_space<vmem>>)
      %dma_wait3A_2161 = arith.constant 6 : i32
      %dma_wait3A_2162 = arith.constant 0 : i32
      %dma_wait3A_2163 = arith.constant 0 : i32
      %dma_wait3A_2164 = tpu.memref_slice %arg14[%dma_wait3A_2161, %dma_wait3A_2162, %dma_wait3A_2163] : memref<8x32x128xf32, #tpu.memory_space<vmem>> -> memref<1x32x128xf32, #tpu.memory_space<vmem>>
      %dma_wait3A_2165 = tpu.memref_squeeze %dma_wait3A_2164 : memref<1x32x128xf32, #tpu.memory_space<vmem>> -> memref<32x128xf32, #tpu.memory_space<vmem>>
      %dma_wait3A_2166 = arith.constant 0 : i32
      %dma_wait3A_2167 = arith.constant 0 : i32
      %dma_wait3A_2168 = tpu.memref_slice %arg5[%dma_wait3A_2166, %dma_wait3A_2167] : memref<32x1000000xf32, #tpu.memory_space<hbm>> -> memref<32x128xf32, #tpu.memory_space<hbm>>
      %dma_wait3A_2169 = arith.constant 0 : i32
      %dma_wait3A_2170 = arith.constant 0 : i32
      %dma_wait3A_2171 = tpu.memref_slice %arg14[%dma_wait3A_2161, %dma_wait3A_2169, %dma_wait3A_2170] : memref<8x32x128xf32, #tpu.memory_space<vmem>> -> memref<1x32x128xf32, #tpu.memory_space<vmem>>
      %dma_wait3A_2172 = tpu.memref_squeeze %dma_wait3A_2171 : memref<1x32x128xf32, #tpu.memory_space<vmem>> -> memref<32x128xf32, #tpu.memory_space<vmem>>
      %dma_wait3A_2173 = arith.constant 0 : i32
      %dma_wait3A_2174 = arith.constant 0 : i32
      %dma_wait3A_2175 = tpu.memref_slice %arg5[%dma_wait3A_2173, %dma_wait3A_2174] : memref<32x1000000xf32, #tpu.memory_space<hbm>> -> memref<32x128xf32, #tpu.memory_space<hbm>>
      tpu.wait_dma2 semaphore(%arg21 : memref<!tpu.dma_semaphore, #tpu.memory_space<semaphore_mem>>) src(%dma_wait3A_2175 : memref<32x128xf32, #tpu.memory_space<hbm>>) dst(%dma_wait3A_2172 : memref<32x128xf32, #tpu.memory_space<vmem>>)
      %dma_wait3A_2176 = arith.constant 6 : i32
      %dma_wait3A_2177 = arith.constant 0 : i32
      %dma_wait3A_2178 = arith.constant 0 : i32
      %dma_wait3A_2179 = tpu.memref_slice %arg15[%dma_wait3A_2176, %dma_wait3A_2177, %dma_wait3A_2178] : memref<8x16x128xf32, #tpu.memory_space<vmem>> -> memref<1x16x128xf32, #tpu.memory_space<vmem>>
      %dma_wait3A_2180 = tpu.memref_squeeze %dma_wait3A_2179 : memref<1x16x128xf32, #tpu.memory_space<vmem>> -> memref<16x128xf32, #tpu.memory_space<vmem>>
      %dma_wait3A_2181 = arith.constant 0 : i32
      %dma_wait3A_2182 = arith.constant 0 : i32
      %dma_wait3A_2183 = tpu.memref_slice %arg6[%dma_wait3A_2181, %dma_wait3A_2182] : memref<16x1000000xf32, #tpu.memory_space<hbm>> -> memref<16x128xf32, #tpu.memory_space<hbm>>
      %dma_wait3A_2184 = arith.constant 0 : i32
      %dma_wait3A_2185 = arith.constant 0 : i32
      %dma_wait3A_2186 = tpu.memref_slice %arg15[%dma_wait3A_2176, %dma_wait3A_2184, %dma_wait3A_2185] : memref<8x16x128xf32, #tpu.memory_space<vmem>> -> memref<1x16x128xf32, #tpu.memory_space<vmem>>
      %dma_wait3A_2187 = tpu.memref_squeeze %dma_wait3A_2186 : memref<1x16x128xf32, #tpu.memory_space<vmem>> -> memref<16x128xf32, #tpu.memory_space<vmem>>
      %dma_wait3A_2188 = arith.constant 0 : i32
      %dma_wait3A_2189 = arith.constant 0 : i32
      %dma_wait3A_2190 = tpu.memref_slice %arg6[%dma_wait3A_2188, %dma_wait3A_2189] : memref<16x1000000xf32, #tpu.memory_space<hbm>> -> memref<16x128xf32, #tpu.memory_space<hbm>>
      tpu.wait_dma2 semaphore(%arg21 : memref<!tpu.dma_semaphore, #tpu.memory_space<semaphore_mem>>) src(%dma_wait3A_2190 : memref<16x128xf32, #tpu.memory_space<hbm>>) dst(%dma_wait3A_2187 : memref<16x128xf32, #tpu.memory_space<vmem>>)
      %dma_wait3A_2191 = arith.constant 6 : i32
      %dma_wait3A_2192 = arith.constant 0 : i32
      %dma_wait3A_2193 = arith.constant 0 : i32
      %dma_wait3A_2194 = tpu.memref_slice %arg16[%dma_wait3A_2191, %dma_wait3A_2192, %dma_wait3A_2193] : memref<8x16x128xf32, #tpu.memory_space<vmem>> -> memref<1x16x128xf32, #tpu.memory_space<vmem>>
      %dma_wait3A_2195 = tpu.memref_squeeze %dma_wait3A_2194 : memref<1x16x128xf32, #tpu.memory_space<vmem>> -> memref<16x128xf32, #tpu.memory_space<vmem>>
      %dma_wait3A_2196 = arith.constant 0 : i32
      %dma_wait3A_2197 = arith.constant 0 : i32
      %dma_wait3A_2198 = tpu.memref_slice %arg7[%dma_wait3A_2196, %dma_wait3A_2197] : memref<16x1000000xf32, #tpu.memory_space<hbm>> -> memref<16x128xf32, #tpu.memory_space<hbm>>
      %dma_wait3A_2199 = arith.constant 0 : i32
      %dma_wait3A_2200 = arith.constant 0 : i32
      %dma_wait3A_2201 = tpu.memref_slice %arg16[%dma_wait3A_2191, %dma_wait3A_2199, %dma_wait3A_2200] : memref<8x16x128xf32, #tpu.memory_space<vmem>> -> memref<1x16x128xf32, #tpu.memory_space<vmem>>
      %dma_wait3A_2202 = tpu.memref_squeeze %dma_wait3A_2201 : memref<1x16x128xf32, #tpu.memory_space<vmem>> -> memref<16x128xf32, #tpu.memory_space<vmem>>
      %dma_wait3A_2203 = arith.constant 0 : i32
      %dma_wait3A_2204 = arith.constant 0 : i32
      %dma_wait3A_2205 = tpu.memref_slice %arg7[%dma_wait3A_2203, %dma_wait3A_2204] : memref<16x1000000xf32, #tpu.memory_space<hbm>> -> memref<16x128xf32, #tpu.memory_space<hbm>>
      tpu.wait_dma2 semaphore(%arg21 : memref<!tpu.dma_semaphore, #tpu.memory_space<semaphore_mem>>) src(%dma_wait3A_2205 : memref<16x128xf32, #tpu.memory_space<hbm>>) dst(%dma_wait3A_2202 : memref<16x128xf32, #tpu.memory_space<vmem>>)
      %dma_wait3A_2206 = arith.constant 7 : i32
      %dma_wait3A_2207 = arith.constant 0 : i32
      %dma_wait3A_2208 = arith.constant 0 : i32
      %dma_wait3A_2209 = tpu.memref_slice %arg13[%dma_wait3A_2206, %dma_wait3A_2207, %dma_wait3A_2208] : memref<8x32x128xf32, #tpu.memory_space<vmem>> -> memref<1x32x128xf32, #tpu.memory_space<vmem>>
      %dma_wait3A_2210 = tpu.memref_squeeze %dma_wait3A_2209 : memref<1x32x128xf32, #tpu.memory_space<vmem>> -> memref<32x128xf32, #tpu.memory_space<vmem>>
      %dma_wait3A_2211 = arith.constant 0 : i32
      %dma_wait3A_2212 = arith.constant 0 : i32
      %dma_wait3A_2213 = tpu.memref_slice %arg4[%dma_wait3A_2211, %dma_wait3A_2212] : memref<32x1000000xf32, #tpu.memory_space<hbm>> -> memref<32x128xf32, #tpu.memory_space<hbm>>
      %dma_wait3A_2214 = arith.constant 0 : i32
      %dma_wait3A_2215 = arith.constant 0 : i32
      %dma_wait3A_2216 = tpu.memref_slice %arg13[%dma_wait3A_2206, %dma_wait3A_2214, %dma_wait3A_2215] : memref<8x32x128xf32, #tpu.memory_space<vmem>> -> memref<1x32x128xf32, #tpu.memory_space<vmem>>
      %dma_wait3A_2217 = tpu.memref_squeeze %dma_wait3A_2216 : memref<1x32x128xf32, #tpu.memory_space<vmem>> -> memref<32x128xf32, #tpu.memory_space<vmem>>
      %dma_wait3A_2218 = arith.constant 0 : i32
      %dma_wait3A_2219 = arith.constant 0 : i32
      %dma_wait3A_2220 = tpu.memref_slice %arg4[%dma_wait3A_2218, %dma_wait3A_2219] : memref<32x1000000xf32, #tpu.memory_space<hbm>> -> memref<32x128xf32, #tpu.memory_space<hbm>>
      tpu.wait_dma2 semaphore(%arg21 : memref<!tpu.dma_semaphore, #tpu.memory_space<semaphore_mem>>) src(%dma_wait3A_2220 : memref<32x128xf32, #tpu.memory_space<hbm>>) dst(%dma_wait3A_2217 : memref<32x128xf32, #tpu.memory_space<vmem>>)
      %dma_wait3A_2221 = arith.constant 7 : i32
      %dma_wait3A_2222 = arith.constant 0 : i32
      %dma_wait3A_2223 = arith.constant 0 : i32
      %dma_wait3A_2224 = tpu.memref_slice %arg14[%dma_wait3A_2221, %dma_wait3A_2222, %dma_wait3A_2223] : memref<8x32x128xf32, #tpu.memory_space<vmem>> -> memref<1x32x128xf32, #tpu.memory_space<vmem>>
      %dma_wait3A_2225 = tpu.memref_squeeze %dma_wait3A_2224 : memref<1x32x128xf32, #tpu.memory_space<vmem>> -> memref<32x128xf32, #tpu.memory_space<vmem>>
      %dma_wait3A_2226 = arith.constant 0 : i32
      %dma_wait3A_2227 = arith.constant 0 : i32
      %dma_wait3A_2228 = tpu.memref_slice %arg5[%dma_wait3A_2226, %dma_wait3A_2227] : memref<32x1000000xf32, #tpu.memory_space<hbm>> -> memref<32x128xf32, #tpu.memory_space<hbm>>
      %dma_wait3A_2229 = arith.constant 0 : i32
      %dma_wait3A_2230 = arith.constant 0 : i32
      %dma_wait3A_2231 = tpu.memref_slice %arg14[%dma_wait3A_2221, %dma_wait3A_2229, %dma_wait3A_2230] : memref<8x32x128xf32, #tpu.memory_space<vmem>> -> memref<1x32x128xf32, #tpu.memory_space<vmem>>
      %dma_wait3A_2232 = tpu.memref_squeeze %dma_wait3A_2231 : memref<1x32x128xf32, #tpu.memory_space<vmem>> -> memref<32x128xf32, #tpu.memory_space<vmem>>
      %dma_wait3A_2233 = arith.constant 0 : i32
      %dma_wait3A_2234 = arith.constant 0 : i32
      %dma_wait3A_2235 = tpu.memref_slice %arg5[%dma_wait3A_2233, %dma_wait3A_2234] : memref<32x1000000xf32, #tpu.memory_space<hbm>> -> memref<32x128xf32, #tpu.memory_space<hbm>>
      tpu.wait_dma2 semaphore(%arg21 : memref<!tpu.dma_semaphore, #tpu.memory_space<semaphore_mem>>) src(%dma_wait3A_2235 : memref<32x128xf32, #tpu.memory_space<hbm>>) dst(%dma_wait3A_2232 : memref<32x128xf32, #tpu.memory_space<vmem>>)
      %dma_wait3A_2236 = arith.constant 7 : i32
      %dma_wait3A_2237 = arith.constant 0 : i32
      %dma_wait3A_2238 = arith.constant 0 : i32
      %dma_wait3A_2239 = tpu.memref_slice %arg15[%dma_wait3A_2236, %dma_wait3A_2237, %dma_wait3A_2238] : memref<8x16x128xf32, #tpu.memory_space<vmem>> -> memref<1x16x128xf32, #tpu.memory_space<vmem>>
      %dma_wait3A_2240 = tpu.memref_squeeze %dma_wait3A_2239 : memref<1x16x128xf32, #tpu.memory_space<vmem>> -> memref<16x128xf32, #tpu.memory_space<vmem>>
      %dma_wait3A_2241 = arith.constant 0 : i32
      %dma_wait3A_2242 = arith.constant 0 : i32
      %dma_wait3A_2243 = tpu.memref_slice %arg6[%dma_wait3A_2241, %dma_wait3A_2242] : memref<16x1000000xf32, #tpu.memory_space<hbm>> -> memref<16x128xf32, #tpu.memory_space<hbm>>
      %dma_wait3A_2244 = arith.constant 0 : i32
      %dma_wait3A_2245 = arith.constant 0 : i32
      %dma_wait3A_2246 = tpu.memref_slice %arg15[%dma_wait3A_2236, %dma_wait3A_2244, %dma_wait3A_2245] : memref<8x16x128xf32, #tpu.memory_space<vmem>> -> memref<1x16x128xf32, #tpu.memory_space<vmem>>
      %dma_wait3A_2247 = tpu.memref_squeeze %dma_wait3A_2246 : memref<1x16x128xf32, #tpu.memory_space<vmem>> -> memref<16x128xf32, #tpu.memory_space<vmem>>
      %dma_wait3A_2248 = arith.constant 0 : i32
      %dma_wait3A_2249 = arith.constant 0 : i32
      %dma_wait3A_2250 = tpu.memref_slice %arg6[%dma_wait3A_2248, %dma_wait3A_2249] : memref<16x1000000xf32, #tpu.memory_space<hbm>> -> memref<16x128xf32, #tpu.memory_space<hbm>>
      tpu.wait_dma2 semaphore(%arg21 : memref<!tpu.dma_semaphore, #tpu.memory_space<semaphore_mem>>) src(%dma_wait3A_2250 : memref<16x128xf32, #tpu.memory_space<hbm>>) dst(%dma_wait3A_2247 : memref<16x128xf32, #tpu.memory_space<vmem>>)
      %dma_wait3A_2251 = arith.constant 7 : i32
      %dma_wait3A_2252 = arith.constant 0 : i32
      %dma_wait3A_2253 = arith.constant 0 : i32
      %dma_wait3A_2254 = tpu.memref_slice %arg16[%dma_wait3A_2251, %dma_wait3A_2252, %dma_wait3A_2253] : memref<8x16x128xf32, #tpu.memory_space<vmem>> -> memref<1x16x128xf32, #tpu.memory_space<vmem>>
      %dma_wait3A_2255 = tpu.memref_squeeze %dma_wait3A_2254 : memref<1x16x128xf32, #tpu.memory_space<vmem>> -> memref<16x128xf32, #tpu.memory_space<vmem>>
      %dma_wait3A_2256 = arith.constant 0 : i32
      %dma_wait3A_2257 = arith.constant 0 : i32
      %dma_wait3A_2258 = tpu.memref_slice %arg7[%dma_wait3A_2256, %dma_wait3A_2257] : memref<16x1000000xf32, #tpu.memory_space<hbm>> -> memref<16x128xf32, #tpu.memory_space<hbm>>
      %dma_wait3A_2259 = arith.constant 0 : i32
      %dma_wait3A_2260 = arith.constant 0 : i32
      %dma_wait3A_2261 = tpu.memref_slice %arg16[%dma_wait3A_2251, %dma_wait3A_2259, %dma_wait3A_2260] : memref<8x16x128xf32, #tpu.memory_space<vmem>> -> memref<1x16x128xf32, #tpu.memory_space<vmem>>
      %dma_wait3A_2262 = tpu.memref_squeeze %dma_wait3A_2261 : memref<1x16x128xf32, #tpu.memory_space<vmem>> -> memref<16x128xf32, #tpu.memory_space<vmem>>
      %dma_wait3A_2263 = arith.constant 0 : i32
      %dma_wait3A_2264 = arith.constant 0 : i32
      %dma_wait3A_2265 = tpu.memref_slice %arg7[%dma_wait3A_2263, %dma_wait3A_2264] : memref<16x1000000xf32, #tpu.memory_space<hbm>> -> memref<16x128xf32, #tpu.memory_space<hbm>>
      tpu.wait_dma2 semaphore(%arg21 : memref<!tpu.dma_semaphore, #tpu.memory_space<semaphore_mem>>) src(%dma_wait3A_2265 : memref<16x128xf32, #tpu.memory_space<hbm>>) dst(%dma_wait3A_2262 : memref<16x128xf32, #tpu.memory_space<vmem>>)
      %jit3A_2266 = arith.constant 4 : i32
      %div3A_2267 = arith.divsi %add3A_2025, %jit3A_2266 : i32
      %sign3A_2268 = arith.constant 0 : i32
      %sign3A_2269 = arith.cmpi sgt, %add3A_2025, %sign3A_2268 : i32
      %sign3A_2270 = arith.extui %sign3A_2269 : i1 to i32
      %sign3A_2271 = arith.constant 0 : i32
      %sign3A_2272 = arith.cmpi slt, %add3A_2025, %sign3A_2271 : i32
      %sign3A_2273 = arith.extui %sign3A_2272 : i1 to i32
      %sign3A_2274 = arith.subi %sign3A_2270, %sign3A_2273 : i32
      %sign3A_2275 = arith.constant 0 : i32
      %sign3A_2276 = arith.cmpi sgt, %jit3A_2266, %sign3A_2275 : i32
      %sign3A_2277 = arith.extui %sign3A_2276 : i1 to i32
      %sign3A_2278 = arith.constant 0 : i32
      %sign3A_2279 = arith.cmpi slt, %jit3A_2266, %sign3A_2278 : i32
      %sign3A_2280 = arith.extui %sign3A_2279 : i1 to i32
      %sign3A_2281 = arith.subi %sign3A_2277, %sign3A_2280 : i32
      %ne3A_2282 = arith.cmpi ne, %sign3A_2274, %sign3A_2281 : i32
      %rem3A_2283 = arith.remsi %add3A_2025, %jit3A_2266 : i32
      %ne3A_2284 = arith.constant 0 : i32
      %ne3A_2285 = arith.cmpi ne, %rem3A_2283, %ne3A_2284 : i32
      %and3A_2286 = arith.andi %ne3A_2282, %ne3A_2285 : i1
      %sub3A_2287 = arith.constant 1 : i32
      %sub3A_2288 = arith.subi %div3A_2267, %sub3A_2287 : i32
      %select_n3A_2289 = arith.select %and3A_2286, %sub3A_2288, %div3A_2267 : i32
      %mul3A_2290 = arith.constant 16 : i32
      %mul3A_2291 = arith.muli %select_n3A_2289, %mul3A_2290 : i32
      %multiple_of3A_2292 = tpu.assume_multiple %mul3A_2291, 16 : i32
      %jit3A_2293 = arith.constant 4 : i32
      %eq3A_2294 = arith.constant 0 : i32
      %eq3A_2295 = arith.cmpi eq, %jit3A_2293, %eq3A_2294 : i32
      %jit3A_2296 = arith.constant 1 : i32
      %select_n3A_2297 = arith.select %eq3A_2295, %jit3A_2296, %jit3A_2293 : i32
      %rem3A_2298 = arith.remsi %add3A_2025, %select_n3A_2297 : i32
      %ne3A_2299 = arith.constant 0 : i32
      %ne3A_2300 = arith.cmpi ne, %rem3A_2298, %ne3A_2299 : i32
      %lt3A_2301 = arith.constant 0 : i32
      %lt3A_2302 = arith.cmpi slt, %rem3A_2298, %lt3A_2301 : i32
      %lt3A_2303 = arith.constant 0 : i32
      %lt3A_2304 = arith.cmpi slt, %select_n3A_2297, %lt3A_2303 : i32
      %ne3A_2305 = arith.xori %lt3A_2302, %lt3A_2304 : i1
      %and3A_2306 = arith.andi %ne3A_2305, %ne3A_2300 : i1
      %add3A_2307 = arith.addi %rem3A_2298, %select_n3A_2297 : i32
      %select_n3A_2308 = arith.select %and3A_2306, %add3A_2307, %rem3A_2298 : i32
      %mul3A_2309 = arith.constant 4 : i32
      %mul3A_2310 = arith.muli %select_n3A_2308, %mul3A_2309 : i32
      %get3A_2311 = arith.index_cast %multiple_of3A_2292 : i32 to index
      %get3A_2312 = tpu.vector_load %arg11[%get3A_2311] {strides = array<i32>} : memref<512xi32, #tpu.memory_space<vmem>>, vector<16xi32>,
      %get3A_2313 = arith.index_cast %multiple_of3A_2292 : i32 to index
      %get3A_2314 = tpu.vector_load %arg12[%get3A_2313] {strides = array<i32>} : memref<512xi32, #tpu.memory_space<vmem>>, vector<16xi32>,
      %add3A_2315 = arith.constant 0 : i32
      %add3A_2316 = arith.addi %mul3A_2310, %add3A_2315 : i32
      %eq3A_2317 = vector.broadcast %add3A_2316 : i32 to vector<16xi32>
      %eq3A_2318 = arith.cmpi eq, %iota3A, %eq3A_2317 : vector<16xi32>
      %jit3A_2319 = arith.constant 0 : i32
      %broadcast_in_dim3A_2320 = vector.broadcast %jit3A_2319 : i32 to vector<16xi32>
      %select_n3A_2321 = arith.select %eq3A_2318, %get3A_2312, %broadcast_in_dim3A_2320 : vector<16xi1>, vector<16xi32>
      %reduce_sum3A_2322 = arith.constant true
      %reduce_sum3A_2323 = vector.broadcast %reduce_sum3A_2322 : i1 to vector<16xi1>
      %reduce_sum3A_2324 = tpu.scan <sum>, %select_n3A_2321 masked %reduce_sum3A_2323 : vector<16xi32>, vector<16xi1> -> vector<16xi32>
      %reduce_sum3A_2325 = vector.extract %reduce_sum3A_2324[15] : i32 from vector<16xi32>
      %add3A_2326 = arith.constant 0 : i32
      %add3A_2327 = arith.addi %mul3A_2310, %add3A_2326 : i32
      %eq3A_2328 = vector.broadcast %add3A_2327 : i32 to vector<16xi32>
      %eq3A_2329 = arith.cmpi eq, %iota3A, %eq3A_2328 : vector<16xi32>
      %jit3A_2330 = arith.constant 0 : i32
      %broadcast_in_dim3A_2331 = vector.broadcast %jit3A_2330 : i32 to vector<16xi32>
      %select_n3A_2332 = arith.select %eq3A_2329, %get3A_2314, %broadcast_in_dim3A_2331 : vector<16xi1>, vector<16xi32>
      %reduce_sum3A_2333 = arith.constant true
      %reduce_sum3A_2334 = vector.broadcast %reduce_sum3A_2333 : i1 to vector<16xi1>
      %reduce_sum3A_2335 = tpu.scan <sum>, %select_n3A_2332 masked %reduce_sum3A_2334 : vector<16xi32>, vector<16xi1> -> vector<16xi32>
      %reduce_sum3A_2336 = vector.extract %reduce_sum3A_2335[15] : i32 from vector<16xi32>
      %jit3A_2337 = arith.constant 128 : i32
      %eq3A_2338 = arith.constant 0 : i32
      %eq3A_2339 = arith.cmpi eq, %jit3A_2337, %eq3A_2338 : i32
      %jit3A_2340 = arith.constant 1 : i32
      %select_n3A_2341 = arith.select %eq3A_2339, %jit3A_2340, %jit3A_2337 : i32
      %rem3A_2342 = arith.remsi %reduce_sum3A_2325, %select_n3A_2341 : i32
      %ne3A_2343 = arith.constant 0 : i32
      %ne3A_2344 = arith.cmpi ne, %rem3A_2342, %ne3A_2343 : i32
      %lt3A_2345 = arith.constant 0 : i32
      %lt3A_2346 = arith.cmpi slt, %rem3A_2342, %lt3A_2345 : i32
      %lt3A_2347 = arith.constant 0 : i32
      %lt3A_2348 = arith.cmpi slt, %select_n3A_2341, %lt3A_2347 : i32
      %ne3A_2349 = arith.xori %lt3A_2346, %lt3A_2348 : i1
      %and3A_2350 = arith.andi %ne3A_2349, %ne3A_2344 : i1
      %add3A_2351 = arith.addi %rem3A_2342, %select_n3A_2341 : i32
      %select_n3A_2352 = arith.select %and3A_2350, %add3A_2351, %rem3A_2342 : i32
      %broadcast_in_dim3A_2353 = vector.broadcast %select_n3A_2352 : i32 to vector<16xi32>
      %jit3A_2354 = arith.constant 128 : i32
      %eq3A_2355 = arith.constant 0 : i32
      %eq3A_2356 = arith.cmpi eq, %jit3A_2354, %eq3A_2355 : i32
      %jit3A_2357 = arith.constant 1 : i32
      %select_n3A_2358 = arith.select %eq3A_2356, %jit3A_2357, %jit3A_2354 : i32
      %rem3A_2359 = arith.remsi %reduce_sum3A_2336, %select_n3A_2358 : i32
      %ne3A_2360 = arith.constant 0 : i32
      %ne3A_2361 = arith.cmpi ne, %rem3A_2359, %ne3A_2360 : i32
      %lt3A_2362 = arith.constant 0 : i32
      %lt3A_2363 = arith.cmpi slt, %rem3A_2359, %lt3A_2362 : i32
      %lt3A_2364 = arith.constant 0 : i32
      %lt3A_2365 = arith.cmpi slt, %select_n3A_2358, %lt3A_2364 : i32
      %ne3A_2366 = arith.xori %lt3A_2363, %lt3A_2365 : i1
      %and3A_2367 = arith.andi %ne3A_2366, %ne3A_2361 : i1
      %add3A_2368 = arith.addi %rem3A_2359, %select_n3A_2358 : i32
      %select_n3A_2369 = arith.select %and3A_2367, %add3A_2368, %rem3A_2359 : i32
      %broadcast_in_dim3A_2370 = vector.broadcast %select_n3A_2369 : i32 to vector<16xi32>
      %broadcast_in_dim3A_2371 = arith.constant 4 : i32
      %broadcast_in_dim3A_2372 = vector.broadcast %broadcast_in_dim3A_2371 : i32 to vector<16xi32>
      %add3A_2373 = arith.constant 0 : i32
      %add3A_2374 = vector.broadcast %add3A_2373 : i32 to vector<16xi32>
      %add3A_2375 = arith.addi %add3A_2374, %iota3A : vector<16xi32>
      %gather3A_2376 = tpu.vector_load_idx %arg13[%broadcast_in_dim3A_2372, %add3A_2375, %broadcast_in_dim3A_2353] : memref<8x32x128xf32, #tpu.memory_space<vmem>>[vector<16xi32>, vector<16xi32>, vector<16xi32>], vector<16xf32>,
      %gather3A_2377 = tpu.vector_load_idx %arg14[%broadcast_in_dim3A_2372, %add3A_2375, %broadcast_in_dim3A_2370] : memref<8x32x128xf32, #tpu.memory_space<vmem>>[vector<16xi32>, vector<16xi32>, vector<16xi32>], vector<16xf32>,
      %mul3A_2378 = arith.mulf %gather3A_2376, %gather3A_2377 : vector<16xf32>
      %swap3A_2379 = arith.constant 4 : i32
      %swap3A_2380 = arith.index_cast %swap3A_2379 : i32 to index
      %swap3A_2381 = arith.constant 0 : index
      %swap3A_2382 = tpu.vector_load %arg17[%swap3A_2380, %swap3A_2381] {strides = array<i32>} : memref<8x32xf32, #tpu.memory_space<vmem>>, vector<16xf32>,
      tpu.vector_store %arg17[%swap3A_2380, %swap3A_2381], %mul3A_2378 {strides = array<i32>} : memref<8x32xf32, #tpu.memory_space<vmem>>, vector<16xf32>,
      %add3A_2383 = arith.constant 16 : i32
      %add3A_2384 = vector.broadcast %add3A_2383 : i32 to vector<16xi32>
      %add3A_2385 = arith.addi %add3A_2384, %iota3A : vector<16xi32>
      %gather3A_2386 = tpu.vector_load_idx %arg13[%broadcast_in_dim3A_2372, %add3A_2385, %broadcast_in_dim3A_2353] : memref<8x32x128xf32, #tpu.memory_space<vmem>>[vector<16xi32>, vector<16xi32>, vector<16xi32>], vector<16xf32>,
      %gather3A_2387 = tpu.vector_load_idx %arg14[%broadcast_in_dim3A_2372, %add3A_2385, %broadcast_in_dim3A_2370] : memref<8x32x128xf32, #tpu.memory_space<vmem>>[vector<16xi32>, vector<16xi32>, vector<16xi32>], vector<16xf32>,
      %mul3A_2388 = arith.mulf %gather3A_2386, %gather3A_2387 : vector<16xf32>
      %swap3A_2389 = arith.constant 4 : i32
      %swap3A_2390 = arith.index_cast %swap3A_2389 : i32 to index
      %swap3A_2391 = arith.constant 16 : index
      %swap3A_2392 = tpu.vector_load %arg17[%swap3A_2390, %swap3A_2391] {strides = array<i32>} : memref<8x32xf32, #tpu.memory_space<vmem>>, vector<16xf32>,
      tpu.vector_store %arg17[%swap3A_2390, %swap3A_2391], %mul3A_2388 {strides = array<i32>} : memref<8x32xf32, #tpu.memory_space<vmem>>, vector<16xf32>,
      %gather3A_2393 = tpu.vector_load_idx %arg15[%broadcast_in_dim3A_2372, %iota3A, %broadcast_in_dim3A_2353] : memref<8x16x128xf32, #tpu.memory_space<vmem>>[vector<16xi32>, vector<16xi32>, vector<16xi32>], vector<16xf32>,
      %swap3A_2394 = arith.constant 4 : i32
      %swap3A_2395 = arith.index_cast %swap3A_2394 : i32 to index
      %swap3A_2396 = arith.constant 0 : index
      %swap3A_2397 = tpu.vector_load %arg18[%swap3A_2395, %swap3A_2396] {strides = array<i32>} : memref<8x16xf32, #tpu.memory_space<vmem>>, vector<16xf32>,
      tpu.vector_store %arg18[%swap3A_2395, %swap3A_2396], %gather3A_2393 {strides = array<i32>} : memref<8x16xf32, #tpu.memory_space<vmem>>, vector<16xf32>,
      %gather3A_2398 = tpu.vector_load_idx %arg16[%broadcast_in_dim3A_2372, %iota3A, %broadcast_in_dim3A_2370] : memref<8x16x128xf32, #tpu.memory_space<vmem>>[vector<16xi32>, vector<16xi32>, vector<16xi32>], vector<16xf32>,
      %swap3A_2399 = arith.constant 4 : i32
      %swap3A_2400 = arith.index_cast %swap3A_2399 : i32 to index
      %swap3A_2401 = arith.constant 0 : index
      %swap3A_2402 = tpu.vector_load %arg19[%swap3A_2400, %swap3A_2401] {strides = array<i32>} : memref<8x16xf32, #tpu.memory_space<vmem>>, vector<16xf32>,
      tpu.vector_store %arg19[%swap3A_2400, %swap3A_2401], %gather3A_2398 {strides = array<i32>} : memref<8x16xf32, #tpu.memory_space<vmem>>, vector<16xf32>,
      %jit3A_2403 = arith.constant 4 : i32
      %div3A_2404 = arith.divsi %add3A_2025, %jit3A_2403 : i32
      %sign3A_2405 = arith.constant 0 : i32
      %sign3A_2406 = arith.cmpi sgt, %add3A_2025, %sign3A_2405 : i32
      %sign3A_2407 = arith.extui %sign3A_2406 : i1 to i32
      %sign3A_2408 = arith.constant 0 : i32
      %sign3A_2409 = arith.cmpi slt, %add3A_2025, %sign3A_2408 : i32
      %sign3A_2410 = arith.extui %sign3A_2409 : i1 to i32
      %sign3A_2411 = arith.subi %sign3A_2407, %sign3A_2410 : i32
      %sign3A_2412 = arith.constant 0 : i32
      %sign3A_2413 = arith.cmpi sgt, %jit3A_2403, %sign3A_2412 : i32
      %sign3A_2414 = arith.extui %sign3A_2413 : i1 to i32
      %sign3A_2415 = arith.constant 0 : i32
      %sign3A_2416 = arith.cmpi slt, %jit3A_2403, %sign3A_2415 : i32
      %sign3A_2417 = arith.extui %sign3A_2416 : i1 to i32
      %sign3A_2418 = arith.subi %sign3A_2414, %sign3A_2417 : i32
      %ne3A_2419 = arith.cmpi ne, %sign3A_2411, %sign3A_2418 : i32
      %rem3A_2420 = arith.remsi %add3A_2025, %jit3A_2403 : i32
      %ne3A_2421 = arith.constant 0 : i32
      %ne3A_2422 = arith.cmpi ne, %rem3A_2420, %ne3A_2421 : i32
      %and3A_2423 = arith.andi %ne3A_2419, %ne3A_2422 : i1
      %sub3A_2424 = arith.constant 1 : i32
      %sub3A_2425 = arith.subi %div3A_2404, %sub3A_2424 : i32
      %select_n3A_2426 = arith.select %and3A_2423, %sub3A_2425, %div3A_2404 : i32
      %mul3A_2427 = arith.constant 16 : i32
      %mul3A_2428 = arith.muli %select_n3A_2426, %mul3A_2427 : i32
      %multiple_of3A_2429 = tpu.assume_multiple %mul3A_2428, 16 : i32
      %jit3A_2430 = arith.constant 4 : i32
      %eq3A_2431 = arith.constant 0 : i32
      %eq3A_2432 = arith.cmpi eq, %jit3A_2430, %eq3A_2431 : i32
      %jit3A_2433 = arith.constant 1 : i32
      %select_n3A_2434 = arith.select %eq3A_2432, %jit3A_2433, %jit3A_2430 : i32
      %rem3A_2435 = arith.remsi %add3A_2025, %select_n3A_2434 : i32
      %ne3A_2436 = arith.constant 0 : i32
      %ne3A_2437 = arith.cmpi ne, %rem3A_2435, %ne3A_2436 : i32
      %lt3A_2438 = arith.constant 0 : i32
      %lt3A_2439 = arith.cmpi slt, %rem3A_2435, %lt3A_2438 : i32
      %lt3A_2440 = arith.constant 0 : i32
      %lt3A_2441 = arith.cmpi slt, %select_n3A_2434, %lt3A_2440 : i32
      %ne3A_2442 = arith.xori %lt3A_2439, %lt3A_2441 : i1
      %and3A_2443 = arith.andi %ne3A_2442, %ne3A_2437 : i1
      %add3A_2444 = arith.addi %rem3A_2435, %select_n3A_2434 : i32
      %select_n3A_2445 = arith.select %and3A_2443, %add3A_2444, %rem3A_2435 : i32
      %mul3A_2446 = arith.constant 4 : i32
      %mul3A_2447 = arith.muli %select_n3A_2445, %mul3A_2446 : i32
      %get3A_2448 = arith.index_cast %multiple_of3A_2429 : i32 to index
      %get3A_2449 = tpu.vector_load %arg11[%get3A_2448] {strides = array<i32>} : memref<512xi32, #tpu.memory_space<vmem>>, vector<16xi32>,
      %get3A_2450 = arith.index_cast %multiple_of3A_2429 : i32 to index
      %get3A_2451 = tpu.vector_load %arg12[%get3A_2450] {strides = array<i32>} : memref<512xi32, #tpu.memory_space<vmem>>, vector<16xi32>,
      %add3A_2452 = arith.constant 1 : i32
      %add3A_2453 = arith.addi %mul3A_2447, %add3A_2452 : i32
      %eq3A_2454 = vector.broadcast %add3A_2453 : i32 to vector<16xi32>
      %eq3A_2455 = arith.cmpi eq, %iota3A, %eq3A_2454 : vector<16xi32>
      %jit3A_2456 = arith.constant 0 : i32
      %broadcast_in_dim3A_2457 = vector.broadcast %jit3A_2456 : i32 to vector<16xi32>
      %select_n3A_2458 = arith.select %eq3A_2455, %get3A_2449, %broadcast_in_dim3A_2457 : vector<16xi1>, vector<16xi32>
      %reduce_sum3A_2459 = arith.constant true
      %reduce_sum3A_2460 = vector.broadcast %reduce_sum3A_2459 : i1 to vector<16xi1>
      %reduce_sum3A_2461 = tpu.scan <sum>, %select_n3A_2458 masked %reduce_sum3A_2460 : vector<16xi32>, vector<16xi1> -> vector<16xi32>
      %reduce_sum3A_2462 = vector.extract %reduce_sum3A_2461[15] : i32 from vector<16xi32>
      %add3A_2463 = arith.constant 1 : i32
      %add3A_2464 = arith.addi %mul3A_2447, %add3A_2463 : i32
      %eq3A_2465 = vector.broadcast %add3A_2464 : i32 to vector<16xi32>
      %eq3A_2466 = arith.cmpi eq, %iota3A, %eq3A_2465 : vector<16xi32>
      %jit3A_2467 = arith.constant 0 : i32
      %broadcast_in_dim3A_2468 = vector.broadcast %jit3A_2467 : i32 to vector<16xi32>
      %select_n3A_2469 = arith.select %eq3A_2466, %get3A_2451, %broadcast_in_dim3A_2468 : vector<16xi1>, vector<16xi32>
      %reduce_sum3A_2470 = arith.constant true
      %reduce_sum3A_2471 = vector.broadcast %reduce_sum3A_2470 : i1 to vector<16xi1>
      %reduce_sum3A_2472 = tpu.scan <sum>, %select_n3A_2469 masked %reduce_sum3A_2471 : vector<16xi32>, vector<16xi1> -> vector<16xi32>
      %reduce_sum3A_2473 = vector.extract %reduce_sum3A_2472[15] : i32 from vector<16xi32>
      %jit3A_2474 = arith.constant 128 : i32
      %eq3A_2475 = arith.constant 0 : i32
      %eq3A_2476 = arith.cmpi eq, %jit3A_2474, %eq3A_2475 : i32
      %jit3A_2477 = arith.constant 1 : i32
      %select_n3A_2478 = arith.select %eq3A_2476, %jit3A_2477, %jit3A_2474 : i32
      %rem3A_2479 = arith.remsi %reduce_sum3A_2462, %select_n3A_2478 : i32
      %ne3A_2480 = arith.constant 0 : i32
      %ne3A_2481 = arith.cmpi ne, %rem3A_2479, %ne3A_2480 : i32
      %lt3A_2482 = arith.constant 0 : i32
      %lt3A_2483 = arith.cmpi slt, %rem3A_2479, %lt3A_2482 : i32
      %lt3A_2484 = arith.constant 0 : i32
      %lt3A_2485 = arith.cmpi slt, %select_n3A_2478, %lt3A_2484 : i32
      %ne3A_2486 = arith.xori %lt3A_2483, %lt3A_2485 : i1
      %and3A_2487 = arith.andi %ne3A_2486, %ne3A_2481 : i1
      %add3A_2488 = arith.addi %rem3A_2479, %select_n3A_2478 : i32
      %select_n3A_2489 = arith.select %and3A_2487, %add3A_2488, %rem3A_2479 : i32
      %broadcast_in_dim3A_2490 = vector.broadcast %select_n3A_2489 : i32 to vector<16xi32>
      %jit3A_2491 = arith.constant 128 : i32
      %eq3A_2492 = arith.constant 0 : i32
      %eq3A_2493 = arith.cmpi eq, %jit3A_2491, %eq3A_2492 : i32
      %jit3A_2494 = arith.constant 1 : i32
      %select_n3A_2495 = arith.select %eq3A_2493, %jit3A_2494, %jit3A_2491 : i32
      %rem3A_2496 = arith.remsi %reduce_sum3A_2473, %select_n3A_2495 : i32
      %ne3A_2497 = arith.constant 0 : i32
      %ne3A_2498 = arith.cmpi ne, %rem3A_2496, %ne3A_2497 : i32
      %lt3A_2499 = arith.constant 0 : i32
      %lt3A_2500 = arith.cmpi slt, %rem3A_2496, %lt3A_2499 : i32
      %lt3A_2501 = arith.constant 0 : i32
      %lt3A_2502 = arith.cmpi slt, %select_n3A_2495, %lt3A_2501 : i32
      %ne3A_2503 = arith.xori %lt3A_2500, %lt3A_2502 : i1
      %and3A_2504 = arith.andi %ne3A_2503, %ne3A_2498 : i1
      %add3A_2505 = arith.addi %rem3A_2496, %select_n3A_2495 : i32
      %select_n3A_2506 = arith.select %and3A_2504, %add3A_2505, %rem3A_2496 : i32
      %broadcast_in_dim3A_2507 = vector.broadcast %select_n3A_2506 : i32 to vector<16xi32>
      %broadcast_in_dim3A_2508 = arith.constant 5 : i32
      %broadcast_in_dim3A_2509 = vector.broadcast %broadcast_in_dim3A_2508 : i32 to vector<16xi32>
      %add3A_2510 = arith.constant 0 : i32
      %add3A_2511 = vector.broadcast %add3A_2510 : i32 to vector<16xi32>
      %add3A_2512 = arith.addi %add3A_2511, %iota3A : vector<16xi32>
      %gather3A_2513 = tpu.vector_load_idx %arg13[%broadcast_in_dim3A_2509, %add3A_2512, %broadcast_in_dim3A_2490] : memref<8x32x128xf32, #tpu.memory_space<vmem>>[vector<16xi32>, vector<16xi32>, vector<16xi32>], vector<16xf32>,
      %gather3A_2514 = tpu.vector_load_idx %arg14[%broadcast_in_dim3A_2509, %add3A_2512, %broadcast_in_dim3A_2507] : memref<8x32x128xf32, #tpu.memory_space<vmem>>[vector<16xi32>, vector<16xi32>, vector<16xi32>], vector<16xf32>,
      %mul3A_2515 = arith.mulf %gather3A_2513, %gather3A_2514 : vector<16xf32>
      %swap3A_2516 = arith.constant 5 : i32
      %swap3A_2517 = arith.index_cast %swap3A_2516 : i32 to index
      %swap3A_2518 = arith.constant 0 : index
      %swap3A_2519 = tpu.vector_load %arg17[%swap3A_2517, %swap3A_2518] {strides = array<i32>} : memref<8x32xf32, #tpu.memory_space<vmem>>, vector<16xf32>,
      tpu.vector_store %arg17[%swap3A_2517, %swap3A_2518], %mul3A_2515 {strides = array<i32>} : memref<8x32xf32, #tpu.memory_space<vmem>>, vector<16xf32>,
      %add3A_2520 = arith.constant 16 : i32
      %add3A_2521 = vector.broadcast %add3A_2520 : i32 to vector<16xi32>
      %add3A_2522 = arith.addi %add3A_2521, %iota3A : vector<16xi32>
      %gather3A_2523 = tpu.vector_load_idx %arg13[%broadcast_in_dim3A_2509, %add3A_2522, %broadcast_in_dim3A_2490] : memref<8x32x128xf32, #tpu.memory_space<vmem>>[vector<16xi32>, vector<16xi32>, vector<16xi32>], vector<16xf32>,
      %gather3A_2524 = tpu.vector_load_idx %arg14[%broadcast_in_dim3A_2509, %add3A_2522, %broadcast_in_dim3A_2507] : memref<8x32x128xf32, #tpu.memory_space<vmem>>[vector<16xi32>, vector<16xi32>, vector<16xi32>], vector<16xf32>,
      %mul3A_2525 = arith.mulf %gather3A_2523, %gather3A_2524 : vector<16xf32>
      %swap3A_2526 = arith.constant 5 : i32
      %swap3A_2527 = arith.index_cast %swap3A_2526 : i32 to index
      %swap3A_2528 = arith.constant 16 : index
      %swap3A_2529 = tpu.vector_load %arg17[%swap3A_2527, %swap3A_2528] {strides = array<i32>} : memref<8x32xf32, #tpu.memory_space<vmem>>, vector<16xf32>,
      tpu.vector_store %arg17[%swap3A_2527, %swap3A_2528], %mul3A_2525 {strides = array<i32>} : memref<8x32xf32, #tpu.memory_space<vmem>>, vector<16xf32>,
      %gather3A_2530 = tpu.vector_load_idx %arg15[%broadcast_in_dim3A_2509, %iota3A, %broadcast_in_dim3A_2490] : memref<8x16x128xf32, #tpu.memory_space<vmem>>[vector<16xi32>, vector<16xi32>, vector<16xi32>], vector<16xf32>,
      %swap3A_2531 = arith.constant 5 : i32
      %swap3A_2532 = arith.index_cast %swap3A_2531 : i32 to index
      %swap3A_2533 = arith.constant 0 : index
      %swap3A_2534 = tpu.vector_load %arg18[%swap3A_2532, %swap3A_2533] {strides = array<i32>} : memref<8x16xf32, #tpu.memory_space<vmem>>, vector<16xf32>,
      tpu.vector_store %arg18[%swap3A_2532, %swap3A_2533], %gather3A_2530 {strides = array<i32>} : memref<8x16xf32, #tpu.memory_space<vmem>>, vector<16xf32>,
      %gather3A_2535 = tpu.vector_load_idx %arg16[%broadcast_in_dim3A_2509, %iota3A, %broadcast_in_dim3A_2507] : memref<8x16x128xf32, #tpu.memory_space<vmem>>[vector<16xi32>, vector<16xi32>, vector<16xi32>], vector<16xf32>,
      %swap3A_2536 = arith.constant 5 : i32
      %swap3A_2537 = arith.index_cast %swap3A_2536 : i32 to index
      %swap3A_2538 = arith.constant 0 : index
      %swap3A_2539 = tpu.vector_load %arg19[%swap3A_2537, %swap3A_2538] {strides = array<i32>} : memref<8x16xf32, #tpu.memory_space<vmem>>, vector<16xf32>,
      tpu.vector_store %arg19[%swap3A_2537, %swap3A_2538], %gather3A_2535 {strides = array<i32>} : memref<8x16xf32, #tpu.memory_space<vmem>>, vector<16xf32>,
      %jit3A_2540 = arith.constant 4 : i32
      %div3A_2541 = arith.divsi %add3A_2025, %jit3A_2540 : i32
      %sign3A_2542 = arith.constant 0 : i32
      %sign3A_2543 = arith.cmpi sgt, %add3A_2025, %sign3A_2542 : i32
      %sign3A_2544 = arith.extui %sign3A_2543 : i1 to i32
      %sign3A_2545 = arith.constant 0 : i32
      %sign3A_2546 = arith.cmpi slt, %add3A_2025, %sign3A_2545 : i32
      %sign3A_2547 = arith.extui %sign3A_2546 : i1 to i32
      %sign3A_2548 = arith.subi %sign3A_2544, %sign3A_2547 : i32
      %sign3A_2549 = arith.constant 0 : i32
      %sign3A_2550 = arith.cmpi sgt, %jit3A_2540, %sign3A_2549 : i32
      %sign3A_2551 = arith.extui %sign3A_2550 : i1 to i32
      %sign3A_2552 = arith.constant 0 : i32
      %sign3A_2553 = arith.cmpi slt, %jit3A_2540, %sign3A_2552 : i32
      %sign3A_2554 = arith.extui %sign3A_2553 : i1 to i32
      %sign3A_2555 = arith.subi %sign3A_2551, %sign3A_2554 : i32
      %ne3A_2556 = arith.cmpi ne, %sign3A_2548, %sign3A_2555 : i32
      %rem3A_2557 = arith.remsi %add3A_2025, %jit3A_2540 : i32
      %ne3A_2558 = arith.constant 0 : i32
      %ne3A_2559 = arith.cmpi ne, %rem3A_2557, %ne3A_2558 : i32
      %and3A_2560 = arith.andi %ne3A_2556, %ne3A_2559 : i1
      %sub3A_2561 = arith.constant 1 : i32
      %sub3A_2562 = arith.subi %div3A_2541, %sub3A_2561 : i32
      %select_n3A_2563 = arith.select %and3A_2560, %sub3A_2562, %div3A_2541 : i32
      %mul3A_2564 = arith.constant 16 : i32
      %mul3A_2565 = arith.muli %select_n3A_2563, %mul3A_2564 : i32
      %multiple_of3A_2566 = tpu.assume_multiple %mul3A_2565, 16 : i32
      %jit3A_2567 = arith.constant 4 : i32
      %eq3A_2568 = arith.constant 0 : i32
      %eq3A_2569 = arith.cmpi eq, %jit3A_2567, %eq3A_2568 : i32
      %jit3A_2570 = arith.constant 1 : i32
      %select_n3A_2571 = arith.select %eq3A_2569, %jit3A_2570, %jit3A_2567 : i32
      %rem3A_2572 = arith.remsi %add3A_2025, %select_n3A_2571 : i32
      %ne3A_2573 = arith.constant 0 : i32
      %ne3A_2574 = arith.cmpi ne, %rem3A_2572, %ne3A_2573 : i32
      %lt3A_2575 = arith.constant 0 : i32
      %lt3A_2576 = arith.cmpi slt, %rem3A_2572, %lt3A_2575 : i32
      %lt3A_2577 = arith.constant 0 : i32
      %lt3A_2578 = arith.cmpi slt, %select_n3A_2571, %lt3A_2577 : i32
      %ne3A_2579 = arith.xori %lt3A_2576, %lt3A_2578 : i1
      %and3A_2580 = arith.andi %ne3A_2579, %ne3A_2574 : i1
      %add3A_2581 = arith.addi %rem3A_2572, %select_n3A_2571 : i32
      %select_n3A_2582 = arith.select %and3A_2580, %add3A_2581, %rem3A_2572 : i32
      %mul3A_2583 = arith.constant 4 : i32
      %mul3A_2584 = arith.muli %select_n3A_2582, %mul3A_2583 : i32
      %get3A_2585 = arith.index_cast %multiple_of3A_2566 : i32 to index
      %get3A_2586 = tpu.vector_load %arg11[%get3A_2585] {strides = array<i32>} : memref<512xi32, #tpu.memory_space<vmem>>, vector<16xi32>,
      %get3A_2587 = arith.index_cast %multiple_of3A_2566 : i32 to index
      %get3A_2588 = tpu.vector_load %arg12[%get3A_2587] {strides = array<i32>} : memref<512xi32, #tpu.memory_space<vmem>>, vector<16xi32>,
      %add3A_2589 = arith.constant 2 : i32
      %add3A_2590 = arith.addi %mul3A_2584, %add3A_2589 : i32
      %eq3A_2591 = vector.broadcast %add3A_2590 : i32 to vector<16xi32>
      %eq3A_2592 = arith.cmpi eq, %iota3A, %eq3A_2591 : vector<16xi32>
      %jit3A_2593 = arith.constant 0 : i32
      %broadcast_in_dim3A_2594 = vector.broadcast %jit3A_2593 : i32 to vector<16xi32>
      %select_n3A_2595 = arith.select %eq3A_2592, %get3A_2586, %broadcast_in_dim3A_2594 : vector<16xi1>, vector<16xi32>
      %reduce_sum3A_2596 = arith.constant true
      %reduce_sum3A_2597 = vector.broadcast %reduce_sum3A_2596 : i1 to vector<16xi1>
      %reduce_sum3A_2598 = tpu.scan <sum>, %select_n3A_2595 masked %reduce_sum3A_2597 : vector<16xi32>, vector<16xi1> -> vector<16xi32>
      %reduce_sum3A_2599 = vector.extract %reduce_sum3A_2598[15] : i32 from vector<16xi32>
      %add3A_2600 = arith.constant 2 : i32
      %add3A_2601 = arith.addi %mul3A_2584, %add3A_2600 : i32
      %eq3A_2602 = vector.broadcast %add3A_2601 : i32 to vector<16xi32>
      %eq3A_2603 = arith.cmpi eq, %iota3A, %eq3A_2602 : vector<16xi32>
      %jit3A_2604 = arith.constant 0 : i32
      %broadcast_in_dim3A_2605 = vector.broadcast %jit3A_2604 : i32 to vector<16xi32>
      %select_n3A_2606 = arith.select %eq3A_2603, %get3A_2588, %broadcast_in_dim3A_2605 : vector<16xi1>, vector<16xi32>
      %reduce_sum3A_2607 = arith.constant true
      %reduce_sum3A_2608 = vector.broadcast %reduce_sum3A_2607 : i1 to vector<16xi1>
      %reduce_sum3A_2609 = tpu.scan <sum>, %select_n3A_2606 masked %reduce_sum3A_2608 : vector<16xi32>, vector<16xi1> -> vector<16xi32>
      %reduce_sum3A_2610 = vector.extract %reduce_sum3A_2609[15] : i32 from vector<16xi32>
      %jit3A_2611 = arith.constant 128 : i32
      %eq3A_2612 = arith.constant 0 : i32
      %eq3A_2613 = arith.cmpi eq, %jit3A_2611, %eq3A_2612 : i32
      %jit3A_2614 = arith.constant 1 : i32
      %select_n3A_2615 = arith.select %eq3A_2613, %jit3A_2614, %jit3A_2611 : i32
      %rem3A_2616 = arith.remsi %reduce_sum3A_2599, %select_n3A_2615 : i32
      %ne3A_2617 = arith.constant 0 : i32
      %ne3A_2618 = arith.cmpi ne, %rem3A_2616, %ne3A_2617 : i32
      %lt3A_2619 = arith.constant 0 : i32
      %lt3A_2620 = arith.cmpi slt, %rem3A_2616, %lt3A_2619 : i32
      %lt3A_2621 = arith.constant 0 : i32
      %lt3A_2622 = arith.cmpi slt, %select_n3A_2615, %lt3A_2621 : i32
      %ne3A_2623 = arith.xori %lt3A_2620, %lt3A_2622 : i1
      %and3A_2624 = arith.andi %ne3A_2623, %ne3A_2618 : i1
      %add3A_2625 = arith.addi %rem3A_2616, %select_n3A_2615 : i32
      %select_n3A_2626 = arith.select %and3A_2624, %add3A_2625, %rem3A_2616 : i32
      %broadcast_in_dim3A_2627 = vector.broadcast %select_n3A_2626 : i32 to vector<16xi32>
      %jit3A_2628 = arith.constant 128 : i32
      %eq3A_2629 = arith.constant 0 : i32
      %eq3A_2630 = arith.cmpi eq, %jit3A_2628, %eq3A_2629 : i32
      %jit3A_2631 = arith.constant 1 : i32
      %select_n3A_2632 = arith.select %eq3A_2630, %jit3A_2631, %jit3A_2628 : i32
      %rem3A_2633 = arith.remsi %reduce_sum3A_2610, %select_n3A_2632 : i32
      %ne3A_2634 = arith.constant 0 : i32
      %ne3A_2635 = arith.cmpi ne, %rem3A_2633, %ne3A_2634 : i32
      %lt3A_2636 = arith.constant 0 : i32
      %lt3A_2637 = arith.cmpi slt, %rem3A_2633, %lt3A_2636 : i32
      %lt3A_2638 = arith.constant 0 : i32
      %lt3A_2639 = arith.cmpi slt, %select_n3A_2632, %lt3A_2638 : i32
      %ne3A_2640 = arith.xori %lt3A_2637, %lt3A_2639 : i1
      %and3A_2641 = arith.andi %ne3A_2640, %ne3A_2635 : i1
      %add3A_2642 = arith.addi %rem3A_2633, %select_n3A_2632 : i32
      %select_n3A_2643 = arith.select %and3A_2641, %add3A_2642, %rem3A_2633 : i32
      %broadcast_in_dim3A_2644 = vector.broadcast %select_n3A_2643 : i32 to vector<16xi32>
      %broadcast_in_dim3A_2645 = arith.constant 6 : i32
      %broadcast_in_dim3A_2646 = vector.broadcast %broadcast_in_dim3A_2645 : i32 to vector<16xi32>
      %add3A_2647 = arith.constant 0 : i32
      %add3A_2648 = vector.broadcast %add3A_2647 : i32 to vector<16xi32>
      %add3A_2649 = arith.addi %add3A_2648, %iota3A : vector<16xi32>
      %gather3A_2650 = tpu.vector_load_idx %arg13[%broadcast_in_dim3A_2646, %add3A_2649, %broadcast_in_dim3A_2627] : memref<8x32x128xf32, #tpu.memory_space<vmem>>[vector<16xi32>, vector<16xi32>, vector<16xi32>], vector<16xf32>,
      %gather3A_2651 = tpu.vector_load_idx %arg14[%broadcast_in_dim3A_2646, %add3A_2649, %broadcast_in_dim3A_2644] : memref<8x32x128xf32, #tpu.memory_space<vmem>>[vector<16xi32>, vector<16xi32>, vector<16xi32>], vector<16xf32>,
      %mul3A_2652 = arith.mulf %gather3A_2650, %gather3A_2651 : vector<16xf32>
      %swap3A_2653 = arith.constant 6 : i32
      %swap3A_2654 = arith.index_cast %swap3A_2653 : i32 to index
      %swap3A_2655 = arith.constant 0 : index
      %swap3A_2656 = tpu.vector_load %arg17[%swap3A_2654, %swap3A_2655] {strides = array<i32>} : memref<8x32xf32, #tpu.memory_space<vmem>>, vector<16xf32>,
      tpu.vector_store %arg17[%swap3A_2654, %swap3A_2655], %mul3A_2652 {strides = array<i32>} : memref<8x32xf32, #tpu.memory_space<vmem>>, vector<16xf32>,
      %add3A_2657 = arith.constant 16 : i32
      %add3A_2658 = vector.broadcast %add3A_2657 : i32 to vector<16xi32>
      %add3A_2659 = arith.addi %add3A_2658, %iota3A : vector<16xi32>
      %gather3A_2660 = tpu.vector_load_idx %arg13[%broadcast_in_dim3A_2646, %add3A_2659, %broadcast_in_dim3A_2627] : memref<8x32x128xf32, #tpu.memory_space<vmem>>[vector<16xi32>, vector<16xi32>, vector<16xi32>], vector<16xf32>,
      %gather3A_2661 = tpu.vector_load_idx %arg14[%broadcast_in_dim3A_2646, %add3A_2659, %broadcast_in_dim3A_2644] : memref<8x32x128xf32, #tpu.memory_space<vmem>>[vector<16xi32>, vector<16xi32>, vector<16xi32>], vector<16xf32>,
      %mul3A_2662 = arith.mulf %gather3A_2660, %gather3A_2661 : vector<16xf32>
      %swap3A_2663 = arith.constant 6 : i32
      %swap3A_2664 = arith.index_cast %swap3A_2663 : i32 to index
      %swap3A_2665 = arith.constant 16 : index
      %swap3A_2666 = tpu.vector_load %arg17[%swap3A_2664, %swap3A_2665] {strides = array<i32>} : memref<8x32xf32, #tpu.memory_space<vmem>>, vector<16xf32>,
      tpu.vector_store %arg17[%swap3A_2664, %swap3A_2665], %mul3A_2662 {strides = array<i32>} : memref<8x32xf32, #tpu.memory_space<vmem>>, vector<16xf32>,
      %gather3A_2667 = tpu.vector_load_idx %arg15[%broadcast_in_dim3A_2646, %iota3A, %broadcast_in_dim3A_2627] : memref<8x16x128xf32, #tpu.memory_space<vmem>>[vector<16xi32>, vector<16xi32>, vector<16xi32>], vector<16xf32>,
      %swap3A_2668 = arith.constant 6 : i32
      %swap3A_2669 = arith.index_cast %swap3A_2668 : i32 to index
      %swap3A_2670 = arith.constant 0 : index
      %swap3A_2671 = tpu.vector_load %arg18[%swap3A_2669, %swap3A_2670] {strides = array<i32>} : memref<8x16xf32, #tpu.memory_space<vmem>>, vector<16xf32>,
      tpu.vector_store %arg18[%swap3A_2669, %swap3A_2670], %gather3A_2667 {strides = array<i32>} : memref<8x16xf32, #tpu.memory_space<vmem>>, vector<16xf32>,
      %gather3A_2672 = tpu.vector_load_idx %arg16[%broadcast_in_dim3A_2646, %iota3A, %broadcast_in_dim3A_2644] : memref<8x16x128xf32, #tpu.memory_space<vmem>>[vector<16xi32>, vector<16xi32>, vector<16xi32>], vector<16xf32>,
      %swap3A_2673 = arith.constant 6 : i32
      %swap3A_2674 = arith.index_cast %swap3A_2673 : i32 to index
      %swap3A_2675 = arith.constant 0 : index
      %swap3A_2676 = tpu.vector_load %arg19[%swap3A_2674, %swap3A_2675] {strides = array<i32>} : memref<8x16xf32, #tpu.memory_space<vmem>>, vector<16xf32>,
      tpu.vector_store %arg19[%swap3A_2674, %swap3A_2675], %gather3A_2672 {strides = array<i32>} : memref<8x16xf32, #tpu.memory_space<vmem>>, vector<16xf32>,
      %jit3A_2677 = arith.constant 4 : i32
      %div3A_2678 = arith.divsi %add3A_2025, %jit3A_2677 : i32
      %sign3A_2679 = arith.constant 0 : i32
      %sign3A_2680 = arith.cmpi sgt, %add3A_2025, %sign3A_2679 : i32
      %sign3A_2681 = arith.extui %sign3A_2680 : i1 to i32
      %sign3A_2682 = arith.constant 0 : i32
      %sign3A_2683 = arith.cmpi slt, %add3A_2025, %sign3A_2682 : i32
      %sign3A_2684 = arith.extui %sign3A_2683 : i1 to i32
      %sign3A_2685 = arith.subi %sign3A_2681, %sign3A_2684 : i32
      %sign3A_2686 = arith.constant 0 : i32
      %sign3A_2687 = arith.cmpi sgt, %jit3A_2677, %sign3A_2686 : i32
      %sign3A_2688 = arith.extui %sign3A_2687 : i1 to i32
      %sign3A_2689 = arith.constant 0 : i32
      %sign3A_2690 = arith.cmpi slt, %jit3A_2677, %sign3A_2689 : i32
      %sign3A_2691 = arith.extui %sign3A_2690 : i1 to i32
      %sign3A_2692 = arith.subi %sign3A_2688, %sign3A_2691 : i32
      %ne3A_2693 = arith.cmpi ne, %sign3A_2685, %sign3A_2692 : i32
      %rem3A_2694 = arith.remsi %add3A_2025, %jit3A_2677 : i32
      %ne3A_2695 = arith.constant 0 : i32
      %ne3A_2696 = arith.cmpi ne, %rem3A_2694, %ne3A_2695 : i32
      %and3A_2697 = arith.andi %ne3A_2693, %ne3A_2696 : i1
      %sub3A_2698 = arith.constant 1 : i32
      %sub3A_2699 = arith.subi %div3A_2678, %sub3A_2698 : i32
      %select_n3A_2700 = arith.select %and3A_2697, %sub3A_2699, %div3A_2678 : i32
      %mul3A_2701 = arith.constant 16 : i32
      %mul3A_2702 = arith.muli %select_n3A_2700, %mul3A_2701 : i32
      %multiple_of3A_2703 = tpu.assume_multiple %mul3A_2702, 16 : i32
      %jit3A_2704 = arith.constant 4 : i32
      %eq3A_2705 = arith.constant 0 : i32
      %eq3A_2706 = arith.cmpi eq, %jit3A_2704, %eq3A_2705 : i32
      %jit3A_2707 = arith.constant 1 : i32
      %select_n3A_2708 = arith.select %eq3A_2706, %jit3A_2707, %jit3A_2704 : i32
      %rem3A_2709 = arith.remsi %add3A_2025, %select_n3A_2708 : i32
      %ne3A_2710 = arith.constant 0 : i32
      %ne3A_2711 = arith.cmpi ne, %rem3A_2709, %ne3A_2710 : i32
      %lt3A_2712 = arith.constant 0 : i32
      %lt3A_2713 = arith.cmpi slt, %rem3A_2709, %lt3A_2712 : i32
      %lt3A_2714 = arith.constant 0 : i32
      %lt3A_2715 = arith.cmpi slt, %select_n3A_2708, %lt3A_2714 : i32
      %ne3A_2716 = arith.xori %lt3A_2713, %lt3A_2715 : i1
      %and3A_2717 = arith.andi %ne3A_2716, %ne3A_2711 : i1
      %add3A_2718 = arith.addi %rem3A_2709, %select_n3A_2708 : i32
      %select_n3A_2719 = arith.select %and3A_2717, %add3A_2718, %rem3A_2709 : i32
      %mul3A_2720 = arith.constant 4 : i32
      %mul3A_2721 = arith.muli %select_n3A_2719, %mul3A_2720 : i32
      %get3A_2722 = arith.index_cast %multiple_of3A_2703 : i32 to index
      %get3A_2723 = tpu.vector_load %arg11[%get3A_2722] {strides = array<i32>} : memref<512xi32, #tpu.memory_space<vmem>>, vector<16xi32>,
      %get3A_2724 = arith.index_cast %multiple_of3A_2703 : i32 to index
      %get3A_2725 = tpu.vector_load %arg12[%get3A_2724] {strides = array<i32>} : memref<512xi32, #tpu.memory_space<vmem>>, vector<16xi32>,
      %add3A_2726 = arith.constant 3 : i32
      %add3A_2727 = arith.addi %mul3A_2721, %add3A_2726 : i32
      %eq3A_2728 = vector.broadcast %add3A_2727 : i32 to vector<16xi32>
      %eq3A_2729 = arith.cmpi eq, %iota3A, %eq3A_2728 : vector<16xi32>
      %jit3A_2730 = arith.constant 0 : i32
      %broadcast_in_dim3A_2731 = vector.broadcast %jit3A_2730 : i32 to vector<16xi32>
      %select_n3A_2732 = arith.select %eq3A_2729, %get3A_2723, %broadcast_in_dim3A_2731 : vector<16xi1>, vector<16xi32>
      %reduce_sum3A_2733 = arith.constant true
      %reduce_sum3A_2734 = vector.broadcast %reduce_sum3A_2733 : i1 to vector<16xi1>
      %reduce_sum3A_2735 = tpu.scan <sum>, %select_n3A_2732 masked %reduce_sum3A_2734 : vector<16xi32>, vector<16xi1> -> vector<16xi32>
      %reduce_sum3A_2736 = vector.extract %reduce_sum3A_2735[15] : i32 from vector<16xi32>
      %add3A_2737 = arith.constant 3 : i32
      %add3A_2738 = arith.addi %mul3A_2721, %add3A_2737 : i32
      %eq3A_2739 = vector.broadcast %add3A_2738 : i32 to vector<16xi32>
      %eq3A_2740 = arith.cmpi eq, %iota3A, %eq3A_2739 : vector<16xi32>
      %jit3A_2741 = arith.constant 0 : i32
      %broadcast_in_dim3A_2742 = vector.broadcast %jit3A_2741 : i32 to vector<16xi32>
      %select_n3A_2743 = arith.select %eq3A_2740, %get3A_2725, %broadcast_in_dim3A_2742 : vector<16xi1>, vector<16xi32>
      %reduce_sum3A_2744 = arith.constant true
      %reduce_sum3A_2745 = vector.broadcast %reduce_sum3A_2744 : i1 to vector<16xi1>
      %reduce_sum3A_2746 = tpu.scan <sum>, %select_n3A_2743 masked %reduce_sum3A_2745 : vector<16xi32>, vector<16xi1> -> vector<16xi32>
      %reduce_sum3A_2747 = vector.extract %reduce_sum3A_2746[15] : i32 from vector<16xi32>
      %jit3A_2748 = arith.constant 128 : i32
      %eq3A_2749 = arith.constant 0 : i32
      %eq3A_2750 = arith.cmpi eq, %jit3A_2748, %eq3A_2749 : i32
      %jit3A_2751 = arith.constant 1 : i32
      %select_n3A_2752 = arith.select %eq3A_2750, %jit3A_2751, %jit3A_2748 : i32
      %rem3A_2753 = arith.remsi %reduce_sum3A_2736, %select_n3A_2752 : i32
      %ne3A_2754 = arith.constant 0 : i32
      %ne3A_2755 = arith.cmpi ne, %rem3A_2753, %ne3A_2754 : i32
      %lt3A_2756 = arith.constant 0 : i32
      %lt3A_2757 = arith.cmpi slt, %rem3A_2753, %lt3A_2756 : i32
      %lt3A_2758 = arith.constant 0 : i32
      %lt3A_2759 = arith.cmpi slt, %select_n3A_2752, %lt3A_2758 : i32
      %ne3A_2760 = arith.xori %lt3A_2757, %lt3A_2759 : i1
      %and3A_2761 = arith.andi %ne3A_2760, %ne3A_2755 : i1
      %add3A_2762 = arith.addi %rem3A_2753, %select_n3A_2752 : i32
      %select_n3A_2763 = arith.select %and3A_2761, %add3A_2762, %rem3A_2753 : i32
      %broadcast_in_dim3A_2764 = vector.broadcast %select_n3A_2763 : i32 to vector<16xi32>
      %jit3A_2765 = arith.constant 128 : i32
      %eq3A_2766 = arith.constant 0 : i32
      %eq3A_2767 = arith.cmpi eq, %jit3A_2765, %eq3A_2766 : i32
      %jit3A_2768 = arith.constant 1 : i32
      %select_n3A_2769 = arith.select %eq3A_2767, %jit3A_2768, %jit3A_2765 : i32
      %rem3A_2770 = arith.remsi %reduce_sum3A_2747, %select_n3A_2769 : i32
      %ne3A_2771 = arith.constant 0 : i32
      %ne3A_2772 = arith.cmpi ne, %rem3A_2770, %ne3A_2771 : i32
      %lt3A_2773 = arith.constant 0 : i32
      %lt3A_2774 = arith.cmpi slt, %rem3A_2770, %lt3A_2773 : i32
      %lt3A_2775 = arith.constant 0 : i32
      %lt3A_2776 = arith.cmpi slt, %select_n3A_2769, %lt3A_2775 : i32
      %ne3A_2777 = arith.xori %lt3A_2774, %lt3A_2776 : i1
      %and3A_2778 = arith.andi %ne3A_2777, %ne3A_2772 : i1
      %add3A_2779 = arith.addi %rem3A_2770, %select_n3A_2769 : i32
      %select_n3A_2780 = arith.select %and3A_2778, %add3A_2779, %rem3A_2770 : i32
      %broadcast_in_dim3A_2781 = vector.broadcast %select_n3A_2780 : i32 to vector<16xi32>
      %broadcast_in_dim3A_2782 = arith.constant 7 : i32
      %broadcast_in_dim3A_2783 = vector.broadcast %broadcast_in_dim3A_2782 : i32 to vector<16xi32>
      %add3A_2784 = arith.constant 0 : i32
      %add3A_2785 = vector.broadcast %add3A_2784 : i32 to vector<16xi32>
      %add3A_2786 = arith.addi %add3A_2785, %iota3A : vector<16xi32>
      %gather3A_2787 = tpu.vector_load_idx %arg13[%broadcast_in_dim3A_2783, %add3A_2786, %broadcast_in_dim3A_2764] : memref<8x32x128xf32, #tpu.memory_space<vmem>>[vector<16xi32>, vector<16xi32>, vector<16xi32>], vector<16xf32>,
      %gather3A_2788 = tpu.vector_load_idx %arg14[%broadcast_in_dim3A_2783, %add3A_2786, %broadcast_in_dim3A_2781] : memref<8x32x128xf32, #tpu.memory_space<vmem>>[vector<16xi32>, vector<16xi32>, vector<16xi32>], vector<16xf32>,
      %mul3A_2789 = arith.mulf %gather3A_2787, %gather3A_2788 : vector<16xf32>
      %swap3A_2790 = arith.constant 7 : i32
      %swap3A_2791 = arith.index_cast %swap3A_2790 : i32 to index
      %swap3A_2792 = arith.constant 0 : index
      %swap3A_2793 = tpu.vector_load %arg17[%swap3A_2791, %swap3A_2792] {strides = array<i32>} : memref<8x32xf32, #tpu.memory_space<vmem>>, vector<16xf32>,
      tpu.vector_store %arg17[%swap3A_2791, %swap3A_2792], %mul3A_2789 {strides = array<i32>} : memref<8x32xf32, #tpu.memory_space<vmem>>, vector<16xf32>,
      %add3A_2794 = arith.constant 16 : i32
      %add3A_2795 = vector.broadcast %add3A_2794 : i32 to vector<16xi32>
      %add3A_2796 = arith.addi %add3A_2795, %iota3A : vector<16xi32>
      %gather3A_2797 = tpu.vector_load_idx %arg13[%broadcast_in_dim3A_2783, %add3A_2796, %broadcast_in_dim3A_2764] : memref<8x32x128xf32, #tpu.memory_space<vmem>>[vector<16xi32>, vector<16xi32>, vector<16xi32>], vector<16xf32>,
      %gather3A_2798 = tpu.vector_load_idx %arg14[%broadcast_in_dim3A_2783, %add3A_2796, %broadcast_in_dim3A_2781] : memref<8x32x128xf32, #tpu.memory_space<vmem>>[vector<16xi32>, vector<16xi32>, vector<16xi32>], vector<16xf32>,
      %mul3A_2799 = arith.mulf %gather3A_2797, %gather3A_2798 : vector<16xf32>
      %swap3A_2800 = arith.constant 7 : i32
      %swap3A_2801 = arith.index_cast %swap3A_2800 : i32 to index
      %swap3A_2802 = arith.constant 16 : index
      %swap3A_2803 = tpu.vector_load %arg17[%swap3A_2801, %swap3A_2802] {strides = array<i32>} : memref<8x32xf32, #tpu.memory_space<vmem>>, vector<16xf32>,
      tpu.vector_store %arg17[%swap3A_2801, %swap3A_2802], %mul3A_2799 {strides = array<i32>} : memref<8x32xf32, #tpu.memory_space<vmem>>, vector<16xf32>,
      %gather3A_2804 = tpu.vector_load_idx %arg15[%broadcast_in_dim3A_2783, %iota3A, %broadcast_in_dim3A_2764] : memref<8x16x128xf32, #tpu.memory_space<vmem>>[vector<16xi32>, vector<16xi32>, vector<16xi32>], vector<16xf32>,
      %swap3A_2805 = arith.constant 7 : i32
      %swap3A_2806 = arith.index_cast %swap3A_2805 : i32 to index
      %swap3A_2807 = arith.constant 0 : index
      %swap3A_2808 = tpu.vector_load %arg18[%swap3A_2806, %swap3A_2807] {strides = array<i32>} : memref<8x16xf32, #tpu.memory_space<vmem>>, vector<16xf32>,
      tpu.vector_store %arg18[%swap3A_2806, %swap3A_2807], %gather3A_2804 {strides = array<i32>} : memref<8x16xf32, #tpu.memory_space<vmem>>, vector<16xf32>,
      %gather3A_2809 = tpu.vector_load_idx %arg16[%broadcast_in_dim3A_2783, %iota3A, %broadcast_in_dim3A_2781] : memref<8x16x128xf32, #tpu.memory_space<vmem>>[vector<16xi32>, vector<16xi32>, vector<16xi32>], vector<16xf32>,
      %swap3A_2810 = arith.constant 7 : i32
      %swap3A_2811 = arith.index_cast %swap3A_2810 : i32 to index
      %swap3A_2812 = arith.constant 0 : index
      %swap3A_2813 = tpu.vector_load %arg19[%swap3A_2811, %swap3A_2812] {strides = array<i32>} : memref<8x16xf32, #tpu.memory_space<vmem>>, vector<16xf32>,
      tpu.vector_store %arg19[%swap3A_2811, %swap3A_2812], %gather3A_2809 {strides = array<i32>} : memref<8x16xf32, #tpu.memory_space<vmem>>, vector<16xf32>,
      %mul3A_2814 = arith.constant 4 : i32
      %mul3A_2815 = arith.muli %mul3A_524, %mul3A_2814 : i32
      %add3A_2816 = arith.addi %mul3A_2, %mul3A_2815 : i32
      %multiple_of3A_2817 = tpu.assume_multiple %add3A_2816, 8 : i32
      "tpu.region"() ({
        %run_scoped3A = tpu.sem_alloc : memref<!tpu.dma_semaphore, #tpu.memory_space<semaphore_mem>>
        %dma_start3A_2818 = arith.constant 0 : i32
        %dma_start3A_2819 = tpu.memref_slice %arg8[%multiple_of3A_2817, %dma_start3A_2818] : memref<16384x32xf32, #tpu.memory_space<hbm>> -> memref<8x32xf32, #tpu.memory_space<hbm>>
        %dma_start3A_2820 = arith.constant 0 : i32
        %dma_start3A_2821 = tpu.memref_slice %arg8[%multiple_of3A_2817, %dma_start3A_2820] : memref<16384x32xf32, #tpu.memory_space<hbm>> -> memref<8x32xf32, #tpu.memory_space<hbm>>
        tpu.enqueue_dma source(%arg17 : memref<8x32xf32, #tpu.memory_space<vmem>>) target(%dma_start3A_2821 : memref<8x32xf32, #tpu.memory_space<hbm>>) target_semaphore(%run_scoped3A : memref<!tpu.dma_semaphore, #tpu.memory_space<semaphore_mem>>)
        %dma_wait3A_2822 = arith.constant 0 : i32
        %dma_wait3A_2823 = tpu.memref_slice %arg8[%multiple_of3A_2817, %dma_wait3A_2822] : memref<16384x32xf32, #tpu.memory_space<hbm>> -> memref<8x32xf32, #tpu.memory_space<hbm>>
        %dma_wait3A_2824 = arith.constant 0 : i32
        %dma_wait3A_2825 = tpu.memref_slice %arg8[%multiple_of3A_2817, %dma_wait3A_2824] : memref<16384x32xf32, #tpu.memory_space<hbm>> -> memref<8x32xf32, #tpu.memory_space<hbm>>
        tpu.wait_dma2 semaphore(%run_scoped3A : memref<!tpu.dma_semaphore, #tpu.memory_space<semaphore_mem>>) src(%arg17 : memref<8x32xf32, #tpu.memory_space<vmem>>) dst(%dma_wait3A_2825 : memref<8x32xf32, #tpu.memory_space<hbm>>)
        tpu.yield
      }) : () -> ()
      "tpu.region"() ({
        %run_scoped3A = tpu.sem_alloc : memref<!tpu.dma_semaphore, #tpu.memory_space<semaphore_mem>>
        %dma_start3A_2818 = arith.constant 0 : i32
        %dma_start3A_2819 = tpu.memref_slice %arg9[%multiple_of3A_2817, %dma_start3A_2818] : memref<16384x16xf32, #tpu.memory_space<hbm>> -> memref<8x16xf32, #tpu.memory_space<hbm>>
        %dma_start3A_2820 = arith.constant 0 : i32
        %dma_start3A_2821 = tpu.memref_slice %arg9[%multiple_of3A_2817, %dma_start3A_2820] : memref<16384x16xf32, #tpu.memory_space<hbm>> -> memref<8x16xf32, #tpu.memory_space<hbm>>
        tpu.enqueue_dma source(%arg18 : memref<8x16xf32, #tpu.memory_space<vmem>>) target(%dma_start3A_2821 : memref<8x16xf32, #tpu.memory_space<hbm>>) target_semaphore(%run_scoped3A : memref<!tpu.dma_semaphore, #tpu.memory_space<semaphore_mem>>)
        %dma_wait3A_2822 = arith.constant 0 : i32
        %dma_wait3A_2823 = tpu.memref_slice %arg9[%multiple_of3A_2817, %dma_wait3A_2822] : memref<16384x16xf32, #tpu.memory_space<hbm>> -> memref<8x16xf32, #tpu.memory_space<hbm>>
        %dma_wait3A_2824 = arith.constant 0 : i32
        %dma_wait3A_2825 = tpu.memref_slice %arg9[%multiple_of3A_2817, %dma_wait3A_2824] : memref<16384x16xf32, #tpu.memory_space<hbm>> -> memref<8x16xf32, #tpu.memory_space<hbm>>
        tpu.wait_dma2 semaphore(%run_scoped3A : memref<!tpu.dma_semaphore, #tpu.memory_space<semaphore_mem>>) src(%arg18 : memref<8x16xf32, #tpu.memory_space<vmem>>) dst(%dma_wait3A_2825 : memref<8x16xf32, #tpu.memory_space<hbm>>)
        tpu.yield
      }) : () -> ()
      "tpu.region"() ({
        %run_scoped3A = tpu.sem_alloc : memref<!tpu.dma_semaphore, #tpu.memory_space<semaphore_mem>>
        %dma_start3A_2818 = arith.constant 0 : i32
        %dma_start3A_2819 = tpu.memref_slice %arg10[%multiple_of3A_2817, %dma_start3A_2818] : memref<16384x16xf32, #tpu.memory_space<hbm>> -> memref<8x16xf32, #tpu.memory_space<hbm>>
        %dma_start3A_2820 = arith.constant 0 : i32
        %dma_start3A_2821 = tpu.memref_slice %arg10[%multiple_of3A_2817, %dma_start3A_2820] : memref<16384x16xf32, #tpu.memory_space<hbm>> -> memref<8x16xf32, #tpu.memory_space<hbm>>
        tpu.enqueue_dma source(%arg19 : memref<8x16xf32, #tpu.memory_space<vmem>>) target(%dma_start3A_2821 : memref<8x16xf32, #tpu.memory_space<hbm>>) target_semaphore(%run_scoped3A : memref<!tpu.dma_semaphore, #tpu.memory_space<semaphore_mem>>)
        %dma_wait3A_2822 = arith.constant 0 : i32
        %dma_wait3A_2823 = tpu.memref_slice %arg10[%multiple_of3A_2817, %dma_wait3A_2822] : memref<16384x16xf32, #tpu.memory_space<hbm>> -> memref<8x16xf32, #tpu.memory_space<hbm>>
        %dma_wait3A_2824 = arith.constant 0 : i32
        %dma_wait3A_2825 = tpu.memref_slice %arg10[%multiple_of3A_2817, %dma_wait3A_2824] : memref<16384x16xf32, #tpu.memory_space<hbm>> -> memref<8x16xf32, #tpu.memory_space<hbm>>
        tpu.wait_dma2 semaphore(%run_scoped3A : memref<!tpu.dma_semaphore, #tpu.memory_space<semaphore_mem>>) src(%arg19 : memref<8x16xf32, #tpu.memory_space<vmem>>) dst(%dma_wait3A_2825 : memref<8x16xf32, #tpu.memory_space<hbm>>)
        tpu.yield
      }) : () -> ()
    }
    %scan3A_521 = arith.constant 64 : i32
    return
  }
}

module attributes {stable_mosaic.version = 14 : i64} {
  func.func @_tc_mlp_body(%arg0: memref<16384x32xf32, #tpu.memory_space<vmem>>, %arg1: memref<16384x16xf32, #tpu.memory_space<vmem>>, %arg2: memref<16384x16xf32, #tpu.memory_space<vmem>>, %arg3: memref<4x32x32xf32, #tpu.memory_space<vmem>>, %arg4: memref<4x1x32xf32, #tpu.memory_space<vmem>>, %arg5: memref<1x64xf32, #tpu.memory_space<vmem>>, %arg6: memref<1x1xf32, #tpu.memory_space<vmem>>, %arg7: memref<16384x1xf32, #tpu.memory_space<vmem>>) attributes {dimension_semantics = [], scalar_prefetch = 0 : i64, scratch_operands = 0 : i64, tpu.core_type = #tpu.core_type<tc>} {
    %get3A = arith.constant 0 : index
    %get3A_0 = arith.constant 0 : index
    %get3A_1 = vector.load %arg1[%get3A, %get3A_0] : memref<16384x16xf32, #tpu.memory_space<vmem>>, vector<16384x16xf32>
    %get3A_2 = arith.constant 0 : index
    %get3A_3 = arith.constant 0 : index
    %get3A_4 = vector.load %arg2[%get3A_2, %get3A_3] : memref<16384x16xf32, #tpu.memory_space<vmem>>, vector<16384x16xf32>
    %concatenate3A = tpu.concatenate %get3A_1, %get3A_4 in 1 : vector<16384x16xf32>, vector<16384x16xf32> -> vector<16384x32xf32>
    %get3A_5 = arith.constant 0 : index
    %get3A_6 = arith.constant 0 : index
    %get3A_7 = arith.constant 0 : index
    %get3A_8 = vector.load %arg3[%get3A_5, %get3A_6, %get3A_7] : memref<4x32x32xf32, #tpu.memory_space<vmem>>, vector<1x32x32xf32>
    %get3A_9 = vector.shape_cast %get3A_8 : vector<1x32x32xf32> to vector<32x32xf32>
    %dot_general3A = arith.constant dense<0.000000e+00> : vector<16384x32xf32>
    %dot_general3A_10 = tpu.matmul %concatenate3A, %get3A_9, %dot_general3A {dimension_numbers = #tpu.dot_dimension_numbers<[1], [0], [0], [1], [0, 0, 1, 1], [], []>, transpose_lhs_hint = false} : vector<16384x32xf32>, vector<32x32xf32>, vector<16384x32xf32> -> vector<16384x32xf32>
    %get3A_11 = arith.constant 0 : index
    %get3A_12 = arith.constant 0 : index
    %get3A_13 = arith.constant 0 : index
    %get3A_14 = vector.load %arg4[%get3A_11, %get3A_12, %get3A_13] : memref<4x1x32xf32, #tpu.memory_space<vmem>>, vector<1x1x32xf32>
    %get3A_15 = vector.shape_cast %get3A_14 : vector<1x1x32xf32> to vector<1x32xf32>
    %add3A = vector.broadcast %get3A_15 : vector<1x32xf32> to vector<16384x32xf32>
    %add3A_16 = arith.addf %dot_general3A_10, %add3A : vector<16384x32xf32>
    %max3A = arith.constant 0.000000e+00 : f32
    %max3A_17 = vector.broadcast %max3A : f32 to vector<16384x32xf32>
    %max3A_18 = arith.maximumf %add3A_16, %max3A_17 : vector<16384x32xf32>
    %get3A_19 = arith.constant 1 : index
    %get3A_20 = arith.constant 0 : index
    %get3A_21 = arith.constant 0 : index
    %get3A_22 = vector.load %arg3[%get3A_19, %get3A_20, %get3A_21] : memref<4x32x32xf32, #tpu.memory_space<vmem>>, vector<1x32x32xf32>
    %get3A_23 = vector.shape_cast %get3A_22 : vector<1x32x32xf32> to vector<32x32xf32>
    %dot_general3A_24 = arith.constant dense<0.000000e+00> : vector<16384x32xf32>
    %dot_general3A_25 = tpu.matmul %max3A_18, %get3A_23, %dot_general3A_24 {dimension_numbers = #tpu.dot_dimension_numbers<[1], [0], [0], [1], [0, 0, 1, 1], [], []>, transpose_lhs_hint = false} : vector<16384x32xf32>, vector<32x32xf32>, vector<16384x32xf32> -> vector<16384x32xf32>
    %get3A_26 = arith.constant 1 : index
    %get3A_27 = arith.constant 0 : index
    %get3A_28 = arith.constant 0 : index
    %get3A_29 = vector.load %arg4[%get3A_26, %get3A_27, %get3A_28] : memref<4x1x32xf32, #tpu.memory_space<vmem>>, vector<1x1x32xf32>
    %get3A_30 = vector.shape_cast %get3A_29 : vector<1x1x32xf32> to vector<1x32xf32>
    %add3A_31 = vector.broadcast %get3A_30 : vector<1x32xf32> to vector<16384x32xf32>
    %add3A_32 = arith.addf %dot_general3A_25, %add3A_31 : vector<16384x32xf32>
    %max3A_33 = arith.constant 0.000000e+00 : f32
    %max3A_34 = vector.broadcast %max3A_33 : f32 to vector<16384x32xf32>
    %max3A_35 = arith.maximumf %add3A_32, %max3A_34 : vector<16384x32xf32>
    %get3A_36 = arith.constant 2 : index
    %get3A_37 = arith.constant 0 : index
    %get3A_38 = arith.constant 0 : index
    %get3A_39 = vector.load %arg3[%get3A_36, %get3A_37, %get3A_38] : memref<4x32x32xf32, #tpu.memory_space<vmem>>, vector<1x32x32xf32>
    %get3A_40 = vector.shape_cast %get3A_39 : vector<1x32x32xf32> to vector<32x32xf32>
    %dot_general3A_41 = arith.constant dense<0.000000e+00> : vector<16384x32xf32>
    %dot_general3A_42 = tpu.matmul %max3A_35, %get3A_40, %dot_general3A_41 {dimension_numbers = #tpu.dot_dimension_numbers<[1], [0], [0], [1], [0, 0, 1, 1], [], []>, transpose_lhs_hint = false} : vector<16384x32xf32>, vector<32x32xf32>, vector<16384x32xf32> -> vector<16384x32xf32>
    %get3A_43 = arith.constant 2 : index
    %get3A_44 = arith.constant 0 : index
    %get3A_45 = arith.constant 0 : index
    %get3A_46 = vector.load %arg4[%get3A_43, %get3A_44, %get3A_45] : memref<4x1x32xf32, #tpu.memory_space<vmem>>, vector<1x1x32xf32>
    %get3A_47 = vector.shape_cast %get3A_46 : vector<1x1x32xf32> to vector<1x32xf32>
    %add3A_48 = vector.broadcast %get3A_47 : vector<1x32xf32> to vector<16384x32xf32>
    %add3A_49 = arith.addf %dot_general3A_42, %add3A_48 : vector<16384x32xf32>
    %max3A_50 = arith.constant 0.000000e+00 : f32
    %max3A_51 = vector.broadcast %max3A_50 : f32 to vector<16384x32xf32>
    %max3A_52 = arith.maximumf %add3A_49, %max3A_51 : vector<16384x32xf32>
    %get3A_53 = arith.constant 3 : index
    %get3A_54 = arith.constant 0 : index
    %get3A_55 = arith.constant 0 : index
    %get3A_56 = vector.load %arg3[%get3A_53, %get3A_54, %get3A_55] : memref<4x32x32xf32, #tpu.memory_space<vmem>>, vector<1x32x32xf32>
    %get3A_57 = vector.shape_cast %get3A_56 : vector<1x32x32xf32> to vector<32x32xf32>
    %dot_general3A_58 = arith.constant dense<0.000000e+00> : vector<16384x32xf32>
    %dot_general3A_59 = tpu.matmul %max3A_52, %get3A_57, %dot_general3A_58 {dimension_numbers = #tpu.dot_dimension_numbers<[1], [0], [0], [1], [0, 0, 1, 1], [], []>, transpose_lhs_hint = false} : vector<16384x32xf32>, vector<32x32xf32>, vector<16384x32xf32> -> vector<16384x32xf32>
    %get3A_60 = arith.constant 3 : index
    %get3A_61 = arith.constant 0 : index
    %get3A_62 = arith.constant 0 : index
    %get3A_63 = vector.load %arg4[%get3A_60, %get3A_61, %get3A_62] : memref<4x1x32xf32, #tpu.memory_space<vmem>>, vector<1x1x32xf32>
    %get3A_64 = vector.shape_cast %get3A_63 : vector<1x1x32xf32> to vector<1x32xf32>
    %add3A_65 = vector.broadcast %get3A_64 : vector<1x32xf32> to vector<16384x32xf32>
    %add3A_66 = arith.addf %dot_general3A_59, %add3A_65 : vector<16384x32xf32>
    %max3A_67 = arith.constant 0.000000e+00 : f32
    %max3A_68 = vector.broadcast %max3A_67 : f32 to vector<16384x32xf32>
    %max3A_69 = arith.maximumf %add3A_66, %max3A_68 : vector<16384x32xf32>
    %get3A_70 = arith.constant 0 : index
    %get3A_71 = arith.constant 0 : index
    %get3A_72 = vector.load %arg5[%get3A_70, %get3A_71] : memref<1x64xf32, #tpu.memory_space<vmem>>, vector<1x64xf32>
    %get3A_73 = arith.constant 0 : index
    %get3A_74 = arith.constant 0 : index
    %get3A_75 = vector.load %arg0[%get3A_73, %get3A_74] : memref<16384x32xf32, #tpu.memory_space<vmem>>, vector<16384x32xf32>
    %slice3A = vector.extract_strided_slice %get3A_72 {offsets = [0, 0], sizes = [1, 32], strides = [1, 1]} : vector<1x64xf32> to vector<1x32xf32>
    %mul3A = vector.broadcast %slice3A : vector<1x32xf32> to vector<16384x32xf32>
    %mul3A_76 = arith.mulf %get3A_75, %mul3A : vector<16384x32xf32>
    %reduce_sum3A = arith.constant dense<0.000000e+00> : vector<16384xf32>
    %reduce_sum3A_77 = vector.multi_reduction <add>, %mul3A_76, %reduce_sum3A [1] : vector<16384x32xf32> to vector<16384xf32>
    %broadcast_in_dim3A = vector.shape_cast %reduce_sum3A_77 : vector<16384xf32> to vector<16384x1xf32>
    %slice3A_78 = vector.extract_strided_slice %get3A_72 {offsets = [0, 32], sizes = [1, 32], strides = [1, 1]} : vector<1x64xf32> to vector<1x32xf32>
    %mul3A_79 = vector.broadcast %slice3A_78 : vector<1x32xf32> to vector<16384x32xf32>
    %mul3A_80 = arith.mulf %max3A_69, %mul3A_79 : vector<16384x32xf32>
    %reduce_sum3A_81 = arith.constant dense<0.000000e+00> : vector<16384xf32>
    %reduce_sum3A_82 = vector.multi_reduction <add>, %mul3A_80, %reduce_sum3A_81 [1] : vector<16384x32xf32> to vector<16384xf32>
    %broadcast_in_dim3A_83 = vector.shape_cast %reduce_sum3A_82 : vector<16384xf32> to vector<16384x1xf32>
    %add3A_84 = arith.addf %broadcast_in_dim3A, %broadcast_in_dim3A_83 : vector<16384x1xf32>
    %get3A_85 = arith.constant 0 : index
    %get3A_86 = arith.constant 0 : index
    %get3A_87 = vector.load %arg6[%get3A_85, %get3A_86] : memref<1x1xf32, #tpu.memory_space<vmem>>, vector<1x1xf32>
    %get3A_88 = vector.extract %get3A_87[0, 0] : f32 from vector<1x1xf32>
    %add3A_89 = vector.broadcast %get3A_88 : f32 to vector<16384x1xf32>
    %add3A_90 = arith.addf %add3A_84, %add3A_89 : vector<16384x1xf32>
    %neg3A = arith.constant 0.000000e+00 : f32
    %neg3A_91 = vector.broadcast %neg3A : f32 to vector<16384x1xf32>
    %neg3A_92 = arith.subf %neg3A_91, %add3A_90 : vector<16384x1xf32>
    %exp3A = math.exp %neg3A_92 : vector<16384x1xf32>
    %add3A_93 = arith.constant 1.000000e+00 : f32
    %add3A_94 = vector.broadcast %add3A_93 : f32 to vector<16384x1xf32>
    %add3A_95 = arith.addf %add3A_94, %exp3A : vector<16384x1xf32>
    %div3A = arith.constant 1.000000e+00 : f32
    %div3A_96 = vector.broadcast %div3A : f32 to vector<16384x1xf32>
    %div3A_97 = arith.divf %div3A_96, %add3A_95 : vector<16384x1xf32>
    %swap3A = arith.constant 0 : index
    %swap3A_98 = arith.constant 0 : index
    %swap3A_99 = vector.load %arg7[%swap3A, %swap3A_98] : memref<16384x1xf32, #tpu.memory_space<vmem>>, vector<16384x1xf32>
    tpu.vector_store %arg7[%swap3A, %swap3A_98], %div3A_97 {strides = array<i32>} : memref<16384x1xf32, #tpu.memory_space<vmem>>, vector<16384x1xf32>,
    return
  }
}

</mosaic_0001>

<sc_bundles>
// kernel: kernel.4.cloned.1.call-start
scs
__scs_entry_jumppad:
0x0: {  	(pc) =	sbr.rel $0x88, $3  }
0x1: {  	(tag) =	ssettag $0x0;
	lr =	simm.s32 $0x1  }
0x2: {  	[smem:$0x3F91] =	sst lr;
	_ =	strace $0xD0000000  }
0x3: {  	_ = 	snop  }
0x4: {  	_ = 	snop  }
0x5: {  	_ = 	snop  }
0x6: {  	_ = 	snop  }
0x7: {  	_ = 	snop  }
__scs_overlays_trampoline_lowered:
0x8: {  	[smem:$0x3FA0] =	sst s0  }
0x9: {  	[smem:$0x3FA1] =	sst s1  }
0xa: {  	[smem:$0x3FA2] =	sst s2  }
0xb: {  	[smem:$0x3FA3] =	sst s3  }
0xc: {  	[smem:$0x3FA4] =	sst s4  }
0xd: {  	[smem:$0x3FA5] =	sst s5  }
0xe: {  	[smem:$0x3FA6] =	sst s6  }
0xf: {  	[smem:$0x3FA7] =	sst s7  }
0x10: {  	[smem:$0x3FA8] =	sst s8  }
0x11: {  	[smem:$0x3FA9] =	sst s9;
	s0 =	simm.s32 @!p0 $0x0  }
0x12: {  	s1 =	sld [smem:$0x3F8F];
	s0 =	simm.s32 @p0 $0x1  }
0x13: {  	[smem:$0x3FAA] =	sst s0;
	s0 =	simm.s32 @!p1 $0x0  }
0x14: {  	s2 =	sld [smem:$0x3F8E];
	s0 =	simm.s32 @p1 $0x1  }
0x15: {  	[smem:$0x3FAB] =	sst s0;
	s0 =	simm.s32 @!p2 $0x0  }
0x16: {  	s3 =	sld [smem:$0x3FDB];
	s0 =	simm.s32 @p2 $0x1  }
0x17: {  	s4 =	simm.s32 $0x1BF5;
	[smem:$0x3FAD] =	sst s0  }
0x18: {  	s0 =	sld [smem:$0x3F90];
	_ =	swait.ge [sflag:s4], $0x0  }
0x19: {  	s7 =	sld [smem:$0x3F91]  }
0x1a: {  	s8 =	sadd.s32 $0xFFFFE003, lr  }
0x1b: {  	s9 =	sadd.s32 $0xFFFFFEF7, lr;
	s5 =	simm.s32 $0xFFFFFFFF;
	p2 =	slt.u32 s8, $0xFFFFF086  }
0x1c: {  	p1 =	slt.u32 s9, $0xF7A;
	s5 =	simm.s32 @!p2 $0x0  }
0x1d: {  	s5 =	simm.s32 @p1 $0x1;
	p0 =	seq.s32 s7, s2  }
0x1e: {  	s7 =	smul.u32 @!p0 $0xF7A, s2;
	p2 =	seq.s32 @!p0 s5, $0x0  }
0x1f: {  	s9 =	smul.u32 $0xF7A, s1;
	s8 =	simm.s32 @!p0 $0x1BF5;
	p2 =	por !p2, p0  }
0x20: {  	[sflag:s8] =	ssyncset.s32 @!p0 $0xFFFFF086;
	s6 =	sadd.s32 @!p0 s3, s7;
	s7 =	simm.s32 @!p0 $0x108  }
0x21: {  	s3 =	sadd.s32 s3, s9;
	s6 =	sadd.s32 @!p0 $0x88, s6;
	s7 =	simm.s32 @p2 $0x1082  }
0x22: {  	[simem:s7], [sflag:s8] =	dma.local @!p0 [hbm:s6], $0xF7A  }
0x23: {  	s9 =	sor.u32 $0xD0000000, s2;
	s6 =	simm.s32 $0x108;
	_ =	swait.ge @!p0 [sflag:s8], $0x0  }
0x24: {  	s3 =	sadd.s32 $0x88, s3;
	s6 =	simm.s32 @!p1 $0x1082;
	[sflag:s4] =	ssyncset.s32 $0xFFFFF086  }
0x25: {  	[simem:s6], [sflag:s4] =	dma.local [hbm:s3], $0xF7A  }
0x26: {  	[smem:$0x3F91] =	sst s1;
	(tag) =	ssettag s2;
	_ =	strace s9  }
0x27: {  	s1 =	sld [smem:$0x3FA1]  }
0x28: {  	s2 =	sld [smem:$0x3FA2]  }
0x29: {  	s4 =	sld [smem:$0x3FA4]  }
0x2a: {  	p0 =	seq.s32 s5, $0x0;
	s5 =	sld [smem:$0x3FA5]  }
0x2b: {  	s6 =	sld [smem:$0x3FA6]  }
0x2c: {  	s7 =	sld [smem:$0x3FA7]  }
0x2d: {  	s3 =	simm.s32 $0x108;
	s8 =	sld [smem:$0x3FA8]  }
0x2e: {  	s3 =	simm.s32 @!p0 $0x1082;
	s9 =	sld [smem:$0x3FA9]  }
0x2f: {  	lr =	sadd.s32 s0, s3;
	s0 =	sld [smem:$0x3FA0]  }
0x30: {  	s3 =	sld [smem:$0x3FA3]  }
0x31: {  	[smem:$0x3FAC] =	sst s10  }
0x32: {  	s10 =	sld [smem:$0x3FAA];
	_ =	sdelay $0x3  }
0x33: {  	p0 =	seq.s32 s10, $0x1;
	s10 =	sld [smem:$0x3FAC];
	_ =	sdelay $0x3  }
0x34: {  	[smem:$0x3FAC] =	sst s10  }
0x35: {  	s10 =	sld [smem:$0x3FAB];
	_ =	sdelay $0x3  }
0x36: {  	p1 =	seq.s32 s10, $0x1;
	s10 =	sld [smem:$0x3FAC];
	_ =	sdelay $0x3  }
0x37: {  	[smem:$0x3FAC] =	sst s10  }
0x38: {  	s10 =	sld [smem:$0x3FAD]  }
0x39: {  	_ = 	snop;
	(pc) =	sbr.ind lr, $3  }
0x3a: {  	_ = 	snop  }
0x3b: {  	_ = 	snop  }
0x3c: {  	p2 =	seq.s32 s10, $0x1;
	s10 =	sld [smem:$0x3FAC]  }
0x3d: {  	_ =	shalt  }
0x3e: {  	_ =	shalt  }
0x3f: {  	_ =	shalt  }
0x40: {  	_ =	shalt  }
0x41: {  	_ =	shalt  }
0x42: {  	_ =	shalt  }
0x43: {  	_ =	shalt  }
0x44: {  	_ =	shalt  }
0x45: {  	_ =	shalt  }
0x46: {  	_ =	shalt  }
0x47: {  	_ =	shalt  }
0x48: {  	_ =	shalt  }
0x49: {  	_ =	shalt  }
0x4a: {  	_ =	shalt  }
0x4b: {  	_ =	shalt  }
0x4c: {  	_ =	shalt  }
0x4d: {  	_ =	shalt  }
0x4e: {  	_ =	shalt  }
0x4f: {  	_ =	shalt  }
0x50: {  	_ =	shalt  }
0x51: {  	_ =	shalt  }
0x52: {  	_ =	shalt  }
0x53: {  	_ =	shalt  }
0x54: {  	_ =	shalt  }
0x55: {  	_ =	shalt  }
0x56: {  	_ =	shalt  }
0x57: {  	_ =	shalt  }
0x58: {  	_ =	shalt  }
0x59: {  	_ =	shalt  }
0x5a: {  	_ =	shalt  }
0x5b: {  	_ =	shalt  }
0x5c: {  	_ =	shalt  }
0x5d: {  	_ =	shalt  }
0x5e: {  	_ =	shalt  }
0x5f: {  	_ =	shalt  }
0x60: {  	_ =	shalt  }
0x61: {  	_ =	shalt  }
0x62: {  	_ =	shalt  }
0x63: {  	_ =	shalt  }
0x64: {  	_ =	shalt  }
0x65: {  	_ =	shalt  }
0x66: {  	_ =	shalt  }
0x67: {  	_ =	shalt  }
0x68: {  	_ =	shalt  }
0x69: {  	_ =	shalt  }
0x6a: {  	_ =	shalt  }
0x6b: {  	_ =	shalt  }
0x6c: {  	_ =	shalt  }
0x6d: {  	_ =	shalt  }
0x6e: {  	_ =	shalt  }
0x6f: {  	_ =	shalt  }
0x70: {  	_ =	shalt  }
0x71: {  	_ =	shalt  }
0x72: {  	_ =	shalt  }
0x73: {  	_ =	shalt  }
0x74: {  	_ =	shalt  }
0x75: {  	_ =	shalt  }
0x76: {  	_ =	shalt  }
0x77: {  	_ =	shalt  }
0x78: {  	_ =	shalt  }
0x79: {  	_ =	shalt  }
0x7a: {  	_ =	shalt  }
0x7b: {  	_ =	shalt  }
0x7c: {  	_ =	shalt  }
0x7d: {  	_ =	shalt  }
0x7e: {  	_ =	shalt  }
0x7f: {  	_ =	shalt  }
0x80: {  	_ =	shalt  }
0x81: {  	_ =	shalt  }
0x82: {  	_ =	shalt  }
0x83: {  	_ =	shalt  }
0x84: {  	_ =	shalt  }
0x85: {  	_ =	shalt  }
0x86: {  	_ =	shalt  }
0x87: {  	_ =	shalt  }
.Lfunc_end0:
.L_simem_size_0:
called_computation_lowered:
.L_overlay_start_0:
0x88: {  	s2 =	sld [smem:$0x3FD9]  }
0x89: {  	s3 =	sld [smem:$0x3FFE];
	_ =	sdelay $0x1  }
0x8a: {  	s1 =	srdreg.scid  }
0x8b: {  	s0 =	sand.u32 $0x1, s1  }
0x8c: {  	s17 =	sshll.u32 s0, $0xA;
	s2 =	sadd.s32 s3, s2  }
0x8d: {  	s2 =	sadd.s32 s2, s17  }
0x8e: {  	[smem:$0x3FB8] =	sst s2  }
0x8f: {  	_ = 	snop  }
0x90: {  	s2 =	sld [smem:$0x3FC9]  }
0x91: {  	s18 =	sld [smem:$0x3FC8]  }
0x92: {  	s4 =	sld [smem:$0x3FC7]  }
0x93: {  	s5 =	sld [smem:$0x3FC6]  }
0x94: {  	s6 =	sld [smem:$0x3FC5]  }
0x95: {  	s7 =	sld [smem:$0x3FC4];
	(tm) =	ssettm $0x1  }
0x96: {  	s8 =	sld [smem:$0x3FFB];
	_ =	sdelay $0x3  }
0x97: {  	_ =	strace s8  }
0x98: {  	s8 =	sld [smem:$0x3FFC];
	_ =	sdelay $0x3  }
0x99: {  	_ =	strace s8  }
0x9a: {  	s8 =	sld [smem:$0x3FFD];
	_ =	sdelay $0x3  }
0x9b: {  	_ =	strace s8  }
0x9c: {  	_ =	strace $0x8FFFFFFF  }
0x9d: {  	s19 =	sld [smem:$0x3FDB];
	_ =	sdelay $0x1  }
0x9e: {  	s9 =	simm.s32 $_scs_section_size  }
0x9f: {  	s10 =	simm.s32 $_size__tile_overlayer_lowered;
	s11 =	simm.s32 $_tile_overlayer_lowered  }
0xa0: {  	s22 =	simm.s32 $0x1BFF;
	s21 =	sshll.u32 s11, $0x1;
	s8 =	sadd.s32 s9, s19  }
0xa1: {  	s12 =	simm.s32 $0x0;
	s20 =	sshll.u32 s10, $0x1;
	s10 =	sadd.s32 s21, s8  }
0xa2: {  	[timem:s12], [sflag:s22] =	dma.local [hbm:s10], s20  }
0xa3: {  	_ =	swait.ge [sflag:s22], s20  }
0xa4: {  	s9 =	ssub.s32 $0x0, s20;
	[sflag:s22] =	ssyncset.done $0x0  }
0xa5: {  	[sflag:s22] =	ssyncadd.s32 s9;
	_ =	sdelay $0x1  }
0xa6: {  	s23 =	simm.s32 $0x1B8B  }
0xa7: {  	_ =	swait.ge [sflag:s23], $0x1  }
0xa8: {  	[sflag:s23] =	ssyncset.done $0x0  }
0xa9: {  	s25 =	simm.s32 $0x1B8E;
	s24 =	sld [smem:$0x3FFE];
	[sflag:s23] =	ssyncadd.s32 $0xFFFFFFFF  }
0xaa: {  	s26 =	simm.s32 $execute0_lowered;
	[smem:$0x3FD2] =	sst s25  }
0xab: {  	s10 =	sshll.u32 s26, $0x1;
	_ =	strace $0x80000046;
	[dreg:$0x1] =	wrdreg $0xFFFFFFFF  }
0xac: {  	s28 =	simm.s32 $_size_execute0_lowered;
	s8 =	sadd.s32 s8, s10;
	[dreg:$0x0] =	wrdreg $0x0  }
0xad: {  	s10 =	sshll.u32 s28, $0x1;
	[dreg:$0x2] =	wrdreg s8  }
0xae: {  	[dreg:$0x3] =	wrdreg s10  }
0xaf: {  	[dreg:$0x4] =	wrdreg $0xC0  }
0xb0: {  	_ =	task [dreg:s12], $0x5FFFF  }
0xb1: {  	[dreg:$0x1] =	wrdreg $0xFFFFFFFF  }
0xb2: {  	[dreg:$0x0] =	wrdreg $0x60  }
0xb3: {  	[dreg:$0x2] =	wrdreg s2  }
0xb4: {  	[dreg:$0x3] =	wrdreg s18  }
0xb5: {  	[dreg:$0x4] =	wrdreg s4  }
0xb6: {  	[dreg:$0x5] =	wrdreg s5  }
0xb7: {  	[dreg:$0x6] =	wrdreg s6  }
0xb8: {  	[dreg:$0x7] =	wrdreg s7  }
0xb9: {  	[dreg:$0x8] =	wrdreg s24  }
0xba: {  	[dreg:$0x9] =	wrdreg $0x9  }
0xbb: {  	_ =	task.clear_ibuf [dreg:s12], $0xAFFFF;
	_ =	strace $0x90000046  }
0xbc: {  	s29 =	simm.s32 $0x9;
	_ =	strace $0x80000048  }
0xbd: {  	_ =	swait.ge [sflag:s29], $0x1  }
0xbe: {  	[sflag:s29] =	ssyncadd.s32 $0xFFFFFFFF  }
0xbf: {  	_ =	strace $0x90000048  }
0xc0: {  	_ =	sfence  }
0xc1: {  	s30 =	sld [smem:$0x0];
	_ =	sdelay $0x2  }
0xc2: {  	s31 =	sshll.u32 s1, $0xD;
	s1 =	sshrl.u32 s1, $0x2  }
0xc3: {  	s3 =	sand.u32 $0x4000, s31;
	s1 =	sadd.s32 s1, s30  }
0xc4: {  	s0 =	sor.u32 s3, s0;
	s1 =	sshll.u32 s1, $0x11  }
0xc5: {  	s0 =	sor.u32 s1, s0  }
0xc6: {  	s0 =	sadd.s32 $0x8F2B, s0  }
0xc7: {  	[sflag:s0] =	ssyncadd.remote.s32 $0x1  }
0xc8: {  	_ =	sfence.sel $0xFFFF  }
0xc9: {  	[dreg:$0x0] =	wrdreg $0xFFFFFFFF;
	(pc) =	sbr.abs _section_cstart, $3  }
0xca: {  	[dreg:$0x1] =	wrdreg $0xFFFFFFFF  }
0xcb: {  	_ =	task.clear_ibuf [dreg:s12], $0x2FFFF;
	_ =	strace $0x9FFFFFFF  }
0xcc: {  	(tm) =	ssettm $0x7FFFFFFF  }
0xcd: {  	_ =	shalt  }
tec
execute0_lowered:
.L_overlay_start_1:
0x0: {  	(tag) =	ssettag $0x1  }
0x1: {  	s0 =	rddreg [dreg:$0x0]  }
0x2: {  	s4 =	rddreg [dreg:$0x1]  }
0x3: {  	s1 =	rddreg [dreg:$0x2]  }
0x4: {  	s2 =	rddreg [dreg:$0x3]  }
0x5: {  	s3 =	rddreg [dreg:$0x4]  }
0x6: {  	s5 =	rddreg [dreg:$0x5]  }
0x7: {  	s7 =	rddreg [dreg:$0x6]  }
0x8: {  	s6 =	simm.s32 $0x0;
	s11 =	stileid.u32;
	s8 =	srdreg.scid  }
0x9: {  	s13 =	simm.s32 $0x3;
	s15 =	simm.s32 $0x1;
	s16 =	simm.s32 $0x7A1400  }
0xa: {  	s17 =	simm.s32 $0x400;
	s18 =	simm.s32 $0x8400;
	s19 =	simm.s32 $0x10400  }
0xb: {  	s20 =	simm.s32 $0x14400;
	s30 =	simm.s32 $0x4400;
	s31 =	simm.s32 $0xF400  }
0xc: {  	s14 =	simm.s32 $0x2;
	s22 =	simm.s32 $0x0;
	[smem:$0x7FF] =	sst s6  }
0xd: {  	s9 =	sshll.u32 s11, $0xE;
	s8 =	sand.u32 $0x1, s8;
	s11 =	sshll.u32 s11, $0x7  }
0xe: {  	v0 =	vlaneseq.u32;
	_ =	strace $0x80000047;
	s7 =	sadd.s32 s9, s7;
	s24 =	ssub.s32 $0x2, s8  }
0xf: {  	vm0 =	vmmov $0x1;
	v1 =	vmul.u32 $0x80, v0;
	s12 =	sshll.u32 s8, $0x6;
	s8 =	sshll.u32 s8, $0xD;
	s10 =	sshrl.u32 s24, $0x1  }
0x10: {  	vm1 =	vcmask $0x308;
	vm2 =	vcmask $0x70C;
	vm3 =	vcmask $0xB10;
	s25 =	sor.u32 s12, s11;
	s28 =	sadd.s32 s8, s7;
	s7 =	simm.s32 $0x18400  }
.Ltmp0:
0x11: {  	v2 =	vor.u32 $0x800, v1;
	v3 =	vor.u32 $0x1000, v1;
	v4 =	vor.u32 $0x1800, v1;
	s8 =	simm.s32 $0x18800;
	s9 =	ssub.s32 s24, s10;
	(pc) =	sbr.rel .LBB2_1-.Ltmp0, $4  }
0x12: {  	v5 =	vor.u32 $0x2000, v1;
	v6 =	vor.u32 $0x2800, v1;
	v7 =	vor.u32 $0x3000, v1;
	s0 =	sadd.s32 s0, s25;
	s26 =	sadd.s32 s4, s25;
	s10 =	sadd.s32 $0x81C00, s28  }
0x13: {  	v8 =	vor.u32 $0x3800, v1;
	v9 =	vor.u32 $0x4000, v1;
	v10 =	vor.u32 $0x4800, v1;
	s11 =	sadd.s32 $0x41C00, s28;
	s12 =	sadd.s32 $0x1C00, s28;
	[dreg:$0x8] =	wrdreg s0  }
0x14: {  	v11 =	vor.u32 $0x5000, v1;
	v12 =	vor.u32 $0x5800, v1;
	v13 =	vor.u32 $0x6000, v1;
	s4 =	simm.s32 $0x17C00;
	[dreg:$0x9] =	wrdreg s26;
	s29 =	smax.u32 s9, $0x1  }
0x15: {  	v14 =	vor.u32 $0x6800, v1;
	v15 =	vor.u32 $0x7000, v1;
	v16 =	vor.u32 $0x7800, v1;
	s0 =	simm.s32 $0x13C00;
	s9 =	simm.s32 $0x18C00;
	[dreg:$0xa] =	wrdreg s29  }
.LBB2_5:
0x16: {  	s22 =	rddreg [dreg:$0xb]  }
0x17: {  	s21 =	rddreg [dreg:$0xa];
	s22 =	sadd.s32 $0x1, s22  }
0x18: {  	p0 =	sne.s32 s22, s21  }
.Ltmp1:
0x19: {  	_ = 	snop;
	(pc) =	sbr.rel @!p0 .LBB2_6-.Ltmp1, $1  }
0x1a: {  	_ =	sdelay $0x3  }
.LBB2_1:
0x1b: {  	[dreg:$0xb] =	wrdreg s22  }
0x1c: {  	s21 =	rddreg [dreg:$0x8]  }
0x1d: {  	[tilespmem:s6], [sflag:$0x3] =	stream.linear.gather [hbm4b:s21+s6], $0x200, $0x38;
	[tilespmem:$0x19000] =	vst v63  }
0x1e: {  	_ =	swait.ge [sflag:s13], $0x200  }
0x1f: {  	[sflag:s13] =	ssyncset.done $0x0  }
0x20: {  	s26 =	simm.s32 $0x200;
	s25 =	rddreg [dreg:$0x9];
	[sflag:s13] =	ssyncadd.s32 $0xFFFFFE00  }
0x21: {  	[tilespmem:s26], [sflag:$0x3] =	stream.linear.gather [hbm4b:s25+s6], $0x200, $0x38;
	[tilespmem:$0x19000] =	vst v63  }
0x22: {  	_ =	swait.ge [sflag:s13], $0x200  }
0x23: {  	[sflag:s13] =	ssyncset.done $0x0  }
0x24: {  	[sflag:s13] =	ssyncadd.s32 $0xFFFFFE00  }
0x25: {  	v17 =	vld [tilespmem:$0x200];
	_ =	sdelay $0x1  }
0x26: {  	v18 =	vld [tilespmem:$0x0];
	_ =	sdelay $0x2  }
0x27: {  	v17 =	vnsel vm0, $0x0, v17  }
0x28: {  	(xrf0) =	vadd.scan.msk.s32 $0xffff, v17  }
0x29: {  	v17 =	vnsel vm0, $0x0, v18  }
0x2a: {  	(xrf0) =	vadd.scan.msk.s32 $0xffff, v17;
	_ =	sdelay $0x3  }
0x2b: {  	v17, _, _ =	vpop (xrf0)  }
0x2c: {  	(v2sf) =	vpush v17, $0xF  }
0x2d: {  	v17, _, _ =	vpop (xrf0)  }
0x2e: {  	(v2sf) =	vpush v17, $0xF;
	_ =	sdelay $0xc  }
0x2f: {  	s28 =	spop (v2sf)  }
0x30: {  	s29 =	sand.u32 $0x7F, s28  }
0x31: {  	s23 =	spop (v2sf);
	s24 =	sshra.s32 s28, $0x1F;
	p6 =	slt.s32 s28, $0x1  }
0x32: {  	p0 =	sne.s32 s29, $0x0;
	s25 =	sand.u32 $0x7F, s23;
	s26 =	sshra.s32 s23, $0x1F  }
0x33: {  	p2 =	slt.s32 s23, $0x1;
	s24 =	sshrl.u32 s24, $0x19;
	p1 =	sne.s32 s25, $0x0  }
0x34: {  	s22 =	sshrl.u32 s26, $0x19;
	s21 =	sadd.s32 s24, s28;
	p1 =	por !p2, !p1  }
0x35: {  	s22 =	sadd.s32 s22, s23;
	s23 =	simm.s32 $0x1;
	p1 =	por !p1, !p1  }
0x36: {  	p0 =	por !p6, !p0;
	s22 =	sshrl.u32 s22, $0x7;
	s23 =	simm.s32 @!p1 $0x0  }
0x37: {  	p0 =	por !p0, !p0;
	s22 =	ssub.s32 s22, s23;
	s23 =	simm.s32 $0x1  }
0x38: {  	s21 =	sshrl.u32 s21, $0x7;
	s22 =	sshll.u32 s22, $0x7;
	s23 =	simm.s32 @!p0 $0x0  }
0x39: {  	s22 =	sand.u32 $0x1FFFFF80, s22;
	s21 =	ssub.s32 s21, s23  }
0x3a: {  	s28 =	sadd.s32 s1, s22;
	s21 =	sshll.u32 s21, $0x7  }
0x3b: {  	[tilespmem:s17], [sflag:$0x1] =	stream.strided.gather [hbm4b:s28+s17], $0x1000, s16, s17, $0x38;
	[tilespmem:$0x19000] =	vst v63  }
0x3c: {  	s21 =	sand.u32 $0x1FFFFF80, s21  }
0x3d: {  	s29 =	sadd.s32 s2, s21  }
0x3e: {  	[tilespmem:s18], [sflag:$0x1] =	stream.strided.gather [hbm4b:s29+s17], $0x1000, s16, s17, $0x38;
	[tilespmem:$0x19000] =	vst v63  }
0x3f: {  	s22 =	sadd.s32 s3, s22  }
0x40: {  	[tilespmem:s19], [sflag:$0x1] =	stream.strided.gather [hbm4b:s22+s17], $0x800, s16, s17, $0x38;
	[tilespmem:$0x19000] =	vst v63  }
0x41: {  	s21 =	sadd.s32 s5, s21  }
0x42: {  	[tilespmem:s20], [sflag:$0x1] =	stream.strided.gather [hbm4b:s21+s17], $0x800, s16, s17, $0x38;
	[tilespmem:$0x19000] =	vst v63  }
0x43: {  	v17 =	vld [tilespmem:$0x200]  }
0x44: {  	v18 =	vld [tilespmem:$0x0];
	_ =	sdelay $0x3  }
0x45: {  	v17 =	vsel vm1, $0x0, v17  }
0x46: {  	(xrf0) =	vadd.scan.msk.s32 $0xffff, v17;
	v17 =	vsel vm1, $0x0, v18  }
0x47: {  	(xrf0) =	vadd.scan.msk.s32 $0xffff, v17;
	_ =	sdelay $0x4  }
0x48: {  	v17, _, _ =	vpop (xrf0)  }
0x49: {  	(v2sf) =	vpush v17, $0xF;
	v17, _, _ =	vpop (xrf0)  }
0x4a: {  	(v2sf) =	vpush v17, $0xF;
	_ =	sdelay $0xd  }
0x4b: {  	s23 =	simm.s32 $0x1;
	s21 =	spop (v2sf)  }
0x4c: {  	s24 =	sand.u32 $0x7F, s21;
	s25 =	spop (v2sf);
	s26 =	sshra.s32 s21, $0x1F  }
0x4d: {  	p6 =	slt.s32 s21, $0x1;
	p3 =	sne.s32 s24, $0x0;
	s28 =	sand.u32 $0x7F, s25  }
0x4e: {  	s29 =	sshra.s32 s25, $0x1F;
	p5 =	slt.s32 s25, $0x1;
	p4 =	sne.s32 s28, $0x0  }
0x4f: {  	s24 =	sshrl.u32 s26, $0x19;
	s22 =	sshrl.u32 s29, $0x19;
	p1 =	por !p5, !p4  }
0x50: {  	s21 =	sadd.s32 s24, s21;
	s22 =	sadd.s32 s22, s25;
	p1 =	por !p1, !p1  }
0x51: {  	p0 =	por !p6, !p3;
	s22 =	sshrl.u32 s22, $0x7;
	s23 =	simm.s32 @!p1 $0x0  }
0x52: {  	p0 =	por !p0, !p0;
	s22 =	ssub.s32 s22, s23;
	s23 =	simm.s32 $0x1  }
0x53: {  	s21 =	sshrl.u32 s21, $0x7;
	s22 =	sshll.u32 s22, $0x7;
	s23 =	simm.s32 @!p0 $0x0  }
0x54: {  	s22 =	sand.u32 $0x1FFFFF80, s22;
	s21 =	ssub.s32 s21, s23  }
0x55: {  	s25 =	simm.s32 $0x1400;
	s24 =	sadd.s32 s1, s22;
	s21 =	sshll.u32 s21, $0x7  }
0x56: {  	[tilespmem:s25], [sflag:$0x1] =	stream.strided.gather [hbm4b:s24+s17], $0x1000, s16, s17, $0x38;
	[tilespmem:$0x19000] =	vst v63  }
0x57: {  	s21 =	sand.u32 $0x1FFFFF80, s21  }
0x58: {  	s28 =	simm.s32 $0x9400;
	s26 =	sadd.s32 s2, s21  }
0x59: {  	[tilespmem:s28], [sflag:$0x1] =	stream.strided.gather [hbm4b:s26+s17], $0x1000, s16, s17, $0x38;
	[tilespmem:$0x19000] =	vst v63  }
0x5a: {  	s29 =	simm.s32 $0x10C00;
	s22 =	sadd.s32 s3, s22  }
0x5b: {  	[tilespmem:s29], [sflag:$0x1] =	stream.strided.gather [hbm4b:s22+s17], $0x800, s16, s17, $0x38;
	[tilespmem:$0x19000] =	vst v63  }
0x5c: {  	s23 =	simm.s32 $0x14C00;
	s21 =	sadd.s32 s5, s21  }
0x5d: {  	[tilespmem:s23], [sflag:$0x1] =	stream.strided.gather [hbm4b:s21+s17], $0x800, s16, s17, $0x38;
	[tilespmem:$0x19000] =	vst v63  }
0x5e: {  	v17 =	vld [tilespmem:$0x200]  }
0x5f: {  	v18 =	vld [tilespmem:$0x0];
	_ =	sdelay $0x3  }
0x60: {  	v17 =	vsel vm2, $0x0, v17  }
0x61: {  	(xrf0) =	vadd.scan.msk.s32 $0xffff, v17;
	v17 =	vsel vm2, $0x0, v18  }
0x62: {  	(xrf0) =	vadd.scan.msk.s32 $0xffff, v17;
	_ =	sdelay $0x4  }
0x63: {  	v17, _, _ =	vpop (xrf0)  }
0x64: {  	(v2sf) =	vpush v17, $0xF;
	v17, _, _ =	vpop (xrf0)  }
0x65: {  	(v2sf) =	vpush v17, $0xF;
	_ =	sdelay $0xd  }
0x66: {  	s23 =	simm.s32 $0x1;
	s21 =	spop (v2sf)  }
0x67: {  	s24 =	sand.u32 $0x7F, s21;
	s25 =	spop (v2sf);
	s26 =	sshra.s32 s21, $0x1F  }
0x68: {  	p6 =	slt.s32 s21, $0x1;
	p3 =	sne.s32 s24, $0x0;
	s28 =	sand.u32 $0x7F, s25  }
0x69: {  	s29 =	sshra.s32 s25, $0x1F;
	p5 =	slt.s32 s25, $0x1;
	p4 =	sne.s32 s28, $0x0  }
0x6a: {  	s24 =	sshrl.u32 s26, $0x19;
	s22 =	sshrl.u32 s29, $0x19;
	p1 =	por !p5, !p4  }
0x6b: {  	s21 =	sadd.s32 s24, s21;
	s22 =	sadd.s32 s22, s25;
	p1 =	por !p1, !p1  }
0x6c: {  	p0 =	por !p6, !p3;
	s22 =	sshrl.u32 s22, $0x7;
	s23 =	simm.s32 @!p1 $0x0  }
0x6d: {  	p0 =	por !p0, !p0;
	s22 =	ssub.s32 s22, s23;
	s23 =	simm.s32 $0x1  }
0x6e: {  	s21 =	sshrl.u32 s21, $0x7;
	s22 =	sshll.u32 s22, $0x7;
	s23 =	simm.s32 @!p0 $0x0  }
0x6f: {  	s22 =	sand.u32 $0x1FFFFF80, s22;
	s21 =	ssub.s32 s21, s23  }
0x70: {  	s26 =	simm.s32 $0x2400;
	s25 =	sadd.s32 s1, s22;
	s21 =	sshll.u32 s21, $0x7  }
0x71: {  	[tilespmem:s26], [sflag:$0x1] =	stream.strided.gather [hbm4b:s25+s17], $0x1000, s16, s17, $0x38;
	[tilespmem:$0x19000] =	vst v63  }
0x72: {  	s21 =	sand.u32 $0x1FFFFF80, s21  }
0x73: {  	s29 =	simm.s32 $0xA400;
	s28 =	sadd.s32 s2, s21  }
0x74: {  	[tilespmem:s29], [sflag:$0x1] =	stream.strided.gather [hbm4b:s28+s17], $0x1000, s16, s17, $0x38;
	[tilespmem:$0x19000] =	vst v63  }
0x75: {  	s24 =	simm.s32 $0x11400;
	s22 =	sadd.s32 s3, s22  }
0x76: {  	[tilespmem:s24], [sflag:$0x1] =	stream.strided.gather [hbm4b:s22+s17], $0x800, s16, s17, $0x38;
	[tilespmem:$0x19000] =	vst v63  }
0x77: {  	s25 =	simm.s32 $0x15400;
	s21 =	sadd.s32 s5, s21  }
0x78: {  	[tilespmem:s25], [sflag:$0x1] =	stream.strided.gather [hbm4b:s21+s17], $0x800, s16, s17, $0x38;
	[tilespmem:$0x19000] =	vst v63  }
0x79: {  	v17 =	vld [tilespmem:$0x200]  }
0x7a: {  	v18 =	vld [tilespmem:$0x0];
	_ =	sdelay $0x3  }
0x7b: {  	v17 =	vsel vm3, $0x0, v17  }
0x7c: {  	(xrf0) =	vadd.scan.msk.s32 $0xffff, v17;
	v17 =	vsel vm3, $0x0, v18  }
0x7d: {  	(xrf0) =	vadd.scan.msk.s32 $0xffff, v17;
	_ =	sdelay $0x4  }
0x7e: {  	v17, _, _ =	vpop (xrf0)  }
0x7f: {  	(v2sf) =	vpush v17, $0xF;
	v17, _, _ =	vpop (xrf0)  }
0x80: {  	(v2sf) =	vpush v17, $0xF;
	_ =	sdelay $0xd  }
0x81: {  	s23 =	simm.s32 $0x1;
	s21 =	spop (v2sf)  }
0x82: {  	s26 =	sand.u32 $0x7F, s21;
	s28 =	spop (v2sf);
	s29 =	sshra.s32 s21, $0x1F  }
0x83: {  	p6 =	slt.s32 s21, $0x1;
	p3 =	sne.s32 s26, $0x0;
	s25 =	sand.u32 $0x7F, s28  }
0x84: {  	s26 =	sshra.s32 s28, $0x1F;
	p5 =	slt.s32 s28, $0x1;
	p4 =	sne.s32 s25, $0x0  }
0x85: {  	s24 =	sshrl.u32 s29, $0x19;
	s22 =	sshrl.u32 s26, $0x19;
	p1 =	por !p5, !p4  }
0x86: {  	s21 =	sadd.s32 s24, s21;
	s22 =	sadd.s32 s22, s28;
	p1 =	por !p1, !p1  }
0x87: {  	p0 =	por !p6, !p3;
	s22 =	sshrl.u32 s22, $0x7;
	s23 =	simm.s32 @!p1 $0x0  }
0x88: {  	p0 =	por !p0, !p0;
	s22 =	ssub.s32 s22, s23;
	s23 =	simm.s32 $0x1  }
0x89: {  	s21 =	sshrl.u32 s21, $0x7;
	s22 =	sshll.u32 s22, $0x7;
	s23 =	simm.s32 @!p0 $0x0  }
0x8a: {  	s22 =	sand.u32 $0x1FFFFF80, s22;
	s21 =	ssub.s32 s21, s23  }
0x8b: {  	s29 =	simm.s32 $0x3400;
	s28 =	sadd.s32 s1, s22;
	s21 =	sshll.u32 s21, $0x7  }
0x8c: {  	[tilespmem:s29], [sflag:$0x1] =	stream.strided.gather [hbm4b:s28+s17], $0x1000, s16, s17, $0x38;
	[tilespmem:$0x19000] =	vst v63  }
0x8d: {  	s21 =	sand.u32 $0x1FFFFF80, s21  }
0x8e: {  	s26 =	simm.s32 $0xB400;
	s25 =	sadd.s32 s2, s21  }
0x8f: {  	[tilespmem:s26], [sflag:$0x1] =	stream.strided.gather [hbm4b:s25+s17], $0x1000, s16, s17, $0x38;
	[tilespmem:$0x19000] =	vst v63  }
.Ltmp2:
0x90: {  	s22 =	sadd.s32 s3, s22;
	s28 =	simm.s32 $0x11C00;
	(pc) =	sbr.rel .LBB2_2-.Ltmp2, $4  }
0x91: {  	[tilespmem:s28], [sflag:$0x1] =	stream.strided.gather [hbm4b:s22+s17], $0x800, s16, s17, $0x38;
	[tilespmem:$0x19000] =	vst v63  }
0x92: {  	s29 =	simm.s32 $0x15C00;
	s21 =	sadd.s32 s5, s21  }
0x93: {  	[tilespmem:s29], [sflag:$0x1] =	stream.strided.gather [hbm4b:s21+s17], $0x800, s16, s17, $0x38;
	[tilespmem:$0x19000] =	vst v63  }
0x94: {  	s22 =	simm.s32 $0x0;
	s21 =	simm.s32 $0x8  }
.LBB2_4:
0x95: {  	_ =	swait.ge [sflag:s14], $0x1000  }
0x96: {  	[sflag:s14] =	ssyncset.done $0x0  }
0x97: {  	[sflag:s14] =	ssyncadd.s32 $0xFFFFF000  }
0x98: {  	_ =	swait.ge [sflag:s14], $0x1000  }
0x99: {  	[sflag:s14] =	ssyncset.done $0x0  }
0x9a: {  	[sflag:s14] =	ssyncadd.s32 $0xFFFFF000  }
0x9b: {  	_ =	swait.ge [sflag:s14], $0x800  }
0x9c: {  	[sflag:s14] =	ssyncset.done $0x0  }
0x9d: {  	[sflag:s14] =	ssyncadd.s32 $0xFFFFF800  }
0x9e: {  	_ =	swait.ge [sflag:s14], $0x800  }
0x9f: {  	[sflag:s14] =	ssyncset.done $0x0  }
0xa0: {  	[sflag:s14] =	ssyncadd.s32 $0xFFFFF800  }
0xa1: {  	_ =	swait.ge [sflag:s14], $0x1000  }
0xa2: {  	[sflag:s14] =	ssyncset.done $0x0  }
0xa3: {  	[sflag:s14] =	ssyncadd.s32 $0xFFFFF000  }
0xa4: {  	_ =	swait.ge [sflag:s14], $0x1000  }
0xa5: {  	[sflag:s14] =	ssyncset.done $0x0  }
0xa6: {  	[sflag:s14] =	ssyncadd.s32 $0xFFFFF000  }
0xa7: {  	_ =	swait.ge [sflag:s14], $0x800  }
0xa8: {  	[sflag:s14] =	ssyncset.done $0x0  }
0xa9: {  	[sflag:s14] =	ssyncadd.s32 $0xFFFFF800  }
0xaa: {  	_ =	swait.ge [sflag:s14], $0x800  }
0xab: {  	[sflag:s14] =	ssyncset.done $0x0  }
0xac: {  	[sflag:s14] =	ssyncadd.s32 $0xFFFFF800  }
0xad: {  	_ =	swait.ge [sflag:s14], $0x1000  }
0xae: {  	[sflag:s14] =	ssyncset.done $0x0  }
0xaf: {  	[sflag:s14] =	ssyncadd.s32 $0xFFFFF000  }
0xb0: {  	_ =	swait.ge [sflag:s14], $0x1000  }
0xb1: {  	[sflag:s14] =	ssyncset.done $0x0  }
0xb2: {  	[sflag:s14] =	ssyncadd.s32 $0xFFFFF000  }
0xb3: {  	_ =	swait.ge [sflag:s14], $0x800  }
0xb4: {  	[sflag:s14] =	ssyncset.done $0x0  }
0xb5: {  	[sflag:s14] =	ssyncadd.s32 $0xFFFFF800  }
0xb6: {  	_ =	swait.ge [sflag:s14], $0x800  }
0xb7: {  	[sflag:s14] =	ssyncset.done $0x0  }
0xb8: {  	[sflag:s14] =	ssyncadd.s32 $0xFFFFF800  }
0xb9: {  	_ =	swait.ge [sflag:s14], $0x1000  }
0xba: {  	[sflag:s14] =	ssyncset.done $0x0  }
0xbb: {  	[sflag:s14] =	ssyncadd.s32 $0xFFFFF000  }
0xbc: {  	_ =	swait.ge [sflag:s14], $0x1000  }
0xbd: {  	[sflag:s14] =	ssyncset.done $0x0  }
0xbe: {  	[sflag:s14] =	ssyncadd.s32 $0xFFFFF000  }
0xbf: {  	_ =	swait.ge [sflag:s14], $0x800  }
0xc0: {  	[sflag:s14] =	ssyncset.done $0x0  }
0xc1: {  	[sflag:s14] =	ssyncadd.s32 $0xFFFFF800  }
0xc2: {  	_ =	swait.ge [sflag:s14], $0x800  }
0xc3: {  	[sflag:s14] =	ssyncset.done $0x0  }
0xc4: {  	[sflag:s14] =	ssyncadd.s32 $0xFFFFF800  }
0xc5: {  	v17 =	vld [tilespmem:s23+$0x0]  }
0xc6: {  	v18 =	vld [tilespmem:s23+$0x200];
	_ =	sdelay $0x3  }
0xc7: {  	v17 =	vnsel vm4, $0x0, v17  }
0xc8: {  	(xrf0) =	vadd.scan.msk.s32 $0xffff, v17;
	v17 =	vnsel vm4, $0x0, v18  }
0xc9: {  	(xrf0) =	vadd.scan.msk.s32 $0xffff, v17;
	_ =	sdelay $0x4  }
0xca: {  	v17, _, _ =	vpop (xrf0)  }
0xcb: {  	(v2sf) =	vpush v17, $0xF;
	v17, _, _ =	vpop (xrf0)  }
0xcc: {  	(v2sf) =	vpush v17, $0xF;
	_ =	sdelay $0xd  }
0xcd: {  	s24 =	spop (v2sf)  }
0xce: {  	s25 =	spop (v2sf);
	s24 =	sand.u32 $0x7F, s24  }
0xcf: {  	s25 =	sand.u32 $0x7F, s25;
	v17 =	vor.u32 s24, v9  }
0xd0: {  	v18 =	vor.u32 s25, v9;
	_ =	sdelay $0x3  }
0xd1: {  	v17 =	vld.idx.msk [tilespmem:v17+s17+$0x0], $0xffff  }
0xd2: {  	v18 =	vld.idx.msk [tilespmem:v18+s18+$0x0], $0xffff;
	_ =	sdelay $0x2  }
0xd3: {  	v19 =	vor.u32 s24, v10  }
0xd4: {  	v20 =	vor.u32 s25, v10  }
0xd5: {  	v17 =	vmul.f32 v18, v17;
	_ =	sdelay $0x1  }
0xd6: {  	[tilespmem:$0x18600] =	vst v17  }
0xd7: {  	v17 =	vld.idx.msk [tilespmem:v19+s17+$0x0], $0xffff  }
0xd8: {  	v18 =	vld.idx.msk [tilespmem:v20+s18+$0x0], $0xffff;
	_ =	sdelay $0x2  }
0xd9: {  	v19 =	vor.u32 s24, v5;
	_ =	sdelay $0x1  }
0xda: {  	v17 =	vmul.f32 v18, v17;
	_ =	sdelay $0x1  }
0xdb: {  	[tilespmem:$0x18610] =	vst v17  }
0xdc: {  	v17 =	vld.idx.msk [tilespmem:v19+s19+$0x0], $0xffff  }
0xdd: {  	v18 =	vor.u32 s25, v5;
	_ =	sdelay $0x3  }
0xde: {  	[tilespmem:$0x18A00] =	vst v17  }
0xdf: {  	v17 =	vld.idx.msk [tilespmem:v18+s20+$0x0], $0xffff;
	_ =	sdelay $0x4  }
0xe0: {  	[tilespmem:$0x18E00] =	vst v17  }
0xe1: {  	v17 =	vld [tilespmem:s23+$0x0]  }
0xe2: {  	v18 =	vld [tilespmem:s23+$0x200];
	_ =	sdelay $0x3  }
0xe3: {  	v17 =	vnsel vm5, $0x0, v17  }
0xe4: {  	(xrf0) =	vadd.scan.msk.s32 $0xffff, v17;
	v17 =	vnsel vm5, $0x0, v18  }
0xe5: {  	(xrf0) =	vadd.scan.msk.s32 $0xffff, v17;
	_ =	sdelay $0x4  }
0xe6: {  	v17, _, _ =	vpop (xrf0)  }
0xe7: {  	(v2sf) =	vpush v17, $0xF;
	v17, _, _ =	vpop (xrf0)  }
0xe8: {  	(v2sf) =	vpush v17, $0xF;
	_ =	sdelay $0xd  }
0xe9: {  	s25 =	spop (v2sf)  }
0xea: {  	s26 =	spop (v2sf);
	s24 =	sand.u32 $0x7F, s25  }
0xeb: {  	s25 =	sand.u32 $0x7F, s26;
	v17 =	vor.u32 s24, v11  }
0xec: {  	v18 =	vor.u32 s25, v11;
	_ =	sdelay $0x3  }
0xed: {  	v17 =	vld.idx.msk [tilespmem:v17+s17+$0x0], $0xffff  }
0xee: {  	v18 =	vld.idx.msk [tilespmem:v18+s18+$0x0], $0xffff;
	_ =	sdelay $0x2  }
0xef: {  	v19 =	vor.u32 s24, v12  }
0xf0: {  	v61 =	vor.u32 s25, v12  }
0xf1: {  	v17 =	vmul.f32 v18, v17;
	_ =	sdelay $0x1  }
0xf2: {  	[tilespmem:$0x18680] =	vst v17  }
0xf3: {  	v17 =	vld.idx.msk [tilespmem:v19+s17+$0x0], $0xffff  }
0xf4: {  	v18 =	vld.idx.msk [tilespmem:v61+s18+$0x0], $0xffff;
	_ =	sdelay $0x2  }
0xf5: {  	v19 =	vor.u32 s24, v6;
	_ =	sdelay $0x1  }
0xf6: {  	v17 =	vmul.f32 v18, v17;
	_ =	sdelay $0x1  }
0xf7: {  	[tilespmem:$0x18690] =	vst v17  }
0xf8: {  	v17 =	vld.idx.msk [tilespmem:v19+s19+$0x0], $0xffff  }
0xf9: {  	v18 =	vor.u32 s25, v6;
	_ =	sdelay $0x3  }
0xfa: {  	[tilespmem:$0x18A80] =	vst v17  }
0xfb: {  	v17 =	vld.idx.msk [tilespmem:v18+s20+$0x0], $0xffff;
	_ =	sdelay $0x4  }
0xfc: {  	[tilespmem:$0x18E80] =	vst v17  }
0xfd: {  	v17 =	vld [tilespmem:s23+$0x0]  }
0xfe: {  	v18 =	vld [tilespmem:s23+$0x200];
	_ =	sdelay $0x3  }
0xff: {  	v17 =	vnsel vm6, $0x0, v17  }
0x100: {  	(xrf0) =	vadd.scan.msk.s32 $0xffff, v17;
	v17 =	vnsel vm6, $0x0, v18  }
0x101: {  	(xrf0) =	vadd.scan.msk.s32 $0xffff, v17;
	_ =	sdelay $0x4  }
0x102: {  	v17, _, _ =	vpop (xrf0)  }
0x103: {  	(v2sf) =	vpush v17, $0xF;
	v17, _, _ =	vpop (xrf0)  }
0x104: {  	(v2sf) =	vpush v17, $0xF;
	_ =	sdelay $0xd  }
0x105: {  	s28 =	spop (v2sf)  }
0x106: {  	s29 =	spop (v2sf);
	s24 =	sand.u32 $0x7F, s28  }
0x107: {  	s25 =	sand.u32 $0x7F, s29;
	v17 =	vor.u32 s24, v13  }
0x108: {  	v18 =	vor.u32 s25, v13;
	_ =	sdelay $0x3  }
0x109: {  	v17 =	vld.idx.msk [tilespmem:v17+s17+$0x0], $0xffff  }
0x10a: {  	v18 =	vld.idx.msk [tilespmem:v18+s18+$0x0], $0xffff;
	_ =	sdelay $0x2  }
0x10b: {  	v19 =	vor.u32 s24, v14  }
0x10c: {  	v62 =	vor.u32 s25, v14  }
0x10d: {  	v17 =	vmul.f32 v18, v17;
	_ =	sdelay $0x1  }
0x10e: {  	[tilespmem:$0x18700] =	vst v17  }
0x10f: {  	v17 =	vld.idx.msk [tilespmem:v19+s17+$0x0], $0xffff  }
0x110: {  	v18 =	vld.idx.msk [tilespmem:v62+s18+$0x0], $0xffff;
	_ =	sdelay $0x2  }
0x111: {  	v19 =	vor.u32 s24, v7;
	_ =	sdelay $0x1  }
0x112: {  	v17 =	vmul.f32 v18, v17;
	_ =	sdelay $0x1  }
0x113: {  	[tilespmem:$0x18710] =	vst v17  }
0x114: {  	v17 =	vld.idx.msk [tilespmem:v19+s19+$0x0], $0xffff  }
0x115: {  	v18 =	vor.u32 s25, v7;
	_ =	sdelay $0x3  }
0x116: {  	[tilespmem:$0x18B00] =	vst v17  }
0x117: {  	v17 =	vld.idx.msk [tilespmem:v18+s20+$0x0], $0xffff;
	_ =	sdelay $0x4  }
0x118: {  	[tilespmem:$0x18F00] =	vst v17  }
0x119: {  	v17 =	vld [tilespmem:s23+$0x0]  }
0x11a: {  	v18 =	vld [tilespmem:s23+$0x200];
	_ =	sdelay $0x3  }
0x11b: {  	v17 =	vnsel vm7, $0x0, v17  }
0x11c: {  	(xrf0) =	vadd.scan.msk.s32 $0xffff, v17;
	v17 =	vnsel vm7, $0x0, v18  }
0x11d: {  	(xrf0) =	vadd.scan.msk.s32 $0xffff, v17;
	_ =	sdelay $0x4  }
0x11e: {  	v17, _, _ =	vpop (xrf0)  }
0x11f: {  	(v2sf) =	vpush v17, $0xF;
	v17, _, _ =	vpop (xrf0)  }
0x120: {  	(v2sf) =	vpush v17, $0xF;
	_ =	sdelay $0xd  }
0x121: {  	s24 =	spop (v2sf)  }
0x122: {  	s25 =	spop (v2sf);
	s23 =	sand.u32 $0x7F, s24  }
0x123: {  	s24 =	sand.u32 $0x7F, s25;
	v17 =	vor.u32 s23, v15  }
0x124: {  	v18 =	vor.u32 s24, v15;
	_ =	sdelay $0x3  }
0x125: {  	v17 =	vld.idx.msk [tilespmem:v17+s17+$0x0], $0xffff  }
0x126: {  	v18 =	vld.idx.msk [tilespmem:v18+s18+$0x0], $0xffff;
	_ =	sdelay $0x2  }
0x127: {  	v19 =	vor.u32 s23, v16  }
0x128: {  	v63 =	vor.u32 s24, v16  }
0x129: {  	v17 =	vmul.f32 v18, v17;
	_ =	sdelay $0x1  }
0x12a: {  	[tilespmem:$0x18780] =	vst v17  }
0x12b: {  	v17 =	vld.idx.msk [tilespmem:v19+s17+$0x0], $0xffff  }
0x12c: {  	v18 =	vld.idx.msk [tilespmem:v63+s18+$0x0], $0xffff;
	_ =	sdelay $0x2  }
0x12d: {  	v19 =	vor.u32 s23, v8;
	_ =	sdelay $0x1  }
0x12e: {  	v17 =	vmul.f32 v18, v17;
	_ =	sdelay $0x1  }
0x12f: {  	[tilespmem:$0x18790] =	vst v17  }
0x130: {  	v17 =	vld.idx.msk [tilespmem:v19+s19+$0x0], $0xffff  }
0x131: {  	v18 =	vor.u32 s24, v8;
	_ =	sdelay $0x3  }
0x132: {  	[tilespmem:$0x18B80] =	vst v17  }
0x133: {  	v17 =	vld.idx.msk [tilespmem:v18+s20+$0x0], $0xffff;
	_ =	sdelay $0x4  }
0x134: {  	s26 =	sadd.s32 s22, s12;
	[tilespmem:$0x18F80] =	vst v17  }
0x135: {  	[hbm4b:s26+s6] =	stream.linear.scatter [tilespmem:s7], [sflag:$0x3], $0x400, $0x38;
	[tilespmem:$0x19000] =	vst v63  }
0x136: {  	_ =	swait.ge [sflag:s13], $0x400  }
0x137: {  	[sflag:s13] =	ssyncset.done $0x0  }
0x138: {  	s28 =	sadd.s32 s22, s11;
	[sflag:s13] =	ssyncadd.s32 $0xFFFFFC00  }
0x139: {  	[hbm4b:s28+s6] =	stream.linear.scatter [tilespmem:s8], [sflag:$0x3], $0x400, $0x38;
	[tilespmem:$0x19000] =	vst v63  }
0x13a: {  	s29 =	sadd.s32 s22, s10;
	s22 =	sadd.s32 $0x80, s22;
	_ =	swait.ge [sflag:s13], $0x400  }
0x13b: {  	p0 =	sne.s32 s22, $0x2000;
	[sflag:s13] =	ssyncset.done $0x0  }
.Ltmp3:
0x13c: {  	[sflag:s13] =	ssyncadd.s32 $0xFFFFFC00;
	(pc) =	sbr.rel @!p0 .LBB2_5-.Ltmp3, $4  }
0x13d: {  	[hbm4b:s29+s6] =	stream.linear.scatter [tilespmem:s9], [sflag:$0x3], $0x400, $0x38;
	[tilespmem:$0x19000] =	vst v63  }
0x13e: {  	_ =	swait.ge [sflag:s13], $0x400  }
0x13f: {  	[sflag:s13] =	ssyncset.done $0x0  }
0x140: {  	s21 =	sadd.s32 $0x8, s21;
	[sflag:s13] =	ssyncadd.s32 $0xFFFFFC00  }
.LBB2_2:
0x141: {  	s24 =	sadd.s32 $0xFFFFFFF8, s21  }
0x142: {  	s23 =	sand.u32 $0x1F0, s24  }
0x143: {  	v17 =	vld [tilespmem:s23+$0x200]  }
0x144: {  	s24 =	sand.u32 $0x8, s24  }
0x145: {  	v18 =	vld [tilespmem:s23+$0x0];
	s25 =	sor.u32 $0x4, s24  }
0x146: {  	v19 =	vmov s25  }
0x147: {  	vm4 =	veq.s32 v19, v0  }
0x148: {  	v17 =	vnsel vm4, $0x0, v17  }
0x149: {  	(xrf0) =	vadd.scan.msk.s32 $0xffff, v17  }
0x14a: {  	v17 =	vnsel vm4, $0x0, v18  }
0x14b: {  	(xrf0) =	vadd.scan.msk.s32 $0xffff, v17;
	_ =	sdelay $0x3  }
0x14c: {  	v17, _, _ =	vpop (xrf0)  }
0x14d: {  	(v2sf) =	vpush v17, $0xF  }
0x14e: {  	v17, _, _ =	vpop (xrf0)  }
0x14f: {  	(v2sf) =	vpush v17, $0xF;
	_ =	sdelay $0xc  }
0x150: {  	s25 =	spop (v2sf)  }
0x151: {  	s26 =	sand.u32 $0x7F, s25  }
0x152: {  	s28 =	spop (v2sf);
	s29 =	sshra.s32 s25, $0x1F;
	p6 =	slt.s32 s25, $0x1  }
0x153: {  	p0 =	sne.s32 s26, $0x0;
	s26 =	sand.u32 $0x7F, s28;
	p2 =	slt.s32 s28, $0x1  }
0x154: {  	s29 =	sshrl.u32 s29, $0x19;
	p1 =	sne.s32 s26, $0x0;
	s26 =	sshra.s32 s28, $0x1F  }
0x155: {  	s25 =	sadd.s32 s29, s25;
	s26 =	sshrl.u32 s26, $0x19;
	p1 =	por !p2, !p1  }
0x156: {  	s26 =	sadd.s32 s26, s28;
	p1 =	por !p1, !p1;
	s28 =	simm.s32 $0x1  }
0x157: {  	p0 =	por !p6, !p0;
	s26 =	sshrl.u32 s26, $0x7;
	s28 =	simm.s32 @!p1 $0x0  }
0x158: {  	p0 =	por !p0, !p0;
	s26 =	ssub.s32 s26, s28;
	s28 =	simm.s32 $0x1  }
0x159: {  	s25 =	sshrl.u32 s25, $0x7;
	s26 =	sshll.u32 s26, $0x7;
	s28 =	simm.s32 @!p0 $0x0  }
0x15a: {  	s26 =	sand.u32 $0x1FFFFF80, s26;
	s25 =	ssub.s32 s25, s28  }
0x15b: {  	s29 =	sadd.s32 s1, s26;
	s25 =	sshll.u32 s25, $0x7  }
0x15c: {  	[tilespmem:s30], [sflag:$0x2] =	stream.strided.gather [hbm4b:s29+s17], $0x1000, s16, s17, $0x38;
	[tilespmem:$0x19000] =	vst v63  }
0x15d: {  	s25 =	sand.u32 $0x1FFFFF80, s25  }
0x15e: {  	s29 =	simm.s32 $0xC400;
	s28 =	sadd.s32 s2, s25  }
0x15f: {  	[tilespmem:s29], [sflag:$0x2] =	stream.strided.gather [hbm4b:s28+s17], $0x1000, s16, s17, $0x38;
	[tilespmem:$0x19000] =	vst v63  }
0x160: {  	s26 =	sadd.s32 s3, s26;
	s29 =	simm.s32 $0x12400  }
0x161: {  	[tilespmem:s29], [sflag:$0x2] =	stream.strided.gather [hbm4b:s26+s17], $0x800, s16, s17, $0x38;
	[tilespmem:$0x19000] =	vst v63  }
0x162: {  	s25 =	sadd.s32 s5, s25;
	s29 =	simm.s32 $0x16400  }
0x163: {  	[tilespmem:s29], [sflag:$0x2] =	stream.strided.gather [hbm4b:s25+s17], $0x800, s16, s17, $0x38;
	[tilespmem:$0x19000] =	vst v63  }
0x164: {  	v17 =	vld [tilespmem:s23+$0x200];
	_ =	sdelay $0x1  }
0x165: {  	s28 =	sor.u32 $0x5, s24;
	v18 =	vld [tilespmem:s23+$0x0]  }
0x166: {  	v19 =	vmov s28  }
0x167: {  	vm5 =	veq.s32 v19, v0  }
0x168: {  	v17 =	vnsel vm5, $0x0, v17  }
0x169: {  	(xrf0) =	vadd.scan.msk.s32 $0xffff, v17  }
0x16a: {  	v17 =	vnsel vm5, $0x0, v18  }
0x16b: {  	(xrf0) =	vadd.scan.msk.s32 $0xffff, v17;
	_ =	sdelay $0x3  }
0x16c: {  	v17, _, _ =	vpop (xrf0)  }
0x16d: {  	(v2sf) =	vpush v17, $0xF  }
0x16e: {  	v17, _, _ =	vpop (xrf0)  }
0x16f: {  	(v2sf) =	vpush v17, $0xF;
	_ =	sdelay $0xc  }
0x170: {  	s25 =	spop (v2sf)  }
0x171: {  	s26 =	sand.u32 $0x7F, s25  }
0x172: {  	s28 =	spop (v2sf);
	s29 =	sshra.s32 s25, $0x1F;
	p6 =	slt.s32 s25, $0x1  }
0x173: {  	p3 =	sne.s32 s26, $0x0;
	s26 =	sand.u32 $0x7F, s28;
	p5 =	slt.s32 s28, $0x1  }
0x174: {  	s29 =	sshrl.u32 s29, $0x19;
	p4 =	sne.s32 s26, $0x0;
	s26 =	sshra.s32 s28, $0x1F  }
0x175: {  	s25 =	sadd.s32 s29, s25;
	s26 =	sshrl.u32 s26, $0x19;
	p1 =	por !p5, !p4  }
0x176: {  	s26 =	sadd.s32 s26, s28;
	p1 =	por !p1, !p1;
	s28 =	simm.s32 $0x1  }
0x177: {  	p0 =	por !p6, !p3;
	s26 =	sshrl.u32 s26, $0x7;
	s28 =	simm.s32 @!p1 $0x0  }
0x178: {  	p0 =	por !p0, !p0;
	s26 =	ssub.s32 s26, s28;
	s28 =	simm.s32 $0x1  }
0x179: {  	s25 =	sshrl.u32 s25, $0x7;
	s26 =	sshll.u32 s26, $0x7;
	s28 =	simm.s32 @!p0 $0x0  }
0x17a: {  	s26 =	sand.u32 $0x1FFFFF80, s26;
	s25 =	ssub.s32 s25, s28  }
0x17b: {  	s29 =	simm.s32 $0x5400;
	s28 =	sadd.s32 s1, s26;
	s25 =	sshll.u32 s25, $0x7  }
0x17c: {  	[tilespmem:s29], [sflag:$0x2] =	stream.strided.gather [hbm4b:s28+s17], $0x1000, s16, s17, $0x38;
	[tilespmem:$0x19000] =	vst v63  }
0x17d: {  	s25 =	sand.u32 $0x1FFFFF80, s25  }
0x17e: {  	s29 =	simm.s32 $0xD400;
	s28 =	sadd.s32 s2, s25  }
0x17f: {  	[tilespmem:s29], [sflag:$0x2] =	stream.strided.gather [hbm4b:s28+s17], $0x1000, s16, s17, $0x38;
	[tilespmem:$0x19000] =	vst v63  }
0x180: {  	s26 =	sadd.s32 s3, s26;
	s29 =	simm.s32 $0x12C00  }
0x181: {  	[tilespmem:s29], [sflag:$0x2] =	stream.strided.gather [hbm4b:s26+s17], $0x800, s16, s17, $0x38;
	[tilespmem:$0x19000] =	vst v63  }
0x182: {  	s25 =	sadd.s32 s5, s25;
	s29 =	simm.s32 $0x16C00  }
0x183: {  	[tilespmem:s29], [sflag:$0x2] =	stream.strided.gather [hbm4b:s25+s17], $0x800, s16, s17, $0x38;
	[tilespmem:$0x19000] =	vst v63  }
0x184: {  	v17 =	vld [tilespmem:s23+$0x200];
	_ =	sdelay $0x1  }
0x185: {  	s28 =	sor.u32 $0x6, s24;
	v18 =	vld [tilespmem:s23+$0x0]  }
0x186: {  	v19 =	vmov s28  }
0x187: {  	vm6 =	veq.s32 v19, v0  }
0x188: {  	v17 =	vnsel vm6, $0x0, v17  }
0x189: {  	(xrf0) =	vadd.scan.msk.s32 $0xffff, v17  }
0x18a: {  	v17 =	vnsel vm6, $0x0, v18  }
0x18b: {  	(xrf0) =	vadd.scan.msk.s32 $0xffff, v17;
	_ =	sdelay $0x3  }
0x18c: {  	v17, _, _ =	vpop (xrf0)  }
0x18d: {  	(v2sf) =	vpush v17, $0xF  }
0x18e: {  	v17, _, _ =	vpop (xrf0)  }
0x18f: {  	(v2sf) =	vpush v17, $0xF;
	_ =	sdelay $0xc  }
0x190: {  	s25 =	spop (v2sf)  }
0x191: {  	s26 =	sand.u32 $0x7F, s25  }
0x192: {  	s28 =	spop (v2sf);
	s29 =	sshra.s32 s25, $0x1F;
	p6 =	slt.s32 s25, $0x1  }
0x193: {  	p3 =	sne.s32 s26, $0x0;
	s26 =	sand.u32 $0x7F, s28;
	p5 =	slt.s32 s28, $0x1  }
0x194: {  	s29 =	sshrl.u32 s29, $0x19;
	p4 =	sne.s32 s26, $0x0;
	s26 =	sshra.s32 s28, $0x1F  }
0x195: {  	s25 =	sadd.s32 s29, s25;
	s26 =	sshrl.u32 s26, $0x19;
	p1 =	por !p5, !p4  }
0x196: {  	s26 =	sadd.s32 s26, s28;
	p1 =	por !p1, !p1;
	s28 =	simm.s32 $0x1  }
0x197: {  	p0 =	por !p6, !p3;
	s26 =	sshrl.u32 s26, $0x7;
	s28 =	simm.s32 @!p1 $0x0  }
0x198: {  	p0 =	por !p0, !p0;
	s26 =	ssub.s32 s26, s28;
	s28 =	simm.s32 $0x1  }
0x199: {  	s25 =	sshrl.u32 s25, $0x7;
	s26 =	sshll.u32 s26, $0x7;
	s28 =	simm.s32 @!p0 $0x0  }
0x19a: {  	s26 =	sand.u32 $0x1FFFFF80, s26;
	s25 =	ssub.s32 s25, s28  }
0x19b: {  	s29 =	simm.s32 $0x6400;
	s28 =	sadd.s32 s1, s26;
	s25 =	sshll.u32 s25, $0x7  }
0x19c: {  	[tilespmem:s29], [sflag:$0x2] =	stream.strided.gather [hbm4b:s28+s17], $0x1000, s16, s17, $0x38;
	[tilespmem:$0x19000] =	vst v63  }
0x19d: {  	s25 =	sand.u32 $0x1FFFFF80, s25  }
0x19e: {  	s29 =	simm.s32 $0xE400;
	s28 =	sadd.s32 s2, s25  }
0x19f: {  	[tilespmem:s29], [sflag:$0x2] =	stream.strided.gather [hbm4b:s28+s17], $0x1000, s16, s17, $0x38;
	[tilespmem:$0x19000] =	vst v63  }
0x1a0: {  	s26 =	sadd.s32 s3, s26;
	s29 =	simm.s32 $0x13400  }
0x1a1: {  	[tilespmem:s29], [sflag:$0x2] =	stream.strided.gather [hbm4b:s26+s17], $0x800, s16, s17, $0x38;
	[tilespmem:$0x19000] =	vst v63  }
0x1a2: {  	s25 =	sadd.s32 s5, s25;
	s29 =	simm.s32 $0x17400  }
0x1a3: {  	[tilespmem:s29], [sflag:$0x2] =	stream.strided.gather [hbm4b:s25+s17], $0x800, s16, s17, $0x38;
	[tilespmem:$0x19000] =	vst v63  }
0x1a4: {  	v17 =	vld [tilespmem:s23+$0x200];
	_ =	sdelay $0x1  }
0x1a5: {  	s28 =	sor.u32 $0x7, s24;
	v18 =	vld [tilespmem:s23+$0x0]  }
0x1a6: {  	v19 =	vmov s28  }
0x1a7: {  	vm7 =	veq.s32 v19, v0  }
0x1a8: {  	v17 =	vnsel vm7, $0x0, v17  }
0x1a9: {  	(xrf0) =	vadd.scan.msk.s32 $0xffff, v17  }
0x1aa: {  	v17 =	vnsel vm7, $0x0, v18  }
0x1ab: {  	(xrf0) =	vadd.scan.msk.s32 $0xffff, v17;
	_ =	sdelay $0x3  }
0x1ac: {  	v17, _, _ =	vpop (xrf0)  }
0x1ad: {  	(v2sf) =	vpush v17, $0xF  }
0x1ae: {  	v17, _, _ =	vpop (xrf0)  }
0x1af: {  	(v2sf) =	vpush v17, $0xF;
	_ =	sdelay $0xc  }
0x1b0: {  	s25 =	spop (v2sf)  }
0x1b1: {  	s26 =	sand.u32 $0x7F, s25  }
0x1b2: {  	s28 =	spop (v2sf);
	s29 =	sshra.s32 s25, $0x1F;
	p6 =	slt.s32 s25, $0x1  }
0x1b3: {  	p3 =	sne.s32 s26, $0x0;
	s26 =	sand.u32 $0x7F, s28;
	p5 =	slt.s32 s28, $0x1  }
0x1b4: {  	s29 =	sshrl.u32 s29, $0x19;
	p4 =	sne.s32 s26, $0x0;
	s26 =	sshra.s32 s28, $0x1F  }
0x1b5: {  	s25 =	sadd.s32 s29, s25;
	p1 =	por !p5, !p4;
	s26 =	sshrl.u32 s26, $0x19  }
0x1b6: {  	s26 =	sadd.s32 s26, s28;
	p1 =	por !p1, !p1;
	s28 =	simm.s32 $0x1  }
0x1b7: {  	p0 =	por !p6, !p3;
	s28 =	simm.s32 @!p1 $0x0;
	s26 =	sshrl.u32 s26, $0x7  }
0x1b8: {  	p0 =	por !p0, !p0;
	s26 =	ssub.s32 s26, s28;
	s28 =	simm.s32 $0x1  }
0x1b9: {  	s25 =	sshrl.u32 s25, $0x7;
	s26 =	sshll.u32 s26, $0x7;
	s28 =	simm.s32 @!p0 $0x0  }
0x1ba: {  	s26 =	sand.u32 $0x1FFFFF80, s26;
	s25 =	ssub.s32 s25, s28  }
0x1bb: {  	s29 =	simm.s32 $0x7400;
	s28 =	sadd.s32 s1, s26;
	s25 =	sshll.u32 s25, $0x7  }
0x1bc: {  	[tilespmem:s29], [sflag:$0x2] =	stream.strided.gather [hbm4b:s28+s17], $0x1000, s16, s17, $0x38;
	[tilespmem:$0x19000] =	vst v63  }
0x1bd: {  	s25 =	sand.u32 $0x1FFFFF80, s25  }
0x1be: {  	s29 =	sadd.s32 s2, s25  }
0x1bf: {  	[tilespmem:s31], [sflag:$0x2] =	stream.strided.gather [hbm4b:s29+s17], $0x1000, s16, s17, $0x38;
	[tilespmem:$0x19000] =	vst v63  }
0x1c0: {  	s26 =	sadd.s32 s3, s26  }
0x1c1: {  	[tilespmem:s0], [sflag:$0x2] =	stream.strided.gather [hbm4b:s26+s17], $0x800, s16, s17, $0x38;
	[tilespmem:$0x19000] =	vst v63  }
0x1c2: {  	s25 =	sadd.s32 s5, s25  }
0x1c3: {  	[tilespmem:s4], [sflag:$0x2] =	stream.strided.gather [hbm4b:s25+s17], $0x800, s16, s17, $0x38;
	[tilespmem:$0x19000] =	vst v63  }
0x1c4: {  	_ =	swait.ge [sflag:s15], $0x1000  }
0x1c5: {  	[sflag:s15] =	ssyncset.done $0x0  }
0x1c6: {  	[sflag:s15] =	ssyncadd.s32 $0xFFFFF000  }
0x1c7: {  	_ =	swait.ge [sflag:s15], $0x1000  }
0x1c8: {  	[sflag:s15] =	ssyncset.done $0x0  }
0x1c9: {  	[sflag:s15] =	ssyncadd.s32 $0xFFFFF000  }
0x1ca: {  	_ =	swait.ge [sflag:s15], $0x800  }
0x1cb: {  	[sflag:s15] =	ssyncset.done $0x0  }
0x1cc: {  	[sflag:s15] =	ssyncadd.s32 $0xFFFFF800  }
0x1cd: {  	_ =	swait.ge [sflag:s15], $0x800  }
0x1ce: {  	[sflag:s15] =	ssyncset.done $0x0  }
0x1cf: {  	[sflag:s15] =	ssyncadd.s32 $0xFFFFF800  }
0x1d0: {  	_ =	swait.ge [sflag:s15], $0x1000  }
0x1d1: {  	[sflag:s15] =	ssyncset.done $0x0  }
0x1d2: {  	[sflag:s15] =	ssyncadd.s32 $0xFFFFF000  }
0x1d3: {  	_ =	swait.ge [sflag:s15], $0x1000  }
0x1d4: {  	[sflag:s15] =	ssyncset.done $0x0  }
0x1d5: {  	[sflag:s15] =	ssyncadd.s32 $0xFFFFF000  }
0x1d6: {  	_ =	swait.ge [sflag:s15], $0x800  }
0x1d7: {  	[sflag:s15] =	ssyncset.done $0x0  }
0x1d8: {  	[sflag:s15] =	ssyncadd.s32 $0xFFFFF800  }
0x1d9: {  	_ =	swait.ge [sflag:s15], $0x800  }
0x1da: {  	[sflag:s15] =	ssyncset.done $0x0  }
0x1db: {  	[sflag:s15] =	ssyncadd.s32 $0xFFFFF800  }
0x1dc: {  	_ =	swait.ge [sflag:s15], $0x1000  }
0x1dd: {  	[sflag:s15] =	ssyncset.done $0x0  }
0x1de: {  	[sflag:s15] =	ssyncadd.s32 $0xFFFFF000  }
0x1df: {  	_ =	swait.ge [sflag:s15], $0x1000  }
0x1e0: {  	[sflag:s15] =	ssyncset.done $0x0  }
0x1e1: {  	[sflag:s15] =	ssyncadd.s32 $0xFFFFF000  }
0x1e2: {  	_ =	swait.ge [sflag:s15], $0x800  }
0x1e3: {  	[sflag:s15] =	ssyncset.done $0x0  }
0x1e4: {  	[sflag:s15] =	ssyncadd.s32 $0xFFFFF800  }
0x1e5: {  	_ =	swait.ge [sflag:s15], $0x800  }
0x1e6: {  	[sflag:s15] =	ssyncset.done $0x0  }
0x1e7: {  	[sflag:s15] =	ssyncadd.s32 $0xFFFFF800  }
0x1e8: {  	_ =	swait.ge [sflag:s15], $0x1000  }
0x1e9: {  	[sflag:s15] =	ssyncset.done $0x0  }
0x1ea: {  	[sflag:s15] =	ssyncadd.s32 $0xFFFFF000  }
0x1eb: {  	_ =	swait.ge [sflag:s15], $0x1000  }
0x1ec: {  	[sflag:s15] =	ssyncset.done $0x0  }
0x1ed: {  	[sflag:s15] =	ssyncadd.s32 $0xFFFFF000  }
0x1ee: {  	_ =	swait.ge [sflag:s15], $0x800  }
0x1ef: {  	[sflag:s15] =	ssyncset.done $0x0  }
0x1f0: {  	[sflag:s15] =	ssyncadd.s32 $0xFFFFF800  }
0x1f1: {  	_ =	swait.ge [sflag:s15], $0x800  }
0x1f2: {  	[sflag:s15] =	ssyncset.done $0x0  }
0x1f3: {  	[sflag:s15] =	ssyncadd.s32 $0xFFFFF800  }
0x1f4: {  	v17 =	vld [tilespmem:s23+$0x0]  }
0x1f5: {  	v18 =	vld [tilespmem:s23+$0x200];
	_ =	sdelay $0x1  }
0x1f6: {  	v19 =	vmov s24  }
0x1f7: {  	vm8 =	veq.s32 v19, v0  }
0x1f8: {  	v17 =	vnsel vm8, $0x0, v17  }
0x1f9: {  	(xrf0) =	vadd.scan.msk.s32 $0xffff, v17;
	v17 =	vnsel vm8, $0x0, v18  }
0x1fa: {  	(xrf0) =	vadd.scan.msk.s32 $0xffff, v17;
	_ =	sdelay $0x4  }
0x1fb: {  	v17, _, _ =	vpop (xrf0)  }
0x1fc: {  	(v2sf) =	vpush v17, $0xF;
	v17, _, _ =	vpop (xrf0)  }
0x1fd: {  	(v2sf) =	vpush v17, $0xF;
	_ =	sdelay $0xd  }
0x1fe: {  	s28 =	spop (v2sf)  }
0x1ff: {  	s29 =	spop (v2sf);
	s25 =	sand.u32 $0x7F, s28  }
0x200: {  	s26 =	sand.u32 $0x7F, s29;
	v17 =	vor.u32 s25, v1  }
0x201: {  	v18 =	vor.u32 s26, v1;
	_ =	sdelay $0x3  }
0x202: {  	v19 =	vld.idx.msk [tilespmem:v17+s17+$0x0], $0xffff  }
0x203: {  	v20 =	vld.idx.msk [tilespmem:v18+s18+$0x0], $0xffff;
	_ =	sdelay $0x2  }
0x204: {  	v21 =	vor.u32 s25, v2  }
0x205: {  	v22 =	vor.u32 s26, v2  }
0x206: {  	v19 =	vmul.f32 v20, v19;
	_ =	sdelay $0x1  }
0x207: {  	[tilespmem:$0x18400] =	vst v19  }
0x208: {  	v19 =	vld.idx.msk [tilespmem:v21+s17+$0x0], $0xffff  }
0x209: {  	v60 =	vld.idx.msk [tilespmem:v22+s18+$0x0], $0xffff;
	_ =	sdelay $0x4  }
0x20a: {  	v19 =	vmul.f32 v60, v19;
	_ =	sdelay $0x1  }
0x20b: {  	[tilespmem:$0x18410] =	vst v19  }
0x20c: {  	v17 =	vld.idx.msk [tilespmem:v17+s19+$0x0], $0xffff;
	_ =	sdelay $0x4  }
0x20d: {  	[tilespmem:$0x18800] =	vst v17  }
0x20e: {  	v17 =	vld.idx.msk [tilespmem:v18+s20+$0x0], $0xffff;
	_ =	sdelay $0x4  }
0x20f: {  	[tilespmem:$0x18C00] =	vst v17  }
0x210: {  	v17 =	vld [tilespmem:s23+$0x0]  }
0x211: {  	v18 =	vld [tilespmem:s23+$0x200]  }
0x212: {  	s26 =	sor.u32 $0x1, s24  }
0x213: {  	v19 =	vmov s26  }
0x214: {  	vm8 =	veq.s32 v19, v0  }
0x215: {  	v17 =	vnsel vm8, $0x0, v17  }
0x216: {  	(xrf0) =	vadd.scan.msk.s32 $0xffff, v17;
	v17 =	vnsel vm8, $0x0, v18  }
0x217: {  	(xrf0) =	vadd.scan.msk.s32 $0xffff, v17;
	_ =	sdelay $0x4  }
0x218: {  	v17, _, _ =	vpop (xrf0)  }
0x219: {  	(v2sf) =	vpush v17, $0xF;
	v17, _, _ =	vpop (xrf0)  }
0x21a: {  	(v2sf) =	vpush v17, $0xF;
	_ =	sdelay $0xd  }
0x21b: {  	s28 =	spop (v2sf)  }
0x21c: {  	s29 =	spop (v2sf);
	s25 =	sand.u32 $0x7F, s28  }
0x21d: {  	s26 =	sand.u32 $0x7F, s29;
	v17 =	vor.u32 s25, v3  }
0x21e: {  	v18 =	vor.u32 s26, v3;
	_ =	sdelay $0x3  }
0x21f: {  	v17 =	vld.idx.msk [tilespmem:v17+s17+$0x0], $0xffff  }
0x220: {  	v18 =	vld.idx.msk [tilespmem:v18+s18+$0x0], $0xffff;
	_ =	sdelay $0x2  }
0x221: {  	v19 =	vor.u32 s25, v4  }
0x222: {  	v61 =	vor.u32 s26, v4  }
0x223: {  	v17 =	vmul.f32 v18, v17;
	_ =	sdelay $0x1  }
0x224: {  	[tilespmem:$0x18480] =	vst v17  }
0x225: {  	v17 =	vld.idx.msk [tilespmem:v19+s17+$0x0], $0xffff  }
0x226: {  	v18 =	vld.idx.msk [tilespmem:v61+s18+$0x0], $0xffff;
	_ =	sdelay $0x2  }
0x227: {  	v19 =	vor.u32 s25, v2;
	_ =	sdelay $0x1  }
0x228: {  	v17 =	vmul.f32 v18, v17;
	_ =	sdelay $0x1  }
0x229: {  	[tilespmem:$0x18490] =	vst v17  }
0x22a: {  	v17 =	vld.idx.msk [tilespmem:v19+s19+$0x0], $0xffff  }
0x22b: {  	v18 =	vor.u32 s26, v2;
	_ =	sdelay $0x3  }
0x22c: {  	[tilespmem:$0x18880] =	vst v17  }
0x22d: {  	v17 =	vld.idx.msk [tilespmem:v18+s20+$0x0], $0xffff;
	_ =	sdelay $0x4  }
0x22e: {  	[tilespmem:$0x18C80] =	vst v17  }
0x22f: {  	v17 =	vld [tilespmem:s23+$0x0]  }
0x230: {  	v18 =	vld [tilespmem:s23+$0x200]  }
0x231: {  	s26 =	sor.u32 $0x2, s24  }
0x232: {  	v19 =	vmov s26  }
0x233: {  	vm8 =	veq.s32 v19, v0  }
0x234: {  	v17 =	vnsel vm8, $0x0, v17  }
0x235: {  	(xrf0) =	vadd.scan.msk.s32 $0xffff, v17;
	v17 =	vnsel vm8, $0x0, v18  }
0x236: {  	(xrf0) =	vadd.scan.msk.s32 $0xffff, v17;
	_ =	sdelay $0x4  }
0x237: {  	v17, _, _ =	vpop (xrf0)  }
0x238: {  	(v2sf) =	vpush v17, $0xF;
	v17, _, _ =	vpop (xrf0)  }
0x239: {  	(v2sf) =	vpush v17, $0xF;
	_ =	sdelay $0xd  }
0x23a: {  	s28 =	spop (v2sf)  }
0x23b: {  	s29 =	spop (v2sf);
	s25 =	sand.u32 $0x7F, s28  }
0x23c: {  	s26 =	sand.u32 $0x7F, s29;
	v17 =	vor.u32 s25, v5  }
0x23d: {  	v18 =	vor.u32 s26, v5;
	_ =	sdelay $0x3  }
0x23e: {  	v17 =	vld.idx.msk [tilespmem:v17+s17+$0x0], $0xffff  }
0x23f: {  	v18 =	vld.idx.msk [tilespmem:v18+s18+$0x0], $0xffff;
	_ =	sdelay $0x2  }
0x240: {  	v19 =	vor.u32 s25, v6  }
0x241: {  	v62 =	vor.u32 s26, v6  }
0x242: {  	v17 =	vmul.f32 v18, v17;
	_ =	sdelay $0x1  }
0x243: {  	[tilespmem:$0x18500] =	vst v17  }
0x244: {  	v17 =	vld.idx.msk [tilespmem:v19+s17+$0x0], $0xffff  }
0x245: {  	v18 =	vld.idx.msk [tilespmem:v62+s18+$0x0], $0xffff;
	_ =	sdelay $0x2  }
0x246: {  	v19 =	vor.u32 s25, v3;
	_ =	sdelay $0x1  }
0x247: {  	v17 =	vmul.f32 v18, v17;
	_ =	sdelay $0x1  }
0x248: {  	[tilespmem:$0x18510] =	vst v17  }
0x249: {  	v17 =	vld.idx.msk [tilespmem:v19+s19+$0x0], $0xffff  }
0x24a: {  	v18 =	vor.u32 s26, v3;
	_ =	sdelay $0x3  }
0x24b: {  	[tilespmem:$0x18900] =	vst v17  }
0x24c: {  	v17 =	vld.idx.msk [tilespmem:v18+s20+$0x0], $0xffff;
	_ =	sdelay $0x4  }
0x24d: {  	[tilespmem:$0x18D00] =	vst v17  }
0x24e: {  	v17 =	vld [tilespmem:s23+$0x0]  }
0x24f: {  	v18 =	vld [tilespmem:s23+$0x200]  }
0x250: {  	s24 =	sor.u32 $0x3, s24  }
0x251: {  	v19 =	vmov s24  }
0x252: {  	vm8 =	veq.s32 v19, v0  }
0x253: {  	v17 =	vnsel vm8, $0x0, v17  }
0x254: {  	(xrf0) =	vadd.scan.msk.s32 $0xffff, v17;
	v17 =	vnsel vm8, $0x0, v18  }
0x255: {  	(xrf0) =	vadd.scan.msk.s32 $0xffff, v17;
	_ =	sdelay $0x4  }
0x256: {  	v17, _, _ =	vpop (xrf0)  }
0x257: {  	(v2sf) =	vpush v17, $0xF;
	v17, _, _ =	vpop (xrf0)  }
0x258: {  	(v2sf) =	vpush v17, $0xF;
	_ =	sdelay $0xd  }
0x259: {  	s28 =	spop (v2sf)  }
0x25a: {  	s29 =	spop (v2sf);
	s24 =	sand.u32 $0x7F, s28  }
0x25b: {  	s25 =	sand.u32 $0x7F, s29;
	v17 =	vor.u32 s24, v7  }
0x25c: {  	v18 =	vor.u32 s25, v7;
	_ =	sdelay $0x3  }
0x25d: {  	v17 =	vld.idx.msk [tilespmem:v17+s17+$0x0], $0xffff  }
0x25e: {  	v18 =	vld.idx.msk [tilespmem:v18+s18+$0x0], $0xffff;
	_ =	sdelay $0x2  }
0x25f: {  	v19 =	vor.u32 s24, v8  }
0x260: {  	v63 =	vor.u32 s25, v8  }
0x261: {  	v17 =	vmul.f32 v18, v17;
	_ =	sdelay $0x1  }
0x262: {  	[tilespmem:$0x18580] =	vst v17  }
0x263: {  	v17 =	vld.idx.msk [tilespmem:v19+s17+$0x0], $0xffff  }
0x264: {  	v18 =	vld.idx.msk [tilespmem:v63+s18+$0x0], $0xffff;
	_ =	sdelay $0x2  }
0x265: {  	v19 =	vor.u32 s24, v4;
	_ =	sdelay $0x1  }
0x266: {  	v17 =	vmul.f32 v18, v17;
	_ =	sdelay $0x1  }
0x267: {  	[tilespmem:$0x18590] =	vst v17  }
0x268: {  	v17 =	vld.idx.msk [tilespmem:v19+s19+$0x0], $0xffff  }
0x269: {  	v18 =	vor.u32 s25, v4;
	_ =	sdelay $0x3  }
0x26a: {  	[tilespmem:$0x18980] =	vst v17  }
0x26b: {  	p0 =	seq.s32 s22, $0x1F80;
	v17 =	vld.idx.msk [tilespmem:v18+s20+$0x0], $0xffff  }
.Ltmp4:
0x26c: {  	_ = 	snop;
	(pc) =	sbr.rel @p0 .LBB2_4-.Ltmp4, $2  }
0x26d: {  	_ =	sdelay $0x2  }
0x26e: {  	[tilespmem:$0x18D80] =	vst v17  }
0x26f: {  	s24 =	sand.u32 $0x3F0, s21  }
0x270: {  	v17 =	vld [tilespmem:s24+$0x200];
	_ =	sdelay $0x1  }
0x271: {  	s25 =	sand.u32 $0x8, s21;
	v18 =	vld [tilespmem:s24+$0x0]  }
0x272: {  	v19 =	vmov s25  }
0x273: {  	vm8 =	veq.s32 v19, v0  }
0x274: {  	v17 =	vnsel vm8, $0x0, v17  }
0x275: {  	(xrf0) =	vadd.scan.msk.s32 $0xffff, v17  }
0x276: {  	v17 =	vnsel vm8, $0x0, v18  }
0x277: {  	(xrf0) =	vadd.scan.msk.s32 $0xffff, v17;
	_ =	sdelay $0x3  }
0x278: {  	v17, _, _ =	vpop (xrf0)  }
0x279: {  	(v2sf) =	vpush v17, $0xF  }
0x27a: {  	v17, _, _ =	vpop (xrf0)  }
0x27b: {  	(v2sf) =	vpush v17, $0xF;
	_ =	sdelay $0xc  }
0x27c: {  	s26 =	spop (v2sf)  }
0x27d: {  	s28 =	sand.u32 $0x7F, s26  }
0x27e: {  	s29 =	spop (v2sf);
	s30 =	sshra.s32 s26, $0x1F;
	p6 =	slt.s32 s26, $0x1  }
0x27f: {  	p0 =	sne.s32 s28, $0x0;
	s28 =	sand.u32 $0x7F, s29;
	p2 =	slt.s32 s29, $0x1  }
0x280: {  	s30 =	sshrl.u32 s30, $0x19;
	p1 =	sne.s32 s28, $0x0;
	s28 =	sshra.s32 s29, $0x1F  }
0x281: {  	s26 =	sadd.s32 s30, s26;
	s28 =	sshrl.u32 s28, $0x19;
	p1 =	por !p2, !p1  }
0x282: {  	s28 =	sadd.s32 s28, s29;
	p1 =	por !p1, !p1;
	s29 =	simm.s32 $0x1  }
0x283: {  	p0 =	por !p6, !p0;
	s28 =	sshrl.u32 s28, $0x7;
	s29 =	simm.s32 @!p1 $0x0  }
0x284: {  	p0 =	por !p0, !p0;
	s28 =	ssub.s32 s28, s29;
	s29 =	simm.s32 $0x1  }
0x285: {  	s26 =	sshrl.u32 s26, $0x7;
	s28 =	sshll.u32 s28, $0x7;
	s29 =	simm.s32 @!p0 $0x0  }
0x286: {  	s28 =	sand.u32 $0x1FFFFF80, s28;
	s26 =	ssub.s32 s26, s29  }
0x287: {  	s29 =	sadd.s32 s1, s28;
	s26 =	sshll.u32 s26, $0x7  }
0x288: {  	[tilespmem:s17], [sflag:$0x1] =	stream.strided.gather [hbm4b:s29+s17], $0x1000, s16, s17, $0x38;
	[tilespmem:$0x19000] =	vst v63  }
0x289: {  	s26 =	sand.u32 $0x1FFFFF80, s26  }
0x28a: {  	s29 =	sadd.s32 s2, s26  }
0x28b: {  	[tilespmem:s18], [sflag:$0x1] =	stream.strided.gather [hbm4b:s29+s17], $0x1000, s16, s17, $0x38;
	[tilespmem:$0x19000] =	vst v63  }
0x28c: {  	s28 =	sadd.s32 s3, s28  }
0x28d: {  	[tilespmem:s19], [sflag:$0x1] =	stream.strided.gather [hbm4b:s28+s17], $0x800, s16, s17, $0x38;
	[tilespmem:$0x19000] =	vst v63  }
0x28e: {  	s26 =	sadd.s32 s5, s26  }
0x28f: {  	[tilespmem:s20], [sflag:$0x1] =	stream.strided.gather [hbm4b:s26+s17], $0x800, s16, s17, $0x38;
	[tilespmem:$0x19000] =	vst v63  }
0x290: {  	v17 =	vld [tilespmem:s24+$0x200];
	_ =	sdelay $0x1  }
0x291: {  	s28 =	sor.u32 $0x1, s25;
	v18 =	vld [tilespmem:s24+$0x0]  }
0x292: {  	v19 =	vmov s28  }
0x293: {  	vm8 =	veq.s32 v19, v0  }
0x294: {  	v17 =	vnsel vm8, $0x0, v17  }
0x295: {  	(xrf0) =	vadd.scan.msk.s32 $0xffff, v17  }
0x296: {  	v17 =	vnsel vm8, $0x0, v18  }
0x297: {  	(xrf0) =	vadd.scan.msk.s32 $0xffff, v17;
	_ =	sdelay $0x3  }
0x298: {  	v17, _, _ =	vpop (xrf0)  }
0x299: {  	(v2sf) =	vpush v17, $0xF  }
0x29a: {  	v17, _, _ =	vpop (xrf0)  }
0x29b: {  	(v2sf) =	vpush v17, $0xF;
	_ =	sdelay $0xc  }
0x29c: {  	s26 =	spop (v2sf)  }
0x29d: {  	s28 =	sand.u32 $0x7F, s26  }
0x29e: {  	s29 =	spop (v2sf);
	s30 =	sshra.s32 s26, $0x1F;
	p6 =	slt.s32 s26, $0x1  }
0x29f: {  	p3 =	sne.s32 s28, $0x0;
	s28 =	sand.u32 $0x7F, s29;
	p5 =	slt.s32 s29, $0x1  }
0x2a0: {  	s30 =	sshrl.u32 s30, $0x19;
	p4 =	sne.s32 s28, $0x0;
	s28 =	sshra.s32 s29, $0x1F  }
0x2a1: {  	s26 =	sadd.s32 s30, s26;
	s28 =	sshrl.u32 s28, $0x19;
	p1 =	por !p5, !p4  }
0x2a2: {  	s28 =	sadd.s32 s28, s29;
	p1 =	por !p1, !p1;
	s29 =	simm.s32 $0x1  }
0x2a3: {  	p0 =	por !p6, !p3;
	s28 =	sshrl.u32 s28, $0x7;
	s29 =	simm.s32 @!p1 $0x0  }
0x2a4: {  	p0 =	por !p0, !p0;
	s28 =	ssub.s32 s28, s29;
	s29 =	simm.s32 $0x1  }
0x2a5: {  	s26 =	sshrl.u32 s26, $0x7;
	s28 =	sshll.u32 s28, $0x7;
	s29 =	simm.s32 @!p0 $0x0  }
0x2a6: {  	s28 =	sand.u32 $0x1FFFFF80, s28;
	s26 =	ssub.s32 s26, s29  }
0x2a7: {  	s30 =	simm.s32 $0x1400;
	s29 =	sadd.s32 s1, s28;
	s26 =	sshll.u32 s26, $0x7  }
0x2a8: {  	[tilespmem:s30], [sflag:$0x1] =	stream.strided.gather [hbm4b:s29+s17], $0x1000, s16, s17, $0x38;
	[tilespmem:$0x19000] =	vst v63  }
0x2a9: {  	s26 =	sand.u32 $0x1FFFFF80, s26  }
0x2aa: {  	s30 =	simm.s32 $0x9400;
	s29 =	sadd.s32 s2, s26  }
0x2ab: {  	[tilespmem:s30], [sflag:$0x1] =	stream.strided.gather [hbm4b:s29+s17], $0x1000, s16, s17, $0x38;
	[tilespmem:$0x19000] =	vst v63  }
0x2ac: {  	s28 =	sadd.s32 s3, s28;
	s29 =	simm.s32 $0x10C00  }
0x2ad: {  	[tilespmem:s29], [sflag:$0x1] =	stream.strided.gather [hbm4b:s28+s17], $0x800, s16, s17, $0x38;
	[tilespmem:$0x19000] =	vst v63  }
0x2ae: {  	s26 =	sadd.s32 s5, s26;
	s29 =	simm.s32 $0x14C00  }
0x2af: {  	[tilespmem:s29], [sflag:$0x1] =	stream.strided.gather [hbm4b:s26+s17], $0x800, s16, s17, $0x38;
	[tilespmem:$0x19000] =	vst v63  }
0x2b0: {  	v17 =	vld [tilespmem:s24+$0x200];
	_ =	sdelay $0x1  }
0x2b1: {  	s28 =	sor.u32 $0x2, s25;
	v18 =	vld [tilespmem:s24+$0x0]  }
0x2b2: {  	v19 =	vmov s28  }
0x2b3: {  	vm8 =	veq.s32 v19, v0  }
0x2b4: {  	v17 =	vnsel vm8, $0x0, v17  }
0x2b5: {  	(xrf0) =	vadd.scan.msk.s32 $0xffff, v17  }
0x2b6: {  	v17 =	vnsel vm8, $0x0, v18  }
0x2b7: {  	(xrf0) =	vadd.scan.msk.s32 $0xffff, v17;
	_ =	sdelay $0x3  }
0x2b8: {  	v17, _, _ =	vpop (xrf0)  }
0x2b9: {  	(v2sf) =	vpush v17, $0xF  }
0x2ba: {  	v17, _, _ =	vpop (xrf0)  }
0x2bb: {  	(v2sf) =	vpush v17, $0xF;
	_ =	sdelay $0xc  }
0x2bc: {  	s26 =	spop (v2sf)  }
0x2bd: {  	s28 =	sand.u32 $0x7F, s26  }
0x2be: {  	s29 =	spop (v2sf);
	s30 =	sshra.s32 s26, $0x1F;
	p6 =	slt.s32 s26, $0x1  }
0x2bf: {  	p3 =	sne.s32 s28, $0x0;
	s28 =	sand.u32 $0x7F, s29;
	p5 =	slt.s32 s29, $0x1  }
0x2c0: {  	s30 =	sshrl.u32 s30, $0x19;
	p4 =	sne.s32 s28, $0x0;
	s28 =	sshra.s32 s29, $0x1F  }
0x2c1: {  	s26 =	sadd.s32 s30, s26;
	s28 =	sshrl.u32 s28, $0x19;
	p1 =	por !p5, !p4  }
0x2c2: {  	s28 =	sadd.s32 s28, s29;
	p1 =	por !p1, !p1;
	s29 =	simm.s32 $0x1  }
0x2c3: {  	p0 =	por !p6, !p3;
	s28 =	sshrl.u32 s28, $0x7;
	s29 =	simm.s32 @!p1 $0x0  }
0x2c4: {  	p0 =	por !p0, !p0;
	s28 =	ssub.s32 s28, s29;
	s29 =	simm.s32 $0x1  }
0x2c5: {  	s26 =	sshrl.u32 s26, $0x7;
	s28 =	sshll.u32 s28, $0x7;
	s29 =	simm.s32 @!p0 $0x0  }
0x2c6: {  	s28 =	sand.u32 $0x1FFFFF80, s28;
	s26 =	ssub.s32 s26, s29  }
0x2c7: {  	s30 =	simm.s32 $0x2400;
	s29 =	sadd.s32 s1, s28;
	s26 =	sshll.u32 s26, $0x7  }
0x2c8: {  	[tilespmem:s30], [sflag:$0x1] =	stream.strided.gather [hbm4b:s29+s17], $0x1000, s16, s17, $0x38;
	[tilespmem:$0x19000] =	vst v63  }
0x2c9: {  	s26 =	sand.u32 $0x1FFFFF80, s26  }
0x2ca: {  	s30 =	simm.s32 $0xA400;
	s29 =	sadd.s32 s2, s26  }
0x2cb: {  	[tilespmem:s30], [sflag:$0x1] =	stream.strided.gather [hbm4b:s29+s17], $0x1000, s16, s17, $0x38;
	[tilespmem:$0x19000] =	vst v63  }
0x2cc: {  	s28 =	sadd.s32 s3, s28;
	s29 =	simm.s32 $0x11400  }
0x2cd: {  	[tilespmem:s29], [sflag:$0x1] =	stream.strided.gather [hbm4b:s28+s17], $0x800, s16, s17, $0x38;
	[tilespmem:$0x19000] =	vst v63  }
0x2ce: {  	s26 =	sadd.s32 s5, s26;
	s29 =	simm.s32 $0x15400  }
0x2cf: {  	[tilespmem:s29], [sflag:$0x1] =	stream.strided.gather [hbm4b:s26+s17], $0x800, s16, s17, $0x38;
	[tilespmem:$0x19000] =	vst v63  }
0x2d0: {  	v17 =	vld [tilespmem:s24+$0x200];
	_ =	sdelay $0x1  }
0x2d1: {  	s28 =	sor.u32 $0x3, s25;
	v18 =	vld [tilespmem:s24+$0x0]  }
0x2d2: {  	v19 =	vmov s28  }
0x2d3: {  	vm8 =	veq.s32 v19, v0  }
0x2d4: {  	v17 =	vnsel vm8, $0x0, v17  }
0x2d5: {  	(xrf0) =	vadd.scan.msk.s32 $0xffff, v17  }
0x2d6: {  	v17 =	vnsel vm8, $0x0, v18  }
0x2d7: {  	(xrf0) =	vadd.scan.msk.s32 $0xffff, v17;
	_ =	sdelay $0x3  }
0x2d8: {  	v17, _, _ =	vpop (xrf0)  }
0x2d9: {  	(v2sf) =	vpush v17, $0xF  }
0x2da: {  	v17, _, _ =	vpop (xrf0)  }
0x2db: {  	(v2sf) =	vpush v17, $0xF;
	_ =	sdelay $0xc  }
0x2dc: {  	s24 =	spop (v2sf)  }
0x2dd: {  	s29 =	sand.u32 $0x7F, s24  }
0x2de: {  	s26 =	spop (v2sf);
	s28 =	sshra.s32 s24, $0x1F;
	p6 =	slt.s32 s24, $0x1  }
0x2df: {  	p3 =	sne.s32 s29, $0x0;
	s29 =	sand.u32 $0x7F, s26;
	p5 =	slt.s32 s26, $0x1  }
0x2e0: {  	s28 =	sshrl.u32 s28, $0x19;
	p4 =	sne.s32 s29, $0x0;
	s29 =	sshra.s32 s26, $0x1F  }
0x2e1: {  	s24 =	sadd.s32 s28, s24;
	p1 =	por !p5, !p4;
	s25 =	sshrl.u32 s29, $0x19  }
0x2e2: {  	s25 =	sadd.s32 s25, s26;
	p1 =	por !p1, !p1;
	s26 =	simm.s32 $0x1  }
0x2e3: {  	p0 =	por !p6, !p3;
	s26 =	simm.s32 @!p1 $0x0;
	s25 =	sshrl.u32 s25, $0x7  }
0x2e4: {  	p0 =	por !p0, !p0;
	s25 =	ssub.s32 s25, s26;
	s26 =	simm.s32 $0x1  }
0x2e5: {  	s24 =	sshrl.u32 s24, $0x7;
	s25 =	sshll.u32 s25, $0x7;
	s26 =	simm.s32 @!p0 $0x0  }
0x2e6: {  	s25 =	sand.u32 $0x1FFFFF80, s25;
	s24 =	ssub.s32 s24, s26  }
0x2e7: {  	s29 =	simm.s32 $0x3400;
	s26 =	sadd.s32 s1, s25;
	s24 =	sshll.u32 s24, $0x7  }
0x2e8: {  	[tilespmem:s29], [sflag:$0x1] =	stream.strided.gather [hbm4b:s26+s17], $0x1000, s16, s17, $0x38;
	[tilespmem:$0x19000] =	vst v63  }
0x2e9: {  	s24 =	sand.u32 $0x1FFFFF80, s24  }
0x2ea: {  	s29 =	simm.s32 $0xB400;
	s26 =	sadd.s32 s2, s24  }
0x2eb: {  	[tilespmem:s29], [sflag:$0x1] =	stream.strided.gather [hbm4b:s26+s17], $0x1000, s16, s17, $0x38;
	[tilespmem:$0x19000] =	vst v63  }
.Ltmp5:
0x2ec: {  	_ = 	snop;
	(pc) =	sbr.rel .LBB2_4-.Ltmp5, $4  }
0x2ed: {  	s28 =	simm.s32 $0x11C00;
	s25 =	sadd.s32 s3, s25  }
0x2ee: {  	[tilespmem:s28], [sflag:$0x1] =	stream.strided.gather [hbm4b:s25+s17], $0x800, s16, s17, $0x38;
	[tilespmem:$0x19000] =	vst v63  }
0x2ef: {  	s30 =	simm.s32 $0x4400;
	s24 =	sadd.s32 s5, s24;
	s29 =	simm.s32 $0x15C00  }
0x2f0: {  	[tilespmem:s29], [sflag:$0x1] =	stream.strided.gather [hbm4b:s24+s17], $0x800, s16, s17, $0x38;
	[tilespmem:$0x19000] =	vst v63  }
.LBB2_6:
0x2f1: {  	_ =	sfence.sel $0x180000  }
0x2f2: {  	[bflag:$0x0] =	sbarrier.arrive $0xFFFF  }
0x2f3: {  	_ =	strace $0x90000047  }
0x2f4: {  	s0 =	stileid.u32;
	[bflag:$0x2] =	sbarrier.arrive $0xFFFF  }
0x2f5: {  	p0 =	sne.s32 s0, $0x0;
	s0 =	rddreg [dreg:$0x7]  }
0x2f6: {  	s0 =	sadd.s32 @!p0 $0x100000, s0  }
0x2f7: {  	[sflag:s0] =	ssyncadd.tile.s32 @!p0 $0x1;
	_ =	shalt  }
.Lfunc_end2:
_tile_overlayer_lowered:
.L_overlay_start_2:
0x2f8: {  	(tag) =	ssettag $0x2  }
0x2f9: {  	s0 =	rddreg [dreg:$0x0];
	s2 =	stileid.u32  }
0x2fa: {  	s1 =	rddreg [dreg:$0x1];
	p0 =	sne.s32 s2, $0x0  }
0x2fb: {  	s3 =	rddreg [dreg:$0x2];
	[bflag:$0x3] =	sbarrier.arrive $0xFFFF;
	s2 =	simm.s32 @!p0 $0x1C03  }
0x2fc: {  	[timem:s3], [sflag:s2] =	dma.local @!p0 [hbm:s0], s1  }
0x2fd: {  	s0 =	simm.s32 @!p0 $0x3  }
0x2fe: {  	_ =	swait.ge @!p0 [sflag:s0], s1  }
0x2ff: {  	s1 =	ssub.s32 @!p0 $0x0, s1;
	[sflag:s0] =	ssyncset.done @!p0 $0x0  }
0x300: {  	[sflag:s0] =	ssyncadd.s32 @!p0 s1  }
0x301: {  	[bflag:$0x3] =	sbarrier.arrive $0xFFFF  }
0x302: {  	_ =	shalt  }

</sc_bundles>
